<compile_context>
chip_gen: v7x
topology: tpu7x:2x2x1
jax: 0.10.2.dev20260603
libtpu: 0.0.44.dev20260713+nightly
codegen_flags: <defaults>
</compile_context>

<pallas_src>
import functools

import jax
import jax.numpy as jnp
from jax import lax
from jax.experimental import pallas as pl
from jax.experimental.pallas import tpu as pltpu
from jax.experimental.pallas import tpu_sc as plsc

VOCAB = 100000
SEQ = 2048
BATCH = 4
EMBED = 1024

NC = 2
NS = 16
L = 16
NW = NC * NS

TOKENS = BATCH * SEQ
TOK_PER_W = TOKENS // NW
K = 32
NCHUNK = TOK_PER_W // K
NVEC = EMBED // L
UNROLL = 4

_mesh = plsc.VectorSubcoreMesh(core_axis_name="c", subcore_axis_name="s")


def _xlane(v, idx):
    return lax.gather(
        v, idx[:, None],
        dimension_numbers=lax.GatherDimensionNumbers(
            offset_dims=(), collapsed_slice_dims=(0,), start_index_map=(0,)),
        slice_sizes=(1,),
        mode=lax.GatherScatterMode.PROMISE_IN_BOUNDS)


@functools.partial(
    pl.kernel,
    mesh=_mesh,
    out_type=jax.ShapeDtypeStruct((TOKENS, EMBED), jnp.float32),
    scratch_types=[
        pltpu.VMEM((K,), jnp.int32),
        pltpu.VMEM((K, EMBED), jnp.float32),
        pltpu.VMEM((K, EMBED), jnp.float32),
        pltpu.VMEM((EMBED,), jnp.float32),
        pltpu.VMEM((EMBED,), jnp.float32),
        pltpu.SemaphoreType.DMA,
    ],
)
def _sc_embed(ids_hbm, table_hbm, pos_hbm, gamma_hbm, beta_hbm, out_hbm,
              idx_v, emb_v, pos_v, g_v, b_v, sem):
    wid = lax.axis_index("s") * NC + lax.axis_index("c")
    base = wid * TOK_PER_W
    pos_base = (wid % (SEQ // TOK_PER_W)) * TOK_PER_W

    pltpu.sync_copy(gamma_hbm, g_v)
    pltpu.sync_copy(beta_hbm, b_v)

    inv_d = jnp.float32(1.0 / EMBED)
    zeros = jnp.zeros((L,), jnp.float32)

    for c in range(NCHUNK):
        off = c * K
        pltpu.sync_copy(ids_hbm.at[pl.ds(base + off, K)], idx_v)
        pltpu.sync_copy(pos_hbm.at[pl.ds(pos_base + off, K)], pos_v)
        pltpu.async_copy(table_hbm.at[idx_v], emb_v, sem).wait()

        def token_body(t, _, emb_v=emb_v, pos_v=pos_v):
            def p1(jj, accs):
                s, s2 = accs
                for u in range(UNROLL):
                    sl = pl.ds((jj * UNROLL + u) * L, L)
                    v = emb_v[t, sl] + pos_v[t, sl]
                    emb_v[t, sl] = v
                    s = s + v
                    s2 = s2 + v * v
                return (s, s2)

            s, s2 = lax.fori_loop(0, NVEC // UNROLL, p1, (zeros, zeros))
            for k in (8, 4, 2, 1):
                idx = lax.iota(jnp.int32, L) ^ k
                s = s + _xlane(s, idx)
                s2 = s2 + _xlane(s2, idx)
            mean_v = s * inv_d
            vv = s2 * inv_d - mean_v * mean_v + jnp.float32(1e-5)
            bits = lax.bitcast_convert_type(vv, jnp.int32)
            y = lax.bitcast_convert_type(
                jnp.int32(0x5F3759DF) - (bits >> 1), jnp.float32)
            for _ in range(3):
                y = y * (jnp.float32(1.5) - jnp.float32(0.5) * vv * y * y)

            def p2(jj, carry):
                for u in range(UNROLL):
                    sl = pl.ds((jj * UNROLL + u) * L, L)
                    emb_v[t, sl] = (emb_v[t, sl] - mean_v) * y * g_v[sl] + b_v[sl]
                return carry

            lax.fori_loop(0, NVEC // UNROLL, p2, 0)
            return 0

        lax.fori_loop(0, K, token_body, 0)
        pltpu.sync_copy(emb_v, out_hbm.at[pl.ds(base + off, K)])


def kernel(input_ids, token_table, pos_table, gamma, beta):
    ids_flat = input_ids.reshape(TOKENS).astype(jnp.int32)
    out = _sc_embed(ids_flat, token_table, pos_table, gamma, beta)
    return out.reshape(BATCH, SEQ, EMBED)

# --- scband reference (transcript-rebuilt; emitter-appended) ---
"""Pipeline reference for scband-embedding-9234179687198 (READ-ONLY COPY).

The authoritative reference and input builder live on the scoring server;
editing this copy changes nothing except your own understanding.
"""

import jax, jax.numpy as jnp
import numpy as np

VOCAB = 100000
SEQ = 2048
BATCH = 4
EMBED = 1024

def setup_inputs(seed: int = 0) -> dict:
    key = jax.random.key(seed)
    k1, k2, k3 = jax.random.split(key, 3)
    input_ids = jax.random.randint(k1, (BATCH, SEQ), 0, VOCAB, dtype=jnp.int64 if jax.config.jax_enable_x64 else jnp.int32)
    token_table = jax.random.normal(k2, (VOCAB, EMBED), dtype=jnp.float32) * 0.02
    pos_table = jax.random.normal(k3, (SEQ, EMBED), dtype=jnp.float32) * 0.02
    gamma = jnp.ones((EMBED,), dtype=jnp.float32)
    beta = jnp.zeros((EMBED,), dtype=jnp.float32)
    return {"input_ids": input_ids, "token_table": token_table, "pos_table": pos_table, "gamma": gamma, "beta": beta}

def reference(input_ids, token_table, pos_table, gamma, beta):
    # token embedding lookup (gather)
    tok = jnp.take(token_table, input_ids, axis=0)          # [B, S, D]
    # position embedding lookup
    pos_ids = jnp.arange(SEQ)
    pos = jnp.take(pos_table, pos_ids, axis=0)[None, :, :]  # [1, S, D]
    emb = tok + pos
    # LayerNorm over last dim (eps matches torch default 1e-5)
    mean = jnp.mean(emb, axis=-1, keepdims=True)
    var = jnp.mean((emb - mean) ** 2, axis=-1, keepdims=True)
    normed = (emb - mean) / jnp.sqrt(var + 1e-5)
    out = normed * gamma + beta
    # dropout is identity in eval mode
    return out

if __name__ == "__main__":
    import jax
    _d = setup_inputs()
    print(jax.jit(kernel)(*tuple(_d.values())))

</pallas_src>

<mosaic_0001>
#map = affine_map<(d0, d1) -> (0)>
#map1 = affine_map<(d0, d1) -> (0, 0)>
module attributes {stable_mosaic.version = 14 : i64} {
  func.func @_sc_embed(%arg0: i32, %arg1: i32, %arg2: memref<8192xi32, #tpu.memory_space<hbm>>, %arg3: memref<100000x1024xf32, #tpu.memory_space<hbm>>, %arg4: memref<2048x1024xf32, #tpu.memory_space<hbm>>, %arg5: memref<1024xf32, #tpu.memory_space<hbm>>, %arg6: memref<1024xf32, #tpu.memory_space<hbm>>, %arg7: memref<8192x1024xf32, #tpu.memory_space<hbm>>, %arg8: memref<32xi32, #tpu.memory_space<vmem>>, %arg9: memref<32x1024xf32, #tpu.memory_space<vmem>>, %arg10: memref<32x1024xf32, #tpu.memory_space<vmem>>, %arg11: memref<1024xf32, #tpu.memory_space<vmem>>, %arg12: memref<1024xf32, #tpu.memory_space<vmem>>, %arg13: memref<!tpu.dma_semaphore, #tpu.memory_space<semaphore_mem>>) attributes {dimension_semantics = [#tpu.dimension_semantics<core_parallel>, #tpu.dimension_semantics<subcore_parallel>], iteration_bounds = array<i64: 2, 16>, scalar_prefetch = 0 : i64, scratch_operands = 6 : i64, tpu.core_type = #tpu.core_type<sc_vector_subcore>, window_params = [{transform_indices = #map}, {transform_indices = #map1}, {transform_indices = #map1}, {transform_indices = #map}, {transform_indices = #map}, {transform_indices = #map1}]} {
    %mul3A = arith.constant 2 : i32
    %mul3A_0 = arith.muli %arg1, %mul3A : i32
    %add3A = arith.addi %mul3A_0, %arg0 : i32
    %mul3A_1 = arith.constant 256 : i32
    %mul3A_2 = arith.muli %add3A, %mul3A_1 : i32
    %jit3A = arith.constant 8 : i32
    %eq3A = arith.constant 0 : i32
    %eq3A_3 = arith.cmpi eq, %jit3A, %eq3A : i32
    %jit3A_4 = arith.constant 1 : i32
    %select_n3A = arith.select %eq3A_3, %jit3A_4, %jit3A : i32
    %rem3A = arith.remsi %add3A, %select_n3A : i32
    %ne3A = arith.constant 0 : i32
    %ne3A_5 = arith.cmpi ne, %rem3A, %ne3A : i32
    %lt3A = arith.constant 0 : i32
    %lt3A_6 = arith.cmpi slt, %rem3A, %lt3A : i32
    %lt3A_7 = arith.constant 0 : i32
    %lt3A_8 = arith.cmpi slt, %select_n3A, %lt3A_7 : i32
    %ne3A_9 = arith.xori %lt3A_6, %lt3A_8 : i1
    %and3A = arith.andi %ne3A_9, %ne3A_5 : i1
    %add3A_10 = arith.addi %rem3A, %select_n3A : i32
    %select_n3A_11 = arith.select %and3A, %add3A_10, %rem3A : i32
    %mul3A_12 = arith.constant 256 : i32
    %mul3A_13 = arith.muli %select_n3A_11, %mul3A_12 : i32
    "tpu.region"() ({
      %run_scoped3A = tpu.sem_alloc : memref<!tpu.dma_semaphore, #tpu.memory_space<semaphore_mem>>
      tpu.enqueue_dma source(%arg5 : memref<1024xf32, #tpu.memory_space<hbm>>) target(%arg11 : memref<1024xf32, #tpu.memory_space<vmem>>) target_semaphore(%run_scoped3A : memref<!tpu.dma_semaphore, #tpu.memory_space<semaphore_mem>>)
      tpu.wait_dma2 semaphore(%run_scoped3A : memref<!tpu.dma_semaphore, #tpu.memory_space<semaphore_mem>>) src(%arg5 : memref<1024xf32, #tpu.memory_space<hbm>>) dst(%arg11 : memref<1024xf32, #tpu.memory_space<vmem>>)
      tpu.yield
    }) : () -> ()
    "tpu.region"() ({
      %run_scoped3A = tpu.sem_alloc : memref<!tpu.dma_semaphore, #tpu.memory_space<semaphore_mem>>
      tpu.enqueue_dma source(%arg6 : memref<1024xf32, #tpu.memory_space<hbm>>) target(%arg12 : memref<1024xf32, #tpu.memory_space<vmem>>) target_semaphore(%run_scoped3A : memref<!tpu.dma_semaphore, #tpu.memory_space<semaphore_mem>>)
      tpu.wait_dma2 semaphore(%run_scoped3A : memref<!tpu.dma_semaphore, #tpu.memory_space<semaphore_mem>>) src(%arg6 : memref<1024xf32, #tpu.memory_space<hbm>>) dst(%arg12 : memref<1024xf32, #tpu.memory_space<vmem>>)
      tpu.yield
    }) : () -> ()
    %broadcast_in_dim3A = arith.constant 0.000000e+00 : f32
    %broadcast_in_dim3A_14 = vector.broadcast %broadcast_in_dim3A : f32 to vector<16xf32>
    %add3A_15 = arith.constant 0 : i32
    %add3A_16 = arith.addi %mul3A_2, %add3A_15 : i32
    "tpu.region"() ({
      %run_scoped3A = tpu.sem_alloc : memref<!tpu.dma_semaphore, #tpu.memory_space<semaphore_mem>>
      %dma_start3A_172 = tpu.memref_slice %arg2[%add3A_16] : memref<8192xi32, #tpu.memory_space<hbm>> -> memref<32xi32, #tpu.memory_space<hbm>>
      %dma_start3A_173 = tpu.memref_slice %arg2[%add3A_16] : memref<8192xi32, #tpu.memory_space<hbm>> -> memref<32xi32, #tpu.memory_space<hbm>>
      tpu.enqueue_dma source(%dma_start3A_173 : memref<32xi32, #tpu.memory_space<hbm>>) target(%arg8 : memref<32xi32, #tpu.memory_space<vmem>>) target_semaphore(%run_scoped3A : memref<!tpu.dma_semaphore, #tpu.memory_space<semaphore_mem>>)
      %dma_wait3A_174 = tpu.memref_slice %arg2[%add3A_16] : memref<8192xi32, #tpu.memory_space<hbm>> -> memref<32xi32, #tpu.memory_space<hbm>>
      %dma_wait3A_175 = tpu.memref_slice %arg2[%add3A_16] : memref<8192xi32, #tpu.memory_space<hbm>> -> memref<32xi32, #tpu.memory_space<hbm>>
      tpu.wait_dma2 semaphore(%run_scoped3A : memref<!tpu.dma_semaphore, #tpu.memory_space<semaphore_mem>>) src(%dma_wait3A_175 : memref<32xi32, #tpu.memory_space<hbm>>) dst(%arg8 : memref<32xi32, #tpu.memory_space<vmem>>)
      tpu.yield
    }) : () -> ()
    %add3A_17 = arith.constant 0 : i32
    %add3A_18 = arith.addi %mul3A_13, %add3A_17 : i32
    "tpu.region"() ({
      %run_scoped3A = tpu.sem_alloc : memref<!tpu.dma_semaphore, #tpu.memory_space<semaphore_mem>>
      %dma_start3A_172 = arith.constant 0 : i32
      %dma_start3A_173 = tpu.memref_slice %arg4[%add3A_18, %dma_start3A_172] : memref<2048x1024xf32, #tpu.memory_space<hbm>> -> memref<32x1024xf32, #tpu.memory_space<hbm>>
      %dma_start3A_174 = arith.constant 0 : i32
      %dma_start3A_175 = tpu.memref_slice %arg4[%add3A_18, %dma_start3A_174] : memref<2048x1024xf32, #tpu.memory_space<hbm>> -> memref<32x1024xf32, #tpu.memory_space<hbm>>
      tpu.enqueue_dma source(%dma_start3A_175 : memref<32x1024xf32, #tpu.memory_space<hbm>>) target(%arg10 : memref<32x1024xf32, #tpu.memory_space<vmem>>) target_semaphore(%run_scoped3A : memref<!tpu.dma_semaphore, #tpu.memory_space<semaphore_mem>>)
      %dma_wait3A_176 = arith.constant 0 : i32
      %dma_wait3A_177 = tpu.memref_slice %arg4[%add3A_18, %dma_wait3A_176] : memref<2048x1024xf32, #tpu.memory_space<hbm>> -> memref<32x1024xf32, #tpu.memory_space<hbm>>
      %dma_wait3A_178 = arith.constant 0 : i32
      %dma_wait3A_179 = tpu.memref_slice %arg4[%add3A_18, %dma_wait3A_178] : memref<2048x1024xf32, #tpu.memory_space<hbm>> -> memref<32x1024xf32, #tpu.memory_space<hbm>>
      tpu.wait_dma2 semaphore(%run_scoped3A : memref<!tpu.dma_semaphore, #tpu.memory_space<semaphore_mem>>) src(%dma_wait3A_179 : memref<32x1024xf32, #tpu.memory_space<hbm>>) dst(%arg10 : memref<32x1024xf32, #tpu.memory_space<vmem>>)
      tpu.yield
    }) : () -> ()
    %dma_start3A = arith.constant 0 : i32
    %dma_start3A_19 = arith.constant 0 : i32
    %dma_start3A_20 = tpu.memref_slice %arg3[%dma_start3A, %dma_start3A_19] : memref<100000x1024xf32, #tpu.memory_space<hbm>> -> memref<100000x1024xf32, #tpu.memory_space<hbm>>
    tpu.enqueue_indirect_dma source(%dma_start3A_20 : memref<100000x1024xf32, #tpu.memory_space<hbm>>) target(%arg9 : memref<32x1024xf32, #tpu.memory_space<vmem>>) offsets(%arg8 : memref<32xi32, #tpu.memory_space<vmem>>) semaphore(%arg13 : memref<!tpu.dma_semaphore, #tpu.memory_space<semaphore_mem>>)
    %dma_wait3A = arith.constant 0 : i32
    %dma_wait3A_21 = arith.constant 0 : i32
    %dma_wait3A_22 = tpu.memref_slice %arg3[%dma_wait3A, %dma_wait3A_21] : memref<100000x1024xf32, #tpu.memory_space<hbm>> -> memref<100000x1024xf32, #tpu.memory_space<hbm>>
    tpu.wait_indirect_dma semaphore(%arg13 : memref<!tpu.dma_semaphore, #tpu.memory_space<semaphore_mem>>) src(%dma_wait3A_22 : memref<100000x1024xf32, #tpu.memory_space<hbm>>) dst(%arg9 : memref<32x1024xf32, #tpu.memory_space<vmem>>)
    %scan3A = arith.constant 9.765625E-4 : f32
    %scan3A_23 = arith.constant 0 : i32
    %scan3A_24 = arith.constant 0 : i32
    %scan3A_25 = arith.constant 32 : i32
    %scan3A_26 = arith.addi %scan3A_24, %scan3A_25 : i32
    %scan3A_27 = arith.constant 1 : i32
    %scan3A_28 = scf.for %scan3A_172 = %scan3A_24 to %scan3A_26 step %scan3A_27 iter_args(%scan3A_173 = %scan3A_23) -> (i32)  : i32 {
      %scan3A_174 = arith.constant 0 : i32
      %scan3A_175 = arith.constant 16 : i32
      %scan3A_176 = arith.addi %scan3A_174, %scan3A_175 : i32
      %scan3A_177 = arith.constant 1 : i32
      %scan3A_178:2 = scf.for %scan3A_273 = %scan3A_174 to %scan3A_176 step %scan3A_177 iter_args(%scan3A_274 = %broadcast_in_dim3A_14, %scan3A_275 = %broadcast_in_dim3A_14) -> (vector<16xf32>, vector<16xf32>)  : i32 {
        %mul3A_276 = arith.constant 4 : i32
        %mul3A_277 = arith.muli %scan3A_273, %mul3A_276 : i32
        %add3A_278 = arith.constant 0 : i32
        %add3A_279 = arith.addi %mul3A_277, %add3A_278 : i32
        %mul3A_280 = arith.constant 16 : i32
        %mul3A_281 = arith.muli %add3A_279, %mul3A_280 : i32
        %get3A = arith.index_cast %scan3A_172 : i32 to index
        %get3A_282 = arith.index_cast %mul3A_281 : i32 to index
        %get3A_283 = tpu.vector_load %arg9[%get3A, %get3A_282] {strides = array<i32>} : memref<32x1024xf32, #tpu.memory_space<vmem>>, vector<1x16xf32>,
        %get3A_284 = vector.shape_cast %get3A_283 : vector<1x16xf32> to vector<16xf32>
        %get3A_285 = arith.index_cast %scan3A_172 : i32 to index
        %get3A_286 = arith.index_cast %mul3A_281 : i32 to index
        %get3A_287 = tpu.vector_load %arg10[%get3A_285, %get3A_286] {strides = array<i32>} : memref<32x1024xf32, #tpu.memory_space<vmem>>, vector<1x16xf32>,
        %get3A_288 = vector.shape_cast %get3A_287 : vector<1x16xf32> to vector<16xf32>
        %add3A_289 = arith.addf %get3A_284, %get3A_288 : vector<16xf32>
        %swap3A = arith.index_cast %scan3A_172 : i32 to index
        %swap3A_290 = arith.index_cast %mul3A_281 : i32 to index
        %swap3A_291 = tpu.vector_load %arg9[%swap3A, %swap3A_290] {strides = array<i32>} : memref<32x1024xf32, #tpu.memory_space<vmem>>, vector<1x16xf32>,
        %swap3A_292 = vector.shape_cast %swap3A_291 : vector<1x16xf32> to vector<16xf32>
        %swap3A_293 = vector.shape_cast %add3A_289 : vector<16xf32> to vector<1x16xf32>
        tpu.vector_store %arg9[%swap3A, %swap3A_290], %swap3A_293 {strides = array<i32>} : memref<32x1024xf32, #tpu.memory_space<vmem>>, vector<1x16xf32>,
        %add3A_294 = arith.addf %scan3A_274, %add3A_289 : vector<16xf32>
        %mul3A_295 = arith.mulf %add3A_289, %add3A_289 : vector<16xf32>
        %add3A_296 = arith.addf %scan3A_275, %mul3A_295 : vector<16xf32>
        %mul3A_297 = arith.constant 4 : i32
        %mul3A_298 = arith.muli %scan3A_273, %mul3A_297 : i32
        %add3A_299 = arith.constant 1 : i32
        %add3A_300 = arith.addi %mul3A_298, %add3A_299 : i32
        %mul3A_301 = arith.constant 16 : i32
        %mul3A_302 = arith.muli %add3A_300, %mul3A_301 : i32
        %get3A_303 = arith.index_cast %scan3A_172 : i32 to index
        %get3A_304 = arith.index_cast %mul3A_302 : i32 to index
        %get3A_305 = tpu.vector_load %arg9[%get3A_303, %get3A_304] {strides = array<i32>} : memref<32x1024xf32, #tpu.memory_space<vmem>>, vector<1x16xf32>,
        %get3A_306 = vector.shape_cast %get3A_305 : vector<1x16xf32> to vector<16xf32>
        %get3A_307 = arith.index_cast %scan3A_172 : i32 to index
        %get3A_308 = arith.index_cast %mul3A_302 : i32 to index
        %get3A_309 = tpu.vector_load %arg10[%get3A_307, %get3A_308] {strides = array<i32>} : memref<32x1024xf32, #tpu.memory_space<vmem>>, vector<1x16xf32>,
        %get3A_310 = vector.shape_cast %get3A_309 : vector<1x16xf32> to vector<16xf32>
        %add3A_311 = arith.addf %get3A_306, %get3A_310 : vector<16xf32>
        %swap3A_312 = arith.index_cast %scan3A_172 : i32 to index
        %swap3A_313 = arith.index_cast %mul3A_302 : i32 to index
        %swap3A_314 = tpu.vector_load %arg9[%swap3A_312, %swap3A_313] {strides = array<i32>} : memref<32x1024xf32, #tpu.memory_space<vmem>>, vector<1x16xf32>,
        %swap3A_315 = vector.shape_cast %swap3A_314 : vector<1x16xf32> to vector<16xf32>
        %swap3A_316 = vector.shape_cast %add3A_311 : vector<16xf32> to vector<1x16xf32>
        tpu.vector_store %arg9[%swap3A_312, %swap3A_313], %swap3A_316 {strides = array<i32>} : memref<32x1024xf32, #tpu.memory_space<vmem>>, vector<1x16xf32>,
        %add3A_317 = arith.addf %add3A_294, %add3A_311 : vector<16xf32>
        %mul3A_318 = arith.mulf %add3A_311, %add3A_311 : vector<16xf32>
        %add3A_319 = arith.addf %add3A_296, %mul3A_318 : vector<16xf32>
        %mul3A_320 = arith.constant 4 : i32
        %mul3A_321 = arith.muli %scan3A_273, %mul3A_320 : i32
        %add3A_322 = arith.constant 2 : i32
        %add3A_323 = arith.addi %mul3A_321, %add3A_322 : i32
        %mul3A_324 = arith.constant 16 : i32
        %mul3A_325 = arith.muli %add3A_323, %mul3A_324 : i32
        %get3A_326 = arith.index_cast %scan3A_172 : i32 to index
        %get3A_327 = arith.index_cast %mul3A_325 : i32 to index
        %get3A_328 = tpu.vector_load %arg9[%get3A_326, %get3A_327] {strides = array<i32>} : memref<32x1024xf32, #tpu.memory_space<vmem>>, vector<1x16xf32>,
        %get3A_329 = vector.shape_cast %get3A_328 : vector<1x16xf32> to vector<16xf32>
        %get3A_330 = arith.index_cast %scan3A_172 : i32 to index
        %get3A_331 = arith.index_cast %mul3A_325 : i32 to index
        %get3A_332 = tpu.vector_load %arg10[%get3A_330, %get3A_331] {strides = array<i32>} : memref<32x1024xf32, #tpu.memory_space<vmem>>, vector<1x16xf32>,
        %get3A_333 = vector.shape_cast %get3A_332 : vector<1x16xf32> to vector<16xf32>
        %add3A_334 = arith.addf %get3A_329, %get3A_333 : vector<16xf32>
        %swap3A_335 = arith.index_cast %scan3A_172 : i32 to index
        %swap3A_336 = arith.index_cast %mul3A_325 : i32 to index
        %swap3A_337 = tpu.vector_load %arg9[%swap3A_335, %swap3A_336] {strides = array<i32>} : memref<32x1024xf32, #tpu.memory_space<vmem>>, vector<1x16xf32>,
        %swap3A_338 = vector.shape_cast %swap3A_337 : vector<1x16xf32> to vector<16xf32>
        %swap3A_339 = vector.shape_cast %add3A_334 : vector<16xf32> to vector<1x16xf32>
        tpu.vector_store %arg9[%swap3A_335, %swap3A_336], %swap3A_339 {strides = array<i32>} : memref<32x1024xf32, #tpu.memory_space<vmem>>, vector<1x16xf32>,
        %add3A_340 = arith.addf %add3A_317, %add3A_334 : vector<16xf32>
        %mul3A_341 = arith.mulf %add3A_334, %add3A_334 : vector<16xf32>
        %add3A_342 = arith.addf %add3A_319, %mul3A_341 : vector<16xf32>
        %mul3A_343 = arith.constant 4 : i32
        %mul3A_344 = arith.muli %scan3A_273, %mul3A_343 : i32
        %add3A_345 = arith.constant 3 : i32
        %add3A_346 = arith.addi %mul3A_344, %add3A_345 : i32
        %mul3A_347 = arith.constant 16 : i32
        %mul3A_348 = arith.muli %add3A_346, %mul3A_347 : i32
        %get3A_349 = arith.index_cast %scan3A_172 : i32 to index
        %get3A_350 = arith.index_cast %mul3A_348 : i32 to index
        %get3A_351 = tpu.vector_load %arg9[%get3A_349, %get3A_350] {strides = array<i32>} : memref<32x1024xf32, #tpu.memory_space<vmem>>, vector<1x16xf32>,
        %get3A_352 = vector.shape_cast %get3A_351 : vector<1x16xf32> to vector<16xf32>
        %get3A_353 = arith.index_cast %scan3A_172 : i32 to index
        %get3A_354 = arith.index_cast %mul3A_348 : i32 to index
        %get3A_355 = tpu.vector_load %arg10[%get3A_353, %get3A_354] {strides = array<i32>} : memref<32x1024xf32, #tpu.memory_space<vmem>>, vector<1x16xf32>,
        %get3A_356 = vector.shape_cast %get3A_355 : vector<1x16xf32> to vector<16xf32>
        %add3A_357 = arith.addf %get3A_352, %get3A_356 : vector<16xf32>
        %swap3A_358 = arith.index_cast %scan3A_172 : i32 to index
        %swap3A_359 = arith.index_cast %mul3A_348 : i32 to index
        %swap3A_360 = tpu.vector_load %arg9[%swap3A_358, %swap3A_359] {strides = array<i32>} : memref<32x1024xf32, #tpu.memory_space<vmem>>, vector<1x16xf32>,
        %swap3A_361 = vector.shape_cast %swap3A_360 : vector<1x16xf32> to vector<16xf32>
        %swap3A_362 = vector.shape_cast %add3A_357 : vector<16xf32> to vector<1x16xf32>
        tpu.vector_store %arg9[%swap3A_358, %swap3A_359], %swap3A_362 {strides = array<i32>} : memref<32x1024xf32, #tpu.memory_space<vmem>>, vector<1x16xf32>,
        %add3A_363 = arith.addf %add3A_340, %add3A_357 : vector<16xf32>
        %mul3A_364 = arith.mulf %add3A_357, %add3A_357 : vector<16xf32>
        %add3A_365 = arith.addf %add3A_342, %mul3A_364 : vector<16xf32>
        scf.yield %add3A_363, %add3A_365 : vector<16xf32>, vector<16xf32>
      }
      %scan3A_179 = arith.constant 16 : i32
      %iota3A = tpu.iota {dimensions = array<i32: 0>} : vector<16xi32>
      %xor3A = arith.constant 8 : i32
      %xor3A_180 = vector.broadcast %xor3A : i32 to vector<16xi32>
      %xor3A_181 = arith.xori %iota3A, %xor3A_180 : vector<16xi32>
      %broadcast_in_dim3A_182 = vector.shape_cast %xor3A_181 : vector<16xi32> to vector<16x1xi32>
      %gather3A = vector.shape_cast %broadcast_in_dim3A_182 : vector<16x1xi32> to vector<16xi32>
      %gather3A_183 = tpu.dynamic_gather %scan3A_178#0[%gather3A] in [0] : vector<16xf32>, vector<16xi32> -> vector<16xf32>
      %add3A_184 = arith.addf %scan3A_178#0, %gather3A_183 : vector<16xf32>
      %broadcast_in_dim3A_185 = vector.shape_cast %xor3A_181 : vector<16xi32> to vector<16x1xi32>
      %gather3A_186 = vector.shape_cast %broadcast_in_dim3A_185 : vector<16x1xi32> to vector<16xi32>
      %gather3A_187 = tpu.dynamic_gather %scan3A_178#1[%gather3A_186] in [0] : vector<16xf32>, vector<16xi32> -> vector<16xf32>
      %add3A_188 = arith.addf %scan3A_178#1, %gather3A_187 : vector<16xf32>
      %iota3A_189 = tpu.iota {dimensions = array<i32: 0>} : vector<16xi32>
      %xor3A_190 = arith.constant 4 : i32
      %xor3A_191 = vector.broadcast %xor3A_190 : i32 to vector<16xi32>
      %xor3A_192 = arith.xori %iota3A_189, %xor3A_191 : vector<16xi32>
      %broadcast_in_dim3A_193 = vector.shape_cast %xor3A_192 : vector<16xi32> to vector<16x1xi32>
      %gather3A_194 = vector.shape_cast %broadcast_in_dim3A_193 : vector<16x1xi32> to vector<16xi32>
      %gather3A_195 = tpu.dynamic_gather %add3A_184[%gather3A_194] in [0] : vector<16xf32>, vector<16xi32> -> vector<16xf32>
      %add3A_196 = arith.addf %add3A_184, %gather3A_195 : vector<16xf32>
      %broadcast_in_dim3A_197 = vector.shape_cast %xor3A_192 : vector<16xi32> to vector<16x1xi32>
      %gather3A_198 = vector.shape_cast %broadcast_in_dim3A_197 : vector<16x1xi32> to vector<16xi32>
      %gather3A_199 = tpu.dynamic_gather %add3A_188[%gather3A_198] in [0] : vector<16xf32>, vector<16xi32> -> vector<16xf32>
      %add3A_200 = arith.addf %add3A_188, %gather3A_199 : vector<16xf32>
      %iota3A_201 = tpu.iota {dimensions = array<i32: 0>} : vector<16xi32>
      %xor3A_202 = arith.constant 2 : i32
      %xor3A_203 = vector.broadcast %xor3A_202 : i32 to vector<16xi32>
      %xor3A_204 = arith.xori %iota3A_201, %xor3A_203 : vector<16xi32>
      %broadcast_in_dim3A_205 = vector.shape_cast %xor3A_204 : vector<16xi32> to vector<16x1xi32>
      %gather3A_206 = vector.shape_cast %broadcast_in_dim3A_205 : vector<16x1xi32> to vector<16xi32>
      %gather3A_207 = tpu.dynamic_gather %add3A_196[%gather3A_206] in [0] : vector<16xf32>, vector<16xi32> -> vector<16xf32>
      %add3A_208 = arith.addf %add3A_196, %gather3A_207 : vector<16xf32>
      %broadcast_in_dim3A_209 = vector.shape_cast %xor3A_204 : vector<16xi32> to vector<16x1xi32>
      %gather3A_210 = vector.shape_cast %broadcast_in_dim3A_209 : vector<16x1xi32> to vector<16xi32>
      %gather3A_211 = tpu.dynamic_gather %add3A_200[%gather3A_210] in [0] : vector<16xf32>, vector<16xi32> -> vector<16xf32>
      %add3A_212 = arith.addf %add3A_200, %gather3A_211 : vector<16xf32>
      %iota3A_213 = tpu.iota {dimensions = array<i32: 0>} : vector<16xi32>
      %xor3A_214 = arith.constant 1 : i32
      %xor3A_215 = vector.broadcast %xor3A_214 : i32 to vector<16xi32>
      %xor3A_216 = arith.xori %iota3A_213, %xor3A_215 : vector<16xi32>
      %broadcast_in_dim3A_217 = vector.shape_cast %xor3A_216 : vector<16xi32> to vector<16x1xi32>
      %gather3A_218 = vector.shape_cast %broadcast_in_dim3A_217 : vector<16x1xi32> to vector<16xi32>
      %gather3A_219 = tpu.dynamic_gather %add3A_208[%gather3A_218] in [0] : vector<16xf32>, vector<16xi32> -> vector<16xf32>
      %add3A_220 = arith.addf %add3A_208, %gather3A_219 : vector<16xf32>
      %broadcast_in_dim3A_221 = vector.shape_cast %xor3A_216 : vector<16xi32> to vector<16x1xi32>
      %gather3A_222 = vector.shape_cast %broadcast_in_dim3A_221 : vector<16x1xi32> to vector<16xi32>
      %gather3A_223 = tpu.dynamic_gather %add3A_212[%gather3A_222] in [0] : vector<16xf32>, vector<16xi32> -> vector<16xf32>
      %add3A_224 = arith.addf %add3A_212, %gather3A_223 : vector<16xf32>
      %mul3A_225 = vector.broadcast %scan3A : f32 to vector<16xf32>
      %mul3A_226 = arith.mulf %add3A_220, %mul3A_225 : vector<16xf32>
      %mul3A_227 = vector.broadcast %scan3A : f32 to vector<16xf32>
      %mul3A_228 = arith.mulf %add3A_224, %mul3A_227 : vector<16xf32>
      %mul3A_229 = arith.mulf %mul3A_226, %mul3A_226 : vector<16xf32>
      %sub3A = arith.subf %mul3A_228, %mul3A_229 : vector<16xf32>
      %add3A_230 = arith.constant 9.99999974E-6 : f32
      %add3A_231 = vector.broadcast %add3A_230 : f32 to vector<16xf32>
      %add3A_232 = arith.addf %sub3A, %add3A_231 : vector<16xf32>
      %bitcast_convert_type3A = tpu.bitcast %add3A_232 : vector<16xf32> -> vector<16xi32>
      %shift_right_arithmetic3A = arith.constant 1 : i32
      %shift_right_arithmetic3A_233 = vector.broadcast %shift_right_arithmetic3A : i32 to vector<16xi32>
      %shift_right_arithmetic3A_234 = arith.shrsi %bitcast_convert_type3A, %shift_right_arithmetic3A_233 : vector<16xi32>
      %sub3A_235 = arith.constant 1597463007 : i32
      %sub3A_236 = vector.broadcast %sub3A_235 : i32 to vector<16xi32>
      %sub3A_237 = arith.subi %sub3A_236, %shift_right_arithmetic3A_234 : vector<16xi32>
      %bitcast_convert_type3A_238 = tpu.bitcast %sub3A_237 : vector<16xi32> -> vector<16xf32>
      %mul3A_239 = arith.constant 5.000000e-01 : f32
      %mul3A_240 = vector.broadcast %mul3A_239 : f32 to vector<16xf32>
      %mul3A_241 = arith.mulf %mul3A_240, %add3A_232 : vector<16xf32>
      %mul3A_242 = arith.mulf %mul3A_241, %bitcast_convert_type3A_238 : vector<16xf32>
      %mul3A_243 = arith.mulf %mul3A_242, %bitcast_convert_type3A_238 : vector<16xf32>
      %sub3A_244 = arith.constant 1.500000e+00 : f32
      %sub3A_245 = vector.broadcast %sub3A_244 : f32 to vector<16xf32>
      %sub3A_246 = arith.subf %sub3A_245, %mul3A_243 : vector<16xf32>
      %mul3A_247 = arith.mulf %bitcast_convert_type3A_238, %sub3A_246 : vector<16xf32>
      %mul3A_248 = arith.constant 5.000000e-01 : f32
      %mul3A_249 = vector.broadcast %mul3A_248 : f32 to vector<16xf32>
      %mul3A_250 = arith.mulf %mul3A_249, %add3A_232 : vector<16xf32>
      %mul3A_251 = arith.mulf %mul3A_250, %mul3A_247 : vector<16xf32>
      %mul3A_252 = arith.mulf %mul3A_251, %mul3A_247 : vector<16xf32>
      %sub3A_253 = arith.constant 1.500000e+00 : f32
      %sub3A_254 = vector.broadcast %sub3A_253 : f32 to vector<16xf32>
      %sub3A_255 = arith.subf %sub3A_254, %mul3A_252 : vector<16xf32>
      %mul3A_256 = arith.mulf %mul3A_247, %sub3A_255 : vector<16xf32>
      %mul3A_257 = arith.constant 5.000000e-01 : f32
      %mul3A_258 = vector.broadcast %mul3A_257 : f32 to vector<16xf32>
      %mul3A_259 = arith.mulf %mul3A_258, %add3A_232 : vector<16xf32>
      %mul3A_260 = arith.mulf %mul3A_259, %mul3A_256 : vector<16xf32>
      %mul3A_261 = arith.mulf %mul3A_260, %mul3A_256 : vector<16xf32>
      %sub3A_262 = arith.constant 1.500000e+00 : f32
      %sub3A_263 = vector.broadcast %sub3A_262 : f32 to vector<16xf32>
      %sub3A_264 = arith.subf %sub3A_263, %mul3A_261 : vector<16xf32>
      %mul3A_265 = arith.mulf %mul3A_256, %sub3A_264 : vector<16xf32>
      %scan3A_266 = arith.constant 0 : i32
      %scan3A_267 = arith.constant 0 : i32
      %scan3A_268 = arith.constant 16 : i32
      %scan3A_269 = arith.addi %scan3A_267, %scan3A_268 : i32
      %scan3A_270 = arith.constant 1 : i32
      scf.for %scan3A_273 = %scan3A_267 to %scan3A_269 step %scan3A_270  : i32 {
        %mul3A_274 = arith.constant 4 : i32
        %mul3A_275 = arith.muli %scan3A_273, %mul3A_274 : i32
        %add3A_276 = arith.constant 0 : i32
        %add3A_277 = arith.addi %mul3A_275, %add3A_276 : i32
        %mul3A_278 = arith.constant 16 : i32
        %mul3A_279 = arith.muli %add3A_277, %mul3A_278 : i32
        %get3A = arith.index_cast %scan3A_172 : i32 to index
        %get3A_280 = arith.index_cast %mul3A_279 : i32 to index
        %get3A_281 = tpu.vector_load %arg9[%get3A, %get3A_280] {strides = array<i32>} : memref<32x1024xf32, #tpu.memory_space<vmem>>, vector<1x16xf32>,
        %get3A_282 = vector.shape_cast %get3A_281 : vector<1x16xf32> to vector<16xf32>
        %sub3A_283 = arith.subf %get3A_282, %mul3A_226 : vector<16xf32>
        %mul3A_284 = arith.mulf %sub3A_283, %mul3A_265 : vector<16xf32>
        %get3A_285 = arith.index_cast %mul3A_279 : i32 to index
        %get3A_286 = tpu.vector_load %arg11[%get3A_285] {strides = array<i32>} : memref<1024xf32, #tpu.memory_space<vmem>>, vector<16xf32>,
        %get3A_287 = vector.shape_cast %get3A_286 : vector<16xf32> to vector<16xf32>
        %mul3A_288 = arith.mulf %mul3A_284, %get3A_287 : vector<16xf32>
        %get3A_289 = arith.index_cast %mul3A_279 : i32 to index
        %get3A_290 = tpu.vector_load %arg12[%get3A_289] {strides = array<i32>} : memref<1024xf32, #tpu.memory_space<vmem>>, vector<16xf32>,
        %get3A_291 = vector.shape_cast %get3A_290 : vector<16xf32> to vector<16xf32>
        %add3A_292 = arith.addf %mul3A_288, %get3A_291 : vector<16xf32>
        %swap3A = arith.index_cast %scan3A_172 : i32 to index
        %swap3A_293 = arith.index_cast %mul3A_279 : i32 to index
        %swap3A_294 = tpu.vector_load %arg9[%swap3A, %swap3A_293] {strides = array<i32>} : memref<32x1024xf32, #tpu.memory_space<vmem>>, vector<1x16xf32>,
        %swap3A_295 = vector.shape_cast %swap3A_294 : vector<1x16xf32> to vector<16xf32>
        %swap3A_296 = vector.shape_cast %add3A_292 : vector<16xf32> to vector<1x16xf32>
        tpu.vector_store %arg9[%swap3A, %swap3A_293], %swap3A_296 {strides = array<i32>} : memref<32x1024xf32, #tpu.memory_space<vmem>>, vector<1x16xf32>,
        %mul3A_297 = arith.constant 4 : i32
        %mul3A_298 = arith.muli %scan3A_273, %mul3A_297 : i32
        %add3A_299 = arith.constant 1 : i32
        %add3A_300 = arith.addi %mul3A_298, %add3A_299 : i32
        %mul3A_301 = arith.constant 16 : i32
        %mul3A_302 = arith.muli %add3A_300, %mul3A_301 : i32
        %get3A_303 = arith.index_cast %scan3A_172 : i32 to index
        %get3A_304 = arith.index_cast %mul3A_302 : i32 to index
        %get3A_305 = tpu.vector_load %arg9[%get3A_303, %get3A_304] {strides = array<i32>} : memref<32x1024xf32, #tpu.memory_space<vmem>>, vector<1x16xf32>,
        %get3A_306 = vector.shape_cast %get3A_305 : vector<1x16xf32> to vector<16xf32>
        %sub3A_307 = arith.subf %get3A_306, %mul3A_226 : vector<16xf32>
        %mul3A_308 = arith.mulf %sub3A_307, %mul3A_265 : vector<16xf32>
        %get3A_309 = arith.index_cast %mul3A_302 : i32 to index
        %get3A_310 = tpu.vector_load %arg11[%get3A_309] {strides = array<i32>} : memref<1024xf32, #tpu.memory_space<vmem>>, vector<16xf32>,
        %get3A_311 = vector.shape_cast %get3A_310 : vector<16xf32> to vector<16xf32>
        %mul3A_312 = arith.mulf %mul3A_308, %get3A_311 : vector<16xf32>
        %get3A_313 = arith.index_cast %mul3A_302 : i32 to index
        %get3A_314 = tpu.vector_load %arg12[%get3A_313] {strides = array<i32>} : memref<1024xf32, #tpu.memory_space<vmem>>, vector<16xf32>,
        %get3A_315 = vector.shape_cast %get3A_314 : vector<16xf32> to vector<16xf32>
        %add3A_316 = arith.addf %mul3A_312, %get3A_315 : vector<16xf32>
        %swap3A_317 = arith.index_cast %scan3A_172 : i32 to index
        %swap3A_318 = arith.index_cast %mul3A_302 : i32 to index
        %swap3A_319 = tpu.vector_load %arg9[%swap3A_317, %swap3A_318] {strides = array<i32>} : memref<32x1024xf32, #tpu.memory_space<vmem>>, vector<1x16xf32>,
        %swap3A_320 = vector.shape_cast %swap3A_319 : vector<1x16xf32> to vector<16xf32>
        %swap3A_321 = vector.shape_cast %add3A_316 : vector<16xf32> to vector<1x16xf32>
        tpu.vector_store %arg9[%swap3A_317, %swap3A_318], %swap3A_321 {strides = array<i32>} : memref<32x1024xf32, #tpu.memory_space<vmem>>, vector<1x16xf32>,
        %mul3A_322 = arith.constant 4 : i32
        %mul3A_323 = arith.muli %scan3A_273, %mul3A_322 : i32
        %add3A_324 = arith.constant 2 : i32
        %add3A_325 = arith.addi %mul3A_323, %add3A_324 : i32
        %mul3A_326 = arith.constant 16 : i32
        %mul3A_327 = arith.muli %add3A_325, %mul3A_326 : i32
        %get3A_328 = arith.index_cast %scan3A_172 : i32 to index
        %get3A_329 = arith.index_cast %mul3A_327 : i32 to index
        %get3A_330 = tpu.vector_load %arg9[%get3A_328, %get3A_329] {strides = array<i32>} : memref<32x1024xf32, #tpu.memory_space<vmem>>, vector<1x16xf32>,
        %get3A_331 = vector.shape_cast %get3A_330 : vector<1x16xf32> to vector<16xf32>
        %sub3A_332 = arith.subf %get3A_331, %mul3A_226 : vector<16xf32>
        %mul3A_333 = arith.mulf %sub3A_332, %mul3A_265 : vector<16xf32>
        %get3A_334 = arith.index_cast %mul3A_327 : i32 to index
        %get3A_335 = tpu.vector_load %arg11[%get3A_334] {strides = array<i32>} : memref<1024xf32, #tpu.memory_space<vmem>>, vector<16xf32>,
        %get3A_336 = vector.shape_cast %get3A_335 : vector<16xf32> to vector<16xf32>
        %mul3A_337 = arith.mulf %mul3A_333, %get3A_336 : vector<16xf32>
        %get3A_338 = arith.index_cast %mul3A_327 : i32 to index
        %get3A_339 = tpu.vector_load %arg12[%get3A_338] {strides = array<i32>} : memref<1024xf32, #tpu.memory_space<vmem>>, vector<16xf32>,
        %get3A_340 = vector.shape_cast %get3A_339 : vector<16xf32> to vector<16xf32>
        %add3A_341 = arith.addf %mul3A_337, %get3A_340 : vector<16xf32>
        %swap3A_342 = arith.index_cast %scan3A_172 : i32 to index
        %swap3A_343 = arith.index_cast %mul3A_327 : i32 to index
        %swap3A_344 = tpu.vector_load %arg9[%swap3A_342, %swap3A_343] {strides = array<i32>} : memref<32x1024xf32, #tpu.memory_space<vmem>>, vector<1x16xf32>,
        %swap3A_345 = vector.shape_cast %swap3A_344 : vector<1x16xf32> to vector<16xf32>
        %swap3A_346 = vector.shape_cast %add3A_341 : vector<16xf32> to vector<1x16xf32>
        tpu.vector_store %arg9[%swap3A_342, %swap3A_343], %swap3A_346 {strides = array<i32>} : memref<32x1024xf32, #tpu.memory_space<vmem>>, vector<1x16xf32>,
        %mul3A_347 = arith.constant 4 : i32
        %mul3A_348 = arith.muli %scan3A_273, %mul3A_347 : i32
        %add3A_349 = arith.constant 3 : i32
        %add3A_350 = arith.addi %mul3A_348, %add3A_349 : i32
        %mul3A_351 = arith.constant 16 : i32
        %mul3A_352 = arith.muli %add3A_350, %mul3A_351 : i32
        %get3A_353 = arith.index_cast %scan3A_172 : i32 to index
        %get3A_354 = arith.index_cast %mul3A_352 : i32 to index
        %get3A_355 = tpu.vector_load %arg9[%get3A_353, %get3A_354] {strides = array<i32>} : memref<32x1024xf32, #tpu.memory_space<vmem>>, vector<1x16xf32>,
        %get3A_356 = vector.shape_cast %get3A_355 : vector<1x16xf32> to vector<16xf32>
        %sub3A_357 = arith.subf %get3A_356, %mul3A_226 : vector<16xf32>
        %mul3A_358 = arith.mulf %sub3A_357, %mul3A_265 : vector<16xf32>
        %get3A_359 = arith.index_cast %mul3A_352 : i32 to index
        %get3A_360 = tpu.vector_load %arg11[%get3A_359] {strides = array<i32>} : memref<1024xf32, #tpu.memory_space<vmem>>, vector<16xf32>,
        %get3A_361 = vector.shape_cast %get3A_360 : vector<16xf32> to vector<16xf32>
        %mul3A_362 = arith.mulf %mul3A_358, %get3A_361 : vector<16xf32>
        %get3A_363 = arith.index_cast %mul3A_352 : i32 to index
        %get3A_364 = tpu.vector_load %arg12[%get3A_363] {strides = array<i32>} : memref<1024xf32, #tpu.memory_space<vmem>>, vector<16xf32>,
        %get3A_365 = vector.shape_cast %get3A_364 : vector<16xf32> to vector<16xf32>
        %add3A_366 = arith.addf %mul3A_362, %get3A_365 : vector<16xf32>
        %swap3A_367 = arith.index_cast %scan3A_172 : i32 to index
        %swap3A_368 = arith.index_cast %mul3A_352 : i32 to index
        %swap3A_369 = tpu.vector_load %arg9[%swap3A_367, %swap3A_368] {strides = array<i32>} : memref<32x1024xf32, #tpu.memory_space<vmem>>, vector<1x16xf32>,
        %swap3A_370 = vector.shape_cast %swap3A_369 : vector<1x16xf32> to vector<16xf32>
        %swap3A_371 = vector.shape_cast %add3A_366 : vector<16xf32> to vector<1x16xf32>
        tpu.vector_store %arg9[%swap3A_367, %swap3A_368], %swap3A_371 {strides = array<i32>} : memref<32x1024xf32, #tpu.memory_space<vmem>>, vector<1x16xf32>,
      }
      %scan3A_271 = arith.constant 16 : i32
      %scan3A_272 = arith.constant 0 : i32
      scf.yield %scan3A_272 : i32
    }
    %scan3A_29 = arith.constant 32 : i32
    %add3A_30 = arith.constant 0 : i32
    %add3A_31 = arith.addi %mul3A_2, %add3A_30 : i32
    "tpu.region"() ({
      %run_scoped3A = tpu.sem_alloc : memref<!tpu.dma_semaphore, #tpu.memory_space<semaphore_mem>>
      %dma_start3A_172 = arith.constant 0 : i32
      %dma_start3A_173 = tpu.memref_slice %arg7[%add3A_31, %dma_start3A_172] : memref<8192x1024xf32, #tpu.memory_space<hbm>> -> memref<32x1024xf32, #tpu.memory_space<hbm>>
      %dma_start3A_174 = arith.constant 0 : i32
      %dma_start3A_175 = tpu.memref_slice %arg7[%add3A_31, %dma_start3A_174] : memref<8192x1024xf32, #tpu.memory_space<hbm>> -> memref<32x1024xf32, #tpu.memory_space<hbm>>
      tpu.enqueue_dma source(%arg9 : memref<32x1024xf32, #tpu.memory_space<vmem>>) target(%dma_start3A_175 : memref<32x1024xf32, #tpu.memory_space<hbm>>) target_semaphore(%run_scoped3A : memref<!tpu.dma_semaphore, #tpu.memory_space<semaphore_mem>>)
      %dma_wait3A_176 = arith.constant 0 : i32
      %dma_wait3A_177 = tpu.memref_slice %arg7[%add3A_31, %dma_wait3A_176] : memref<8192x1024xf32, #tpu.memory_space<hbm>> -> memref<32x1024xf32, #tpu.memory_space<hbm>>
      %dma_wait3A_178 = arith.constant 0 : i32
      %dma_wait3A_179 = tpu.memref_slice %arg7[%add3A_31, %dma_wait3A_178] : memref<8192x1024xf32, #tpu.memory_space<hbm>> -> memref<32x1024xf32, #tpu.memory_space<hbm>>
      tpu.wait_dma2 semaphore(%run_scoped3A : memref<!tpu.dma_semaphore, #tpu.memory_space<semaphore_mem>>) src(%arg9 : memref<32x1024xf32, #tpu.memory_space<vmem>>) dst(%dma_wait3A_179 : memref<32x1024xf32, #tpu.memory_space<hbm>>)
      tpu.yield
    }) : () -> ()
    %add3A_32 = arith.constant 32 : i32
    %add3A_33 = arith.addi %mul3A_2, %add3A_32 : i32
    "tpu.region"() ({
      %run_scoped3A = tpu.sem_alloc : memref<!tpu.dma_semaphore, #tpu.memory_space<semaphore_mem>>
      %dma_start3A_172 = tpu.memref_slice %arg2[%add3A_33] : memref<8192xi32, #tpu.memory_space<hbm>> -> memref<32xi32, #tpu.memory_space<hbm>>
      %dma_start3A_173 = tpu.memref_slice %arg2[%add3A_33] : memref<8192xi32, #tpu.memory_space<hbm>> -> memref<32xi32, #tpu.memory_space<hbm>>
      tpu.enqueue_dma source(%dma_start3A_173 : memref<32xi32, #tpu.memory_space<hbm>>) target(%arg8 : memref<32xi32, #tpu.memory_space<vmem>>) target_semaphore(%run_scoped3A : memref<!tpu.dma_semaphore, #tpu.memory_space<semaphore_mem>>)
      %dma_wait3A_174 = tpu.memref_slice %arg2[%add3A_33] : memref<8192xi32, #tpu.memory_space<hbm>> -> memref<32xi32, #tpu.memory_space<hbm>>
      %dma_wait3A_175 = tpu.memref_slice %arg2[%add3A_33] : memref<8192xi32, #tpu.memory_space<hbm>> -> memref<32xi32, #tpu.memory_space<hbm>>
      tpu.wait_dma2 semaphore(%run_scoped3A : memref<!tpu.dma_semaphore, #tpu.memory_space<semaphore_mem>>) src(%dma_wait3A_175 : memref<32xi32, #tpu.memory_space<hbm>>) dst(%arg8 : memref<32xi32, #tpu.memory_space<vmem>>)
      tpu.yield
    }) : () -> ()
    %add3A_34 = arith.constant 32 : i32
    %add3A_35 = arith.addi %mul3A_13, %add3A_34 : i32
    "tpu.region"() ({
      %run_scoped3A = tpu.sem_alloc : memref<!tpu.dma_semaphore, #tpu.memory_space<semaphore_mem>>
      %dma_start3A_172 = arith.constant 0 : i32
      %dma_start3A_173 = tpu.memref_slice %arg4[%add3A_35, %dma_start3A_172] : memref<2048x1024xf32, #tpu.memory_space<hbm>> -> memref<32x1024xf32, #tpu.memory_space<hbm>>
      %dma_start3A_174 = arith.constant 0 : i32
      %dma_start3A_175 = tpu.memref_slice %arg4[%add3A_35, %dma_start3A_174] : memref<2048x1024xf32, #tpu.memory_space<hbm>> -> memref<32x1024xf32, #tpu.memory_space<hbm>>
      tpu.enqueue_dma source(%dma_start3A_175 : memref<32x1024xf32, #tpu.memory_space<hbm>>) target(%arg10 : memref<32x1024xf32, #tpu.memory_space<vmem>>) target_semaphore(%run_scoped3A : memref<!tpu.dma_semaphore, #tpu.memory_space<semaphore_mem>>)
      %dma_wait3A_176 = arith.constant 0 : i32
      %dma_wait3A_177 = tpu.memref_slice %arg4[%add3A_35, %dma_wait3A_176] : memref<2048x1024xf32, #tpu.memory_space<hbm>> -> memref<32x1024xf32, #tpu.memory_space<hbm>>
      %dma_wait3A_178 = arith.constant 0 : i32
      %dma_wait3A_179 = tpu.memref_slice %arg4[%add3A_35, %dma_wait3A_178] : memref<2048x1024xf32, #tpu.memory_space<hbm>> -> memref<32x1024xf32, #tpu.memory_space<hbm>>
      tpu.wait_dma2 semaphore(%run_scoped3A : memref<!tpu.dma_semaphore, #tpu.memory_space<semaphore_mem>>) src(%dma_wait3A_179 : memref<32x1024xf32, #tpu.memory_space<hbm>>) dst(%arg10 : memref<32x1024xf32, #tpu.memory_space<vmem>>)
      tpu.yield
    }) : () -> ()
    %dma_start3A_36 = arith.constant 0 : i32
    %dma_start3A_37 = arith.constant 0 : i32
    %dma_start3A_38 = tpu.memref_slice %arg3[%dma_start3A_36, %dma_start3A_37] : memref<100000x1024xf32, #tpu.memory_space<hbm>> -> memref<100000x1024xf32, #tpu.memory_space<hbm>>
    tpu.enqueue_indirect_dma source(%dma_start3A_38 : memref<100000x1024xf32, #tpu.memory_space<hbm>>) target(%arg9 : memref<32x1024xf32, #tpu.memory_space<vmem>>) offsets(%arg8 : memref<32xi32, #tpu.memory_space<vmem>>) semaphore(%arg13 : memref<!tpu.dma_semaphore, #tpu.memory_space<semaphore_mem>>)
    %dma_wait3A_39 = arith.constant 0 : i32
    %dma_wait3A_40 = arith.constant 0 : i32
    %dma_wait3A_41 = tpu.memref_slice %arg3[%dma_wait3A_39, %dma_wait3A_40] : memref<100000x1024xf32, #tpu.memory_space<hbm>> -> memref<100000x1024xf32, #tpu.memory_space<hbm>>
    tpu.wait_indirect_dma semaphore(%arg13 : memref<!tpu.dma_semaphore, #tpu.memory_space<semaphore_mem>>) src(%dma_wait3A_41 : memref<100000x1024xf32, #tpu.memory_space<hbm>>) dst(%arg9 : memref<32x1024xf32, #tpu.memory_space<vmem>>)
    %scan3A_42 = arith.constant 9.765625E-4 : f32
    %scan3A_43 = arith.constant 0 : i32
    %scan3A_44 = arith.constant 0 : i32
    %scan3A_45 = arith.constant 32 : i32
    %scan3A_46 = arith.addi %scan3A_44, %scan3A_45 : i32
    %scan3A_47 = arith.constant 1 : i32
    %scan3A_48 = scf.for %scan3A_172 = %scan3A_44 to %scan3A_46 step %scan3A_47 iter_args(%scan3A_173 = %scan3A_43) -> (i32)  : i32 {
      %scan3A_174 = arith.constant 0 : i32
      %scan3A_175 = arith.constant 16 : i32
      %scan3A_176 = arith.addi %scan3A_174, %scan3A_175 : i32
      %scan3A_177 = arith.constant 1 : i32
      %scan3A_178:2 = scf.for %scan3A_273 = %scan3A_174 to %scan3A_176 step %scan3A_177 iter_args(%scan3A_274 = %broadcast_in_dim3A_14, %scan3A_275 = %broadcast_in_dim3A_14) -> (vector<16xf32>, vector<16xf32>)  : i32 {
        %mul3A_276 = arith.constant 4 : i32
        %mul3A_277 = arith.muli %scan3A_273, %mul3A_276 : i32
        %add3A_278 = arith.constant 0 : i32
        %add3A_279 = arith.addi %mul3A_277, %add3A_278 : i32
        %mul3A_280 = arith.constant 16 : i32
        %mul3A_281 = arith.muli %add3A_279, %mul3A_280 : i32
        %get3A = arith.index_cast %scan3A_172 : i32 to index
        %get3A_282 = arith.index_cast %mul3A_281 : i32 to index
        %get3A_283 = tpu.vector_load %arg9[%get3A, %get3A_282] {strides = array<i32>} : memref<32x1024xf32, #tpu.memory_space<vmem>>, vector<1x16xf32>,
        %get3A_284 = vector.shape_cast %get3A_283 : vector<1x16xf32> to vector<16xf32>
        %get3A_285 = arith.index_cast %scan3A_172 : i32 to index
        %get3A_286 = arith.index_cast %mul3A_281 : i32 to index
        %get3A_287 = tpu.vector_load %arg10[%get3A_285, %get3A_286] {strides = array<i32>} : memref<32x1024xf32, #tpu.memory_space<vmem>>, vector<1x16xf32>,
        %get3A_288 = vector.shape_cast %get3A_287 : vector<1x16xf32> to vector<16xf32>
        %add3A_289 = arith.addf %get3A_284, %get3A_288 : vector<16xf32>
        %swap3A = arith.index_cast %scan3A_172 : i32 to index
        %swap3A_290 = arith.index_cast %mul3A_281 : i32 to index
        %swap3A_291 = tpu.vector_load %arg9[%swap3A, %swap3A_290] {strides = array<i32>} : memref<32x1024xf32, #tpu.memory_space<vmem>>, vector<1x16xf32>,
        %swap3A_292 = vector.shape_cast %swap3A_291 : vector<1x16xf32> to vector<16xf32>
        %swap3A_293 = vector.shape_cast %add3A_289 : vector<16xf32> to vector<1x16xf32>
        tpu.vector_store %arg9[%swap3A, %swap3A_290], %swap3A_293 {strides = array<i32>} : memref<32x1024xf32, #tpu.memory_space<vmem>>, vector<1x16xf32>,
        %add3A_294 = arith.addf %scan3A_274, %add3A_289 : vector<16xf32>
        %mul3A_295 = arith.mulf %add3A_289, %add3A_289 : vector<16xf32>
        %add3A_296 = arith.addf %scan3A_275, %mul3A_295 : vector<16xf32>
        %mul3A_297 = arith.constant 4 : i32
        %mul3A_298 = arith.muli %scan3A_273, %mul3A_297 : i32
        %add3A_299 = arith.constant 1 : i32
        %add3A_300 = arith.addi %mul3A_298, %add3A_299 : i32
        %mul3A_301 = arith.constant 16 : i32
        %mul3A_302 = arith.muli %add3A_300, %mul3A_301 : i32
        %get3A_303 = arith.index_cast %scan3A_172 : i32 to index
        %get3A_304 = arith.index_cast %mul3A_302 : i32 to index
        %get3A_305 = tpu.vector_load %arg9[%get3A_303, %get3A_304] {strides = array<i32>} : memref<32x1024xf32, #tpu.memory_space<vmem>>, vector<1x16xf32>,
        %get3A_306 = vector.shape_cast %get3A_305 : vector<1x16xf32> to vector<16xf32>
        %get3A_307 = arith.index_cast %scan3A_172 : i32 to index
        %get3A_308 = arith.index_cast %mul3A_302 : i32 to index
        %get3A_309 = tpu.vector_load %arg10[%get3A_307, %get3A_308] {strides = array<i32>} : memref<32x1024xf32, #tpu.memory_space<vmem>>, vector<1x16xf32>,
        %get3A_310 = vector.shape_cast %get3A_309 : vector<1x16xf32> to vector<16xf32>
        %add3A_311 = arith.addf %get3A_306, %get3A_310 : vector<16xf32>
        %swap3A_312 = arith.index_cast %scan3A_172 : i32 to index
        %swap3A_313 = arith.index_cast %mul3A_302 : i32 to index
        %swap3A_314 = tpu.vector_load %arg9[%swap3A_312, %swap3A_313] {strides = array<i32>} : memref<32x1024xf32, #tpu.memory_space<vmem>>, vector<1x16xf32>,
        %swap3A_315 = vector.shape_cast %swap3A_314 : vector<1x16xf32> to vector<16xf32>
        %swap3A_316 = vector.shape_cast %add3A_311 : vector<16xf32> to vector<1x16xf32>
        tpu.vector_store %arg9[%swap3A_312, %swap3A_313], %swap3A_316 {strides = array<i32>} : memref<32x1024xf32, #tpu.memory_space<vmem>>, vector<1x16xf32>,
        %add3A_317 = arith.addf %add3A_294, %add3A_311 : vector<16xf32>
        %mul3A_318 = arith.mulf %add3A_311, %add3A_311 : vector<16xf32>
        %add3A_319 = arith.addf %add3A_296, %mul3A_318 : vector<16xf32>
        %mul3A_320 = arith.constant 4 : i32
        %mul3A_321 = arith.muli %scan3A_273, %mul3A_320 : i32
        %add3A_322 = arith.constant 2 : i32
        %add3A_323 = arith.addi %mul3A_321, %add3A_322 : i32
        %mul3A_324 = arith.constant 16 : i32
        %mul3A_325 = arith.muli %add3A_323, %mul3A_324 : i32
        %get3A_326 = arith.index_cast %scan3A_172 : i32 to index
        %get3A_327 = arith.index_cast %mul3A_325 : i32 to index
        %get3A_328 = tpu.vector_load %arg9[%get3A_326, %get3A_327] {strides = array<i32>} : memref<32x1024xf32, #tpu.memory_space<vmem>>, vector<1x16xf32>,
        %get3A_329 = vector.shape_cast %get3A_328 : vector<1x16xf32> to vector<16xf32>
        %get3A_330 = arith.index_cast %scan3A_172 : i32 to index
        %get3A_331 = arith.index_cast %mul3A_325 : i32 to index
        %get3A_332 = tpu.vector_load %arg10[%get3A_330, %get3A_331] {strides = array<i32>} : memref<32x1024xf32, #tpu.memory_space<vmem>>, vector<1x16xf32>,
        %get3A_333 = vector.shape_cast %get3A_332 : vector<1x16xf32> to vector<16xf32>
        %add3A_334 = arith.addf %get3A_329, %get3A_333 : vector<16xf32>
        %swap3A_335 = arith.index_cast %scan3A_172 : i32 to index
        %swap3A_336 = arith.index_cast %mul3A_325 : i32 to index
        %swap3A_337 = tpu.vector_load %arg9[%swap3A_335, %swap3A_336] {strides = array<i32>} : memref<32x1024xf32, #tpu.memory_space<vmem>>, vector<1x16xf32>,
        %swap3A_338 = vector.shape_cast %swap3A_337 : vector<1x16xf32> to vector<16xf32>
        %swap3A_339 = vector.shape_cast %add3A_334 : vector<16xf32> to vector<1x16xf32>
        tpu.vector_store %arg9[%swap3A_335, %swap3A_336], %swap3A_339 {strides = array<i32>} : memref<32x1024xf32, #tpu.memory_space<vmem>>, vector<1x16xf32>,
        %add3A_340 = arith.addf %add3A_317, %add3A_334 : vector<16xf32>
        %mul3A_341 = arith.mulf %add3A_334, %add3A_334 : vector<16xf32>
        %add3A_342 = arith.addf %add3A_319, %mul3A_341 : vector<16xf32>
        %mul3A_343 = arith.constant 4 : i32
        %mul3A_344 = arith.muli %scan3A_273, %mul3A_343 : i32
        %add3A_345 = arith.constant 3 : i32
        %add3A_346 = arith.addi %mul3A_344, %add3A_345 : i32
        %mul3A_347 = arith.constant 16 : i32
        %mul3A_348 = arith.muli %add3A_346, %mul3A_347 : i32
        %get3A_349 = arith.index_cast %scan3A_172 : i32 to index
        %get3A_350 = arith.index_cast %mul3A_348 : i32 to index
        %get3A_351 = tpu.vector_load %arg9[%get3A_349, %get3A_350] {strides = array<i32>} : memref<32x1024xf32, #tpu.memory_space<vmem>>, vector<1x16xf32>,
        %get3A_352 = vector.shape_cast %get3A_351 : vector<1x16xf32> to vector<16xf32>
        %get3A_353 = arith.index_cast %scan3A_172 : i32 to index
        %get3A_354 = arith.index_cast %mul3A_348 : i32 to index
        %get3A_355 = tpu.vector_load %arg10[%get3A_353, %get3A_354] {strides = array<i32>} : memref<32x1024xf32, #tpu.memory_space<vmem>>, vector<1x16xf32>,
        %get3A_356 = vector.shape_cast %get3A_355 : vector<1x16xf32> to vector<16xf32>
        %add3A_357 = arith.addf %get3A_352, %get3A_356 : vector<16xf32>
        %swap3A_358 = arith.index_cast %scan3A_172 : i32 to index
        %swap3A_359 = arith.index_cast %mul3A_348 : i32 to index
        %swap3A_360 = tpu.vector_load %arg9[%swap3A_358, %swap3A_359] {strides = array<i32>} : memref<32x1024xf32, #tpu.memory_space<vmem>>, vector<1x16xf32>,
        %swap3A_361 = vector.shape_cast %swap3A_360 : vector<1x16xf32> to vector<16xf32>
        %swap3A_362 = vector.shape_cast %add3A_357 : vector<16xf32> to vector<1x16xf32>
        tpu.vector_store %arg9[%swap3A_358, %swap3A_359], %swap3A_362 {strides = array<i32>} : memref<32x1024xf32, #tpu.memory_space<vmem>>, vector<1x16xf32>,
        %add3A_363 = arith.addf %add3A_340, %add3A_357 : vector<16xf32>
        %mul3A_364 = arith.mulf %add3A_357, %add3A_357 : vector<16xf32>
        %add3A_365 = arith.addf %add3A_342, %mul3A_364 : vector<16xf32>
        scf.yield %add3A_363, %add3A_365 : vector<16xf32>, vector<16xf32>
      }
      %scan3A_179 = arith.constant 16 : i32
      %iota3A = tpu.iota {dimensions = array<i32: 0>} : vector<16xi32>
      %xor3A = arith.constant 8 : i32
      %xor3A_180 = vector.broadcast %xor3A : i32 to vector<16xi32>
      %xor3A_181 = arith.xori %iota3A, %xor3A_180 : vector<16xi32>
      %broadcast_in_dim3A_182 = vector.shape_cast %xor3A_181 : vector<16xi32> to vector<16x1xi32>
      %gather3A = vector.shape_cast %broadcast_in_dim3A_182 : vector<16x1xi32> to vector<16xi32>
      %gather3A_183 = tpu.dynamic_gather %scan3A_178#0[%gather3A] in [0] : vector<16xf32>, vector<16xi32> -> vector<16xf32>
      %add3A_184 = arith.addf %scan3A_178#0, %gather3A_183 : vector<16xf32>
      %broadcast_in_dim3A_185 = vector.shape_cast %xor3A_181 : vector<16xi32> to vector<16x1xi32>
      %gather3A_186 = vector.shape_cast %broadcast_in_dim3A_185 : vector<16x1xi32> to vector<16xi32>
      %gather3A_187 = tpu.dynamic_gather %scan3A_178#1[%gather3A_186] in [0] : vector<16xf32>, vector<16xi32> -> vector<16xf32>
      %add3A_188 = arith.addf %scan3A_178#1, %gather3A_187 : vector<16xf32>
      %iota3A_189 = tpu.iota {dimensions = array<i32: 0>} : vector<16xi32>
      %xor3A_190 = arith.constant 4 : i32
      %xor3A_191 = vector.broadcast %xor3A_190 : i32 to vector<16xi32>
      %xor3A_192 = arith.xori %iota3A_189, %xor3A_191 : vector<16xi32>
      %broadcast_in_dim3A_193 = vector.shape_cast %xor3A_192 : vector<16xi32> to vector<16x1xi32>
      %gather3A_194 = vector.shape_cast %broadcast_in_dim3A_193 : vector<16x1xi32> to vector<16xi32>
      %gather3A_195 = tpu.dynamic_gather %add3A_184[%gather3A_194] in [0] : vector<16xf32>, vector<16xi32> -> vector<16xf32>
      %add3A_196 = arith.addf %add3A_184, %gather3A_195 : vector<16xf32>
      %broadcast_in_dim3A_197 = vector.shape_cast %xor3A_192 : vector<16xi32> to vector<16x1xi32>
      %gather3A_198 = vector.shape_cast %broadcast_in_dim3A_197 : vector<16x1xi32> to vector<16xi32>
      %gather3A_199 = tpu.dynamic_gather %add3A_188[%gather3A_198] in [0] : vector<16xf32>, vector<16xi32> -> vector<16xf32>
      %add3A_200 = arith.addf %add3A_188, %gather3A_199 : vector<16xf32>
      %iota3A_201 = tpu.iota {dimensions = array<i32: 0>} : vector<16xi32>
      %xor3A_202 = arith.constant 2 : i32
      %xor3A_203 = vector.broadcast %xor3A_202 : i32 to vector<16xi32>
      %xor3A_204 = arith.xori %iota3A_201, %xor3A_203 : vector<16xi32>
      %broadcast_in_dim3A_205 = vector.shape_cast %xor3A_204 : vector<16xi32> to vector<16x1xi32>
      %gather3A_206 = vector.shape_cast %broadcast_in_dim3A_205 : vector<16x1xi32> to vector<16xi32>
      %gather3A_207 = tpu.dynamic_gather %add3A_196[%gather3A_206] in [0] : vector<16xf32>, vector<16xi32> -> vector<16xf32>
      %add3A_208 = arith.addf %add3A_196, %gather3A_207 : vector<16xf32>
      %broadcast_in_dim3A_209 = vector.shape_cast %xor3A_204 : vector<16xi32> to vector<16x1xi32>
      %gather3A_210 = vector.shape_cast %broadcast_in_dim3A_209 : vector<16x1xi32> to vector<16xi32>
      %gather3A_211 = tpu.dynamic_gather %add3A_200[%gather3A_210] in [0] : vector<16xf32>, vector<16xi32> -> vector<16xf32>
      %add3A_212 = arith.addf %add3A_200, %gather3A_211 : vector<16xf32>
      %iota3A_213 = tpu.iota {dimensions = array<i32: 0>} : vector<16xi32>
      %xor3A_214 = arith.constant 1 : i32
      %xor3A_215 = vector.broadcast %xor3A_214 : i32 to vector<16xi32>
      %xor3A_216 = arith.xori %iota3A_213, %xor3A_215 : vector<16xi32>
      %broadcast_in_dim3A_217 = vector.shape_cast %xor3A_216 : vector<16xi32> to vector<16x1xi32>
      %gather3A_218 = vector.shape_cast %broadcast_in_dim3A_217 : vector<16x1xi32> to vector<16xi32>
      %gather3A_219 = tpu.dynamic_gather %add3A_208[%gather3A_218] in [0] : vector<16xf32>, vector<16xi32> -> vector<16xf32>
      %add3A_220 = arith.addf %add3A_208, %gather3A_219 : vector<16xf32>
      %broadcast_in_dim3A_221 = vector.shape_cast %xor3A_216 : vector<16xi32> to vector<16x1xi32>
      %gather3A_222 = vector.shape_cast %broadcast_in_dim3A_221 : vector<16x1xi32> to vector<16xi32>
      %gather3A_223 = tpu.dynamic_gather %add3A_212[%gather3A_222] in [0] : vector<16xf32>, vector<16xi32> -> vector<16xf32>
      %add3A_224 = arith.addf %add3A_212, %gather3A_223 : vector<16xf32>
      %mul3A_225 = vector.broadcast %scan3A_42 : f32 to vector<16xf32>
      %mul3A_226 = arith.mulf %add3A_220, %mul3A_225 : vector<16xf32>
      %mul3A_227 = vector.broadcast %scan3A_42 : f32 to vector<16xf32>
      %mul3A_228 = arith.mulf %add3A_224, %mul3A_227 : vector<16xf32>
      %mul3A_229 = arith.mulf %mul3A_226, %mul3A_226 : vector<16xf32>
      %sub3A = arith.subf %mul3A_228, %mul3A_229 : vector<16xf32>
      %add3A_230 = arith.constant 9.99999974E-6 : f32
      %add3A_231 = vector.broadcast %add3A_230 : f32 to vector<16xf32>
      %add3A_232 = arith.addf %sub3A, %add3A_231 : vector<16xf32>
      %bitcast_convert_type3A = tpu.bitcast %add3A_232 : vector<16xf32> -> vector<16xi32>
      %shift_right_arithmetic3A = arith.constant 1 : i32
      %shift_right_arithmetic3A_233 = vector.broadcast %shift_right_arithmetic3A : i32 to vector<16xi32>
      %shift_right_arithmetic3A_234 = arith.shrsi %bitcast_convert_type3A, %shift_right_arithmetic3A_233 : vector<16xi32>
      %sub3A_235 = arith.constant 1597463007 : i32
      %sub3A_236 = vector.broadcast %sub3A_235 : i32 to vector<16xi32>
      %sub3A_237 = arith.subi %sub3A_236, %shift_right_arithmetic3A_234 : vector<16xi32>
      %bitcast_convert_type3A_238 = tpu.bitcast %sub3A_237 : vector<16xi32> -> vector<16xf32>
      %mul3A_239 = arith.constant 5.000000e-01 : f32
      %mul3A_240 = vector.broadcast %mul3A_239 : f32 to vector<16xf32>
      %mul3A_241 = arith.mulf %mul3A_240, %add3A_232 : vector<16xf32>
      %mul3A_242 = arith.mulf %mul3A_241, %bitcast_convert_type3A_238 : vector<16xf32>
      %mul3A_243 = arith.mulf %mul3A_242, %bitcast_convert_type3A_238 : vector<16xf32>
      %sub3A_244 = arith.constant 1.500000e+00 : f32
      %sub3A_245 = vector.broadcast %sub3A_244 : f32 to vector<16xf32>
      %sub3A_246 = arith.subf %sub3A_245, %mul3A_243 : vector<16xf32>
      %mul3A_247 = arith.mulf %bitcast_convert_type3A_238, %sub3A_246 : vector<16xf32>
      %mul3A_248 = arith.constant 5.000000e-01 : f32
      %mul3A_249 = vector.broadcast %mul3A_248 : f32 to vector<16xf32>
      %mul3A_250 = arith.mulf %mul3A_249, %add3A_232 : vector<16xf32>
      %mul3A_251 = arith.mulf %mul3A_250, %mul3A_247 : vector<16xf32>
      %mul3A_252 = arith.mulf %mul3A_251, %mul3A_247 : vector<16xf32>
      %sub3A_253 = arith.constant 1.500000e+00 : f32
      %sub3A_254 = vector.broadcast %sub3A_253 : f32 to vector<16xf32>
      %sub3A_255 = arith.subf %sub3A_254, %mul3A_252 : vector<16xf32>
      %mul3A_256 = arith.mulf %mul3A_247, %sub3A_255 : vector<16xf32>
      %mul3A_257 = arith.constant 5.000000e-01 : f32
      %mul3A_258 = vector.broadcast %mul3A_257 : f32 to vector<16xf32>
      %mul3A_259 = arith.mulf %mul3A_258, %add3A_232 : vector<16xf32>
      %mul3A_260 = arith.mulf %mul3A_259, %mul3A_256 : vector<16xf32>
      %mul3A_261 = arith.mulf %mul3A_260, %mul3A_256 : vector<16xf32>
      %sub3A_262 = arith.constant 1.500000e+00 : f32
      %sub3A_263 = vector.broadcast %sub3A_262 : f32 to vector<16xf32>
      %sub3A_264 = arith.subf %sub3A_263, %mul3A_261 : vector<16xf32>
      %mul3A_265 = arith.mulf %mul3A_256, %sub3A_264 : vector<16xf32>
      %scan3A_266 = arith.constant 0 : i32
      %scan3A_267 = arith.constant 0 : i32
      %scan3A_268 = arith.constant 16 : i32
      %scan3A_269 = arith.addi %scan3A_267, %scan3A_268 : i32
      %scan3A_270 = arith.constant 1 : i32
      scf.for %scan3A_273 = %scan3A_267 to %scan3A_269 step %scan3A_270  : i32 {
        %mul3A_274 = arith.constant 4 : i32
        %mul3A_275 = arith.muli %scan3A_273, %mul3A_274 : i32
        %add3A_276 = arith.constant 0 : i32
        %add3A_277 = arith.addi %mul3A_275, %add3A_276 : i32
        %mul3A_278 = arith.constant 16 : i32
        %mul3A_279 = arith.muli %add3A_277, %mul3A_278 : i32
        %get3A = arith.index_cast %scan3A_172 : i32 to index
        %get3A_280 = arith.index_cast %mul3A_279 : i32 to index
        %get3A_281 = tpu.vector_load %arg9[%get3A, %get3A_280] {strides = array<i32>} : memref<32x1024xf32, #tpu.memory_space<vmem>>, vector<1x16xf32>,
        %get3A_282 = vector.shape_cast %get3A_281 : vector<1x16xf32> to vector<16xf32>
        %sub3A_283 = arith.subf %get3A_282, %mul3A_226 : vector<16xf32>
        %mul3A_284 = arith.mulf %sub3A_283, %mul3A_265 : vector<16xf32>
        %get3A_285 = arith.index_cast %mul3A_279 : i32 to index
        %get3A_286 = tpu.vector_load %arg11[%get3A_285] {strides = array<i32>} : memref<1024xf32, #tpu.memory_space<vmem>>, vector<16xf32>,
        %get3A_287 = vector.shape_cast %get3A_286 : vector<16xf32> to vector<16xf32>
        %mul3A_288 = arith.mulf %mul3A_284, %get3A_287 : vector<16xf32>
        %get3A_289 = arith.index_cast %mul3A_279 : i32 to index
        %get3A_290 = tpu.vector_load %arg12[%get3A_289] {strides = array<i32>} : memref<1024xf32, #tpu.memory_space<vmem>>, vector<16xf32>,
        %get3A_291 = vector.shape_cast %get3A_290 : vector<16xf32> to vector<16xf32>
        %add3A_292 = arith.addf %mul3A_288, %get3A_291 : vector<16xf32>
        %swap3A = arith.index_cast %scan3A_172 : i32 to index
        %swap3A_293 = arith.index_cast %mul3A_279 : i32 to index
        %swap3A_294 = tpu.vector_load %arg9[%swap3A, %swap3A_293] {strides = array<i32>} : memref<32x1024xf32, #tpu.memory_space<vmem>>, vector<1x16xf32>,
        %swap3A_295 = vector.shape_cast %swap3A_294 : vector<1x16xf32> to vector<16xf32>
        %swap3A_296 = vector.shape_cast %add3A_292 : vector<16xf32> to vector<1x16xf32>
        tpu.vector_store %arg9[%swap3A, %swap3A_293], %swap3A_296 {strides = array<i32>} : memref<32x1024xf32, #tpu.memory_space<vmem>>, vector<1x16xf32>,
        %mul3A_297 = arith.constant 4 : i32
        %mul3A_298 = arith.muli %scan3A_273, %mul3A_297 : i32
        %add3A_299 = arith.constant 1 : i32
        %add3A_300 = arith.addi %mul3A_298, %add3A_299 : i32
        %mul3A_301 = arith.constant 16 : i32
        %mul3A_302 = arith.muli %add3A_300, %mul3A_301 : i32
        %get3A_303 = arith.index_cast %scan3A_172 : i32 to index
        %get3A_304 = arith.index_cast %mul3A_302 : i32 to index
        %get3A_305 = tpu.vector_load %arg9[%get3A_303, %get3A_304] {strides = array<i32>} : memref<32x1024xf32, #tpu.memory_space<vmem>>, vector<1x16xf32>,
        %get3A_306 = vector.shape_cast %get3A_305 : vector<1x16xf32> to vector<16xf32>
        %sub3A_307 = arith.subf %get3A_306, %mul3A_226 : vector<16xf32>
        %mul3A_308 = arith.mulf %sub3A_307, %mul3A_265 : vector<16xf32>
        %get3A_309 = arith.index_cast %mul3A_302 : i32 to index
        %get3A_310 = tpu.vector_load %arg11[%get3A_309] {strides = array<i32>} : memref<1024xf32, #tpu.memory_space<vmem>>, vector<16xf32>,
        %get3A_311 = vector.shape_cast %get3A_310 : vector<16xf32> to vector<16xf32>
        %mul3A_312 = arith.mulf %mul3A_308, %get3A_311 : vector<16xf32>
        %get3A_313 = arith.index_cast %mul3A_302 : i32 to index
        %get3A_314 = tpu.vector_load %arg12[%get3A_313] {strides = array<i32>} : memref<1024xf32, #tpu.memory_space<vmem>>, vector<16xf32>,
        %get3A_315 = vector.shape_cast %get3A_314 : vector<16xf32> to vector<16xf32>
        %add3A_316 = arith.addf %mul3A_312, %get3A_315 : vector<16xf32>
        %swap3A_317 = arith.index_cast %scan3A_172 : i32 to index
        %swap3A_318 = arith.index_cast %mul3A_302 : i32 to index
        %swap3A_319 = tpu.vector_load %arg9[%swap3A_317, %swap3A_318] {strides = array<i32>} : memref<32x1024xf32, #tpu.memory_space<vmem>>, vector<1x16xf32>,
        %swap3A_320 = vector.shape_cast %swap3A_319 : vector<1x16xf32> to vector<16xf32>
        %swap3A_321 = vector.shape_cast %add3A_316 : vector<16xf32> to vector<1x16xf32>
        tpu.vector_store %arg9[%swap3A_317, %swap3A_318], %swap3A_321 {strides = array<i32>} : memref<32x1024xf32, #tpu.memory_space<vmem>>, vector<1x16xf32>,
        %mul3A_322 = arith.constant 4 : i32
        %mul3A_323 = arith.muli %scan3A_273, %mul3A_322 : i32
        %add3A_324 = arith.constant 2 : i32
        %add3A_325 = arith.addi %mul3A_323, %add3A_324 : i32
        %mul3A_326 = arith.constant 16 : i32
        %mul3A_327 = arith.muli %add3A_325, %mul3A_326 : i32
        %get3A_328 = arith.index_cast %scan3A_172 : i32 to index
        %get3A_329 = arith.index_cast %mul3A_327 : i32 to index
        %get3A_330 = tpu.vector_load %arg9[%get3A_328, %get3A_329] {strides = array<i32>} : memref<32x1024xf32, #tpu.memory_space<vmem>>, vector<1x16xf32>,
        %get3A_331 = vector.shape_cast %get3A_330 : vector<1x16xf32> to vector<16xf32>
        %sub3A_332 = arith.subf %get3A_331, %mul3A_226 : vector<16xf32>
        %mul3A_333 = arith.mulf %sub3A_332, %mul3A_265 : vector<16xf32>
        %get3A_334 = arith.index_cast %mul3A_327 : i32 to index
        %get3A_335 = tpu.vector_load %arg11[%get3A_334] {strides = array<i32>} : memref<1024xf32, #tpu.memory_space<vmem>>, vector<16xf32>,
        %get3A_336 = vector.shape_cast %get3A_335 : vector<16xf32> to vector<16xf32>
        %mul3A_337 = arith.mulf %mul3A_333, %get3A_336 : vector<16xf32>
        %get3A_338 = arith.index_cast %mul3A_327 : i32 to index
        %get3A_339 = tpu.vector_load %arg12[%get3A_338] {strides = array<i32>} : memref<1024xf32, #tpu.memory_space<vmem>>, vector<16xf32>,
        %get3A_340 = vector.shape_cast %get3A_339 : vector<16xf32> to vector<16xf32>
        %add3A_341 = arith.addf %mul3A_337, %get3A_340 : vector<16xf32>
        %swap3A_342 = arith.index_cast %scan3A_172 : i32 to index
        %swap3A_343 = arith.index_cast %mul3A_327 : i32 to index
        %swap3A_344 = tpu.vector_load %arg9[%swap3A_342, %swap3A_343] {strides = array<i32>} : memref<32x1024xf32, #tpu.memory_space<vmem>>, vector<1x16xf32>,
        %swap3A_345 = vector.shape_cast %swap3A_344 : vector<1x16xf32> to vector<16xf32>
        %swap3A_346 = vector.shape_cast %add3A_341 : vector<16xf32> to vector<1x16xf32>
        tpu.vector_store %arg9[%swap3A_342, %swap3A_343], %swap3A_346 {strides = array<i32>} : memref<32x1024xf32, #tpu.memory_space<vmem>>, vector<1x16xf32>,
        %mul3A_347 = arith.constant 4 : i32
        %mul3A_348 = arith.muli %scan3A_273, %mul3A_347 : i32
        %add3A_349 = arith.constant 3 : i32
        %add3A_350 = arith.addi %mul3A_348, %add3A_349 : i32
        %mul3A_351 = arith.constant 16 : i32
        %mul3A_352 = arith.muli %add3A_350, %mul3A_351 : i32
        %get3A_353 = arith.index_cast %scan3A_172 : i32 to index
        %get3A_354 = arith.index_cast %mul3A_352 : i32 to index
        %get3A_355 = tpu.vector_load %arg9[%get3A_353, %get3A_354] {strides = array<i32>} : memref<32x1024xf32, #tpu.memory_space<vmem>>, vector<1x16xf32>,
        %get3A_356 = vector.shape_cast %get3A_355 : vector<1x16xf32> to vector<16xf32>
        %sub3A_357 = arith.subf %get3A_356, %mul3A_226 : vector<16xf32>
        %mul3A_358 = arith.mulf %sub3A_357, %mul3A_265 : vector<16xf32>
        %get3A_359 = arith.index_cast %mul3A_352 : i32 to index
        %get3A_360 = tpu.vector_load %arg11[%get3A_359] {strides = array<i32>} : memref<1024xf32, #tpu.memory_space<vmem>>, vector<16xf32>,
        %get3A_361 = vector.shape_cast %get3A_360 : vector<16xf32> to vector<16xf32>
        %mul3A_362 = arith.mulf %mul3A_358, %get3A_361 : vector<16xf32>
        %get3A_363 = arith.index_cast %mul3A_352 : i32 to index
        %get3A_364 = tpu.vector_load %arg12[%get3A_363] {strides = array<i32>} : memref<1024xf32, #tpu.memory_space<vmem>>, vector<16xf32>,
        %get3A_365 = vector.shape_cast %get3A_364 : vector<16xf32> to vector<16xf32>
        %add3A_366 = arith.addf %mul3A_362, %get3A_365 : vector<16xf32>
        %swap3A_367 = arith.index_cast %scan3A_172 : i32 to index
        %swap3A_368 = arith.index_cast %mul3A_352 : i32 to index
        %swap3A_369 = tpu.vector_load %arg9[%swap3A_367, %swap3A_368] {strides = array<i32>} : memref<32x1024xf32, #tpu.memory_space<vmem>>, vector<1x16xf32>,
        %swap3A_370 = vector.shape_cast %swap3A_369 : vector<1x16xf32> to vector<16xf32>
        %swap3A_371 = vector.shape_cast %add3A_366 : vector<16xf32> to vector<1x16xf32>
        tpu.vector_store %arg9[%swap3A_367, %swap3A_368], %swap3A_371 {strides = array<i32>} : memref<32x1024xf32, #tpu.memory_space<vmem>>, vector<1x16xf32>,
      }
      %scan3A_271 = arith.constant 16 : i32
      %scan3A_272 = arith.constant 0 : i32
      scf.yield %scan3A_272 : i32
    }
    %scan3A_49 = arith.constant 32 : i32
    %add3A_50 = arith.constant 32 : i32
    %add3A_51 = arith.addi %mul3A_2, %add3A_50 : i32
    "tpu.region"() ({
      %run_scoped3A = tpu.sem_alloc : memref<!tpu.dma_semaphore, #tpu.memory_space<semaphore_mem>>
      %dma_start3A_172 = arith.constant 0 : i32
      %dma_start3A_173 = tpu.memref_slice %arg7[%add3A_51, %dma_start3A_172] : memref<8192x1024xf32, #tpu.memory_space<hbm>> -> memref<32x1024xf32, #tpu.memory_space<hbm>>
      %dma_start3A_174 = arith.constant 0 : i32
      %dma_start3A_175 = tpu.memref_slice %arg7[%add3A_51, %dma_start3A_174] : memref<8192x1024xf32, #tpu.memory_space<hbm>> -> memref<32x1024xf32, #tpu.memory_space<hbm>>
      tpu.enqueue_dma source(%arg9 : memref<32x1024xf32, #tpu.memory_space<vmem>>) target(%dma_start3A_175 : memref<32x1024xf32, #tpu.memory_space<hbm>>) target_semaphore(%run_scoped3A : memref<!tpu.dma_semaphore, #tpu.memory_space<semaphore_mem>>)
      %dma_wait3A_176 = arith.constant 0 : i32
      %dma_wait3A_177 = tpu.memref_slice %arg7[%add3A_51, %dma_wait3A_176] : memref<8192x1024xf32, #tpu.memory_space<hbm>> -> memref<32x1024xf32, #tpu.memory_space<hbm>>
      %dma_wait3A_178 = arith.constant 0 : i32
      %dma_wait3A_179 = tpu.memref_slice %arg7[%add3A_51, %dma_wait3A_178] : memref<8192x1024xf32, #tpu.memory_space<hbm>> -> memref<32x1024xf32, #tpu.memory_space<hbm>>
      tpu.wait_dma2 semaphore(%run_scoped3A : memref<!tpu.dma_semaphore, #tpu.memory_space<semaphore_mem>>) src(%arg9 : memref<32x1024xf32, #tpu.memory_space<vmem>>) dst(%dma_wait3A_179 : memref<32x1024xf32, #tpu.memory_space<hbm>>)
      tpu.yield
    }) : () -> ()
    %add3A_52 = arith.constant 64 : i32
    %add3A_53 = arith.addi %mul3A_2, %add3A_52 : i32
    "tpu.region"() ({
      %run_scoped3A = tpu.sem_alloc : memref<!tpu.dma_semaphore, #tpu.memory_space<semaphore_mem>>
      %dma_start3A_172 = tpu.memref_slice %arg2[%add3A_53] : memref<8192xi32, #tpu.memory_space<hbm>> -> memref<32xi32, #tpu.memory_space<hbm>>
      %dma_start3A_173 = tpu.memref_slice %arg2[%add3A_53] : memref<8192xi32, #tpu.memory_space<hbm>> -> memref<32xi32, #tpu.memory_space<hbm>>
      tpu.enqueue_dma source(%dma_start3A_173 : memref<32xi32, #tpu.memory_space<hbm>>) target(%arg8 : memref<32xi32, #tpu.memory_space<vmem>>) target_semaphore(%run_scoped3A : memref<!tpu.dma_semaphore, #tpu.memory_space<semaphore_mem>>)
      %dma_wait3A_174 = tpu.memref_slice %arg2[%add3A_53] : memref<8192xi32, #tpu.memory_space<hbm>> -> memref<32xi32, #tpu.memory_space<hbm>>
      %dma_wait3A_175 = tpu.memref_slice %arg2[%add3A_53] : memref<8192xi32, #tpu.memory_space<hbm>> -> memref<32xi32, #tpu.memory_space<hbm>>
      tpu.wait_dma2 semaphore(%run_scoped3A : memref<!tpu.dma_semaphore, #tpu.memory_space<semaphore_mem>>) src(%dma_wait3A_175 : memref<32xi32, #tpu.memory_space<hbm>>) dst(%arg8 : memref<32xi32, #tpu.memory_space<vmem>>)
      tpu.yield
    }) : () -> ()
    %add3A_54 = arith.constant 64 : i32
    %add3A_55 = arith.addi %mul3A_13, %add3A_54 : i32
    "tpu.region"() ({
      %run_scoped3A = tpu.sem_alloc : memref<!tpu.dma_semaphore, #tpu.memory_space<semaphore_mem>>
      %dma_start3A_172 = arith.constant 0 : i32
      %dma_start3A_173 = tpu.memref_slice %arg4[%add3A_55, %dma_start3A_172] : memref<2048x1024xf32, #tpu.memory_space<hbm>> -> memref<32x1024xf32, #tpu.memory_space<hbm>>
      %dma_start3A_174 = arith.constant 0 : i32
      %dma_start3A_175 = tpu.memref_slice %arg4[%add3A_55, %dma_start3A_174] : memref<2048x1024xf32, #tpu.memory_space<hbm>> -> memref<32x1024xf32, #tpu.memory_space<hbm>>
      tpu.enqueue_dma source(%dma_start3A_175 : memref<32x1024xf32, #tpu.memory_space<hbm>>) target(%arg10 : memref<32x1024xf32, #tpu.memory_space<vmem>>) target_semaphore(%run_scoped3A : memref<!tpu.dma_semaphore, #tpu.memory_space<semaphore_mem>>)
      %dma_wait3A_176 = arith.constant 0 : i32
      %dma_wait3A_177 = tpu.memref_slice %arg4[%add3A_55, %dma_wait3A_176] : memref<2048x1024xf32, #tpu.memory_space<hbm>> -> memref<32x1024xf32, #tpu.memory_space<hbm>>
      %dma_wait3A_178 = arith.constant 0 : i32
      %dma_wait3A_179 = tpu.memref_slice %arg4[%add3A_55, %dma_wait3A_178] : memref<2048x1024xf32, #tpu.memory_space<hbm>> -> memref<32x1024xf32, #tpu.memory_space<hbm>>
      tpu.wait_dma2 semaphore(%run_scoped3A : memref<!tpu.dma_semaphore, #tpu.memory_space<semaphore_mem>>) src(%dma_wait3A_179 : memref<32x1024xf32, #tpu.memory_space<hbm>>) dst(%arg10 : memref<32x1024xf32, #tpu.memory_space<vmem>>)
      tpu.yield
    }) : () -> ()
    %dma_start3A_56 = arith.constant 0 : i32
    %dma_start3A_57 = arith.constant 0 : i32
    %dma_start3A_58 = tpu.memref_slice %arg3[%dma_start3A_56, %dma_start3A_57] : memref<100000x1024xf32, #tpu.memory_space<hbm>> -> memref<100000x1024xf32, #tpu.memory_space<hbm>>
    tpu.enqueue_indirect_dma source(%dma_start3A_58 : memref<100000x1024xf32, #tpu.memory_space<hbm>>) target(%arg9 : memref<32x1024xf32, #tpu.memory_space<vmem>>) offsets(%arg8 : memref<32xi32, #tpu.memory_space<vmem>>) semaphore(%arg13 : memref<!tpu.dma_semaphore, #tpu.memory_space<semaphore_mem>>)
    %dma_wait3A_59 = arith.constant 0 : i32
    %dma_wait3A_60 = arith.constant 0 : i32
    %dma_wait3A_61 = tpu.memref_slice %arg3[%dma_wait3A_59, %dma_wait3A_60] : memref<100000x1024xf32, #tpu.memory_space<hbm>> -> memref<100000x1024xf32, #tpu.memory_space<hbm>>
    tpu.wait_indirect_dma semaphore(%arg13 : memref<!tpu.dma_semaphore, #tpu.memory_space<semaphore_mem>>) src(%dma_wait3A_61 : memref<100000x1024xf32, #tpu.memory_space<hbm>>) dst(%arg9 : memref<32x1024xf32, #tpu.memory_space<vmem>>)
    %scan3A_62 = arith.constant 9.765625E-4 : f32
    %scan3A_63 = arith.constant 0 : i32
    %scan3A_64 = arith.constant 0 : i32
    %scan3A_65 = arith.constant 32 : i32
    %scan3A_66 = arith.addi %scan3A_64, %scan3A_65 : i32
    %scan3A_67 = arith.constant 1 : i32
    %scan3A_68 = scf.for %scan3A_172 = %scan3A_64 to %scan3A_66 step %scan3A_67 iter_args(%scan3A_173 = %scan3A_63) -> (i32)  : i32 {
      %scan3A_174 = arith.constant 0 : i32
      %scan3A_175 = arith.constant 16 : i32
      %scan3A_176 = arith.addi %scan3A_174, %scan3A_175 : i32
      %scan3A_177 = arith.constant 1 : i32
      %scan3A_178:2 = scf.for %scan3A_273 = %scan3A_174 to %scan3A_176 step %scan3A_177 iter_args(%scan3A_274 = %broadcast_in_dim3A_14, %scan3A_275 = %broadcast_in_dim3A_14) -> (vector<16xf32>, vector<16xf32>)  : i32 {
        %mul3A_276 = arith.constant 4 : i32
        %mul3A_277 = arith.muli %scan3A_273, %mul3A_276 : i32
        %add3A_278 = arith.constant 0 : i32
        %add3A_279 = arith.addi %mul3A_277, %add3A_278 : i32
        %mul3A_280 = arith.constant 16 : i32
        %mul3A_281 = arith.muli %add3A_279, %mul3A_280 : i32
        %get3A = arith.index_cast %scan3A_172 : i32 to index
        %get3A_282 = arith.index_cast %mul3A_281 : i32 to index
        %get3A_283 = tpu.vector_load %arg9[%get3A, %get3A_282] {strides = array<i32>} : memref<32x1024xf32, #tpu.memory_space<vmem>>, vector<1x16xf32>,
        %get3A_284 = vector.shape_cast %get3A_283 : vector<1x16xf32> to vector<16xf32>
        %get3A_285 = arith.index_cast %scan3A_172 : i32 to index
        %get3A_286 = arith.index_cast %mul3A_281 : i32 to index
        %get3A_287 = tpu.vector_load %arg10[%get3A_285, %get3A_286] {strides = array<i32>} : memref<32x1024xf32, #tpu.memory_space<vmem>>, vector<1x16xf32>,
        %get3A_288 = vector.shape_cast %get3A_287 : vector<1x16xf32> to vector<16xf32>
        %add3A_289 = arith.addf %get3A_284, %get3A_288 : vector<16xf32>
        %swap3A = arith.index_cast %scan3A_172 : i32 to index
        %swap3A_290 = arith.index_cast %mul3A_281 : i32 to index
        %swap3A_291 = tpu.vector_load %arg9[%swap3A, %swap3A_290] {strides = array<i32>} : memref<32x1024xf32, #tpu.memory_space<vmem>>, vector<1x16xf32>,
        %swap3A_292 = vector.shape_cast %swap3A_291 : vector<1x16xf32> to vector<16xf32>
        %swap3A_293 = vector.shape_cast %add3A_289 : vector<16xf32> to vector<1x16xf32>
        tpu.vector_store %arg9[%swap3A, %swap3A_290], %swap3A_293 {strides = array<i32>} : memref<32x1024xf32, #tpu.memory_space<vmem>>, vector<1x16xf32>,
        %add3A_294 = arith.addf %scan3A_274, %add3A_289 : vector<16xf32>
        %mul3A_295 = arith.mulf %add3A_289, %add3A_289 : vector<16xf32>
        %add3A_296 = arith.addf %scan3A_275, %mul3A_295 : vector<16xf32>
        %mul3A_297 = arith.constant 4 : i32
        %mul3A_298 = arith.muli %scan3A_273, %mul3A_297 : i32
        %add3A_299 = arith.constant 1 : i32
        %add3A_300 = arith.addi %mul3A_298, %add3A_299 : i32
        %mul3A_301 = arith.constant 16 : i32
        %mul3A_302 = arith.muli %add3A_300, %mul3A_301 : i32
        %get3A_303 = arith.index_cast %scan3A_172 : i32 to index
        %get3A_304 = arith.index_cast %mul3A_302 : i32 to index
        %get3A_305 = tpu.vector_load %arg9[%get3A_303, %get3A_304] {strides = array<i32>} : memref<32x1024xf32, #tpu.memory_space<vmem>>, vector<1x16xf32>,
        %get3A_306 = vector.shape_cast %get3A_305 : vector<1x16xf32> to vector<16xf32>
        %get3A_307 = arith.index_cast %scan3A_172 : i32 to index
        %get3A_308 = arith.index_cast %mul3A_302 : i32 to index
        %get3A_309 = tpu.vector_load %arg10[%get3A_307, %get3A_308] {strides = array<i32>} : memref<32x1024xf32, #tpu.memory_space<vmem>>, vector<1x16xf32>,
        %get3A_310 = vector.shape_cast %get3A_309 : vector<1x16xf32> to vector<16xf32>
        %add3A_311 = arith.addf %get3A_306, %get3A_310 : vector<16xf32>
        %swap3A_312 = arith.index_cast %scan3A_172 : i32 to index
        %swap3A_313 = arith.index_cast %mul3A_302 : i32 to index
        %swap3A_314 = tpu.vector_load %arg9[%swap3A_312, %swap3A_313] {strides = array<i32>} : memref<32x1024xf32, #tpu.memory_space<vmem>>, vector<1x16xf32>,
        %swap3A_315 = vector.shape_cast %swap3A_314 : vector<1x16xf32> to vector<16xf32>
        %swap3A_316 = vector.shape_cast %add3A_311 : vector<16xf32> to vector<1x16xf32>
        tpu.vector_store %arg9[%swap3A_312, %swap3A_313], %swap3A_316 {strides = array<i32>} : memref<32x1024xf32, #tpu.memory_space<vmem>>, vector<1x16xf32>,
        %add3A_317 = arith.addf %add3A_294, %add3A_311 : vector<16xf32>
        %mul3A_318 = arith.mulf %add3A_311, %add3A_311 : vector<16xf32>
        %add3A_319 = arith.addf %add3A_296, %mul3A_318 : vector<16xf32>
        %mul3A_320 = arith.constant 4 : i32
        %mul3A_321 = arith.muli %scan3A_273, %mul3A_320 : i32
        %add3A_322 = arith.constant 2 : i32
        %add3A_323 = arith.addi %mul3A_321, %add3A_322 : i32
        %mul3A_324 = arith.constant 16 : i32
        %mul3A_325 = arith.muli %add3A_323, %mul3A_324 : i32
        %get3A_326 = arith.index_cast %scan3A_172 : i32 to index
        %get3A_327 = arith.index_cast %mul3A_325 : i32 to index
        %get3A_328 = tpu.vector_load %arg9[%get3A_326, %get3A_327] {strides = array<i32>} : memref<32x1024xf32, #tpu.memory_space<vmem>>, vector<1x16xf32>,
        %get3A_329 = vector.shape_cast %get3A_328 : vector<1x16xf32> to vector<16xf32>
        %get3A_330 = arith.index_cast %scan3A_172 : i32 to index
        %get3A_331 = arith.index_cast %mul3A_325 : i32 to index
        %get3A_332 = tpu.vector_load %arg10[%get3A_330, %get3A_331] {strides = array<i32>} : memref<32x1024xf32, #tpu.memory_space<vmem>>, vector<1x16xf32>,
        %get3A_333 = vector.shape_cast %get3A_332 : vector<1x16xf32> to vector<16xf32>
        %add3A_334 = arith.addf %get3A_329, %get3A_333 : vector<16xf32>
        %swap3A_335 = arith.index_cast %scan3A_172 : i32 to index
        %swap3A_336 = arith.index_cast %mul3A_325 : i32 to index
        %swap3A_337 = tpu.vector_load %arg9[%swap3A_335, %swap3A_336] {strides = array<i32>} : memref<32x1024xf32, #tpu.memory_space<vmem>>, vector<1x16xf32>,
        %swap3A_338 = vector.shape_cast %swap3A_337 : vector<1x16xf32> to vector<16xf32>
        %swap3A_339 = vector.shape_cast %add3A_334 : vector<16xf32> to vector<1x16xf32>
        tpu.vector_store %arg9[%swap3A_335, %swap3A_336], %swap3A_339 {strides = array<i32>} : memref<32x1024xf32, #tpu.memory_space<vmem>>, vector<1x16xf32>,
        %add3A_340 = arith.addf %add3A_317, %add3A_334 : vector<16xf32>
        %mul3A_341 = arith.mulf %add3A_334, %add3A_334 : vector<16xf32>
        %add3A_342 = arith.addf %add3A_319, %mul3A_341 : vector<16xf32>
        %mul3A_343 = arith.constant 4 : i32
        %mul3A_344 = arith.muli %scan3A_273, %mul3A_343 : i32
        %add3A_345 = arith.constant 3 : i32
        %add3A_346 = arith.addi %mul3A_344, %add3A_345 : i32
        %mul3A_347 = arith.constant 16 : i32
        %mul3A_348 = arith.muli %add3A_346, %mul3A_347 : i32
        %get3A_349 = arith.index_cast %scan3A_172 : i32 to index
        %get3A_350 = arith.index_cast %mul3A_348 : i32 to index
        %get3A_351 = tpu.vector_load %arg9[%get3A_349, %get3A_350] {strides = array<i32>} : memref<32x1024xf32, #tpu.memory_space<vmem>>, vector<1x16xf32>,
        %get3A_352 = vector.shape_cast %get3A_351 : vector<1x16xf32> to vector<16xf32>
        %get3A_353 = arith.index_cast %scan3A_172 : i32 to index
        %get3A_354 = arith.index_cast %mul3A_348 : i32 to index
        %get3A_355 = tpu.vector_load %arg10[%get3A_353, %get3A_354] {strides = array<i32>} : memref<32x1024xf32, #tpu.memory_space<vmem>>, vector<1x16xf32>,
        %get3A_356 = vector.shape_cast %get3A_355 : vector<1x16xf32> to vector<16xf32>
        %add3A_357 = arith.addf %get3A_352, %get3A_356 : vector<16xf32>
        %swap3A_358 = arith.index_cast %scan3A_172 : i32 to index
        %swap3A_359 = arith.index_cast %mul3A_348 : i32 to index
        %swap3A_360 = tpu.vector_load %arg9[%swap3A_358, %swap3A_359] {strides = array<i32>} : memref<32x1024xf32, #tpu.memory_space<vmem>>, vector<1x16xf32>,
        %swap3A_361 = vector.shape_cast %swap3A_360 : vector<1x16xf32> to vector<16xf32>
        %swap3A_362 = vector.shape_cast %add3A_357 : vector<16xf32> to vector<1x16xf32>
        tpu.vector_store %arg9[%swap3A_358, %swap3A_359], %swap3A_362 {strides = array<i32>} : memref<32x1024xf32, #tpu.memory_space<vmem>>, vector<1x16xf32>,
        %add3A_363 = arith.addf %add3A_340, %add3A_357 : vector<16xf32>
        %mul3A_364 = arith.mulf %add3A_357, %add3A_357 : vector<16xf32>
        %add3A_365 = arith.addf %add3A_342, %mul3A_364 : vector<16xf32>
        scf.yield %add3A_363, %add3A_365 : vector<16xf32>, vector<16xf32>
      }
      %scan3A_179 = arith.constant 16 : i32
      %iota3A = tpu.iota {dimensions = array<i32: 0>} : vector<16xi32>
      %xor3A = arith.constant 8 : i32
      %xor3A_180 = vector.broadcast %xor3A : i32 to vector<16xi32>
      %xor3A_181 = arith.xori %iota3A, %xor3A_180 : vector<16xi32>
      %broadcast_in_dim3A_182 = vector.shape_cast %xor3A_181 : vector<16xi32> to vector<16x1xi32>
      %gather3A = vector.shape_cast %broadcast_in_dim3A_182 : vector<16x1xi32> to vector<16xi32>
      %gather3A_183 = tpu.dynamic_gather %scan3A_178#0[%gather3A] in [0] : vector<16xf32>, vector<16xi32> -> vector<16xf32>
      %add3A_184 = arith.addf %scan3A_178#0, %gather3A_183 : vector<16xf32>
      %broadcast_in_dim3A_185 = vector.shape_cast %xor3A_181 : vector<16xi32> to vector<16x1xi32>
      %gather3A_186 = vector.shape_cast %broadcast_in_dim3A_185 : vector<16x1xi32> to vector<16xi32>
      %gather3A_187 = tpu.dynamic_gather %scan3A_178#1[%gather3A_186] in [0] : vector<16xf32>, vector<16xi32> -> vector<16xf32>
      %add3A_188 = arith.addf %scan3A_178#1, %gather3A_187 : vector<16xf32>
      %iota3A_189 = tpu.iota {dimensions = array<i32: 0>} : vector<16xi32>
      %xor3A_190 = arith.constant 4 : i32
      %xor3A_191 = vector.broadcast %xor3A_190 : i32 to vector<16xi32>
      %xor3A_192 = arith.xori %iota3A_189, %xor3A_191 : vector<16xi32>
      %broadcast_in_dim3A_193 = vector.shape_cast %xor3A_192 : vector<16xi32> to vector<16x1xi32>
      %gather3A_194 = vector.shape_cast %broadcast_in_dim3A_193 : vector<16x1xi32> to vector<16xi32>
      %gather3A_195 = tpu.dynamic_gather %add3A_184[%gather3A_194] in [0] : vector<16xf32>, vector<16xi32> -> vector<16xf32>
      %add3A_196 = arith.addf %add3A_184, %gather3A_195 : vector<16xf32>
      %broadcast_in_dim3A_197 = vector.shape_cast %xor3A_192 : vector<16xi32> to vector<16x1xi32>
      %gather3A_198 = vector.shape_cast %broadcast_in_dim3A_197 : vector<16x1xi32> to vector<16xi32>
      %gather3A_199 = tpu.dynamic_gather %add3A_188[%gather3A_198] in [0] : vector<16xf32>, vector<16xi32> -> vector<16xf32>
      %add3A_200 = arith.addf %add3A_188, %gather3A_199 : vector<16xf32>
      %iota3A_201 = tpu.iota {dimensions = array<i32: 0>} : vector<16xi32>
      %xor3A_202 = arith.constant 2 : i32
      %xor3A_203 = vector.broadcast %xor3A_202 : i32 to vector<16xi32>
      %xor3A_204 = arith.xori %iota3A_201, %xor3A_203 : vector<16xi32>
      %broadcast_in_dim3A_205 = vector.shape_cast %xor3A_204 : vector<16xi32> to vector<16x1xi32>
      %gather3A_206 = vector.shape_cast %broadcast_in_dim3A_205 : vector<16x1xi32> to vector<16xi32>
      %gather3A_207 = tpu.dynamic_gather %add3A_196[%gather3A_206] in [0] : vector<16xf32>, vector<16xi32> -> vector<16xf32>
      %add3A_208 = arith.addf %add3A_196, %gather3A_207 : vector<16xf32>
      %broadcast_in_dim3A_209 = vector.shape_cast %xor3A_204 : vector<16xi32> to vector<16x1xi32>
      %gather3A_210 = vector.shape_cast %broadcast_in_dim3A_209 : vector<16x1xi32> to vector<16xi32>
      %gather3A_211 = tpu.dynamic_gather %add3A_200[%gather3A_210] in [0] : vector<16xf32>, vector<16xi32> -> vector<16xf32>
      %add3A_212 = arith.addf %add3A_200, %gather3A_211 : vector<16xf32>
      %iota3A_213 = tpu.iota {dimensions = array<i32: 0>} : vector<16xi32>
      %xor3A_214 = arith.constant 1 : i32
      %xor3A_215 = vector.broadcast %xor3A_214 : i32 to vector<16xi32>
      %xor3A_216 = arith.xori %iota3A_213, %xor3A_215 : vector<16xi32>
      %broadcast_in_dim3A_217 = vector.shape_cast %xor3A_216 : vector<16xi32> to vector<16x1xi32>
      %gather3A_218 = vector.shape_cast %broadcast_in_dim3A_217 : vector<16x1xi32> to vector<16xi32>
      %gather3A_219 = tpu.dynamic_gather %add3A_208[%gather3A_218] in [0] : vector<16xf32>, vector<16xi32> -> vector<16xf32>
      %add3A_220 = arith.addf %add3A_208, %gather3A_219 : vector<16xf32>
      %broadcast_in_dim3A_221 = vector.shape_cast %xor3A_216 : vector<16xi32> to vector<16x1xi32>
      %gather3A_222 = vector.shape_cast %broadcast_in_dim3A_221 : vector<16x1xi32> to vector<16xi32>
      %gather3A_223 = tpu.dynamic_gather %add3A_212[%gather3A_222] in [0] : vector<16xf32>, vector<16xi32> -> vector<16xf32>
      %add3A_224 = arith.addf %add3A_212, %gather3A_223 : vector<16xf32>
      %mul3A_225 = vector.broadcast %scan3A_62 : f32 to vector<16xf32>
      %mul3A_226 = arith.mulf %add3A_220, %mul3A_225 : vector<16xf32>
      %mul3A_227 = vector.broadcast %scan3A_62 : f32 to vector<16xf32>
      %mul3A_228 = arith.mulf %add3A_224, %mul3A_227 : vector<16xf32>
      %mul3A_229 = arith.mulf %mul3A_226, %mul3A_226 : vector<16xf32>
      %sub3A = arith.subf %mul3A_228, %mul3A_229 : vector<16xf32>
      %add3A_230 = arith.constant 9.99999974E-6 : f32
      %add3A_231 = vector.broadcast %add3A_230 : f32 to vector<16xf32>
      %add3A_232 = arith.addf %sub3A, %add3A_231 : vector<16xf32>
      %bitcast_convert_type3A = tpu.bitcast %add3A_232 : vector<16xf32> -> vector<16xi32>
      %shift_right_arithmetic3A = arith.constant 1 : i32
      %shift_right_arithmetic3A_233 = vector.broadcast %shift_right_arithmetic3A : i32 to vector<16xi32>
      %shift_right_arithmetic3A_234 = arith.shrsi %bitcast_convert_type3A, %shift_right_arithmetic3A_233 : vector<16xi32>
      %sub3A_235 = arith.constant 1597463007 : i32
      %sub3A_236 = vector.broadcast %sub3A_235 : i32 to vector<16xi32>
      %sub3A_237 = arith.subi %sub3A_236, %shift_right_arithmetic3A_234 : vector<16xi32>
      %bitcast_convert_type3A_238 = tpu.bitcast %sub3A_237 : vector<16xi32> -> vector<16xf32>
      %mul3A_239 = arith.constant 5.000000e-01 : f32
      %mul3A_240 = vector.broadcast %mul3A_239 : f32 to vector<16xf32>
      %mul3A_241 = arith.mulf %mul3A_240, %add3A_232 : vector<16xf32>
      %mul3A_242 = arith.mulf %mul3A_241, %bitcast_convert_type3A_238 : vector<16xf32>
      %mul3A_243 = arith.mulf %mul3A_242, %bitcast_convert_type3A_238 : vector<16xf32>
      %sub3A_244 = arith.constant 1.500000e+00 : f32
      %sub3A_245 = vector.broadcast %sub3A_244 : f32 to vector<16xf32>
      %sub3A_246 = arith.subf %sub3A_245, %mul3A_243 : vector<16xf32>
      %mul3A_247 = arith.mulf %bitcast_convert_type3A_238, %sub3A_246 : vector<16xf32>
      %mul3A_248 = arith.constant 5.000000e-01 : f32
      %mul3A_249 = vector.broadcast %mul3A_248 : f32 to vector<16xf32>
      %mul3A_250 = arith.mulf %mul3A_249, %add3A_232 : vector<16xf32>
      %mul3A_251 = arith.mulf %mul3A_250, %mul3A_247 : vector<16xf32>
      %mul3A_252 = arith.mulf %mul3A_251, %mul3A_247 : vector<16xf32>
      %sub3A_253 = arith.constant 1.500000e+00 : f32
      %sub3A_254 = vector.broadcast %sub3A_253 : f32 to vector<16xf32>
      %sub3A_255 = arith.subf %sub3A_254, %mul3A_252 : vector<16xf32>
      %mul3A_256 = arith.mulf %mul3A_247, %sub3A_255 : vector<16xf32>
      %mul3A_257 = arith.constant 5.000000e-01 : f32
      %mul3A_258 = vector.broadcast %mul3A_257 : f32 to vector<16xf32>
      %mul3A_259 = arith.mulf %mul3A_258, %add3A_232 : vector<16xf32>
      %mul3A_260 = arith.mulf %mul3A_259, %mul3A_256 : vector<16xf32>
      %mul3A_261 = arith.mulf %mul3A_260, %mul3A_256 : vector<16xf32>
      %sub3A_262 = arith.constant 1.500000e+00 : f32
      %sub3A_263 = vector.broadcast %sub3A_262 : f32 to vector<16xf32>
      %sub3A_264 = arith.subf %sub3A_263, %mul3A_261 : vector<16xf32>
      %mul3A_265 = arith.mulf %mul3A_256, %sub3A_264 : vector<16xf32>
      %scan3A_266 = arith.constant 0 : i32
      %scan3A_267 = arith.constant 0 : i32
      %scan3A_268 = arith.constant 16 : i32
      %scan3A_269 = arith.addi %scan3A_267, %scan3A_268 : i32
      %scan3A_270 = arith.constant 1 : i32
      scf.for %scan3A_273 = %scan3A_267 to %scan3A_269 step %scan3A_270  : i32 {
        %mul3A_274 = arith.constant 4 : i32
        %mul3A_275 = arith.muli %scan3A_273, %mul3A_274 : i32
        %add3A_276 = arith.constant 0 : i32
        %add3A_277 = arith.addi %mul3A_275, %add3A_276 : i32
        %mul3A_278 = arith.constant 16 : i32
        %mul3A_279 = arith.muli %add3A_277, %mul3A_278 : i32
        %get3A = arith.index_cast %scan3A_172 : i32 to index
        %get3A_280 = arith.index_cast %mul3A_279 : i32 to index
        %get3A_281 = tpu.vector_load %arg9[%get3A, %get3A_280] {strides = array<i32>} : memref<32x1024xf32, #tpu.memory_space<vmem>>, vector<1x16xf32>,
        %get3A_282 = vector.shape_cast %get3A_281 : vector<1x16xf32> to vector<16xf32>
        %sub3A_283 = arith.subf %get3A_282, %mul3A_226 : vector<16xf32>
        %mul3A_284 = arith.mulf %sub3A_283, %mul3A_265 : vector<16xf32>
        %get3A_285 = arith.index_cast %mul3A_279 : i32 to index
        %get3A_286 = tpu.vector_load %arg11[%get3A_285] {strides = array<i32>} : memref<1024xf32, #tpu.memory_space<vmem>>, vector<16xf32>,
        %get3A_287 = vector.shape_cast %get3A_286 : vector<16xf32> to vector<16xf32>
        %mul3A_288 = arith.mulf %mul3A_284, %get3A_287 : vector<16xf32>
        %get3A_289 = arith.index_cast %mul3A_279 : i32 to index
        %get3A_290 = tpu.vector_load %arg12[%get3A_289] {strides = array<i32>} : memref<1024xf32, #tpu.memory_space<vmem>>, vector<16xf32>,
        %get3A_291 = vector.shape_cast %get3A_290 : vector<16xf32> to vector<16xf32>
        %add3A_292 = arith.addf %mul3A_288, %get3A_291 : vector<16xf32>
        %swap3A = arith.index_cast %scan3A_172 : i32 to index
        %swap3A_293 = arith.index_cast %mul3A_279 : i32 to index
        %swap3A_294 = tpu.vector_load %arg9[%swap3A, %swap3A_293] {strides = array<i32>} : memref<32x1024xf32, #tpu.memory_space<vmem>>, vector<1x16xf32>,
        %swap3A_295 = vector.shape_cast %swap3A_294 : vector<1x16xf32> to vector<16xf32>
        %swap3A_296 = vector.shape_cast %add3A_292 : vector<16xf32> to vector<1x16xf32>
        tpu.vector_store %arg9[%swap3A, %swap3A_293], %swap3A_296 {strides = array<i32>} : memref<32x1024xf32, #tpu.memory_space<vmem>>, vector<1x16xf32>,
        %mul3A_297 = arith.constant 4 : i32
        %mul3A_298 = arith.muli %scan3A_273, %mul3A_297 : i32
        %add3A_299 = arith.constant 1 : i32
        %add3A_300 = arith.addi %mul3A_298, %add3A_299 : i32
        %mul3A_301 = arith.constant 16 : i32
        %mul3A_302 = arith.muli %add3A_300, %mul3A_301 : i32
        %get3A_303 = arith.index_cast %scan3A_172 : i32 to index
        %get3A_304 = arith.index_cast %mul3A_302 : i32 to index
        %get3A_305 = tpu.vector_load %arg9[%get3A_303, %get3A_304] {strides = array<i32>} : memref<32x1024xf32, #tpu.memory_space<vmem>>, vector<1x16xf32>,
        %get3A_306 = vector.shape_cast %get3A_305 : vector<1x16xf32> to vector<16xf32>
        %sub3A_307 = arith.subf %get3A_306, %mul3A_226 : vector<16xf32>
        %mul3A_308 = arith.mulf %sub3A_307, %mul3A_265 : vector<16xf32>
        %get3A_309 = arith.index_cast %mul3A_302 : i32 to index
        %get3A_310 = tpu.vector_load %arg11[%get3A_309] {strides = array<i32>} : memref<1024xf32, #tpu.memory_space<vmem>>, vector<16xf32>,
        %get3A_311 = vector.shape_cast %get3A_310 : vector<16xf32> to vector<16xf32>
        %mul3A_312 = arith.mulf %mul3A_308, %get3A_311 : vector<16xf32>
        %get3A_313 = arith.index_cast %mul3A_302 : i32 to index
        %get3A_314 = tpu.vector_load %arg12[%get3A_313] {strides = array<i32>} : memref<1024xf32, #tpu.memory_space<vmem>>, vector<16xf32>,
        %get3A_315 = vector.shape_cast %get3A_314 : vector<16xf32> to vector<16xf32>
        %add3A_316 = arith.addf %mul3A_312, %get3A_315 : vector<16xf32>
        %swap3A_317 = arith.index_cast %scan3A_172 : i32 to index
        %swap3A_318 = arith.index_cast %mul3A_302 : i32 to index
        %swap3A_319 = tpu.vector_load %arg9[%swap3A_317, %swap3A_318] {strides = array<i32>} : memref<32x1024xf32, #tpu.memory_space<vmem>>, vector<1x16xf32>,
        %swap3A_320 = vector.shape_cast %swap3A_319 : vector<1x16xf32> to vector<16xf32>
        %swap3A_321 = vector.shape_cast %add3A_316 : vector<16xf32> to vector<1x16xf32>
        tpu.vector_store %arg9[%swap3A_317, %swap3A_318], %swap3A_321 {strides = array<i32>} : memref<32x1024xf32, #tpu.memory_space<vmem>>, vector<1x16xf32>,
        %mul3A_322 = arith.constant 4 : i32
        %mul3A_323 = arith.muli %scan3A_273, %mul3A_322 : i32
        %add3A_324 = arith.constant 2 : i32
        %add3A_325 = arith.addi %mul3A_323, %add3A_324 : i32
        %mul3A_326 = arith.constant 16 : i32
        %mul3A_327 = arith.muli %add3A_325, %mul3A_326 : i32
        %get3A_328 = arith.index_cast %scan3A_172 : i32 to index
        %get3A_329 = arith.index_cast %mul3A_327 : i32 to index
        %get3A_330 = tpu.vector_load %arg9[%get3A_328, %get3A_329] {strides = array<i32>} : memref<32x1024xf32, #tpu.memory_space<vmem>>, vector<1x16xf32>,
        %get3A_331 = vector.shape_cast %get3A_330 : vector<1x16xf32> to vector<16xf32>
        %sub3A_332 = arith.subf %get3A_331, %mul3A_226 : vector<16xf32>
        %mul3A_333 = arith.mulf %sub3A_332, %mul3A_265 : vector<16xf32>
        %get3A_334 = arith.index_cast %mul3A_327 : i32 to index
        %get3A_335 = tpu.vector_load %arg11[%get3A_334] {strides = array<i32>} : memref<1024xf32, #tpu.memory_space<vmem>>, vector<16xf32>,
        %get3A_336 = vector.shape_cast %get3A_335 : vector<16xf32> to vector<16xf32>
        %mul3A_337 = arith.mulf %mul3A_333, %get3A_336 : vector<16xf32>
        %get3A_338 = arith.index_cast %mul3A_327 : i32 to index
        %get3A_339 = tpu.vector_load %arg12[%get3A_338] {strides = array<i32>} : memref<1024xf32, #tpu.memory_space<vmem>>, vector<16xf32>,
        %get3A_340 = vector.shape_cast %get3A_339 : vector<16xf32> to vector<16xf32>
        %add3A_341 = arith.addf %mul3A_337, %get3A_340 : vector<16xf32>
        %swap3A_342 = arith.index_cast %scan3A_172 : i32 to index
        %swap3A_343 = arith.index_cast %mul3A_327 : i32 to index
        %swap3A_344 = tpu.vector_load %arg9[%swap3A_342, %swap3A_343] {strides = array<i32>} : memref<32x1024xf32, #tpu.memory_space<vmem>>, vector<1x16xf32>,
        %swap3A_345 = vector.shape_cast %swap3A_344 : vector<1x16xf32> to vector<16xf32>
        %swap3A_346 = vector.shape_cast %add3A_341 : vector<16xf32> to vector<1x16xf32>
        tpu.vector_store %arg9[%swap3A_342, %swap3A_343], %swap3A_346 {strides = array<i32>} : memref<32x1024xf32, #tpu.memory_space<vmem>>, vector<1x16xf32>,
        %mul3A_347 = arith.constant 4 : i32
        %mul3A_348 = arith.muli %scan3A_273, %mul3A_347 : i32
        %add3A_349 = arith.constant 3 : i32
        %add3A_350 = arith.addi %mul3A_348, %add3A_349 : i32
        %mul3A_351 = arith.constant 16 : i32
        %mul3A_352 = arith.muli %add3A_350, %mul3A_351 : i32
        %get3A_353 = arith.index_cast %scan3A_172 : i32 to index
        %get3A_354 = arith.index_cast %mul3A_352 : i32 to index
        %get3A_355 = tpu.vector_load %arg9[%get3A_353, %get3A_354] {strides = array<i32>} : memref<32x1024xf32, #tpu.memory_space<vmem>>, vector<1x16xf32>,
        %get3A_356 = vector.shape_cast %get3A_355 : vector<1x16xf32> to vector<16xf32>
        %sub3A_357 = arith.subf %get3A_356, %mul3A_226 : vector<16xf32>
        %mul3A_358 = arith.mulf %sub3A_357, %mul3A_265 : vector<16xf32>
        %get3A_359 = arith.index_cast %mul3A_352 : i32 to index
        %get3A_360 = tpu.vector_load %arg11[%get3A_359] {strides = array<i32>} : memref<1024xf32, #tpu.memory_space<vmem>>, vector<16xf32>,
        %get3A_361 = vector.shape_cast %get3A_360 : vector<16xf32> to vector<16xf32>
        %mul3A_362 = arith.mulf %mul3A_358, %get3A_361 : vector<16xf32>
        %get3A_363 = arith.index_cast %mul3A_352 : i32 to index
        %get3A_364 = tpu.vector_load %arg12[%get3A_363] {strides = array<i32>} : memref<1024xf32, #tpu.memory_space<vmem>>, vector<16xf32>,
        %get3A_365 = vector.shape_cast %get3A_364 : vector<16xf32> to vector<16xf32>
        %add3A_366 = arith.addf %mul3A_362, %get3A_365 : vector<16xf32>
        %swap3A_367 = arith.index_cast %scan3A_172 : i32 to index
        %swap3A_368 = arith.index_cast %mul3A_352 : i32 to index
        %swap3A_369 = tpu.vector_load %arg9[%swap3A_367, %swap3A_368] {strides = array<i32>} : memref<32x1024xf32, #tpu.memory_space<vmem>>, vector<1x16xf32>,
        %swap3A_370 = vector.shape_cast %swap3A_369 : vector<1x16xf32> to vector<16xf32>
        %swap3A_371 = vector.shape_cast %add3A_366 : vector<16xf32> to vector<1x16xf32>
        tpu.vector_store %arg9[%swap3A_367, %swap3A_368], %swap3A_371 {strides = array<i32>} : memref<32x1024xf32, #tpu.memory_space<vmem>>, vector<1x16xf32>,
      }
      %scan3A_271 = arith.constant 16 : i32
      %scan3A_272 = arith.constant 0 : i32
      scf.yield %scan3A_272 : i32
    }
    %scan3A_69 = arith.constant 32 : i32
    %add3A_70 = arith.constant 64 : i32
    %add3A_71 = arith.addi %mul3A_2, %add3A_70 : i32
    "tpu.region"() ({
      %run_scoped3A = tpu.sem_alloc : memref<!tpu.dma_semaphore, #tpu.memory_space<semaphore_mem>>
      %dma_start3A_172 = arith.constant 0 : i32
      %dma_start3A_173 = tpu.memref_slice %arg7[%add3A_71, %dma_start3A_172] : memref<8192x1024xf32, #tpu.memory_space<hbm>> -> memref<32x1024xf32, #tpu.memory_space<hbm>>
      %dma_start3A_174 = arith.constant 0 : i32
      %dma_start3A_175 = tpu.memref_slice %arg7[%add3A_71, %dma_start3A_174] : memref<8192x1024xf32, #tpu.memory_space<hbm>> -> memref<32x1024xf32, #tpu.memory_space<hbm>>
      tpu.enqueue_dma source(%arg9 : memref<32x1024xf32, #tpu.memory_space<vmem>>) target(%dma_start3A_175 : memref<32x1024xf32, #tpu.memory_space<hbm>>) target_semaphore(%run_scoped3A : memref<!tpu.dma_semaphore, #tpu.memory_space<semaphore_mem>>)
      %dma_wait3A_176 = arith.constant 0 : i32
      %dma_wait3A_177 = tpu.memref_slice %arg7[%add3A_71, %dma_wait3A_176] : memref<8192x1024xf32, #tpu.memory_space<hbm>> -> memref<32x1024xf32, #tpu.memory_space<hbm>>
      %dma_wait3A_178 = arith.constant 0 : i32
      %dma_wait3A_179 = tpu.memref_slice %arg7[%add3A_71, %dma_wait3A_178] : memref<8192x1024xf32, #tpu.memory_space<hbm>> -> memref<32x1024xf32, #tpu.memory_space<hbm>>
      tpu.wait_dma2 semaphore(%run_scoped3A : memref<!tpu.dma_semaphore, #tpu.memory_space<semaphore_mem>>) src(%arg9 : memref<32x1024xf32, #tpu.memory_space<vmem>>) dst(%dma_wait3A_179 : memref<32x1024xf32, #tpu.memory_space<hbm>>)
      tpu.yield
    }) : () -> ()
    %add3A_72 = arith.constant 96 : i32
    %add3A_73 = arith.addi %mul3A_2, %add3A_72 : i32
    "tpu.region"() ({
      %run_scoped3A = tpu.sem_alloc : memref<!tpu.dma_semaphore, #tpu.memory_space<semaphore_mem>>
      %dma_start3A_172 = tpu.memref_slice %arg2[%add3A_73] : memref<8192xi32, #tpu.memory_space<hbm>> -> memref<32xi32, #tpu.memory_space<hbm>>
      %dma_start3A_173 = tpu.memref_slice %arg2[%add3A_73] : memref<8192xi32, #tpu.memory_space<hbm>> -> memref<32xi32, #tpu.memory_space<hbm>>
      tpu.enqueue_dma source(%dma_start3A_173 : memref<32xi32, #tpu.memory_space<hbm>>) target(%arg8 : memref<32xi32, #tpu.memory_space<vmem>>) target_semaphore(%run_scoped3A : memref<!tpu.dma_semaphore, #tpu.memory_space<semaphore_mem>>)
      %dma_wait3A_174 = tpu.memref_slice %arg2[%add3A_73] : memref<8192xi32, #tpu.memory_space<hbm>> -> memref<32xi32, #tpu.memory_space<hbm>>
      %dma_wait3A_175 = tpu.memref_slice %arg2[%add3A_73] : memref<8192xi32, #tpu.memory_space<hbm>> -> memref<32xi32, #tpu.memory_space<hbm>>
      tpu.wait_dma2 semaphore(%run_scoped3A : memref<!tpu.dma_semaphore, #tpu.memory_space<semaphore_mem>>) src(%dma_wait3A_175 : memref<32xi32, #tpu.memory_space<hbm>>) dst(%arg8 : memref<32xi32, #tpu.memory_space<vmem>>)
      tpu.yield
    }) : () -> ()
    %add3A_74 = arith.constant 96 : i32
    %add3A_75 = arith.addi %mul3A_13, %add3A_74 : i32
    "tpu.region"() ({
      %run_scoped3A = tpu.sem_alloc : memref<!tpu.dma_semaphore, #tpu.memory_space<semaphore_mem>>
      %dma_start3A_172 = arith.constant 0 : i32
      %dma_start3A_173 = tpu.memref_slice %arg4[%add3A_75, %dma_start3A_172] : memref<2048x1024xf32, #tpu.memory_space<hbm>> -> memref<32x1024xf32, #tpu.memory_space<hbm>>
      %dma_start3A_174 = arith.constant 0 : i32
      %dma_start3A_175 = tpu.memref_slice %arg4[%add3A_75, %dma_start3A_174] : memref<2048x1024xf32, #tpu.memory_space<hbm>> -> memref<32x1024xf32, #tpu.memory_space<hbm>>
      tpu.enqueue_dma source(%dma_start3A_175 : memref<32x1024xf32, #tpu.memory_space<hbm>>) target(%arg10 : memref<32x1024xf32, #tpu.memory_space<vmem>>) target_semaphore(%run_scoped3A : memref<!tpu.dma_semaphore, #tpu.memory_space<semaphore_mem>>)
      %dma_wait3A_176 = arith.constant 0 : i32
      %dma_wait3A_177 = tpu.memref_slice %arg4[%add3A_75, %dma_wait3A_176] : memref<2048x1024xf32, #tpu.memory_space<hbm>> -> memref<32x1024xf32, #tpu.memory_space<hbm>>
      %dma_wait3A_178 = arith.constant 0 : i32
      %dma_wait3A_179 = tpu.memref_slice %arg4[%add3A_75, %dma_wait3A_178] : memref<2048x1024xf32, #tpu.memory_space<hbm>> -> memref<32x1024xf32, #tpu.memory_space<hbm>>
      tpu.wait_dma2 semaphore(%run_scoped3A : memref<!tpu.dma_semaphore, #tpu.memory_space<semaphore_mem>>) src(%dma_wait3A_179 : memref<32x1024xf32, #tpu.memory_space<hbm>>) dst(%arg10 : memref<32x1024xf32, #tpu.memory_space<vmem>>)
      tpu.yield
    }) : () -> ()
    %dma_start3A_76 = arith.constant 0 : i32
    %dma_start3A_77 = arith.constant 0 : i32
    %dma_start3A_78 = tpu.memref_slice %arg3[%dma_start3A_76, %dma_start3A_77] : memref<100000x1024xf32, #tpu.memory_space<hbm>> -> memref<100000x1024xf32, #tpu.memory_space<hbm>>
    tpu.enqueue_indirect_dma source(%dma_start3A_78 : memref<100000x1024xf32, #tpu.memory_space<hbm>>) target(%arg9 : memref<32x1024xf32, #tpu.memory_space<vmem>>) offsets(%arg8 : memref<32xi32, #tpu.memory_space<vmem>>) semaphore(%arg13 : memref<!tpu.dma_semaphore, #tpu.memory_space<semaphore_mem>>)
    %dma_wait3A_79 = arith.constant 0 : i32
    %dma_wait3A_80 = arith.constant 0 : i32
    %dma_wait3A_81 = tpu.memref_slice %arg3[%dma_wait3A_79, %dma_wait3A_80] : memref<100000x1024xf32, #tpu.memory_space<hbm>> -> memref<100000x1024xf32, #tpu.memory_space<hbm>>
    tpu.wait_indirect_dma semaphore(%arg13 : memref<!tpu.dma_semaphore, #tpu.memory_space<semaphore_mem>>) src(%dma_wait3A_81 : memref<100000x1024xf32, #tpu.memory_space<hbm>>) dst(%arg9 : memref<32x1024xf32, #tpu.memory_space<vmem>>)
    %scan3A_82 = arith.constant 9.765625E-4 : f32
    %scan3A_83 = arith.constant 0 : i32
    %scan3A_84 = arith.constant 0 : i32
    %scan3A_85 = arith.constant 32 : i32
    %scan3A_86 = arith.addi %scan3A_84, %scan3A_85 : i32
    %scan3A_87 = arith.constant 1 : i32
    %scan3A_88 = scf.for %scan3A_172 = %scan3A_84 to %scan3A_86 step %scan3A_87 iter_args(%scan3A_173 = %scan3A_83) -> (i32)  : i32 {
      %scan3A_174 = arith.constant 0 : i32
      %scan3A_175 = arith.constant 16 : i32
      %scan3A_176 = arith.addi %scan3A_174, %scan3A_175 : i32
      %scan3A_177 = arith.constant 1 : i32
      %scan3A_178:2 = scf.for %scan3A_273 = %scan3A_174 to %scan3A_176 step %scan3A_177 iter_args(%scan3A_274 = %broadcast_in_dim3A_14, %scan3A_275 = %broadcast_in_dim3A_14) -> (vector<16xf32>, vector<16xf32>)  : i32 {
        %mul3A_276 = arith.constant 4 : i32
        %mul3A_277 = arith.muli %scan3A_273, %mul3A_276 : i32
        %add3A_278 = arith.constant 0 : i32
        %add3A_279 = arith.addi %mul3A_277, %add3A_278 : i32
        %mul3A_280 = arith.constant 16 : i32
        %mul3A_281 = arith.muli %add3A_279, %mul3A_280 : i32
        %get3A = arith.index_cast %scan3A_172 : i32 to index
        %get3A_282 = arith.index_cast %mul3A_281 : i32 to index
        %get3A_283 = tpu.vector_load %arg9[%get3A, %get3A_282] {strides = array<i32>} : memref<32x1024xf32, #tpu.memory_space<vmem>>, vector<1x16xf32>,
        %get3A_284 = vector.shape_cast %get3A_283 : vector<1x16xf32> to vector<16xf32>
        %get3A_285 = arith.index_cast %scan3A_172 : i32 to index
        %get3A_286 = arith.index_cast %mul3A_281 : i32 to index
        %get3A_287 = tpu.vector_load %arg10[%get3A_285, %get3A_286] {strides = array<i32>} : memref<32x1024xf32, #tpu.memory_space<vmem>>, vector<1x16xf32>,
        %get3A_288 = vector.shape_cast %get3A_287 : vector<1x16xf32> to vector<16xf32>
        %add3A_289 = arith.addf %get3A_284, %get3A_288 : vector<16xf32>
        %swap3A = arith.index_cast %scan3A_172 : i32 to index
        %swap3A_290 = arith.index_cast %mul3A_281 : i32 to index
        %swap3A_291 = tpu.vector_load %arg9[%swap3A, %swap3A_290] {strides = array<i32>} : memref<32x1024xf32, #tpu.memory_space<vmem>>, vector<1x16xf32>,
        %swap3A_292 = vector.shape_cast %swap3A_291 : vector<1x16xf32> to vector<16xf32>
        %swap3A_293 = vector.shape_cast %add3A_289 : vector<16xf32> to vector<1x16xf32>
        tpu.vector_store %arg9[%swap3A, %swap3A_290], %swap3A_293 {strides = array<i32>} : memref<32x1024xf32, #tpu.memory_space<vmem>>, vector<1x16xf32>,
        %add3A_294 = arith.addf %scan3A_274, %add3A_289 : vector<16xf32>
        %mul3A_295 = arith.mulf %add3A_289, %add3A_289 : vector<16xf32>
        %add3A_296 = arith.addf %scan3A_275, %mul3A_295 : vector<16xf32>
        %mul3A_297 = arith.constant 4 : i32
        %mul3A_298 = arith.muli %scan3A_273, %mul3A_297 : i32
        %add3A_299 = arith.constant 1 : i32
        %add3A_300 = arith.addi %mul3A_298, %add3A_299 : i32
        %mul3A_301 = arith.constant 16 : i32
        %mul3A_302 = arith.muli %add3A_300, %mul3A_301 : i32
        %get3A_303 = arith.index_cast %scan3A_172 : i32 to index
        %get3A_304 = arith.index_cast %mul3A_302 : i32 to index
        %get3A_305 = tpu.vector_load %arg9[%get3A_303, %get3A_304] {strides = array<i32>} : memref<32x1024xf32, #tpu.memory_space<vmem>>, vector<1x16xf32>,
        %get3A_306 = vector.shape_cast %get3A_305 : vector<1x16xf32> to vector<16xf32>
        %get3A_307 = arith.index_cast %scan3A_172 : i32 to index
        %get3A_308 = arith.index_cast %mul3A_302 : i32 to index
        %get3A_309 = tpu.vector_load %arg10[%get3A_307, %get3A_308] {strides = array<i32>} : memref<32x1024xf32, #tpu.memory_space<vmem>>, vector<1x16xf32>,
        %get3A_310 = vector.shape_cast %get3A_309 : vector<1x16xf32> to vector<16xf32>
        %add3A_311 = arith.addf %get3A_306, %get3A_310 : vector<16xf32>
        %swap3A_312 = arith.index_cast %scan3A_172 : i32 to index
        %swap3A_313 = arith.index_cast %mul3A_302 : i32 to index
        %swap3A_314 = tpu.vector_load %arg9[%swap3A_312, %swap3A_313] {strides = array<i32>} : memref<32x1024xf32, #tpu.memory_space<vmem>>, vector<1x16xf32>,
        %swap3A_315 = vector.shape_cast %swap3A_314 : vector<1x16xf32> to vector<16xf32>
        %swap3A_316 = vector.shape_cast %add3A_311 : vector<16xf32> to vector<1x16xf32>
        tpu.vector_store %arg9[%swap3A_312, %swap3A_313], %swap3A_316 {strides = array<i32>} : memref<32x1024xf32, #tpu.memory_space<vmem>>, vector<1x16xf32>,
        %add3A_317 = arith.addf %add3A_294, %add3A_311 : vector<16xf32>
        %mul3A_318 = arith.mulf %add3A_311, %add3A_311 : vector<16xf32>
        %add3A_319 = arith.addf %add3A_296, %mul3A_318 : vector<16xf32>
        %mul3A_320 = arith.constant 4 : i32
        %mul3A_321 = arith.muli %scan3A_273, %mul3A_320 : i32
        %add3A_322 = arith.constant 2 : i32
        %add3A_323 = arith.addi %mul3A_321, %add3A_322 : i32
        %mul3A_324 = arith.constant 16 : i32
        %mul3A_325 = arith.muli %add3A_323, %mul3A_324 : i32
        %get3A_326 = arith.index_cast %scan3A_172 : i32 to index
        %get3A_327 = arith.index_cast %mul3A_325 : i32 to index
        %get3A_328 = tpu.vector_load %arg9[%get3A_326, %get3A_327] {strides = array<i32>} : memref<32x1024xf32, #tpu.memory_space<vmem>>, vector<1x16xf32>,
        %get3A_329 = vector.shape_cast %get3A_328 : vector<1x16xf32> to vector<16xf32>
        %get3A_330 = arith.index_cast %scan3A_172 : i32 to index
        %get3A_331 = arith.index_cast %mul3A_325 : i32 to index
        %get3A_332 = tpu.vector_load %arg10[%get3A_330, %get3A_331] {strides = array<i32>} : memref<32x1024xf32, #tpu.memory_space<vmem>>, vector<1x16xf32>,
        %get3A_333 = vector.shape_cast %get3A_332 : vector<1x16xf32> to vector<16xf32>
        %add3A_334 = arith.addf %get3A_329, %get3A_333 : vector<16xf32>
        %swap3A_335 = arith.index_cast %scan3A_172 : i32 to index
        %swap3A_336 = arith.index_cast %mul3A_325 : i32 to index
        %swap3A_337 = tpu.vector_load %arg9[%swap3A_335, %swap3A_336] {strides = array<i32>} : memref<32x1024xf32, #tpu.memory_space<vmem>>, vector<1x16xf32>,
        %swap3A_338 = vector.shape_cast %swap3A_337 : vector<1x16xf32> to vector<16xf32>
        %swap3A_339 = vector.shape_cast %add3A_334 : vector<16xf32> to vector<1x16xf32>
        tpu.vector_store %arg9[%swap3A_335, %swap3A_336], %swap3A_339 {strides = array<i32>} : memref<32x1024xf32, #tpu.memory_space<vmem>>, vector<1x16xf32>,
        %add3A_340 = arith.addf %add3A_317, %add3A_334 : vector<16xf32>
        %mul3A_341 = arith.mulf %add3A_334, %add3A_334 : vector<16xf32>
        %add3A_342 = arith.addf %add3A_319, %mul3A_341 : vector<16xf32>
        %mul3A_343 = arith.constant 4 : i32
        %mul3A_344 = arith.muli %scan3A_273, %mul3A_343 : i32
        %add3A_345 = arith.constant 3 : i32
        %add3A_346 = arith.addi %mul3A_344, %add3A_345 : i32
        %mul3A_347 = arith.constant 16 : i32
        %mul3A_348 = arith.muli %add3A_346, %mul3A_347 : i32
        %get3A_349 = arith.index_cast %scan3A_172 : i32 to index
        %get3A_350 = arith.index_cast %mul3A_348 : i32 to index
        %get3A_351 = tpu.vector_load %arg9[%get3A_349, %get3A_350] {strides = array<i32>} : memref<32x1024xf32, #tpu.memory_space<vmem>>, vector<1x16xf32>,
        %get3A_352 = vector.shape_cast %get3A_351 : vector<1x16xf32> to vector<16xf32>
        %get3A_353 = arith.index_cast %scan3A_172 : i32 to index
        %get3A_354 = arith.index_cast %mul3A_348 : i32 to index
        %get3A_355 = tpu.vector_load %arg10[%get3A_353, %get3A_354] {strides = array<i32>} : memref<32x1024xf32, #tpu.memory_space<vmem>>, vector<1x16xf32>,
        %get3A_356 = vector.shape_cast %get3A_355 : vector<1x16xf32> to vector<16xf32>
        %add3A_357 = arith.addf %get3A_352, %get3A_356 : vector<16xf32>
        %swap3A_358 = arith.index_cast %scan3A_172 : i32 to index
        %swap3A_359 = arith.index_cast %mul3A_348 : i32 to index
        %swap3A_360 = tpu.vector_load %arg9[%swap3A_358, %swap3A_359] {strides = array<i32>} : memref<32x1024xf32, #tpu.memory_space<vmem>>, vector<1x16xf32>,
        %swap3A_361 = vector.shape_cast %swap3A_360 : vector<1x16xf32> to vector<16xf32>
        %swap3A_362 = vector.shape_cast %add3A_357 : vector<16xf32> to vector<1x16xf32>
        tpu.vector_store %arg9[%swap3A_358, %swap3A_359], %swap3A_362 {strides = array<i32>} : memref<32x1024xf32, #tpu.memory_space<vmem>>, vector<1x16xf32>,
        %add3A_363 = arith.addf %add3A_340, %add3A_357 : vector<16xf32>
        %mul3A_364 = arith.mulf %add3A_357, %add3A_357 : vector<16xf32>
        %add3A_365 = arith.addf %add3A_342, %mul3A_364 : vector<16xf32>
        scf.yield %add3A_363, %add3A_365 : vector<16xf32>, vector<16xf32>
      }
      %scan3A_179 = arith.constant 16 : i32
      %iota3A = tpu.iota {dimensions = array<i32: 0>} : vector<16xi32>
      %xor3A = arith.constant 8 : i32
      %xor3A_180 = vector.broadcast %xor3A : i32 to vector<16xi32>
      %xor3A_181 = arith.xori %iota3A, %xor3A_180 : vector<16xi32>
      %broadcast_in_dim3A_182 = vector.shape_cast %xor3A_181 : vector<16xi32> to vector<16x1xi32>
      %gather3A = vector.shape_cast %broadcast_in_dim3A_182 : vector<16x1xi32> to vector<16xi32>
      %gather3A_183 = tpu.dynamic_gather %scan3A_178#0[%gather3A] in [0] : vector<16xf32>, vector<16xi32> -> vector<16xf32>
      %add3A_184 = arith.addf %scan3A_178#0, %gather3A_183 : vector<16xf32>
      %broadcast_in_dim3A_185 = vector.shape_cast %xor3A_181 : vector<16xi32> to vector<16x1xi32>
      %gather3A_186 = vector.shape_cast %broadcast_in_dim3A_185 : vector<16x1xi32> to vector<16xi32>
      %gather3A_187 = tpu.dynamic_gather %scan3A_178#1[%gather3A_186] in [0] : vector<16xf32>, vector<16xi32> -> vector<16xf32>
      %add3A_188 = arith.addf %scan3A_178#1, %gather3A_187 : vector<16xf32>
      %iota3A_189 = tpu.iota {dimensions = array<i32: 0>} : vector<16xi32>
      %xor3A_190 = arith.constant 4 : i32
      %xor3A_191 = vector.broadcast %xor3A_190 : i32 to vector<16xi32>
      %xor3A_192 = arith.xori %iota3A_189, %xor3A_191 : vector<16xi32>
      %broadcast_in_dim3A_193 = vector.shape_cast %xor3A_192 : vector<16xi32> to vector<16x1xi32>
      %gather3A_194 = vector.shape_cast %broadcast_in_dim3A_193 : vector<16x1xi32> to vector<16xi32>
      %gather3A_195 = tpu.dynamic_gather %add3A_184[%gather3A_194] in [0] : vector<16xf32>, vector<16xi32> -> vector<16xf32>
      %add3A_196 = arith.addf %add3A_184, %gather3A_195 : vector<16xf32>
      %broadcast_in_dim3A_197 = vector.shape_cast %xor3A_192 : vector<16xi32> to vector<16x1xi32>
      %gather3A_198 = vector.shape_cast %broadcast_in_dim3A_197 : vector<16x1xi32> to vector<16xi32>
      %gather3A_199 = tpu.dynamic_gather %add3A_188[%gather3A_198] in [0] : vector<16xf32>, vector<16xi32> -> vector<16xf32>
      %add3A_200 = arith.addf %add3A_188, %gather3A_199 : vector<16xf32>
      %iota3A_201 = tpu.iota {dimensions = array<i32: 0>} : vector<16xi32>
      %xor3A_202 = arith.constant 2 : i32
      %xor3A_203 = vector.broadcast %xor3A_202 : i32 to vector<16xi32>
      %xor3A_204 = arith.xori %iota3A_201, %xor3A_203 : vector<16xi32>
      %broadcast_in_dim3A_205 = vector.shape_cast %xor3A_204 : vector<16xi32> to vector<16x1xi32>
      %gather3A_206 = vector.shape_cast %broadcast_in_dim3A_205 : vector<16x1xi32> to vector<16xi32>
      %gather3A_207 = tpu.dynamic_gather %add3A_196[%gather3A_206] in [0] : vector<16xf32>, vector<16xi32> -> vector<16xf32>
      %add3A_208 = arith.addf %add3A_196, %gather3A_207 : vector<16xf32>
      %broadcast_in_dim3A_209 = vector.shape_cast %xor3A_204 : vector<16xi32> to vector<16x1xi32>
      %gather3A_210 = vector.shape_cast %broadcast_in_dim3A_209 : vector<16x1xi32> to vector<16xi32>
      %gather3A_211 = tpu.dynamic_gather %add3A_200[%gather3A_210] in [0] : vector<16xf32>, vector<16xi32> -> vector<16xf32>
      %add3A_212 = arith.addf %add3A_200, %gather3A_211 : vector<16xf32>
      %iota3A_213 = tpu.iota {dimensions = array<i32: 0>} : vector<16xi32>
      %xor3A_214 = arith.constant 1 : i32
      %xor3A_215 = vector.broadcast %xor3A_214 : i32 to vector<16xi32>
      %xor3A_216 = arith.xori %iota3A_213, %xor3A_215 : vector<16xi32>
      %broadcast_in_dim3A_217 = vector.shape_cast %xor3A_216 : vector<16xi32> to vector<16x1xi32>
      %gather3A_218 = vector.shape_cast %broadcast_in_dim3A_217 : vector<16x1xi32> to vector<16xi32>
      %gather3A_219 = tpu.dynamic_gather %add3A_208[%gather3A_218] in [0] : vector<16xf32>, vector<16xi32> -> vector<16xf32>
      %add3A_220 = arith.addf %add3A_208, %gather3A_219 : vector<16xf32>
      %broadcast_in_dim3A_221 = vector.shape_cast %xor3A_216 : vector<16xi32> to vector<16x1xi32>
      %gather3A_222 = vector.shape_cast %broadcast_in_dim3A_221 : vector<16x1xi32> to vector<16xi32>
      %gather3A_223 = tpu.dynamic_gather %add3A_212[%gather3A_222] in [0] : vector<16xf32>, vector<16xi32> -> vector<16xf32>
      %add3A_224 = arith.addf %add3A_212, %gather3A_223 : vector<16xf32>
      %mul3A_225 = vector.broadcast %scan3A_82 : f32 to vector<16xf32>
      %mul3A_226 = arith.mulf %add3A_220, %mul3A_225 : vector<16xf32>
      %mul3A_227 = vector.broadcast %scan3A_82 : f32 to vector<16xf32>
      %mul3A_228 = arith.mulf %add3A_224, %mul3A_227 : vector<16xf32>
      %mul3A_229 = arith.mulf %mul3A_226, %mul3A_226 : vector<16xf32>
      %sub3A = arith.subf %mul3A_228, %mul3A_229 : vector<16xf32>
      %add3A_230 = arith.constant 9.99999974E-6 : f32
      %add3A_231 = vector.broadcast %add3A_230 : f32 to vector<16xf32>
      %add3A_232 = arith.addf %sub3A, %add3A_231 : vector<16xf32>
      %bitcast_convert_type3A = tpu.bitcast %add3A_232 : vector<16xf32> -> vector<16xi32>
      %shift_right_arithmetic3A = arith.constant 1 : i32
      %shift_right_arithmetic3A_233 = vector.broadcast %shift_right_arithmetic3A : i32 to vector<16xi32>
      %shift_right_arithmetic3A_234 = arith.shrsi %bitcast_convert_type3A, %shift_right_arithmetic3A_233 : vector<16xi32>
      %sub3A_235 = arith.constant 1597463007 : i32
      %sub3A_236 = vector.broadcast %sub3A_235 : i32 to vector<16xi32>
      %sub3A_237 = arith.subi %sub3A_236, %shift_right_arithmetic3A_234 : vector<16xi32>
      %bitcast_convert_type3A_238 = tpu.bitcast %sub3A_237 : vector<16xi32> -> vector<16xf32>
      %mul3A_239 = arith.constant 5.000000e-01 : f32
      %mul3A_240 = vector.broadcast %mul3A_239 : f32 to vector<16xf32>
      %mul3A_241 = arith.mulf %mul3A_240, %add3A_232 : vector<16xf32>
      %mul3A_242 = arith.mulf %mul3A_241, %bitcast_convert_type3A_238 : vector<16xf32>
      %mul3A_243 = arith.mulf %mul3A_242, %bitcast_convert_type3A_238 : vector<16xf32>
      %sub3A_244 = arith.constant 1.500000e+00 : f32
      %sub3A_245 = vector.broadcast %sub3A_244 : f32 to vector<16xf32>
      %sub3A_246 = arith.subf %sub3A_245, %mul3A_243 : vector<16xf32>
      %mul3A_247 = arith.mulf %bitcast_convert_type3A_238, %sub3A_246 : vector<16xf32>
      %mul3A_248 = arith.constant 5.000000e-01 : f32
      %mul3A_249 = vector.broadcast %mul3A_248 : f32 to vector<16xf32>
      %mul3A_250 = arith.mulf %mul3A_249, %add3A_232 : vector<16xf32>
      %mul3A_251 = arith.mulf %mul3A_250, %mul3A_247 : vector<16xf32>
      %mul3A_252 = arith.mulf %mul3A_251, %mul3A_247 : vector<16xf32>
      %sub3A_253 = arith.constant 1.500000e+00 : f32
      %sub3A_254 = vector.broadcast %sub3A_253 : f32 to vector<16xf32>
      %sub3A_255 = arith.subf %sub3A_254, %mul3A_252 : vector<16xf32>
      %mul3A_256 = arith.mulf %mul3A_247, %sub3A_255 : vector<16xf32>
      %mul3A_257 = arith.constant 5.000000e-01 : f32
      %mul3A_258 = vector.broadcast %mul3A_257 : f32 to vector<16xf32>
      %mul3A_259 = arith.mulf %mul3A_258, %add3A_232 : vector<16xf32>
      %mul3A_260 = arith.mulf %mul3A_259, %mul3A_256 : vector<16xf32>
      %mul3A_261 = arith.mulf %mul3A_260, %mul3A_256 : vector<16xf32>
      %sub3A_262 = arith.constant 1.500000e+00 : f32
      %sub3A_263 = vector.broadcast %sub3A_262 : f32 to vector<16xf32>
      %sub3A_264 = arith.subf %sub3A_263, %mul3A_261 : vector<16xf32>
      %mul3A_265 = arith.mulf %mul3A_256, %sub3A_264 : vector<16xf32>
      %scan3A_266 = arith.constant 0 : i32
      %scan3A_267 = arith.constant 0 : i32
      %scan3A_268 = arith.constant 16 : i32
      %scan3A_269 = arith.addi %scan3A_267, %scan3A_268 : i32
      %scan3A_270 = arith.constant 1 : i32
      scf.for %scan3A_273 = %scan3A_267 to %scan3A_269 step %scan3A_270  : i32 {
        %mul3A_274 = arith.constant 4 : i32
        %mul3A_275 = arith.muli %scan3A_273, %mul3A_274 : i32
        %add3A_276 = arith.constant 0 : i32
        %add3A_277 = arith.addi %mul3A_275, %add3A_276 : i32
        %mul3A_278 = arith.constant 16 : i32
        %mul3A_279 = arith.muli %add3A_277, %mul3A_278 : i32
        %get3A = arith.index_cast %scan3A_172 : i32 to index
        %get3A_280 = arith.index_cast %mul3A_279 : i32 to index
        %get3A_281 = tpu.vector_load %arg9[%get3A, %get3A_280] {strides = array<i32>} : memref<32x1024xf32, #tpu.memory_space<vmem>>, vector<1x16xf32>,
        %get3A_282 = vector.shape_cast %get3A_281 : vector<1x16xf32> to vector<16xf32>
        %sub3A_283 = arith.subf %get3A_282, %mul3A_226 : vector<16xf32>
        %mul3A_284 = arith.mulf %sub3A_283, %mul3A_265 : vector<16xf32>
        %get3A_285 = arith.index_cast %mul3A_279 : i32 to index
        %get3A_286 = tpu.vector_load %arg11[%get3A_285] {strides = array<i32>} : memref<1024xf32, #tpu.memory_space<vmem>>, vector<16xf32>,
        %get3A_287 = vector.shape_cast %get3A_286 : vector<16xf32> to vector<16xf32>
        %mul3A_288 = arith.mulf %mul3A_284, %get3A_287 : vector<16xf32>
        %get3A_289 = arith.index_cast %mul3A_279 : i32 to index
        %get3A_290 = tpu.vector_load %arg12[%get3A_289] {strides = array<i32>} : memref<1024xf32, #tpu.memory_space<vmem>>, vector<16xf32>,
        %get3A_291 = vector.shape_cast %get3A_290 : vector<16xf32> to vector<16xf32>
        %add3A_292 = arith.addf %mul3A_288, %get3A_291 : vector<16xf32>
        %swap3A = arith.index_cast %scan3A_172 : i32 to index
        %swap3A_293 = arith.index_cast %mul3A_279 : i32 to index
        %swap3A_294 = tpu.vector_load %arg9[%swap3A, %swap3A_293] {strides = array<i32>} : memref<32x1024xf32, #tpu.memory_space<vmem>>, vector<1x16xf32>,
        %swap3A_295 = vector.shape_cast %swap3A_294 : vector<1x16xf32> to vector<16xf32>
        %swap3A_296 = vector.shape_cast %add3A_292 : vector<16xf32> to vector<1x16xf32>
        tpu.vector_store %arg9[%swap3A, %swap3A_293], %swap3A_296 {strides = array<i32>} : memref<32x1024xf32, #tpu.memory_space<vmem>>, vector<1x16xf32>,
        %mul3A_297 = arith.constant 4 : i32
        %mul3A_298 = arith.muli %scan3A_273, %mul3A_297 : i32
        %add3A_299 = arith.constant 1 : i32
        %add3A_300 = arith.addi %mul3A_298, %add3A_299 : i32
        %mul3A_301 = arith.constant 16 : i32
        %mul3A_302 = arith.muli %add3A_300, %mul3A_301 : i32
        %get3A_303 = arith.index_cast %scan3A_172 : i32 to index
        %get3A_304 = arith.index_cast %mul3A_302 : i32 to index
        %get3A_305 = tpu.vector_load %arg9[%get3A_303, %get3A_304] {strides = array<i32>} : memref<32x1024xf32, #tpu.memory_space<vmem>>, vector<1x16xf32>,
        %get3A_306 = vector.shape_cast %get3A_305 : vector<1x16xf32> to vector<16xf32>
        %sub3A_307 = arith.subf %get3A_306, %mul3A_226 : vector<16xf32>
        %mul3A_308 = arith.mulf %sub3A_307, %mul3A_265 : vector<16xf32>
        %get3A_309 = arith.index_cast %mul3A_302 : i32 to index
        %get3A_310 = tpu.vector_load %arg11[%get3A_309] {strides = array<i32>} : memref<1024xf32, #tpu.memory_space<vmem>>, vector<16xf32>,
        %get3A_311 = vector.shape_cast %get3A_310 : vector<16xf32> to vector<16xf32>
        %mul3A_312 = arith.mulf %mul3A_308, %get3A_311 : vector<16xf32>
        %get3A_313 = arith.index_cast %mul3A_302 : i32 to index
        %get3A_314 = tpu.vector_load %arg12[%get3A_313] {strides = array<i32>} : memref<1024xf32, #tpu.memory_space<vmem>>, vector<16xf32>,
        %get3A_315 = vector.shape_cast %get3A_314 : vector<16xf32> to vector<16xf32>
        %add3A_316 = arith.addf %mul3A_312, %get3A_315 : vector<16xf32>
        %swap3A_317 = arith.index_cast %scan3A_172 : i32 to index
        %swap3A_318 = arith.index_cast %mul3A_302 : i32 to index
        %swap3A_319 = tpu.vector_load %arg9[%swap3A_317, %swap3A_318] {strides = array<i32>} : memref<32x1024xf32, #tpu.memory_space<vmem>>, vector<1x16xf32>,
        %swap3A_320 = vector.shape_cast %swap3A_319 : vector<1x16xf32> to vector<16xf32>
        %swap3A_321 = vector.shape_cast %add3A_316 : vector<16xf32> to vector<1x16xf32>
        tpu.vector_store %arg9[%swap3A_317, %swap3A_318], %swap3A_321 {strides = array<i32>} : memref<32x1024xf32, #tpu.memory_space<vmem>>, vector<1x16xf32>,
        %mul3A_322 = arith.constant 4 : i32
        %mul3A_323 = arith.muli %scan3A_273, %mul3A_322 : i32
        %add3A_324 = arith.constant 2 : i32
        %add3A_325 = arith.addi %mul3A_323, %add3A_324 : i32
        %mul3A_326 = arith.constant 16 : i32
        %mul3A_327 = arith.muli %add3A_325, %mul3A_326 : i32
        %get3A_328 = arith.index_cast %scan3A_172 : i32 to index
        %get3A_329 = arith.index_cast %mul3A_327 : i32 to index
        %get3A_330 = tpu.vector_load %arg9[%get3A_328, %get3A_329] {strides = array<i32>} : memref<32x1024xf32, #tpu.memory_space<vmem>>, vector<1x16xf32>,
        %get3A_331 = vector.shape_cast %get3A_330 : vector<1x16xf32> to vector<16xf32>
        %sub3A_332 = arith.subf %get3A_331, %mul3A_226 : vector<16xf32>
        %mul3A_333 = arith.mulf %sub3A_332, %mul3A_265 : vector<16xf32>
        %get3A_334 = arith.index_cast %mul3A_327 : i32 to index
        %get3A_335 = tpu.vector_load %arg11[%get3A_334] {strides = array<i32>} : memref<1024xf32, #tpu.memory_space<vmem>>, vector<16xf32>,
        %get3A_336 = vector.shape_cast %get3A_335 : vector<16xf32> to vector<16xf32>
        %mul3A_337 = arith.mulf %mul3A_333, %get3A_336 : vector<16xf32>
        %get3A_338 = arith.index_cast %mul3A_327 : i32 to index
        %get3A_339 = tpu.vector_load %arg12[%get3A_338] {strides = array<i32>} : memref<1024xf32, #tpu.memory_space<vmem>>, vector<16xf32>,
        %get3A_340 = vector.shape_cast %get3A_339 : vector<16xf32> to vector<16xf32>
        %add3A_341 = arith.addf %mul3A_337, %get3A_340 : vector<16xf32>
        %swap3A_342 = arith.index_cast %scan3A_172 : i32 to index
        %swap3A_343 = arith.index_cast %mul3A_327 : i32 to index
        %swap3A_344 = tpu.vector_load %arg9[%swap3A_342, %swap3A_343] {strides = array<i32>} : memref<32x1024xf32, #tpu.memory_space<vmem>>, vector<1x16xf32>,
        %swap3A_345 = vector.shape_cast %swap3A_344 : vector<1x16xf32> to vector<16xf32>
        %swap3A_346 = vector.shape_cast %add3A_341 : vector<16xf32> to vector<1x16xf32>
        tpu.vector_store %arg9[%swap3A_342, %swap3A_343], %swap3A_346 {strides = array<i32>} : memref<32x1024xf32, #tpu.memory_space<vmem>>, vector<1x16xf32>,
        %mul3A_347 = arith.constant 4 : i32
        %mul3A_348 = arith.muli %scan3A_273, %mul3A_347 : i32
        %add3A_349 = arith.constant 3 : i32
        %add3A_350 = arith.addi %mul3A_348, %add3A_349 : i32
        %mul3A_351 = arith.constant 16 : i32
        %mul3A_352 = arith.muli %add3A_350, %mul3A_351 : i32
        %get3A_353 = arith.index_cast %scan3A_172 : i32 to index
        %get3A_354 = arith.index_cast %mul3A_352 : i32 to index
        %get3A_355 = tpu.vector_load %arg9[%get3A_353, %get3A_354] {strides = array<i32>} : memref<32x1024xf32, #tpu.memory_space<vmem>>, vector<1x16xf32>,
        %get3A_356 = vector.shape_cast %get3A_355 : vector<1x16xf32> to vector<16xf32>
        %sub3A_357 = arith.subf %get3A_356, %mul3A_226 : vector<16xf32>
        %mul3A_358 = arith.mulf %sub3A_357, %mul3A_265 : vector<16xf32>
        %get3A_359 = arith.index_cast %mul3A_352 : i32 to index
        %get3A_360 = tpu.vector_load %arg11[%get3A_359] {strides = array<i32>} : memref<1024xf32, #tpu.memory_space<vmem>>, vector<16xf32>,
        %get3A_361 = vector.shape_cast %get3A_360 : vector<16xf32> to vector<16xf32>
        %mul3A_362 = arith.mulf %mul3A_358, %get3A_361 : vector<16xf32>
        %get3A_363 = arith.index_cast %mul3A_352 : i32 to index
        %get3A_364 = tpu.vector_load %arg12[%get3A_363] {strides = array<i32>} : memref<1024xf32, #tpu.memory_space<vmem>>, vector<16xf32>,
        %get3A_365 = vector.shape_cast %get3A_364 : vector<16xf32> to vector<16xf32>
        %add3A_366 = arith.addf %mul3A_362, %get3A_365 : vector<16xf32>
        %swap3A_367 = arith.index_cast %scan3A_172 : i32 to index
        %swap3A_368 = arith.index_cast %mul3A_352 : i32 to index
        %swap3A_369 = tpu.vector_load %arg9[%swap3A_367, %swap3A_368] {strides = array<i32>} : memref<32x1024xf32, #tpu.memory_space<vmem>>, vector<1x16xf32>,
        %swap3A_370 = vector.shape_cast %swap3A_369 : vector<1x16xf32> to vector<16xf32>
        %swap3A_371 = vector.shape_cast %add3A_366 : vector<16xf32> to vector<1x16xf32>
        tpu.vector_store %arg9[%swap3A_367, %swap3A_368], %swap3A_371 {strides = array<i32>} : memref<32x1024xf32, #tpu.memory_space<vmem>>, vector<1x16xf32>,
      }
      %scan3A_271 = arith.constant 16 : i32
      %scan3A_272 = arith.constant 0 : i32
      scf.yield %scan3A_272 : i32
    }
    %scan3A_89 = arith.constant 32 : i32
    %add3A_90 = arith.constant 96 : i32
    %add3A_91 = arith.addi %mul3A_2, %add3A_90 : i32
    "tpu.region"() ({
      %run_scoped3A = tpu.sem_alloc : memref<!tpu.dma_semaphore, #tpu.memory_space<semaphore_mem>>
      %dma_start3A_172 = arith.constant 0 : i32
      %dma_start3A_173 = tpu.memref_slice %arg7[%add3A_91, %dma_start3A_172] : memref<8192x1024xf32, #tpu.memory_space<hbm>> -> memref<32x1024xf32, #tpu.memory_space<hbm>>
      %dma_start3A_174 = arith.constant 0 : i32
      %dma_start3A_175 = tpu.memref_slice %arg7[%add3A_91, %dma_start3A_174] : memref<8192x1024xf32, #tpu.memory_space<hbm>> -> memref<32x1024xf32, #tpu.memory_space<hbm>>
      tpu.enqueue_dma source(%arg9 : memref<32x1024xf32, #tpu.memory_space<vmem>>) target(%dma_start3A_175 : memref<32x1024xf32, #tpu.memory_space<hbm>>) target_semaphore(%run_scoped3A : memref<!tpu.dma_semaphore, #tpu.memory_space<semaphore_mem>>)
      %dma_wait3A_176 = arith.constant 0 : i32
      %dma_wait3A_177 = tpu.memref_slice %arg7[%add3A_91, %dma_wait3A_176] : memref<8192x1024xf32, #tpu.memory_space<hbm>> -> memref<32x1024xf32, #tpu.memory_space<hbm>>
      %dma_wait3A_178 = arith.constant 0 : i32
      %dma_wait3A_179 = tpu.memref_slice %arg7[%add3A_91, %dma_wait3A_178] : memref<8192x1024xf32, #tpu.memory_space<hbm>> -> memref<32x1024xf32, #tpu.memory_space<hbm>>
      tpu.wait_dma2 semaphore(%run_scoped3A : memref<!tpu.dma_semaphore, #tpu.memory_space<semaphore_mem>>) src(%arg9 : memref<32x1024xf32, #tpu.memory_space<vmem>>) dst(%dma_wait3A_179 : memref<32x1024xf32, #tpu.memory_space<hbm>>)
      tpu.yield
    }) : () -> ()
    %add3A_92 = arith.constant 128 : i32
    %add3A_93 = arith.addi %mul3A_2, %add3A_92 : i32
    "tpu.region"() ({
      %run_scoped3A = tpu.sem_alloc : memref<!tpu.dma_semaphore, #tpu.memory_space<semaphore_mem>>
      %dma_start3A_172 = tpu.memref_slice %arg2[%add3A_93] : memref<8192xi32, #tpu.memory_space<hbm>> -> memref<32xi32, #tpu.memory_space<hbm>>
      %dma_start3A_173 = tpu.memref_slice %arg2[%add3A_93] : memref<8192xi32, #tpu.memory_space<hbm>> -> memref<32xi32, #tpu.memory_space<hbm>>
      tpu.enqueue_dma source(%dma_start3A_173 : memref<32xi32, #tpu.memory_space<hbm>>) target(%arg8 : memref<32xi32, #tpu.memory_space<vmem>>) target_semaphore(%run_scoped3A : memref<!tpu.dma_semaphore, #tpu.memory_space<semaphore_mem>>)
      %dma_wait3A_174 = tpu.memref_slice %arg2[%add3A_93] : memref<8192xi32, #tpu.memory_space<hbm>> -> memref<32xi32, #tpu.memory_space<hbm>>
      %dma_wait3A_175 = tpu.memref_slice %arg2[%add3A_93] : memref<8192xi32, #tpu.memory_space<hbm>> -> memref<32xi32, #tpu.memory_space<hbm>>
      tpu.wait_dma2 semaphore(%run_scoped3A : memref<!tpu.dma_semaphore, #tpu.memory_space<semaphore_mem>>) src(%dma_wait3A_175 : memref<32xi32, #tpu.memory_space<hbm>>) dst(%arg8 : memref<32xi32, #tpu.memory_space<vmem>>)
      tpu.yield
    }) : () -> ()
    %add3A_94 = arith.constant 128 : i32
    %add3A_95 = arith.addi %mul3A_13, %add3A_94 : i32
    "tpu.region"() ({
      %run_scoped3A = tpu.sem_alloc : memref<!tpu.dma_semaphore, #tpu.memory_space<semaphore_mem>>
      %dma_start3A_172 = arith.constant 0 : i32
      %dma_start3A_173 = tpu.memref_slice %arg4[%add3A_95, %dma_start3A_172] : memref<2048x1024xf32, #tpu.memory_space<hbm>> -> memref<32x1024xf32, #tpu.memory_space<hbm>>
      %dma_start3A_174 = arith.constant 0 : i32
      %dma_start3A_175 = tpu.memref_slice %arg4[%add3A_95, %dma_start3A_174] : memref<2048x1024xf32, #tpu.memory_space<hbm>> -> memref<32x1024xf32, #tpu.memory_space<hbm>>
      tpu.enqueue_dma source(%dma_start3A_175 : memref<32x1024xf32, #tpu.memory_space<hbm>>) target(%arg10 : memref<32x1024xf32, #tpu.memory_space<vmem>>) target_semaphore(%run_scoped3A : memref<!tpu.dma_semaphore, #tpu.memory_space<semaphore_mem>>)
      %dma_wait3A_176 = arith.constant 0 : i32
      %dma_wait3A_177 = tpu.memref_slice %arg4[%add3A_95, %dma_wait3A_176] : memref<2048x1024xf32, #tpu.memory_space<hbm>> -> memref<32x1024xf32, #tpu.memory_space<hbm>>
      %dma_wait3A_178 = arith.constant 0 : i32
      %dma_wait3A_179 = tpu.memref_slice %arg4[%add3A_95, %dma_wait3A_178] : memref<2048x1024xf32, #tpu.memory_space<hbm>> -> memref<32x1024xf32, #tpu.memory_space<hbm>>
      tpu.wait_dma2 semaphore(%run_scoped3A : memref<!tpu.dma_semaphore, #tpu.memory_space<semaphore_mem>>) src(%dma_wait3A_179 : memref<32x1024xf32, #tpu.memory_space<hbm>>) dst(%arg10 : memref<32x1024xf32, #tpu.memory_space<vmem>>)
      tpu.yield
    }) : () -> ()
    %dma_start3A_96 = arith.constant 0 : i32
    %dma_start3A_97 = arith.constant 0 : i32
    %dma_start3A_98 = tpu.memref_slice %arg3[%dma_start3A_96, %dma_start3A_97] : memref<100000x1024xf32, #tpu.memory_space<hbm>> -> memref<100000x1024xf32, #tpu.memory_space<hbm>>
    tpu.enqueue_indirect_dma source(%dma_start3A_98 : memref<100000x1024xf32, #tpu.memory_space<hbm>>) target(%arg9 : memref<32x1024xf32, #tpu.memory_space<vmem>>) offsets(%arg8 : memref<32xi32, #tpu.memory_space<vmem>>) semaphore(%arg13 : memref<!tpu.dma_semaphore, #tpu.memory_space<semaphore_mem>>)
    %dma_wait3A_99 = arith.constant 0 : i32
    %dma_wait3A_100 = arith.constant 0 : i32
    %dma_wait3A_101 = tpu.memref_slice %arg3[%dma_wait3A_99, %dma_wait3A_100] : memref<100000x1024xf32, #tpu.memory_space<hbm>> -> memref<100000x1024xf32, #tpu.memory_space<hbm>>
    tpu.wait_indirect_dma semaphore(%arg13 : memref<!tpu.dma_semaphore, #tpu.memory_space<semaphore_mem>>) src(%dma_wait3A_101 : memref<100000x1024xf32, #tpu.memory_space<hbm>>) dst(%arg9 : memref<32x1024xf32, #tpu.memory_space<vmem>>)
    %scan3A_102 = arith.constant 9.765625E-4 : f32
    %scan3A_103 = arith.constant 0 : i32
    %scan3A_104 = arith.constant 0 : i32
    %scan3A_105 = arith.constant 32 : i32
    %scan3A_106 = arith.addi %scan3A_104, %scan3A_105 : i32
    %scan3A_107 = arith.constant 1 : i32
    %scan3A_108 = scf.for %scan3A_172 = %scan3A_104 to %scan3A_106 step %scan3A_107 iter_args(%scan3A_173 = %scan3A_103) -> (i32)  : i32 {
      %scan3A_174 = arith.constant 0 : i32
      %scan3A_175 = arith.constant 16 : i32
      %scan3A_176 = arith.addi %scan3A_174, %scan3A_175 : i32
      %scan3A_177 = arith.constant 1 : i32
      %scan3A_178:2 = scf.for %scan3A_273 = %scan3A_174 to %scan3A_176 step %scan3A_177 iter_args(%scan3A_274 = %broadcast_in_dim3A_14, %scan3A_275 = %broadcast_in_dim3A_14) -> (vector<16xf32>, vector<16xf32>)  : i32 {
        %mul3A_276 = arith.constant 4 : i32
        %mul3A_277 = arith.muli %scan3A_273, %mul3A_276 : i32
        %add3A_278 = arith.constant 0 : i32
        %add3A_279 = arith.addi %mul3A_277, %add3A_278 : i32
        %mul3A_280 = arith.constant 16 : i32
        %mul3A_281 = arith.muli %add3A_279, %mul3A_280 : i32
        %get3A = arith.index_cast %scan3A_172 : i32 to index
        %get3A_282 = arith.index_cast %mul3A_281 : i32 to index
        %get3A_283 = tpu.vector_load %arg9[%get3A, %get3A_282] {strides = array<i32>} : memref<32x1024xf32, #tpu.memory_space<vmem>>, vector<1x16xf32>,
        %get3A_284 = vector.shape_cast %get3A_283 : vector<1x16xf32> to vector<16xf32>
        %get3A_285 = arith.index_cast %scan3A_172 : i32 to index
        %get3A_286 = arith.index_cast %mul3A_281 : i32 to index
        %get3A_287 = tpu.vector_load %arg10[%get3A_285, %get3A_286] {strides = array<i32>} : memref<32x1024xf32, #tpu.memory_space<vmem>>, vector<1x16xf32>,
        %get3A_288 = vector.shape_cast %get3A_287 : vector<1x16xf32> to vector<16xf32>
        %add3A_289 = arith.addf %get3A_284, %get3A_288 : vector<16xf32>
        %swap3A = arith.index_cast %scan3A_172 : i32 to index
        %swap3A_290 = arith.index_cast %mul3A_281 : i32 to index
        %swap3A_291 = tpu.vector_load %arg9[%swap3A, %swap3A_290] {strides = array<i32>} : memref<32x1024xf32, #tpu.memory_space<vmem>>, vector<1x16xf32>,
        %swap3A_292 = vector.shape_cast %swap3A_291 : vector<1x16xf32> to vector<16xf32>
        %swap3A_293 = vector.shape_cast %add3A_289 : vector<16xf32> to vector<1x16xf32>
        tpu.vector_store %arg9[%swap3A, %swap3A_290], %swap3A_293 {strides = array<i32>} : memref<32x1024xf32, #tpu.memory_space<vmem>>, vector<1x16xf32>,
        %add3A_294 = arith.addf %scan3A_274, %add3A_289 : vector<16xf32>
        %mul3A_295 = arith.mulf %add3A_289, %add3A_289 : vector<16xf32>
        %add3A_296 = arith.addf %scan3A_275, %mul3A_295 : vector<16xf32>
        %mul3A_297 = arith.constant 4 : i32
        %mul3A_298 = arith.muli %scan3A_273, %mul3A_297 : i32
        %add3A_299 = arith.constant 1 : i32
        %add3A_300 = arith.addi %mul3A_298, %add3A_299 : i32
        %mul3A_301 = arith.constant 16 : i32
        %mul3A_302 = arith.muli %add3A_300, %mul3A_301 : i32
        %get3A_303 = arith.index_cast %scan3A_172 : i32 to index
        %get3A_304 = arith.index_cast %mul3A_302 : i32 to index
        %get3A_305 = tpu.vector_load %arg9[%get3A_303, %get3A_304] {strides = array<i32>} : memref<32x1024xf32, #tpu.memory_space<vmem>>, vector<1x16xf32>,
        %get3A_306 = vector.shape_cast %get3A_305 : vector<1x16xf32> to vector<16xf32>
        %get3A_307 = arith.index_cast %scan3A_172 : i32 to index
        %get3A_308 = arith.index_cast %mul3A_302 : i32 to index
        %get3A_309 = tpu.vector_load %arg10[%get3A_307, %get3A_308] {strides = array<i32>} : memref<32x1024xf32, #tpu.memory_space<vmem>>, vector<1x16xf32>,
        %get3A_310 = vector.shape_cast %get3A_309 : vector<1x16xf32> to vector<16xf32>
        %add3A_311 = arith.addf %get3A_306, %get3A_310 : vector<16xf32>
        %swap3A_312 = arith.index_cast %scan3A_172 : i32 to index
        %swap3A_313 = arith.index_cast %mul3A_302 : i32 to index
        %swap3A_314 = tpu.vector_load %arg9[%swap3A_312, %swap3A_313] {strides = array<i32>} : memref<32x1024xf32, #tpu.memory_space<vmem>>, vector<1x16xf32>,
        %swap3A_315 = vector.shape_cast %swap3A_314 : vector<1x16xf32> to vector<16xf32>
        %swap3A_316 = vector.shape_cast %add3A_311 : vector<16xf32> to vector<1x16xf32>
        tpu.vector_store %arg9[%swap3A_312, %swap3A_313], %swap3A_316 {strides = array<i32>} : memref<32x1024xf32, #tpu.memory_space<vmem>>, vector<1x16xf32>,
        %add3A_317 = arith.addf %add3A_294, %add3A_311 : vector<16xf32>
        %mul3A_318 = arith.mulf %add3A_311, %add3A_311 : vector<16xf32>
        %add3A_319 = arith.addf %add3A_296, %mul3A_318 : vector<16xf32>
        %mul3A_320 = arith.constant 4 : i32
        %mul3A_321 = arith.muli %scan3A_273, %mul3A_320 : i32
        %add3A_322 = arith.constant 2 : i32
        %add3A_323 = arith.addi %mul3A_321, %add3A_322 : i32
        %mul3A_324 = arith.constant 16 : i32
        %mul3A_325 = arith.muli %add3A_323, %mul3A_324 : i32
        %get3A_326 = arith.index_cast %scan3A_172 : i32 to index
        %get3A_327 = arith.index_cast %mul3A_325 : i32 to index
        %get3A_328 = tpu.vector_load %arg9[%get3A_326, %get3A_327] {strides = array<i32>} : memref<32x1024xf32, #tpu.memory_space<vmem>>, vector<1x16xf32>,
        %get3A_329 = vector.shape_cast %get3A_328 : vector<1x16xf32> to vector<16xf32>
        %get3A_330 = arith.index_cast %scan3A_172 : i32 to index
        %get3A_331 = arith.index_cast %mul3A_325 : i32 to index
        %get3A_332 = tpu.vector_load %arg10[%get3A_330, %get3A_331] {strides = array<i32>} : memref<32x1024xf32, #tpu.memory_space<vmem>>, vector<1x16xf32>,
        %get3A_333 = vector.shape_cast %get3A_332 : vector<1x16xf32> to vector<16xf32>
        %add3A_334 = arith.addf %get3A_329, %get3A_333 : vector<16xf32>
        %swap3A_335 = arith.index_cast %scan3A_172 : i32 to index
        %swap3A_336 = arith.index_cast %mul3A_325 : i32 to index
        %swap3A_337 = tpu.vector_load %arg9[%swap3A_335, %swap3A_336] {strides = array<i32>} : memref<32x1024xf32, #tpu.memory_space<vmem>>, vector<1x16xf32>,
        %swap3A_338 = vector.shape_cast %swap3A_337 : vector<1x16xf32> to vector<16xf32>
        %swap3A_339 = vector.shape_cast %add3A_334 : vector<16xf32> to vector<1x16xf32>
        tpu.vector_store %arg9[%swap3A_335, %swap3A_336], %swap3A_339 {strides = array<i32>} : memref<32x1024xf32, #tpu.memory_space<vmem>>, vector<1x16xf32>,
        %add3A_340 = arith.addf %add3A_317, %add3A_334 : vector<16xf32>
        %mul3A_341 = arith.mulf %add3A_334, %add3A_334 : vector<16xf32>
        %add3A_342 = arith.addf %add3A_319, %mul3A_341 : vector<16xf32>
        %mul3A_343 = arith.constant 4 : i32
        %mul3A_344 = arith.muli %scan3A_273, %mul3A_343 : i32
        %add3A_345 = arith.constant 3 : i32
        %add3A_346 = arith.addi %mul3A_344, %add3A_345 : i32
        %mul3A_347 = arith.constant 16 : i32
        %mul3A_348 = arith.muli %add3A_346, %mul3A_347 : i32
        %get3A_349 = arith.index_cast %scan3A_172 : i32 to index
        %get3A_350 = arith.index_cast %mul3A_348 : i32 to index
        %get3A_351 = tpu.vector_load %arg9[%get3A_349, %get3A_350] {strides = array<i32>} : memref<32x1024xf32, #tpu.memory_space<vmem>>, vector<1x16xf32>,
        %get3A_352 = vector.shape_cast %get3A_351 : vector<1x16xf32> to vector<16xf32>
        %get3A_353 = arith.index_cast %scan3A_172 : i32 to index
        %get3A_354 = arith.index_cast %mul3A_348 : i32 to index
        %get3A_355 = tpu.vector_load %arg10[%get3A_353, %get3A_354] {strides = array<i32>} : memref<32x1024xf32, #tpu.memory_space<vmem>>, vector<1x16xf32>,
        %get3A_356 = vector.shape_cast %get3A_355 : vector<1x16xf32> to vector<16xf32>
        %add3A_357 = arith.addf %get3A_352, %get3A_356 : vector<16xf32>
        %swap3A_358 = arith.index_cast %scan3A_172 : i32 to index
        %swap3A_359 = arith.index_cast %mul3A_348 : i32 to index
        %swap3A_360 = tpu.vector_load %arg9[%swap3A_358, %swap3A_359] {strides = array<i32>} : memref<32x1024xf32, #tpu.memory_space<vmem>>, vector<1x16xf32>,
        %swap3A_361 = vector.shape_cast %swap3A_360 : vector<1x16xf32> to vector<16xf32>
        %swap3A_362 = vector.shape_cast %add3A_357 : vector<16xf32> to vector<1x16xf32>
        tpu.vector_store %arg9[%swap3A_358, %swap3A_359], %swap3A_362 {strides = array<i32>} : memref<32x1024xf32, #tpu.memory_space<vmem>>, vector<1x16xf32>,
        %add3A_363 = arith.addf %add3A_340, %add3A_357 : vector<16xf32>
        %mul3A_364 = arith.mulf %add3A_357, %add3A_357 : vector<16xf32>
        %add3A_365 = arith.addf %add3A_342, %mul3A_364 : vector<16xf32>
        scf.yield %add3A_363, %add3A_365 : vector<16xf32>, vector<16xf32>
      }
      %scan3A_179 = arith.constant 16 : i32
      %iota3A = tpu.iota {dimensions = array<i32: 0>} : vector<16xi32>
      %xor3A = arith.constant 8 : i32
      %xor3A_180 = vector.broadcast %xor3A : i32 to vector<16xi32>
      %xor3A_181 = arith.xori %iota3A, %xor3A_180 : vector<16xi32>
      %broadcast_in_dim3A_182 = vector.shape_cast %xor3A_181 : vector<16xi32> to vector<16x1xi32>
      %gather3A = vector.shape_cast %broadcast_in_dim3A_182 : vector<16x1xi32> to vector<16xi32>
      %gather3A_183 = tpu.dynamic_gather %scan3A_178#0[%gather3A] in [0] : vector<16xf32>, vector<16xi32> -> vector<16xf32>
      %add3A_184 = arith.addf %scan3A_178#0, %gather3A_183 : vector<16xf32>
      %broadcast_in_dim3A_185 = vector.shape_cast %xor3A_181 : vector<16xi32> to vector<16x1xi32>
      %gather3A_186 = vector.shape_cast %broadcast_in_dim3A_185 : vector<16x1xi32> to vector<16xi32>
      %gather3A_187 = tpu.dynamic_gather %scan3A_178#1[%gather3A_186] in [0] : vector<16xf32>, vector<16xi32> -> vector<16xf32>
      %add3A_188 = arith.addf %scan3A_178#1, %gather3A_187 : vector<16xf32>
      %iota3A_189 = tpu.iota {dimensions = array<i32: 0>} : vector<16xi32>
      %xor3A_190 = arith.constant 4 : i32
      %xor3A_191 = vector.broadcast %xor3A_190 : i32 to vector<16xi32>
      %xor3A_192 = arith.xori %iota3A_189, %xor3A_191 : vector<16xi32>
      %broadcast_in_dim3A_193 = vector.shape_cast %xor3A_192 : vector<16xi32> to vector<16x1xi32>
      %gather3A_194 = vector.shape_cast %broadcast_in_dim3A_193 : vector<16x1xi32> to vector<16xi32>
      %gather3A_195 = tpu.dynamic_gather %add3A_184[%gather3A_194] in [0] : vector<16xf32>, vector<16xi32> -> vector<16xf32>
      %add3A_196 = arith.addf %add3A_184, %gather3A_195 : vector<16xf32>
      %broadcast_in_dim3A_197 = vector.shape_cast %xor3A_192 : vector<16xi32> to vector<16x1xi32>
      %gather3A_198 = vector.shape_cast %broadcast_in_dim3A_197 : vector<16x1xi32> to vector<16xi32>
      %gather3A_199 = tpu.dynamic_gather %add3A_188[%gather3A_198] in [0] : vector<16xf32>, vector<16xi32> -> vector<16xf32>
      %add3A_200 = arith.addf %add3A_188, %gather3A_199 : vector<16xf32>
      %iota3A_201 = tpu.iota {dimensions = array<i32: 0>} : vector<16xi32>
      %xor3A_202 = arith.constant 2 : i32
      %xor3A_203 = vector.broadcast %xor3A_202 : i32 to vector<16xi32>
      %xor3A_204 = arith.xori %iota3A_201, %xor3A_203 : vector<16xi32>
      %broadcast_in_dim3A_205 = vector.shape_cast %xor3A_204 : vector<16xi32> to vector<16x1xi32>
      %gather3A_206 = vector.shape_cast %broadcast_in_dim3A_205 : vector<16x1xi32> to vector<16xi32>
      %gather3A_207 = tpu.dynamic_gather %add3A_196[%gather3A_206] in [0] : vector<16xf32>, vector<16xi32> -> vector<16xf32>
      %add3A_208 = arith.addf %add3A_196, %gather3A_207 : vector<16xf32>
      %broadcast_in_dim3A_209 = vector.shape_cast %xor3A_204 : vector<16xi32> to vector<16x1xi32>
      %gather3A_210 = vector.shape_cast %broadcast_in_dim3A_209 : vector<16x1xi32> to vector<16xi32>
      %gather3A_211 = tpu.dynamic_gather %add3A_200[%gather3A_210] in [0] : vector<16xf32>, vector<16xi32> -> vector<16xf32>
      %add3A_212 = arith.addf %add3A_200, %gather3A_211 : vector<16xf32>
      %iota3A_213 = tpu.iota {dimensions = array<i32: 0>} : vector<16xi32>
      %xor3A_214 = arith.constant 1 : i32
      %xor3A_215 = vector.broadcast %xor3A_214 : i32 to vector<16xi32>
      %xor3A_216 = arith.xori %iota3A_213, %xor3A_215 : vector<16xi32>
      %broadcast_in_dim3A_217 = vector.shape_cast %xor3A_216 : vector<16xi32> to vector<16x1xi32>
      %gather3A_218 = vector.shape_cast %broadcast_in_dim3A_217 : vector<16x1xi32> to vector<16xi32>
      %gather3A_219 = tpu.dynamic_gather %add3A_208[%gather3A_218] in [0] : vector<16xf32>, vector<16xi32> -> vector<16xf32>
      %add3A_220 = arith.addf %add3A_208, %gather3A_219 : vector<16xf32>
      %broadcast_in_dim3A_221 = vector.shape_cast %xor3A_216 : vector<16xi32> to vector<16x1xi32>
      %gather3A_222 = vector.shape_cast %broadcast_in_dim3A_221 : vector<16x1xi32> to vector<16xi32>
      %gather3A_223 = tpu.dynamic_gather %add3A_212[%gather3A_222] in [0] : vector<16xf32>, vector<16xi32> -> vector<16xf32>
      %add3A_224 = arith.addf %add3A_212, %gather3A_223 : vector<16xf32>
      %mul3A_225 = vector.broadcast %scan3A_102 : f32 to vector<16xf32>
      %mul3A_226 = arith.mulf %add3A_220, %mul3A_225 : vector<16xf32>
      %mul3A_227 = vector.broadcast %scan3A_102 : f32 to vector<16xf32>
      %mul3A_228 = arith.mulf %add3A_224, %mul3A_227 : vector<16xf32>
      %mul3A_229 = arith.mulf %mul3A_226, %mul3A_226 : vector<16xf32>
      %sub3A = arith.subf %mul3A_228, %mul3A_229 : vector<16xf32>
      %add3A_230 = arith.constant 9.99999974E-6 : f32
      %add3A_231 = vector.broadcast %add3A_230 : f32 to vector<16xf32>
      %add3A_232 = arith.addf %sub3A, %add3A_231 : vector<16xf32>
      %bitcast_convert_type3A = tpu.bitcast %add3A_232 : vector<16xf32> -> vector<16xi32>
      %shift_right_arithmetic3A = arith.constant 1 : i32
      %shift_right_arithmetic3A_233 = vector.broadcast %shift_right_arithmetic3A : i32 to vector<16xi32>
      %shift_right_arithmetic3A_234 = arith.shrsi %bitcast_convert_type3A, %shift_right_arithmetic3A_233 : vector<16xi32>
      %sub3A_235 = arith.constant 1597463007 : i32
      %sub3A_236 = vector.broadcast %sub3A_235 : i32 to vector<16xi32>
      %sub3A_237 = arith.subi %sub3A_236, %shift_right_arithmetic3A_234 : vector<16xi32>
      %bitcast_convert_type3A_238 = tpu.bitcast %sub3A_237 : vector<16xi32> -> vector<16xf32>
      %mul3A_239 = arith.constant 5.000000e-01 : f32
      %mul3A_240 = vector.broadcast %mul3A_239 : f32 to vector<16xf32>
      %mul3A_241 = arith.mulf %mul3A_240, %add3A_232 : vector<16xf32>
      %mul3A_242 = arith.mulf %mul3A_241, %bitcast_convert_type3A_238 : vector<16xf32>
      %mul3A_243 = arith.mulf %mul3A_242, %bitcast_convert_type3A_238 : vector<16xf32>
      %sub3A_244 = arith.constant 1.500000e+00 : f32
      %sub3A_245 = vector.broadcast %sub3A_244 : f32 to vector<16xf32>
      %sub3A_246 = arith.subf %sub3A_245, %mul3A_243 : vector<16xf32>
      %mul3A_247 = arith.mulf %bitcast_convert_type3A_238, %sub3A_246 : vector<16xf32>
      %mul3A_248 = arith.constant 5.000000e-01 : f32
      %mul3A_249 = vector.broadcast %mul3A_248 : f32 to vector<16xf32>
      %mul3A_250 = arith.mulf %mul3A_249, %add3A_232 : vector<16xf32>
      %mul3A_251 = arith.mulf %mul3A_250, %mul3A_247 : vector<16xf32>
      %mul3A_252 = arith.mulf %mul3A_251, %mul3A_247 : vector<16xf32>
      %sub3A_253 = arith.constant 1.500000e+00 : f32
      %sub3A_254 = vector.broadcast %sub3A_253 : f32 to vector<16xf32>
      %sub3A_255 = arith.subf %sub3A_254, %mul3A_252 : vector<16xf32>
      %mul3A_256 = arith.mulf %mul3A_247, %sub3A_255 : vector<16xf32>
      %mul3A_257 = arith.constant 5.000000e-01 : f32
      %mul3A_258 = vector.broadcast %mul3A_257 : f32 to vector<16xf32>
      %mul3A_259 = arith.mulf %mul3A_258, %add3A_232 : vector<16xf32>
      %mul3A_260 = arith.mulf %mul3A_259, %mul3A_256 : vector<16xf32>
      %mul3A_261 = arith.mulf %mul3A_260, %mul3A_256 : vector<16xf32>
      %sub3A_262 = arith.constant 1.500000e+00 : f32
      %sub3A_263 = vector.broadcast %sub3A_262 : f32 to vector<16xf32>
      %sub3A_264 = arith.subf %sub3A_263, %mul3A_261 : vector<16xf32>
      %mul3A_265 = arith.mulf %mul3A_256, %sub3A_264 : vector<16xf32>
      %scan3A_266 = arith.constant 0 : i32
      %scan3A_267 = arith.constant 0 : i32
      %scan3A_268 = arith.constant 16 : i32
      %scan3A_269 = arith.addi %scan3A_267, %scan3A_268 : i32
      %scan3A_270 = arith.constant 1 : i32
      scf.for %scan3A_273 = %scan3A_267 to %scan3A_269 step %scan3A_270  : i32 {
        %mul3A_274 = arith.constant 4 : i32
        %mul3A_275 = arith.muli %scan3A_273, %mul3A_274 : i32
        %add3A_276 = arith.constant 0 : i32
        %add3A_277 = arith.addi %mul3A_275, %add3A_276 : i32
        %mul3A_278 = arith.constant 16 : i32
        %mul3A_279 = arith.muli %add3A_277, %mul3A_278 : i32
        %get3A = arith.index_cast %scan3A_172 : i32 to index
        %get3A_280 = arith.index_cast %mul3A_279 : i32 to index
        %get3A_281 = tpu.vector_load %arg9[%get3A, %get3A_280] {strides = array<i32>} : memref<32x1024xf32, #tpu.memory_space<vmem>>, vector<1x16xf32>,
        %get3A_282 = vector.shape_cast %get3A_281 : vector<1x16xf32> to vector<16xf32>
        %sub3A_283 = arith.subf %get3A_282, %mul3A_226 : vector<16xf32>
        %mul3A_284 = arith.mulf %sub3A_283, %mul3A_265 : vector<16xf32>
        %get3A_285 = arith.index_cast %mul3A_279 : i32 to index
        %get3A_286 = tpu.vector_load %arg11[%get3A_285] {strides = array<i32>} : memref<1024xf32, #tpu.memory_space<vmem>>, vector<16xf32>,
        %get3A_287 = vector.shape_cast %get3A_286 : vector<16xf32> to vector<16xf32>
        %mul3A_288 = arith.mulf %mul3A_284, %get3A_287 : vector<16xf32>
        %get3A_289 = arith.index_cast %mul3A_279 : i32 to index
        %get3A_290 = tpu.vector_load %arg12[%get3A_289] {strides = array<i32>} : memref<1024xf32, #tpu.memory_space<vmem>>, vector<16xf32>,
        %get3A_291 = vector.shape_cast %get3A_290 : vector<16xf32> to vector<16xf32>
        %add3A_292 = arith.addf %mul3A_288, %get3A_291 : vector<16xf32>
        %swap3A = arith.index_cast %scan3A_172 : i32 to index
        %swap3A_293 = arith.index_cast %mul3A_279 : i32 to index
        %swap3A_294 = tpu.vector_load %arg9[%swap3A, %swap3A_293] {strides = array<i32>} : memref<32x1024xf32, #tpu.memory_space<vmem>>, vector<1x16xf32>,
        %swap3A_295 = vector.shape_cast %swap3A_294 : vector<1x16xf32> to vector<16xf32>
        %swap3A_296 = vector.shape_cast %add3A_292 : vector<16xf32> to vector<1x16xf32>
        tpu.vector_store %arg9[%swap3A, %swap3A_293], %swap3A_296 {strides = array<i32>} : memref<32x1024xf32, #tpu.memory_space<vmem>>, vector<1x16xf32>,
        %mul3A_297 = arith.constant 4 : i32
        %mul3A_298 = arith.muli %scan3A_273, %mul3A_297 : i32
        %add3A_299 = arith.constant 1 : i32
        %add3A_300 = arith.addi %mul3A_298, %add3A_299 : i32
        %mul3A_301 = arith.constant 16 : i32
        %mul3A_302 = arith.muli %add3A_300, %mul3A_301 : i32
        %get3A_303 = arith.index_cast %scan3A_172 : i32 to index
        %get3A_304 = arith.index_cast %mul3A_302 : i32 to index
        %get3A_305 = tpu.vector_load %arg9[%get3A_303, %get3A_304] {strides = array<i32>} : memref<32x1024xf32, #tpu.memory_space<vmem>>, vector<1x16xf32>,
        %get3A_306 = vector.shape_cast %get3A_305 : vector<1x16xf32> to vector<16xf32>
        %sub3A_307 = arith.subf %get3A_306, %mul3A_226 : vector<16xf32>
        %mul3A_308 = arith.mulf %sub3A_307, %mul3A_265 : vector<16xf32>
        %get3A_309 = arith.index_cast %mul3A_302 : i32 to index
        %get3A_310 = tpu.vector_load %arg11[%get3A_309] {strides = array<i32>} : memref<1024xf32, #tpu.memory_space<vmem>>, vector<16xf32>,
        %get3A_311 = vector.shape_cast %get3A_310 : vector<16xf32> to vector<16xf32>
        %mul3A_312 = arith.mulf %mul3A_308, %get3A_311 : vector<16xf32>
        %get3A_313 = arith.index_cast %mul3A_302 : i32 to index
        %get3A_314 = tpu.vector_load %arg12[%get3A_313] {strides = array<i32>} : memref<1024xf32, #tpu.memory_space<vmem>>, vector<16xf32>,
        %get3A_315 = vector.shape_cast %get3A_314 : vector<16xf32> to vector<16xf32>
        %add3A_316 = arith.addf %mul3A_312, %get3A_315 : vector<16xf32>
        %swap3A_317 = arith.index_cast %scan3A_172 : i32 to index
        %swap3A_318 = arith.index_cast %mul3A_302 : i32 to index
        %swap3A_319 = tpu.vector_load %arg9[%swap3A_317, %swap3A_318] {strides = array<i32>} : memref<32x1024xf32, #tpu.memory_space<vmem>>, vector<1x16xf32>,
        %swap3A_320 = vector.shape_cast %swap3A_319 : vector<1x16xf32> to vector<16xf32>
        %swap3A_321 = vector.shape_cast %add3A_316 : vector<16xf32> to vector<1x16xf32>
        tpu.vector_store %arg9[%swap3A_317, %swap3A_318], %swap3A_321 {strides = array<i32>} : memref<32x1024xf32, #tpu.memory_space<vmem>>, vector<1x16xf32>,
        %mul3A_322 = arith.constant 4 : i32
        %mul3A_323 = arith.muli %scan3A_273, %mul3A_322 : i32
        %add3A_324 = arith.constant 2 : i32
        %add3A_325 = arith.addi %mul3A_323, %add3A_324 : i32
        %mul3A_326 = arith.constant 16 : i32
        %mul3A_327 = arith.muli %add3A_325, %mul3A_326 : i32
        %get3A_328 = arith.index_cast %scan3A_172 : i32 to index
        %get3A_329 = arith.index_cast %mul3A_327 : i32 to index
        %get3A_330 = tpu.vector_load %arg9[%get3A_328, %get3A_329] {strides = array<i32>} : memref<32x1024xf32, #tpu.memory_space<vmem>>, vector<1x16xf32>,
        %get3A_331 = vector.shape_cast %get3A_330 : vector<1x16xf32> to vector<16xf32>
        %sub3A_332 = arith.subf %get3A_331, %mul3A_226 : vector<16xf32>
        %mul3A_333 = arith.mulf %sub3A_332, %mul3A_265 : vector<16xf32>
        %get3A_334 = arith.index_cast %mul3A_327 : i32 to index
        %get3A_335 = tpu.vector_load %arg11[%get3A_334] {strides = array<i32>} : memref<1024xf32, #tpu.memory_space<vmem>>, vector<16xf32>,
        %get3A_336 = vector.shape_cast %get3A_335 : vector<16xf32> to vector<16xf32>
        %mul3A_337 = arith.mulf %mul3A_333, %get3A_336 : vector<16xf32>
        %get3A_338 = arith.index_cast %mul3A_327 : i32 to index
        %get3A_339 = tpu.vector_load %arg12[%get3A_338] {strides = array<i32>} : memref<1024xf32, #tpu.memory_space<vmem>>, vector<16xf32>,
        %get3A_340 = vector.shape_cast %get3A_339 : vector<16xf32> to vector<16xf32>
        %add3A_341 = arith.addf %mul3A_337, %get3A_340 : vector<16xf32>
        %swap3A_342 = arith.index_cast %scan3A_172 : i32 to index
        %swap3A_343 = arith.index_cast %mul3A_327 : i32 to index
        %swap3A_344 = tpu.vector_load %arg9[%swap3A_342, %swap3A_343] {strides = array<i32>} : memref<32x1024xf32, #tpu.memory_space<vmem>>, vector<1x16xf32>,
        %swap3A_345 = vector.shape_cast %swap3A_344 : vector<1x16xf32> to vector<16xf32>
        %swap3A_346 = vector.shape_cast %add3A_341 : vector<16xf32> to vector<1x16xf32>
        tpu.vector_store %arg9[%swap3A_342, %swap3A_343], %swap3A_346 {strides = array<i32>} : memref<32x1024xf32, #tpu.memory_space<vmem>>, vector<1x16xf32>,
        %mul3A_347 = arith.constant 4 : i32
        %mul3A_348 = arith.muli %scan3A_273, %mul3A_347 : i32
        %add3A_349 = arith.constant 3 : i32
        %add3A_350 = arith.addi %mul3A_348, %add3A_349 : i32
        %mul3A_351 = arith.constant 16 : i32
        %mul3A_352 = arith.muli %add3A_350, %mul3A_351 : i32
        %get3A_353 = arith.index_cast %scan3A_172 : i32 to index
        %get3A_354 = arith.index_cast %mul3A_352 : i32 to index
        %get3A_355 = tpu.vector_load %arg9[%get3A_353, %get3A_354] {strides = array<i32>} : memref<32x1024xf32, #tpu.memory_space<vmem>>, vector<1x16xf32>,
        %get3A_356 = vector.shape_cast %get3A_355 : vector<1x16xf32> to vector<16xf32>
        %sub3A_357 = arith.subf %get3A_356, %mul3A_226 : vector<16xf32>
        %mul3A_358 = arith.mulf %sub3A_357, %mul3A_265 : vector<16xf32>
        %get3A_359 = arith.index_cast %mul3A_352 : i32 to index
        %get3A_360 = tpu.vector_load %arg11[%get3A_359] {strides = array<i32>} : memref<1024xf32, #tpu.memory_space<vmem>>, vector<16xf32>,
        %get3A_361 = vector.shape_cast %get3A_360 : vector<16xf32> to vector<16xf32>
        %mul3A_362 = arith.mulf %mul3A_358, %get3A_361 : vector<16xf32>
        %get3A_363 = arith.index_cast %mul3A_352 : i32 to index
        %get3A_364 = tpu.vector_load %arg12[%get3A_363] {strides = array<i32>} : memref<1024xf32, #tpu.memory_space<vmem>>, vector<16xf32>,
        %get3A_365 = vector.shape_cast %get3A_364 : vector<16xf32> to vector<16xf32>
        %add3A_366 = arith.addf %mul3A_362, %get3A_365 : vector<16xf32>
        %swap3A_367 = arith.index_cast %scan3A_172 : i32 to index
        %swap3A_368 = arith.index_cast %mul3A_352 : i32 to index
        %swap3A_369 = tpu.vector_load %arg9[%swap3A_367, %swap3A_368] {strides = array<i32>} : memref<32x1024xf32, #tpu.memory_space<vmem>>, vector<1x16xf32>,
        %swap3A_370 = vector.shape_cast %swap3A_369 : vector<1x16xf32> to vector<16xf32>
        %swap3A_371 = vector.shape_cast %add3A_366 : vector<16xf32> to vector<1x16xf32>
        tpu.vector_store %arg9[%swap3A_367, %swap3A_368], %swap3A_371 {strides = array<i32>} : memref<32x1024xf32, #tpu.memory_space<vmem>>, vector<1x16xf32>,
      }
      %scan3A_271 = arith.constant 16 : i32
      %scan3A_272 = arith.constant 0 : i32
      scf.yield %scan3A_272 : i32
    }
    %scan3A_109 = arith.constant 32 : i32
    %add3A_110 = arith.constant 128 : i32
    %add3A_111 = arith.addi %mul3A_2, %add3A_110 : i32
    "tpu.region"() ({
      %run_scoped3A = tpu.sem_alloc : memref<!tpu.dma_semaphore, #tpu.memory_space<semaphore_mem>>
      %dma_start3A_172 = arith.constant 0 : i32
      %dma_start3A_173 = tpu.memref_slice %arg7[%add3A_111, %dma_start3A_172] : memref<8192x1024xf32, #tpu.memory_space<hbm>> -> memref<32x1024xf32, #tpu.memory_space<hbm>>
      %dma_start3A_174 = arith.constant 0 : i32
      %dma_start3A_175 = tpu.memref_slice %arg7[%add3A_111, %dma_start3A_174] : memref<8192x1024xf32, #tpu.memory_space<hbm>> -> memref<32x1024xf32, #tpu.memory_space<hbm>>
      tpu.enqueue_dma source(%arg9 : memref<32x1024xf32, #tpu.memory_space<vmem>>) target(%dma_start3A_175 : memref<32x1024xf32, #tpu.memory_space<hbm>>) target_semaphore(%run_scoped3A : memref<!tpu.dma_semaphore, #tpu.memory_space<semaphore_mem>>)
      %dma_wait3A_176 = arith.constant 0 : i32
      %dma_wait3A_177 = tpu.memref_slice %arg7[%add3A_111, %dma_wait3A_176] : memref<8192x1024xf32, #tpu.memory_space<hbm>> -> memref<32x1024xf32, #tpu.memory_space<hbm>>
      %dma_wait3A_178 = arith.constant 0 : i32
      %dma_wait3A_179 = tpu.memref_slice %arg7[%add3A_111, %dma_wait3A_178] : memref<8192x1024xf32, #tpu.memory_space<hbm>> -> memref<32x1024xf32, #tpu.memory_space<hbm>>
      tpu.wait_dma2 semaphore(%run_scoped3A : memref<!tpu.dma_semaphore, #tpu.memory_space<semaphore_mem>>) src(%arg9 : memref<32x1024xf32, #tpu.memory_space<vmem>>) dst(%dma_wait3A_179 : memref<32x1024xf32, #tpu.memory_space<hbm>>)
      tpu.yield
    }) : () -> ()
    %add3A_112 = arith.constant 160 : i32
    %add3A_113 = arith.addi %mul3A_2, %add3A_112 : i32
    "tpu.region"() ({
      %run_scoped3A = tpu.sem_alloc : memref<!tpu.dma_semaphore, #tpu.memory_space<semaphore_mem>>
      %dma_start3A_172 = tpu.memref_slice %arg2[%add3A_113] : memref<8192xi32, #tpu.memory_space<hbm>> -> memref<32xi32, #tpu.memory_space<hbm>>
      %dma_start3A_173 = tpu.memref_slice %arg2[%add3A_113] : memref<8192xi32, #tpu.memory_space<hbm>> -> memref<32xi32, #tpu.memory_space<hbm>>
      tpu.enqueue_dma source(%dma_start3A_173 : memref<32xi32, #tpu.memory_space<hbm>>) target(%arg8 : memref<32xi32, #tpu.memory_space<vmem>>) target_semaphore(%run_scoped3A : memref<!tpu.dma_semaphore, #tpu.memory_space<semaphore_mem>>)
      %dma_wait3A_174 = tpu.memref_slice %arg2[%add3A_113] : memref<8192xi32, #tpu.memory_space<hbm>> -> memref<32xi32, #tpu.memory_space<hbm>>
      %dma_wait3A_175 = tpu.memref_slice %arg2[%add3A_113] : memref<8192xi32, #tpu.memory_space<hbm>> -> memref<32xi32, #tpu.memory_space<hbm>>
      tpu.wait_dma2 semaphore(%run_scoped3A : memref<!tpu.dma_semaphore, #tpu.memory_space<semaphore_mem>>) src(%dma_wait3A_175 : memref<32xi32, #tpu.memory_space<hbm>>) dst(%arg8 : memref<32xi32, #tpu.memory_space<vmem>>)
      tpu.yield
    }) : () -> ()
    %add3A_114 = arith.constant 160 : i32
    %add3A_115 = arith.addi %mul3A_13, %add3A_114 : i32
    "tpu.region"() ({
      %run_scoped3A = tpu.sem_alloc : memref<!tpu.dma_semaphore, #tpu.memory_space<semaphore_mem>>
      %dma_start3A_172 = arith.constant 0 : i32
      %dma_start3A_173 = tpu.memref_slice %arg4[%add3A_115, %dma_start3A_172] : memref<2048x1024xf32, #tpu.memory_space<hbm>> -> memref<32x1024xf32, #tpu.memory_space<hbm>>
      %dma_start3A_174 = arith.constant 0 : i32
      %dma_start3A_175 = tpu.memref_slice %arg4[%add3A_115, %dma_start3A_174] : memref<2048x1024xf32, #tpu.memory_space<hbm>> -> memref<32x1024xf32, #tpu.memory_space<hbm>>
      tpu.enqueue_dma source(%dma_start3A_175 : memref<32x1024xf32, #tpu.memory_space<hbm>>) target(%arg10 : memref<32x1024xf32, #tpu.memory_space<vmem>>) target_semaphore(%run_scoped3A : memref<!tpu.dma_semaphore, #tpu.memory_space<semaphore_mem>>)
      %dma_wait3A_176 = arith.constant 0 : i32
      %dma_wait3A_177 = tpu.memref_slice %arg4[%add3A_115, %dma_wait3A_176] : memref<2048x1024xf32, #tpu.memory_space<hbm>> -> memref<32x1024xf32, #tpu.memory_space<hbm>>
      %dma_wait3A_178 = arith.constant 0 : i32
      %dma_wait3A_179 = tpu.memref_slice %arg4[%add3A_115, %dma_wait3A_178] : memref<2048x1024xf32, #tpu.memory_space<hbm>> -> memref<32x1024xf32, #tpu.memory_space<hbm>>
      tpu.wait_dma2 semaphore(%run_scoped3A : memref<!tpu.dma_semaphore, #tpu.memory_space<semaphore_mem>>) src(%dma_wait3A_179 : memref<32x1024xf32, #tpu.memory_space<hbm>>) dst(%arg10 : memref<32x1024xf32, #tpu.memory_space<vmem>>)
      tpu.yield
    }) : () -> ()
    %dma_start3A_116 = arith.constant 0 : i32
    %dma_start3A_117 = arith.constant 0 : i32
    %dma_start3A_118 = tpu.memref_slice %arg3[%dma_start3A_116, %dma_start3A_117] : memref<100000x1024xf32, #tpu.memory_space<hbm>> -> memref<100000x1024xf32, #tpu.memory_space<hbm>>
    tpu.enqueue_indirect_dma source(%dma_start3A_118 : memref<100000x1024xf32, #tpu.memory_space<hbm>>) target(%arg9 : memref<32x1024xf32, #tpu.memory_space<vmem>>) offsets(%arg8 : memref<32xi32, #tpu.memory_space<vmem>>) semaphore(%arg13 : memref<!tpu.dma_semaphore, #tpu.memory_space<semaphore_mem>>)
    %dma_wait3A_119 = arith.constant 0 : i32
    %dma_wait3A_120 = arith.constant 0 : i32
    %dma_wait3A_121 = tpu.memref_slice %arg3[%dma_wait3A_119, %dma_wait3A_120] : memref<100000x1024xf32, #tpu.memory_space<hbm>> -> memref<100000x1024xf32, #tpu.memory_space<hbm>>
    tpu.wait_indirect_dma semaphore(%arg13 : memref<!tpu.dma_semaphore, #tpu.memory_space<semaphore_mem>>) src(%dma_wait3A_121 : memref<100000x1024xf32, #tpu.memory_space<hbm>>) dst(%arg9 : memref<32x1024xf32, #tpu.memory_space<vmem>>)
    %scan3A_122 = arith.constant 9.765625E-4 : f32
    %scan3A_123 = arith.constant 0 : i32
    %scan3A_124 = arith.constant 0 : i32
    %scan3A_125 = arith.constant 32 : i32
    %scan3A_126 = arith.addi %scan3A_124, %scan3A_125 : i32
    %scan3A_127 = arith.constant 1 : i32
    %scan3A_128 = scf.for %scan3A_172 = %scan3A_124 to %scan3A_126 step %scan3A_127 iter_args(%scan3A_173 = %scan3A_123) -> (i32)  : i32 {
      %scan3A_174 = arith.constant 0 : i32
      %scan3A_175 = arith.constant 16 : i32
      %scan3A_176 = arith.addi %scan3A_174, %scan3A_175 : i32
      %scan3A_177 = arith.constant 1 : i32
      %scan3A_178:2 = scf.for %scan3A_273 = %scan3A_174 to %scan3A_176 step %scan3A_177 iter_args(%scan3A_274 = %broadcast_in_dim3A_14, %scan3A_275 = %broadcast_in_dim3A_14) -> (vector<16xf32>, vector<16xf32>)  : i32 {
        %mul3A_276 = arith.constant 4 : i32
        %mul3A_277 = arith.muli %scan3A_273, %mul3A_276 : i32
        %add3A_278 = arith.constant 0 : i32
        %add3A_279 = arith.addi %mul3A_277, %add3A_278 : i32
        %mul3A_280 = arith.constant 16 : i32
        %mul3A_281 = arith.muli %add3A_279, %mul3A_280 : i32
        %get3A = arith.index_cast %scan3A_172 : i32 to index
        %get3A_282 = arith.index_cast %mul3A_281 : i32 to index
        %get3A_283 = tpu.vector_load %arg9[%get3A, %get3A_282] {strides = array<i32>} : memref<32x1024xf32, #tpu.memory_space<vmem>>, vector<1x16xf32>,
        %get3A_284 = vector.shape_cast %get3A_283 : vector<1x16xf32> to vector<16xf32>
        %get3A_285 = arith.index_cast %scan3A_172 : i32 to index
        %get3A_286 = arith.index_cast %mul3A_281 : i32 to index
        %get3A_287 = tpu.vector_load %arg10[%get3A_285, %get3A_286] {strides = array<i32>} : memref<32x1024xf32, #tpu.memory_space<vmem>>, vector<1x16xf32>,
        %get3A_288 = vector.shape_cast %get3A_287 : vector<1x16xf32> to vector<16xf32>
        %add3A_289 = arith.addf %get3A_284, %get3A_288 : vector<16xf32>
        %swap3A = arith.index_cast %scan3A_172 : i32 to index
        %swap3A_290 = arith.index_cast %mul3A_281 : i32 to index
        %swap3A_291 = tpu.vector_load %arg9[%swap3A, %swap3A_290] {strides = array<i32>} : memref<32x1024xf32, #tpu.memory_space<vmem>>, vector<1x16xf32>,
        %swap3A_292 = vector.shape_cast %swap3A_291 : vector<1x16xf32> to vector<16xf32>
        %swap3A_293 = vector.shape_cast %add3A_289 : vector<16xf32> to vector<1x16xf32>
        tpu.vector_store %arg9[%swap3A, %swap3A_290], %swap3A_293 {strides = array<i32>} : memref<32x1024xf32, #tpu.memory_space<vmem>>, vector<1x16xf32>,
        %add3A_294 = arith.addf %scan3A_274, %add3A_289 : vector<16xf32>
        %mul3A_295 = arith.mulf %add3A_289, %add3A_289 : vector<16xf32>
        %add3A_296 = arith.addf %scan3A_275, %mul3A_295 : vector<16xf32>
        %mul3A_297 = arith.constant 4 : i32
        %mul3A_298 = arith.muli %scan3A_273, %mul3A_297 : i32
        %add3A_299 = arith.constant 1 : i32
        %add3A_300 = arith.addi %mul3A_298, %add3A_299 : i32
        %mul3A_301 = arith.constant 16 : i32
        %mul3A_302 = arith.muli %add3A_300, %mul3A_301 : i32
        %get3A_303 = arith.index_cast %scan3A_172 : i32 to index
        %get3A_304 = arith.index_cast %mul3A_302 : i32 to index
        %get3A_305 = tpu.vector_load %arg9[%get3A_303, %get3A_304] {strides = array<i32>} : memref<32x1024xf32, #tpu.memory_space<vmem>>, vector<1x16xf32>,
        %get3A_306 = vector.shape_cast %get3A_305 : vector<1x16xf32> to vector<16xf32>
        %get3A_307 = arith.index_cast %scan3A_172 : i32 to index
        %get3A_308 = arith.index_cast %mul3A_302 : i32 to index
        %get3A_309 = tpu.vector_load %arg10[%get3A_307, %get3A_308] {strides = array<i32>} : memref<32x1024xf32, #tpu.memory_space<vmem>>, vector<1x16xf32>,
        %get3A_310 = vector.shape_cast %get3A_309 : vector<1x16xf32> to vector<16xf32>
        %add3A_311 = arith.addf %get3A_306, %get3A_310 : vector<16xf32>
        %swap3A_312 = arith.index_cast %scan3A_172 : i32 to index
        %swap3A_313 = arith.index_cast %mul3A_302 : i32 to index
        %swap3A_314 = tpu.vector_load %arg9[%swap3A_312, %swap3A_313] {strides = array<i32>} : memref<32x1024xf32, #tpu.memory_space<vmem>>, vector<1x16xf32>,
        %swap3A_315 = vector.shape_cast %swap3A_314 : vector<1x16xf32> to vector<16xf32>
        %swap3A_316 = vector.shape_cast %add3A_311 : vector<16xf32> to vector<1x16xf32>
        tpu.vector_store %arg9[%swap3A_312, %swap3A_313], %swap3A_316 {strides = array<i32>} : memref<32x1024xf32, #tpu.memory_space<vmem>>, vector<1x16xf32>,
        %add3A_317 = arith.addf %add3A_294, %add3A_311 : vector<16xf32>
        %mul3A_318 = arith.mulf %add3A_311, %add3A_311 : vector<16xf32>
        %add3A_319 = arith.addf %add3A_296, %mul3A_318 : vector<16xf32>
        %mul3A_320 = arith.constant 4 : i32
        %mul3A_321 = arith.muli %scan3A_273, %mul3A_320 : i32
        %add3A_322 = arith.constant 2 : i32
        %add3A_323 = arith.addi %mul3A_321, %add3A_322 : i32
        %mul3A_324 = arith.constant 16 : i32
        %mul3A_325 = arith.muli %add3A_323, %mul3A_324 : i32
        %get3A_326 = arith.index_cast %scan3A_172 : i32 to index
        %get3A_327 = arith.index_cast %mul3A_325 : i32 to index
        %get3A_328 = tpu.vector_load %arg9[%get3A_326, %get3A_327] {strides = array<i32>} : memref<32x1024xf32, #tpu.memory_space<vmem>>, vector<1x16xf32>,
        %get3A_329 = vector.shape_cast %get3A_328 : vector<1x16xf32> to vector<16xf32>
        %get3A_330 = arith.index_cast %scan3A_172 : i32 to index
        %get3A_331 = arith.index_cast %mul3A_325 : i32 to index
        %get3A_332 = tpu.vector_load %arg10[%get3A_330, %get3A_331] {strides = array<i32>} : memref<32x1024xf32, #tpu.memory_space<vmem>>, vector<1x16xf32>,
        %get3A_333 = vector.shape_cast %get3A_332 : vector<1x16xf32> to vector<16xf32>
        %add3A_334 = arith.addf %get3A_329, %get3A_333 : vector<16xf32>
        %swap3A_335 = arith.index_cast %scan3A_172 : i32 to index
        %swap3A_336 = arith.index_cast %mul3A_325 : i32 to index
        %swap3A_337 = tpu.vector_load %arg9[%swap3A_335, %swap3A_336] {strides = array<i32>} : memref<32x1024xf32, #tpu.memory_space<vmem>>, vector<1x16xf32>,
        %swap3A_338 = vector.shape_cast %swap3A_337 : vector<1x16xf32> to vector<16xf32>
        %swap3A_339 = vector.shape_cast %add3A_334 : vector<16xf32> to vector<1x16xf32>
        tpu.vector_store %arg9[%swap3A_335, %swap3A_336], %swap3A_339 {strides = array<i32>} : memref<32x1024xf32, #tpu.memory_space<vmem>>, vector<1x16xf32>,
        %add3A_340 = arith.addf %add3A_317, %add3A_334 : vector<16xf32>
        %mul3A_341 = arith.mulf %add3A_334, %add3A_334 : vector<16xf32>
        %add3A_342 = arith.addf %add3A_319, %mul3A_341 : vector<16xf32>
        %mul3A_343 = arith.constant 4 : i32
        %mul3A_344 = arith.muli %scan3A_273, %mul3A_343 : i32
        %add3A_345 = arith.constant 3 : i32
        %add3A_346 = arith.addi %mul3A_344, %add3A_345 : i32
        %mul3A_347 = arith.constant 16 : i32
        %mul3A_348 = arith.muli %add3A_346, %mul3A_347 : i32
        %get3A_349 = arith.index_cast %scan3A_172 : i32 to index
        %get3A_350 = arith.index_cast %mul3A_348 : i32 to index
        %get3A_351 = tpu.vector_load %arg9[%get3A_349, %get3A_350] {strides = array<i32>} : memref<32x1024xf32, #tpu.memory_space<vmem>>, vector<1x16xf32>,
        %get3A_352 = vector.shape_cast %get3A_351 : vector<1x16xf32> to vector<16xf32>
        %get3A_353 = arith.index_cast %scan3A_172 : i32 to index
        %get3A_354 = arith.index_cast %mul3A_348 : i32 to index
        %get3A_355 = tpu.vector_load %arg10[%get3A_353, %get3A_354] {strides = array<i32>} : memref<32x1024xf32, #tpu.memory_space<vmem>>, vector<1x16xf32>,
        %get3A_356 = vector.shape_cast %get3A_355 : vector<1x16xf32> to vector<16xf32>
        %add3A_357 = arith.addf %get3A_352, %get3A_356 : vector<16xf32>
        %swap3A_358 = arith.index_cast %scan3A_172 : i32 to index
        %swap3A_359 = arith.index_cast %mul3A_348 : i32 to index
        %swap3A_360 = tpu.vector_load %arg9[%swap3A_358, %swap3A_359] {strides = array<i32>} : memref<32x1024xf32, #tpu.memory_space<vmem>>, vector<1x16xf32>,
        %swap3A_361 = vector.shape_cast %swap3A_360 : vector<1x16xf32> to vector<16xf32>
        %swap3A_362 = vector.shape_cast %add3A_357 : vector<16xf32> to vector<1x16xf32>
        tpu.vector_store %arg9[%swap3A_358, %swap3A_359], %swap3A_362 {strides = array<i32>} : memref<32x1024xf32, #tpu.memory_space<vmem>>, vector<1x16xf32>,
        %add3A_363 = arith.addf %add3A_340, %add3A_357 : vector<16xf32>
        %mul3A_364 = arith.mulf %add3A_357, %add3A_357 : vector<16xf32>
        %add3A_365 = arith.addf %add3A_342, %mul3A_364 : vector<16xf32>
        scf.yield %add3A_363, %add3A_365 : vector<16xf32>, vector<16xf32>
      }
      %scan3A_179 = arith.constant 16 : i32
      %iota3A = tpu.iota {dimensions = array<i32: 0>} : vector<16xi32>
      %xor3A = arith.constant 8 : i32
      %xor3A_180 = vector.broadcast %xor3A : i32 to vector<16xi32>
      %xor3A_181 = arith.xori %iota3A, %xor3A_180 : vector<16xi32>
      %broadcast_in_dim3A_182 = vector.shape_cast %xor3A_181 : vector<16xi32> to vector<16x1xi32>
      %gather3A = vector.shape_cast %broadcast_in_dim3A_182 : vector<16x1xi32> to vector<16xi32>
      %gather3A_183 = tpu.dynamic_gather %scan3A_178#0[%gather3A] in [0] : vector<16xf32>, vector<16xi32> -> vector<16xf32>
      %add3A_184 = arith.addf %scan3A_178#0, %gather3A_183 : vector<16xf32>
      %broadcast_in_dim3A_185 = vector.shape_cast %xor3A_181 : vector<16xi32> to vector<16x1xi32>
      %gather3A_186 = vector.shape_cast %broadcast_in_dim3A_185 : vector<16x1xi32> to vector<16xi32>
      %gather3A_187 = tpu.dynamic_gather %scan3A_178#1[%gather3A_186] in [0] : vector<16xf32>, vector<16xi32> -> vector<16xf32>
      %add3A_188 = arith.addf %scan3A_178#1, %gather3A_187 : vector<16xf32>
      %iota3A_189 = tpu.iota {dimensions = array<i32: 0>} : vector<16xi32>
      %xor3A_190 = arith.constant 4 : i32
      %xor3A_191 = vector.broadcast %xor3A_190 : i32 to vector<16xi32>
      %xor3A_192 = arith.xori %iota3A_189, %xor3A_191 : vector<16xi32>
      %broadcast_in_dim3A_193 = vector.shape_cast %xor3A_192 : vector<16xi32> to vector<16x1xi32>
      %gather3A_194 = vector.shape_cast %broadcast_in_dim3A_193 : vector<16x1xi32> to vector<16xi32>
      %gather3A_195 = tpu.dynamic_gather %add3A_184[%gather3A_194] in [0] : vector<16xf32>, vector<16xi32> -> vector<16xf32>
      %add3A_196 = arith.addf %add3A_184, %gather3A_195 : vector<16xf32>
      %broadcast_in_dim3A_197 = vector.shape_cast %xor3A_192 : vector<16xi32> to vector<16x1xi32>
      %gather3A_198 = vector.shape_cast %broadcast_in_dim3A_197 : vector<16x1xi32> to vector<16xi32>
      %gather3A_199 = tpu.dynamic_gather %add3A_188[%gather3A_198] in [0] : vector<16xf32>, vector<16xi32> -> vector<16xf32>
      %add3A_200 = arith.addf %add3A_188, %gather3A_199 : vector<16xf32>
      %iota3A_201 = tpu.iota {dimensions = array<i32: 0>} : vector<16xi32>
      %xor3A_202 = arith.constant 2 : i32
      %xor3A_203 = vector.broadcast %xor3A_202 : i32 to vector<16xi32>
      %xor3A_204 = arith.xori %iota3A_201, %xor3A_203 : vector<16xi32>
      %broadcast_in_dim3A_205 = vector.shape_cast %xor3A_204 : vector<16xi32> to vector<16x1xi32>
      %gather3A_206 = vector.shape_cast %broadcast_in_dim3A_205 : vector<16x1xi32> to vector<16xi32>
      %gather3A_207 = tpu.dynamic_gather %add3A_196[%gather3A_206] in [0] : vector<16xf32>, vector<16xi32> -> vector<16xf32>
      %add3A_208 = arith.addf %add3A_196, %gather3A_207 : vector<16xf32>
      %broadcast_in_dim3A_209 = vector.shape_cast %xor3A_204 : vector<16xi32> to vector<16x1xi32>
      %gather3A_210 = vector.shape_cast %broadcast_in_dim3A_209 : vector<16x1xi32> to vector<16xi32>
      %gather3A_211 = tpu.dynamic_gather %add3A_200[%gather3A_210] in [0] : vector<16xf32>, vector<16xi32> -> vector<16xf32>
      %add3A_212 = arith.addf %add3A_200, %gather3A_211 : vector<16xf32>
      %iota3A_213 = tpu.iota {dimensions = array<i32: 0>} : vector<16xi32>
      %xor3A_214 = arith.constant 1 : i32
      %xor3A_215 = vector.broadcast %xor3A_214 : i32 to vector<16xi32>
      %xor3A_216 = arith.xori %iota3A_213, %xor3A_215 : vector<16xi32>
      %broadcast_in_dim3A_217 = vector.shape_cast %xor3A_216 : vector<16xi32> to vector<16x1xi32>
      %gather3A_218 = vector.shape_cast %broadcast_in_dim3A_217 : vector<16x1xi32> to vector<16xi32>
      %gather3A_219 = tpu.dynamic_gather %add3A_208[%gather3A_218] in [0] : vector<16xf32>, vector<16xi32> -> vector<16xf32>
      %add3A_220 = arith.addf %add3A_208, %gather3A_219 : vector<16xf32>
      %broadcast_in_dim3A_221 = vector.shape_cast %xor3A_216 : vector<16xi32> to vector<16x1xi32>
      %gather3A_222 = vector.shape_cast %broadcast_in_dim3A_221 : vector<16x1xi32> to vector<16xi32>
      %gather3A_223 = tpu.dynamic_gather %add3A_212[%gather3A_222] in [0] : vector<16xf32>, vector<16xi32> -> vector<16xf32>
      %add3A_224 = arith.addf %add3A_212, %gather3A_223 : vector<16xf32>
      %mul3A_225 = vector.broadcast %scan3A_122 : f32 to vector<16xf32>
      %mul3A_226 = arith.mulf %add3A_220, %mul3A_225 : vector<16xf32>
      %mul3A_227 = vector.broadcast %scan3A_122 : f32 to vector<16xf32>
      %mul3A_228 = arith.mulf %add3A_224, %mul3A_227 : vector<16xf32>
      %mul3A_229 = arith.mulf %mul3A_226, %mul3A_226 : vector<16xf32>
      %sub3A = arith.subf %mul3A_228, %mul3A_229 : vector<16xf32>
      %add3A_230 = arith.constant 9.99999974E-6 : f32
      %add3A_231 = vector.broadcast %add3A_230 : f32 to vector<16xf32>
      %add3A_232 = arith.addf %sub3A, %add3A_231 : vector<16xf32>
      %bitcast_convert_type3A = tpu.bitcast %add3A_232 : vector<16xf32> -> vector<16xi32>
      %shift_right_arithmetic3A = arith.constant 1 : i32
      %shift_right_arithmetic3A_233 = vector.broadcast %shift_right_arithmetic3A : i32 to vector<16xi32>
      %shift_right_arithmetic3A_234 = arith.shrsi %bitcast_convert_type3A, %shift_right_arithmetic3A_233 : vector<16xi32>
      %sub3A_235 = arith.constant 1597463007 : i32
      %sub3A_236 = vector.broadcast %sub3A_235 : i32 to vector<16xi32>
      %sub3A_237 = arith.subi %sub3A_236, %shift_right_arithmetic3A_234 : vector<16xi32>
      %bitcast_convert_type3A_238 = tpu.bitcast %sub3A_237 : vector<16xi32> -> vector<16xf32>
      %mul3A_239 = arith.constant 5.000000e-01 : f32
      %mul3A_240 = vector.broadcast %mul3A_239 : f32 to vector<16xf32>
      %mul3A_241 = arith.mulf %mul3A_240, %add3A_232 : vector<16xf32>
      %mul3A_242 = arith.mulf %mul3A_241, %bitcast_convert_type3A_238 : vector<16xf32>
      %mul3A_243 = arith.mulf %mul3A_242, %bitcast_convert_type3A_238 : vector<16xf32>
      %sub3A_244 = arith.constant 1.500000e+00 : f32
      %sub3A_245 = vector.broadcast %sub3A_244 : f32 to vector<16xf32>
      %sub3A_246 = arith.subf %sub3A_245, %mul3A_243 : vector<16xf32>
      %mul3A_247 = arith.mulf %bitcast_convert_type3A_238, %sub3A_246 : vector<16xf32>
      %mul3A_248 = arith.constant 5.000000e-01 : f32
      %mul3A_249 = vector.broadcast %mul3A_248 : f32 to vector<16xf32>
      %mul3A_250 = arith.mulf %mul3A_249, %add3A_232 : vector<16xf32>
      %mul3A_251 = arith.mulf %mul3A_250, %mul3A_247 : vector<16xf32>
      %mul3A_252 = arith.mulf %mul3A_251, %mul3A_247 : vector<16xf32>
      %sub3A_253 = arith.constant 1.500000e+00 : f32
      %sub3A_254 = vector.broadcast %sub3A_253 : f32 to vector<16xf32>
      %sub3A_255 = arith.subf %sub3A_254, %mul3A_252 : vector<16xf32>
      %mul3A_256 = arith.mulf %mul3A_247, %sub3A_255 : vector<16xf32>
      %mul3A_257 = arith.constant 5.000000e-01 : f32
      %mul3A_258 = vector.broadcast %mul3A_257 : f32 to vector<16xf32>
      %mul3A_259 = arith.mulf %mul3A_258, %add3A_232 : vector<16xf32>
      %mul3A_260 = arith.mulf %mul3A_259, %mul3A_256 : vector<16xf32>
      %mul3A_261 = arith.mulf %mul3A_260, %mul3A_256 : vector<16xf32>
      %sub3A_262 = arith.constant 1.500000e+00 : f32
      %sub3A_263 = vector.broadcast %sub3A_262 : f32 to vector<16xf32>
      %sub3A_264 = arith.subf %sub3A_263, %mul3A_261 : vector<16xf32>
      %mul3A_265 = arith.mulf %mul3A_256, %sub3A_264 : vector<16xf32>
      %scan3A_266 = arith.constant 0 : i32
      %scan3A_267 = arith.constant 0 : i32
      %scan3A_268 = arith.constant 16 : i32
      %scan3A_269 = arith.addi %scan3A_267, %scan3A_268 : i32
      %scan3A_270 = arith.constant 1 : i32
      scf.for %scan3A_273 = %scan3A_267 to %scan3A_269 step %scan3A_270  : i32 {
        %mul3A_274 = arith.constant 4 : i32
        %mul3A_275 = arith.muli %scan3A_273, %mul3A_274 : i32
        %add3A_276 = arith.constant 0 : i32
        %add3A_277 = arith.addi %mul3A_275, %add3A_276 : i32
        %mul3A_278 = arith.constant 16 : i32
        %mul3A_279 = arith.muli %add3A_277, %mul3A_278 : i32
        %get3A = arith.index_cast %scan3A_172 : i32 to index
        %get3A_280 = arith.index_cast %mul3A_279 : i32 to index
        %get3A_281 = tpu.vector_load %arg9[%get3A, %get3A_280] {strides = array<i32>} : memref<32x1024xf32, #tpu.memory_space<vmem>>, vector<1x16xf32>,
        %get3A_282 = vector.shape_cast %get3A_281 : vector<1x16xf32> to vector<16xf32>
        %sub3A_283 = arith.subf %get3A_282, %mul3A_226 : vector<16xf32>
        %mul3A_284 = arith.mulf %sub3A_283, %mul3A_265 : vector<16xf32>
        %get3A_285 = arith.index_cast %mul3A_279 : i32 to index
        %get3A_286 = tpu.vector_load %arg11[%get3A_285] {strides = array<i32>} : memref<1024xf32, #tpu.memory_space<vmem>>, vector<16xf32>,
        %get3A_287 = vector.shape_cast %get3A_286 : vector<16xf32> to vector<16xf32>
        %mul3A_288 = arith.mulf %mul3A_284, %get3A_287 : vector<16xf32>
        %get3A_289 = arith.index_cast %mul3A_279 : i32 to index
        %get3A_290 = tpu.vector_load %arg12[%get3A_289] {strides = array<i32>} : memref<1024xf32, #tpu.memory_space<vmem>>, vector<16xf32>,
        %get3A_291 = vector.shape_cast %get3A_290 : vector<16xf32> to vector<16xf32>
        %add3A_292 = arith.addf %mul3A_288, %get3A_291 : vector<16xf32>
        %swap3A = arith.index_cast %scan3A_172 : i32 to index
        %swap3A_293 = arith.index_cast %mul3A_279 : i32 to index
        %swap3A_294 = tpu.vector_load %arg9[%swap3A, %swap3A_293] {strides = array<i32>} : memref<32x1024xf32, #tpu.memory_space<vmem>>, vector<1x16xf32>,
        %swap3A_295 = vector.shape_cast %swap3A_294 : vector<1x16xf32> to vector<16xf32>
        %swap3A_296 = vector.shape_cast %add3A_292 : vector<16xf32> to vector<1x16xf32>
        tpu.vector_store %arg9[%swap3A, %swap3A_293], %swap3A_296 {strides = array<i32>} : memref<32x1024xf32, #tpu.memory_space<vmem>>, vector<1x16xf32>,
        %mul3A_297 = arith.constant 4 : i32
        %mul3A_298 = arith.muli %scan3A_273, %mul3A_297 : i32
        %add3A_299 = arith.constant 1 : i32
        %add3A_300 = arith.addi %mul3A_298, %add3A_299 : i32
        %mul3A_301 = arith.constant 16 : i32
        %mul3A_302 = arith.muli %add3A_300, %mul3A_301 : i32
        %get3A_303 = arith.index_cast %scan3A_172 : i32 to index
        %get3A_304 = arith.index_cast %mul3A_302 : i32 to index
        %get3A_305 = tpu.vector_load %arg9[%get3A_303, %get3A_304] {strides = array<i32>} : memref<32x1024xf32, #tpu.memory_space<vmem>>, vector<1x16xf32>,
        %get3A_306 = vector.shape_cast %get3A_305 : vector<1x16xf32> to vector<16xf32>
        %sub3A_307 = arith.subf %get3A_306, %mul3A_226 : vector<16xf32>
        %mul3A_308 = arith.mulf %sub3A_307, %mul3A_265 : vector<16xf32>
        %get3A_309 = arith.index_cast %mul3A_302 : i32 to index
        %get3A_310 = tpu.vector_load %arg11[%get3A_309] {strides = array<i32>} : memref<1024xf32, #tpu.memory_space<vmem>>, vector<16xf32>,
        %get3A_311 = vector.shape_cast %get3A_310 : vector<16xf32> to vector<16xf32>
        %mul3A_312 = arith.mulf %mul3A_308, %get3A_311 : vector<16xf32>
        %get3A_313 = arith.index_cast %mul3A_302 : i32 to index
        %get3A_314 = tpu.vector_load %arg12[%get3A_313] {strides = array<i32>} : memref<1024xf32, #tpu.memory_space<vmem>>, vector<16xf32>,
        %get3A_315 = vector.shape_cast %get3A_314 : vector<16xf32> to vector<16xf32>
        %add3A_316 = arith.addf %mul3A_312, %get3A_315 : vector<16xf32>
        %swap3A_317 = arith.index_cast %scan3A_172 : i32 to index
        %swap3A_318 = arith.index_cast %mul3A_302 : i32 to index
        %swap3A_319 = tpu.vector_load %arg9[%swap3A_317, %swap3A_318] {strides = array<i32>} : memref<32x1024xf32, #tpu.memory_space<vmem>>, vector<1x16xf32>,
        %swap3A_320 = vector.shape_cast %swap3A_319 : vector<1x16xf32> to vector<16xf32>
        %swap3A_321 = vector.shape_cast %add3A_316 : vector<16xf32> to vector<1x16xf32>
        tpu.vector_store %arg9[%swap3A_317, %swap3A_318], %swap3A_321 {strides = array<i32>} : memref<32x1024xf32, #tpu.memory_space<vmem>>, vector<1x16xf32>,
        %mul3A_322 = arith.constant 4 : i32
        %mul3A_323 = arith.muli %scan3A_273, %mul3A_322 : i32
        %add3A_324 = arith.constant 2 : i32
        %add3A_325 = arith.addi %mul3A_323, %add3A_324 : i32
        %mul3A_326 = arith.constant 16 : i32
        %mul3A_327 = arith.muli %add3A_325, %mul3A_326 : i32
        %get3A_328 = arith.index_cast %scan3A_172 : i32 to index
        %get3A_329 = arith.index_cast %mul3A_327 : i32 to index
        %get3A_330 = tpu.vector_load %arg9[%get3A_328, %get3A_329] {strides = array<i32>} : memref<32x1024xf32, #tpu.memory_space<vmem>>, vector<1x16xf32>,
        %get3A_331 = vector.shape_cast %get3A_330 : vector<1x16xf32> to vector<16xf32>
        %sub3A_332 = arith.subf %get3A_331, %mul3A_226 : vector<16xf32>
        %mul3A_333 = arith.mulf %sub3A_332, %mul3A_265 : vector<16xf32>
        %get3A_334 = arith.index_cast %mul3A_327 : i32 to index
        %get3A_335 = tpu.vector_load %arg11[%get3A_334] {strides = array<i32>} : memref<1024xf32, #tpu.memory_space<vmem>>, vector<16xf32>,
        %get3A_336 = vector.shape_cast %get3A_335 : vector<16xf32> to vector<16xf32>
        %mul3A_337 = arith.mulf %mul3A_333, %get3A_336 : vector<16xf32>
        %get3A_338 = arith.index_cast %mul3A_327 : i32 to index
        %get3A_339 = tpu.vector_load %arg12[%get3A_338] {strides = array<i32>} : memref<1024xf32, #tpu.memory_space<vmem>>, vector<16xf32>,
        %get3A_340 = vector.shape_cast %get3A_339 : vector<16xf32> to vector<16xf32>
        %add3A_341 = arith.addf %mul3A_337, %get3A_340 : vector<16xf32>
        %swap3A_342 = arith.index_cast %scan3A_172 : i32 to index
        %swap3A_343 = arith.index_cast %mul3A_327 : i32 to index
        %swap3A_344 = tpu.vector_load %arg9[%swap3A_342, %swap3A_343] {strides = array<i32>} : memref<32x1024xf32, #tpu.memory_space<vmem>>, vector<1x16xf32>,
        %swap3A_345 = vector.shape_cast %swap3A_344 : vector<1x16xf32> to vector<16xf32>
        %swap3A_346 = vector.shape_cast %add3A_341 : vector<16xf32> to vector<1x16xf32>
        tpu.vector_store %arg9[%swap3A_342, %swap3A_343], %swap3A_346 {strides = array<i32>} : memref<32x1024xf32, #tpu.memory_space<vmem>>, vector<1x16xf32>,
        %mul3A_347 = arith.constant 4 : i32
        %mul3A_348 = arith.muli %scan3A_273, %mul3A_347 : i32
        %add3A_349 = arith.constant 3 : i32
        %add3A_350 = arith.addi %mul3A_348, %add3A_349 : i32
        %mul3A_351 = arith.constant 16 : i32
        %mul3A_352 = arith.muli %add3A_350, %mul3A_351 : i32
        %get3A_353 = arith.index_cast %scan3A_172 : i32 to index
        %get3A_354 = arith.index_cast %mul3A_352 : i32 to index
        %get3A_355 = tpu.vector_load %arg9[%get3A_353, %get3A_354] {strides = array<i32>} : memref<32x1024xf32, #tpu.memory_space<vmem>>, vector<1x16xf32>,
        %get3A_356 = vector.shape_cast %get3A_355 : vector<1x16xf32> to vector<16xf32>
        %sub3A_357 = arith.subf %get3A_356, %mul3A_226 : vector<16xf32>
        %mul3A_358 = arith.mulf %sub3A_357, %mul3A_265 : vector<16xf32>
        %get3A_359 = arith.index_cast %mul3A_352 : i32 to index
        %get3A_360 = tpu.vector_load %arg11[%get3A_359] {strides = array<i32>} : memref<1024xf32, #tpu.memory_space<vmem>>, vector<16xf32>,
        %get3A_361 = vector.shape_cast %get3A_360 : vector<16xf32> to vector<16xf32>
        %mul3A_362 = arith.mulf %mul3A_358, %get3A_361 : vector<16xf32>
        %get3A_363 = arith.index_cast %mul3A_352 : i32 to index
        %get3A_364 = tpu.vector_load %arg12[%get3A_363] {strides = array<i32>} : memref<1024xf32, #tpu.memory_space<vmem>>, vector<16xf32>,
        %get3A_365 = vector.shape_cast %get3A_364 : vector<16xf32> to vector<16xf32>
        %add3A_366 = arith.addf %mul3A_362, %get3A_365 : vector<16xf32>
        %swap3A_367 = arith.index_cast %scan3A_172 : i32 to index
        %swap3A_368 = arith.index_cast %mul3A_352 : i32 to index
        %swap3A_369 = tpu.vector_load %arg9[%swap3A_367, %swap3A_368] {strides = array<i32>} : memref<32x1024xf32, #tpu.memory_space<vmem>>, vector<1x16xf32>,
        %swap3A_370 = vector.shape_cast %swap3A_369 : vector<1x16xf32> to vector<16xf32>
        %swap3A_371 = vector.shape_cast %add3A_366 : vector<16xf32> to vector<1x16xf32>
        tpu.vector_store %arg9[%swap3A_367, %swap3A_368], %swap3A_371 {strides = array<i32>} : memref<32x1024xf32, #tpu.memory_space<vmem>>, vector<1x16xf32>,
      }
      %scan3A_271 = arith.constant 16 : i32
      %scan3A_272 = arith.constant 0 : i32
      scf.yield %scan3A_272 : i32
    }
    %scan3A_129 = arith.constant 32 : i32
    %add3A_130 = arith.constant 160 : i32
    %add3A_131 = arith.addi %mul3A_2, %add3A_130 : i32
    "tpu.region"() ({
      %run_scoped3A = tpu.sem_alloc : memref<!tpu.dma_semaphore, #tpu.memory_space<semaphore_mem>>
      %dma_start3A_172 = arith.constant 0 : i32
      %dma_start3A_173 = tpu.memref_slice %arg7[%add3A_131, %dma_start3A_172] : memref<8192x1024xf32, #tpu.memory_space<hbm>> -> memref<32x1024xf32, #tpu.memory_space<hbm>>
      %dma_start3A_174 = arith.constant 0 : i32
      %dma_start3A_175 = tpu.memref_slice %arg7[%add3A_131, %dma_start3A_174] : memref<8192x1024xf32, #tpu.memory_space<hbm>> -> memref<32x1024xf32, #tpu.memory_space<hbm>>
      tpu.enqueue_dma source(%arg9 : memref<32x1024xf32, #tpu.memory_space<vmem>>) target(%dma_start3A_175 : memref<32x1024xf32, #tpu.memory_space<hbm>>) target_semaphore(%run_scoped3A : memref<!tpu.dma_semaphore, #tpu.memory_space<semaphore_mem>>)
      %dma_wait3A_176 = arith.constant 0 : i32
      %dma_wait3A_177 = tpu.memref_slice %arg7[%add3A_131, %dma_wait3A_176] : memref<8192x1024xf32, #tpu.memory_space<hbm>> -> memref<32x1024xf32, #tpu.memory_space<hbm>>
      %dma_wait3A_178 = arith.constant 0 : i32
      %dma_wait3A_179 = tpu.memref_slice %arg7[%add3A_131, %dma_wait3A_178] : memref<8192x1024xf32, #tpu.memory_space<hbm>> -> memref<32x1024xf32, #tpu.memory_space<hbm>>
      tpu.wait_dma2 semaphore(%run_scoped3A : memref<!tpu.dma_semaphore, #tpu.memory_space<semaphore_mem>>) src(%arg9 : memref<32x1024xf32, #tpu.memory_space<vmem>>) dst(%dma_wait3A_179 : memref<32x1024xf32, #tpu.memory_space<hbm>>)
      tpu.yield
    }) : () -> ()
    %add3A_132 = arith.constant 192 : i32
    %add3A_133 = arith.addi %mul3A_2, %add3A_132 : i32
    "tpu.region"() ({
      %run_scoped3A = tpu.sem_alloc : memref<!tpu.dma_semaphore, #tpu.memory_space<semaphore_mem>>
      %dma_start3A_172 = tpu.memref_slice %arg2[%add3A_133] : memref<8192xi32, #tpu.memory_space<hbm>> -> memref<32xi32, #tpu.memory_space<hbm>>
      %dma_start3A_173 = tpu.memref_slice %arg2[%add3A_133] : memref<8192xi32, #tpu.memory_space<hbm>> -> memref<32xi32, #tpu.memory_space<hbm>>
      tpu.enqueue_dma source(%dma_start3A_173 : memref<32xi32, #tpu.memory_space<hbm>>) target(%arg8 : memref<32xi32, #tpu.memory_space<vmem>>) target_semaphore(%run_scoped3A : memref<!tpu.dma_semaphore, #tpu.memory_space<semaphore_mem>>)
      %dma_wait3A_174 = tpu.memref_slice %arg2[%add3A_133] : memref<8192xi32, #tpu.memory_space<hbm>> -> memref<32xi32, #tpu.memory_space<hbm>>
      %dma_wait3A_175 = tpu.memref_slice %arg2[%add3A_133] : memref<8192xi32, #tpu.memory_space<hbm>> -> memref<32xi32, #tpu.memory_space<hbm>>
      tpu.wait_dma2 semaphore(%run_scoped3A : memref<!tpu.dma_semaphore, #tpu.memory_space<semaphore_mem>>) src(%dma_wait3A_175 : memref<32xi32, #tpu.memory_space<hbm>>) dst(%arg8 : memref<32xi32, #tpu.memory_space<vmem>>)
      tpu.yield
    }) : () -> ()
    %add3A_134 = arith.constant 192 : i32
    %add3A_135 = arith.addi %mul3A_13, %add3A_134 : i32
    "tpu.region"() ({
      %run_scoped3A = tpu.sem_alloc : memref<!tpu.dma_semaphore, #tpu.memory_space<semaphore_mem>>
      %dma_start3A_172 = arith.constant 0 : i32
      %dma_start3A_173 = tpu.memref_slice %arg4[%add3A_135, %dma_start3A_172] : memref<2048x1024xf32, #tpu.memory_space<hbm>> -> memref<32x1024xf32, #tpu.memory_space<hbm>>
      %dma_start3A_174 = arith.constant 0 : i32
      %dma_start3A_175 = tpu.memref_slice %arg4[%add3A_135, %dma_start3A_174] : memref<2048x1024xf32, #tpu.memory_space<hbm>> -> memref<32x1024xf32, #tpu.memory_space<hbm>>
      tpu.enqueue_dma source(%dma_start3A_175 : memref<32x1024xf32, #tpu.memory_space<hbm>>) target(%arg10 : memref<32x1024xf32, #tpu.memory_space<vmem>>) target_semaphore(%run_scoped3A : memref<!tpu.dma_semaphore, #tpu.memory_space<semaphore_mem>>)
      %dma_wait3A_176 = arith.constant 0 : i32
      %dma_wait3A_177 = tpu.memref_slice %arg4[%add3A_135, %dma_wait3A_176] : memref<2048x1024xf32, #tpu.memory_space<hbm>> -> memref<32x1024xf32, #tpu.memory_space<hbm>>
      %dma_wait3A_178 = arith.constant 0 : i32
      %dma_wait3A_179 = tpu.memref_slice %arg4[%add3A_135, %dma_wait3A_178] : memref<2048x1024xf32, #tpu.memory_space<hbm>> -> memref<32x1024xf32, #tpu.memory_space<hbm>>
      tpu.wait_dma2 semaphore(%run_scoped3A : memref<!tpu.dma_semaphore, #tpu.memory_space<semaphore_mem>>) src(%dma_wait3A_179 : memref<32x1024xf32, #tpu.memory_space<hbm>>) dst(%arg10 : memref<32x1024xf32, #tpu.memory_space<vmem>>)
      tpu.yield
    }) : () -> ()
    %dma_start3A_136 = arith.constant 0 : i32
    %dma_start3A_137 = arith.constant 0 : i32
    %dma_start3A_138 = tpu.memref_slice %arg3[%dma_start3A_136, %dma_start3A_137] : memref<100000x1024xf32, #tpu.memory_space<hbm>> -> memref<100000x1024xf32, #tpu.memory_space<hbm>>
    tpu.enqueue_indirect_dma source(%dma_start3A_138 : memref<100000x1024xf32, #tpu.memory_space<hbm>>) target(%arg9 : memref<32x1024xf32, #tpu.memory_space<vmem>>) offsets(%arg8 : memref<32xi32, #tpu.memory_space<vmem>>) semaphore(%arg13 : memref<!tpu.dma_semaphore, #tpu.memory_space<semaphore_mem>>)
    %dma_wait3A_139 = arith.constant 0 : i32
    %dma_wait3A_140 = arith.constant 0 : i32
    %dma_wait3A_141 = tpu.memref_slice %arg3[%dma_wait3A_139, %dma_wait3A_140] : memref<100000x1024xf32, #tpu.memory_space<hbm>> -> memref<100000x1024xf32, #tpu.memory_space<hbm>>
    tpu.wait_indirect_dma semaphore(%arg13 : memref<!tpu.dma_semaphore, #tpu.memory_space<semaphore_mem>>) src(%dma_wait3A_141 : memref<100000x1024xf32, #tpu.memory_space<hbm>>) dst(%arg9 : memref<32x1024xf32, #tpu.memory_space<vmem>>)
    %scan3A_142 = arith.constant 9.765625E-4 : f32
    %scan3A_143 = arith.constant 0 : i32
    %scan3A_144 = arith.constant 0 : i32
    %scan3A_145 = arith.constant 32 : i32
    %scan3A_146 = arith.addi %scan3A_144, %scan3A_145 : i32
    %scan3A_147 = arith.constant 1 : i32
    %scan3A_148 = scf.for %scan3A_172 = %scan3A_144 to %scan3A_146 step %scan3A_147 iter_args(%scan3A_173 = %scan3A_143) -> (i32)  : i32 {
      %scan3A_174 = arith.constant 0 : i32
      %scan3A_175 = arith.constant 16 : i32
      %scan3A_176 = arith.addi %scan3A_174, %scan3A_175 : i32
      %scan3A_177 = arith.constant 1 : i32
      %scan3A_178:2 = scf.for %scan3A_273 = %scan3A_174 to %scan3A_176 step %scan3A_177 iter_args(%scan3A_274 = %broadcast_in_dim3A_14, %scan3A_275 = %broadcast_in_dim3A_14) -> (vector<16xf32>, vector<16xf32>)  : i32 {
        %mul3A_276 = arith.constant 4 : i32
        %mul3A_277 = arith.muli %scan3A_273, %mul3A_276 : i32
        %add3A_278 = arith.constant 0 : i32
        %add3A_279 = arith.addi %mul3A_277, %add3A_278 : i32
        %mul3A_280 = arith.constant 16 : i32
        %mul3A_281 = arith.muli %add3A_279, %mul3A_280 : i32
        %get3A = arith.index_cast %scan3A_172 : i32 to index
        %get3A_282 = arith.index_cast %mul3A_281 : i32 to index
        %get3A_283 = tpu.vector_load %arg9[%get3A, %get3A_282] {strides = array<i32>} : memref<32x1024xf32, #tpu.memory_space<vmem>>, vector<1x16xf32>,
        %get3A_284 = vector.shape_cast %get3A_283 : vector<1x16xf32> to vector<16xf32>
        %get3A_285 = arith.index_cast %scan3A_172 : i32 to index
        %get3A_286 = arith.index_cast %mul3A_281 : i32 to index
        %get3A_287 = tpu.vector_load %arg10[%get3A_285, %get3A_286] {strides = array<i32>} : memref<32x1024xf32, #tpu.memory_space<vmem>>, vector<1x16xf32>,
        %get3A_288 = vector.shape_cast %get3A_287 : vector<1x16xf32> to vector<16xf32>
        %add3A_289 = arith.addf %get3A_284, %get3A_288 : vector<16xf32>
        %swap3A = arith.index_cast %scan3A_172 : i32 to index
        %swap3A_290 = arith.index_cast %mul3A_281 : i32 to index
        %swap3A_291 = tpu.vector_load %arg9[%swap3A, %swap3A_290] {strides = array<i32>} : memref<32x1024xf32, #tpu.memory_space<vmem>>, vector<1x16xf32>,
        %swap3A_292 = vector.shape_cast %swap3A_291 : vector<1x16xf32> to vector<16xf32>
        %swap3A_293 = vector.shape_cast %add3A_289 : vector<16xf32> to vector<1x16xf32>
        tpu.vector_store %arg9[%swap3A, %swap3A_290], %swap3A_293 {strides = array<i32>} : memref<32x1024xf32, #tpu.memory_space<vmem>>, vector<1x16xf32>,
        %add3A_294 = arith.addf %scan3A_274, %add3A_289 : vector<16xf32>
        %mul3A_295 = arith.mulf %add3A_289, %add3A_289 : vector<16xf32>
        %add3A_296 = arith.addf %scan3A_275, %mul3A_295 : vector<16xf32>
        %mul3A_297 = arith.constant 4 : i32
        %mul3A_298 = arith.muli %scan3A_273, %mul3A_297 : i32
        %add3A_299 = arith.constant 1 : i32
        %add3A_300 = arith.addi %mul3A_298, %add3A_299 : i32
        %mul3A_301 = arith.constant 16 : i32
        %mul3A_302 = arith.muli %add3A_300, %mul3A_301 : i32
        %get3A_303 = arith.index_cast %scan3A_172 : i32 to index
        %get3A_304 = arith.index_cast %mul3A_302 : i32 to index
        %get3A_305 = tpu.vector_load %arg9[%get3A_303, %get3A_304] {strides = array<i32>} : memref<32x1024xf32, #tpu.memory_space<vmem>>, vector<1x16xf32>,
        %get3A_306 = vector.shape_cast %get3A_305 : vector<1x16xf32> to vector<16xf32>
        %get3A_307 = arith.index_cast %scan3A_172 : i32 to index
        %get3A_308 = arith.index_cast %mul3A_302 : i32 to index
        %get3A_309 = tpu.vector_load %arg10[%get3A_307, %get3A_308] {strides = array<i32>} : memref<32x1024xf32, #tpu.memory_space<vmem>>, vector<1x16xf32>,
        %get3A_310 = vector.shape_cast %get3A_309 : vector<1x16xf32> to vector<16xf32>
        %add3A_311 = arith.addf %get3A_306, %get3A_310 : vector<16xf32>
        %swap3A_312 = arith.index_cast %scan3A_172 : i32 to index
        %swap3A_313 = arith.index_cast %mul3A_302 : i32 to index
        %swap3A_314 = tpu.vector_load %arg9[%swap3A_312, %swap3A_313] {strides = array<i32>} : memref<32x1024xf32, #tpu.memory_space<vmem>>, vector<1x16xf32>,
        %swap3A_315 = vector.shape_cast %swap3A_314 : vector<1x16xf32> to vector<16xf32>
        %swap3A_316 = vector.shape_cast %add3A_311 : vector<16xf32> to vector<1x16xf32>
        tpu.vector_store %arg9[%swap3A_312, %swap3A_313], %swap3A_316 {strides = array<i32>} : memref<32x1024xf32, #tpu.memory_space<vmem>>, vector<1x16xf32>,
        %add3A_317 = arith.addf %add3A_294, %add3A_311 : vector<16xf32>
        %mul3A_318 = arith.mulf %add3A_311, %add3A_311 : vector<16xf32>
        %add3A_319 = arith.addf %add3A_296, %mul3A_318 : vector<16xf32>
        %mul3A_320 = arith.constant 4 : i32
        %mul3A_321 = arith.muli %scan3A_273, %mul3A_320 : i32
        %add3A_322 = arith.constant 2 : i32
        %add3A_323 = arith.addi %mul3A_321, %add3A_322 : i32
        %mul3A_324 = arith.constant 16 : i32
        %mul3A_325 = arith.muli %add3A_323, %mul3A_324 : i32
        %get3A_326 = arith.index_cast %scan3A_172 : i32 to index
        %get3A_327 = arith.index_cast %mul3A_325 : i32 to index
        %get3A_328 = tpu.vector_load %arg9[%get3A_326, %get3A_327] {strides = array<i32>} : memref<32x1024xf32, #tpu.memory_space<vmem>>, vector<1x16xf32>,
        %get3A_329 = vector.shape_cast %get3A_328 : vector<1x16xf32> to vector<16xf32>
        %get3A_330 = arith.index_cast %scan3A_172 : i32 to index
        %get3A_331 = arith.index_cast %mul3A_325 : i32 to index
        %get3A_332 = tpu.vector_load %arg10[%get3A_330, %get3A_331] {strides = array<i32>} : memref<32x1024xf32, #tpu.memory_space<vmem>>, vector<1x16xf32>,
        %get3A_333 = vector.shape_cast %get3A_332 : vector<1x16xf32> to vector<16xf32>
        %add3A_334 = arith.addf %get3A_329, %get3A_333 : vector<16xf32>
        %swap3A_335 = arith.index_cast %scan3A_172 : i32 to index
        %swap3A_336 = arith.index_cast %mul3A_325 : i32 to index
        %swap3A_337 = tpu.vector_load %arg9[%swap3A_335, %swap3A_336] {strides = array<i32>} : memref<32x1024xf32, #tpu.memory_space<vmem>>, vector<1x16xf32>,
        %swap3A_338 = vector.shape_cast %swap3A_337 : vector<1x16xf32> to vector<16xf32>
        %swap3A_339 = vector.shape_cast %add3A_334 : vector<16xf32> to vector<1x16xf32>
        tpu.vector_store %arg9[%swap3A_335, %swap3A_336], %swap3A_339 {strides = array<i32>} : memref<32x1024xf32, #tpu.memory_space<vmem>>, vector<1x16xf32>,
        %add3A_340 = arith.addf %add3A_317, %add3A_334 : vector<16xf32>
        %mul3A_341 = arith.mulf %add3A_334, %add3A_334 : vector<16xf32>
        %add3A_342 = arith.addf %add3A_319, %mul3A_341 : vector<16xf32>
        %mul3A_343 = arith.constant 4 : i32
        %mul3A_344 = arith.muli %scan3A_273, %mul3A_343 : i32
        %add3A_345 = arith.constant 3 : i32
        %add3A_346 = arith.addi %mul3A_344, %add3A_345 : i32
        %mul3A_347 = arith.constant 16 : i32
        %mul3A_348 = arith.muli %add3A_346, %mul3A_347 : i32
        %get3A_349 = arith.index_cast %scan3A_172 : i32 to index
        %get3A_350 = arith.index_cast %mul3A_348 : i32 to index
        %get3A_351 = tpu.vector_load %arg9[%get3A_349, %get3A_350] {strides = array<i32>} : memref<32x1024xf32, #tpu.memory_space<vmem>>, vector<1x16xf32>,
        %get3A_352 = vector.shape_cast %get3A_351 : vector<1x16xf32> to vector<16xf32>
        %get3A_353 = arith.index_cast %scan3A_172 : i32 to index
        %get3A_354 = arith.index_cast %mul3A_348 : i32 to index
        %get3A_355 = tpu.vector_load %arg10[%get3A_353, %get3A_354] {strides = array<i32>} : memref<32x1024xf32, #tpu.memory_space<vmem>>, vector<1x16xf32>,
        %get3A_356 = vector.shape_cast %get3A_355 : vector<1x16xf32> to vector<16xf32>
        %add3A_357 = arith.addf %get3A_352, %get3A_356 : vector<16xf32>
        %swap3A_358 = arith.index_cast %scan3A_172 : i32 to index
        %swap3A_359 = arith.index_cast %mul3A_348 : i32 to index
        %swap3A_360 = tpu.vector_load %arg9[%swap3A_358, %swap3A_359] {strides = array<i32>} : memref<32x1024xf32, #tpu.memory_space<vmem>>, vector<1x16xf32>,
        %swap3A_361 = vector.shape_cast %swap3A_360 : vector<1x16xf32> to vector<16xf32>
        %swap3A_362 = vector.shape_cast %add3A_357 : vector<16xf32> to vector<1x16xf32>
        tpu.vector_store %arg9[%swap3A_358, %swap3A_359], %swap3A_362 {strides = array<i32>} : memref<32x1024xf32, #tpu.memory_space<vmem>>, vector<1x16xf32>,
        %add3A_363 = arith.addf %add3A_340, %add3A_357 : vector<16xf32>
        %mul3A_364 = arith.mulf %add3A_357, %add3A_357 : vector<16xf32>
        %add3A_365 = arith.addf %add3A_342, %mul3A_364 : vector<16xf32>
        scf.yield %add3A_363, %add3A_365 : vector<16xf32>, vector<16xf32>
      }
      %scan3A_179 = arith.constant 16 : i32
      %iota3A = tpu.iota {dimensions = array<i32: 0>} : vector<16xi32>
      %xor3A = arith.constant 8 : i32
      %xor3A_180 = vector.broadcast %xor3A : i32 to vector<16xi32>
      %xor3A_181 = arith.xori %iota3A, %xor3A_180 : vector<16xi32>
      %broadcast_in_dim3A_182 = vector.shape_cast %xor3A_181 : vector<16xi32> to vector<16x1xi32>
      %gather3A = vector.shape_cast %broadcast_in_dim3A_182 : vector<16x1xi32> to vector<16xi32>
      %gather3A_183 = tpu.dynamic_gather %scan3A_178#0[%gather3A] in [0] : vector<16xf32>, vector<16xi32> -> vector<16xf32>
      %add3A_184 = arith.addf %scan3A_178#0, %gather3A_183 : vector<16xf32>
      %broadcast_in_dim3A_185 = vector.shape_cast %xor3A_181 : vector<16xi32> to vector<16x1xi32>
      %gather3A_186 = vector.shape_cast %broadcast_in_dim3A_185 : vector<16x1xi32> to vector<16xi32>
      %gather3A_187 = tpu.dynamic_gather %scan3A_178#1[%gather3A_186] in [0] : vector<16xf32>, vector<16xi32> -> vector<16xf32>
      %add3A_188 = arith.addf %scan3A_178#1, %gather3A_187 : vector<16xf32>
      %iota3A_189 = tpu.iota {dimensions = array<i32: 0>} : vector<16xi32>
      %xor3A_190 = arith.constant 4 : i32
      %xor3A_191 = vector.broadcast %xor3A_190 : i32 to vector<16xi32>
      %xor3A_192 = arith.xori %iota3A_189, %xor3A_191 : vector<16xi32>
      %broadcast_in_dim3A_193 = vector.shape_cast %xor3A_192 : vector<16xi32> to vector<16x1xi32>
      %gather3A_194 = vector.shape_cast %broadcast_in_dim3A_193 : vector<16x1xi32> to vector<16xi32>
      %gather3A_195 = tpu.dynamic_gather %add3A_184[%gather3A_194] in [0] : vector<16xf32>, vector<16xi32> -> vector<16xf32>
      %add3A_196 = arith.addf %add3A_184, %gather3A_195 : vector<16xf32>
      %broadcast_in_dim3A_197 = vector.shape_cast %xor3A_192 : vector<16xi32> to vector<16x1xi32>
      %gather3A_198 = vector.shape_cast %broadcast_in_dim3A_197 : vector<16x1xi32> to vector<16xi32>
      %gather3A_199 = tpu.dynamic_gather %add3A_188[%gather3A_198] in [0] : vector<16xf32>, vector<16xi32> -> vector<16xf32>
      %add3A_200 = arith.addf %add3A_188, %gather3A_199 : vector<16xf32>
      %iota3A_201 = tpu.iota {dimensions = array<i32: 0>} : vector<16xi32>
      %xor3A_202 = arith.constant 2 : i32
      %xor3A_203 = vector.broadcast %xor3A_202 : i32 to vector<16xi32>
      %xor3A_204 = arith.xori %iota3A_201, %xor3A_203 : vector<16xi32>
      %broadcast_in_dim3A_205 = vector.shape_cast %xor3A_204 : vector<16xi32> to vector<16x1xi32>
      %gather3A_206 = vector.shape_cast %broadcast_in_dim3A_205 : vector<16x1xi32> to vector<16xi32>
      %gather3A_207 = tpu.dynamic_gather %add3A_196[%gather3A_206] in [0] : vector<16xf32>, vector<16xi32> -> vector<16xf32>
      %add3A_208 = arith.addf %add3A_196, %gather3A_207 : vector<16xf32>
      %broadcast_in_dim3A_209 = vector.shape_cast %xor3A_204 : vector<16xi32> to vector<16x1xi32>
      %gather3A_210 = vector.shape_cast %broadcast_in_dim3A_209 : vector<16x1xi32> to vector<16xi32>
      %gather3A_211 = tpu.dynamic_gather %add3A_200[%gather3A_210] in [0] : vector<16xf32>, vector<16xi32> -> vector<16xf32>
      %add3A_212 = arith.addf %add3A_200, %gather3A_211 : vector<16xf32>
      %iota3A_213 = tpu.iota {dimensions = array<i32: 0>} : vector<16xi32>
      %xor3A_214 = arith.constant 1 : i32
      %xor3A_215 = vector.broadcast %xor3A_214 : i32 to vector<16xi32>
      %xor3A_216 = arith.xori %iota3A_213, %xor3A_215 : vector<16xi32>
      %broadcast_in_dim3A_217 = vector.shape_cast %xor3A_216 : vector<16xi32> to vector<16x1xi32>
      %gather3A_218 = vector.shape_cast %broadcast_in_dim3A_217 : vector<16x1xi32> to vector<16xi32>
      %gather3A_219 = tpu.dynamic_gather %add3A_208[%gather3A_218] in [0] : vector<16xf32>, vector<16xi32> -> vector<16xf32>
      %add3A_220 = arith.addf %add3A_208, %gather3A_219 : vector<16xf32>
      %broadcast_in_dim3A_221 = vector.shape_cast %xor3A_216 : vector<16xi32> to vector<16x1xi32>
      %gather3A_222 = vector.shape_cast %broadcast_in_dim3A_221 : vector<16x1xi32> to vector<16xi32>
      %gather3A_223 = tpu.dynamic_gather %add3A_212[%gather3A_222] in [0] : vector<16xf32>, vector<16xi32> -> vector<16xf32>
      %add3A_224 = arith.addf %add3A_212, %gather3A_223 : vector<16xf32>
      %mul3A_225 = vector.broadcast %scan3A_142 : f32 to vector<16xf32>
      %mul3A_226 = arith.mulf %add3A_220, %mul3A_225 : vector<16xf32>
      %mul3A_227 = vector.broadcast %scan3A_142 : f32 to vector<16xf32>
      %mul3A_228 = arith.mulf %add3A_224, %mul3A_227 : vector<16xf32>
      %mul3A_229 = arith.mulf %mul3A_226, %mul3A_226 : vector<16xf32>
      %sub3A = arith.subf %mul3A_228, %mul3A_229 : vector<16xf32>
      %add3A_230 = arith.constant 9.99999974E-6 : f32
      %add3A_231 = vector.broadcast %add3A_230 : f32 to vector<16xf32>
      %add3A_232 = arith.addf %sub3A, %add3A_231 : vector<16xf32>
      %bitcast_convert_type3A = tpu.bitcast %add3A_232 : vector<16xf32> -> vector<16xi32>
      %shift_right_arithmetic3A = arith.constant 1 : i32
      %shift_right_arithmetic3A_233 = vector.broadcast %shift_right_arithmetic3A : i32 to vector<16xi32>
      %shift_right_arithmetic3A_234 = arith.shrsi %bitcast_convert_type3A, %shift_right_arithmetic3A_233 : vector<16xi32>
      %sub3A_235 = arith.constant 1597463007 : i32
      %sub3A_236 = vector.broadcast %sub3A_235 : i32 to vector<16xi32>
      %sub3A_237 = arith.subi %sub3A_236, %shift_right_arithmetic3A_234 : vector<16xi32>
      %bitcast_convert_type3A_238 = tpu.bitcast %sub3A_237 : vector<16xi32> -> vector<16xf32>
      %mul3A_239 = arith.constant 5.000000e-01 : f32
      %mul3A_240 = vector.broadcast %mul3A_239 : f32 to vector<16xf32>
      %mul3A_241 = arith.mulf %mul3A_240, %add3A_232 : vector<16xf32>
      %mul3A_242 = arith.mulf %mul3A_241, %bitcast_convert_type3A_238 : vector<16xf32>
      %mul3A_243 = arith.mulf %mul3A_242, %bitcast_convert_type3A_238 : vector<16xf32>
      %sub3A_244 = arith.constant 1.500000e+00 : f32
      %sub3A_245 = vector.broadcast %sub3A_244 : f32 to vector<16xf32>
      %sub3A_246 = arith.subf %sub3A_245, %mul3A_243 : vector<16xf32>
      %mul3A_247 = arith.mulf %bitcast_convert_type3A_238, %sub3A_246 : vector<16xf32>
      %mul3A_248 = arith.constant 5.000000e-01 : f32
      %mul3A_249 = vector.broadcast %mul3A_248 : f32 to vector<16xf32>
      %mul3A_250 = arith.mulf %mul3A_249, %add3A_232 : vector<16xf32>
      %mul3A_251 = arith.mulf %mul3A_250, %mul3A_247 : vector<16xf32>
      %mul3A_252 = arith.mulf %mul3A_251, %mul3A_247 : vector<16xf32>
      %sub3A_253 = arith.constant 1.500000e+00 : f32
      %sub3A_254 = vector.broadcast %sub3A_253 : f32 to vector<16xf32>
      %sub3A_255 = arith.subf %sub3A_254, %mul3A_252 : vector<16xf32>
      %mul3A_256 = arith.mulf %mul3A_247, %sub3A_255 : vector<16xf32>
      %mul3A_257 = arith.constant 5.000000e-01 : f32
      %mul3A_258 = vector.broadcast %mul3A_257 : f32 to vector<16xf32>
      %mul3A_259 = arith.mulf %mul3A_258, %add3A_232 : vector<16xf32>
      %mul3A_260 = arith.mulf %mul3A_259, %mul3A_256 : vector<16xf32>
      %mul3A_261 = arith.mulf %mul3A_260, %mul3A_256 : vector<16xf32>
      %sub3A_262 = arith.constant 1.500000e+00 : f32
      %sub3A_263 = vector.broadcast %sub3A_262 : f32 to vector<16xf32>
      %sub3A_264 = arith.subf %sub3A_263, %mul3A_261 : vector<16xf32>
      %mul3A_265 = arith.mulf %mul3A_256, %sub3A_264 : vector<16xf32>
      %scan3A_266 = arith.constant 0 : i32
      %scan3A_267 = arith.constant 0 : i32
      %scan3A_268 = arith.constant 16 : i32
      %scan3A_269 = arith.addi %scan3A_267, %scan3A_268 : i32
      %scan3A_270 = arith.constant 1 : i32
      scf.for %scan3A_273 = %scan3A_267 to %scan3A_269 step %scan3A_270  : i32 {
        %mul3A_274 = arith.constant 4 : i32
        %mul3A_275 = arith.muli %scan3A_273, %mul3A_274 : i32
        %add3A_276 = arith.constant 0 : i32
        %add3A_277 = arith.addi %mul3A_275, %add3A_276 : i32
        %mul3A_278 = arith.constant 16 : i32
        %mul3A_279 = arith.muli %add3A_277, %mul3A_278 : i32
        %get3A = arith.index_cast %scan3A_172 : i32 to index
        %get3A_280 = arith.index_cast %mul3A_279 : i32 to index
        %get3A_281 = tpu.vector_load %arg9[%get3A, %get3A_280] {strides = array<i32>} : memref<32x1024xf32, #tpu.memory_space<vmem>>, vector<1x16xf32>,
        %get3A_282 = vector.shape_cast %get3A_281 : vector<1x16xf32> to vector<16xf32>
        %sub3A_283 = arith.subf %get3A_282, %mul3A_226 : vector<16xf32>
        %mul3A_284 = arith.mulf %sub3A_283, %mul3A_265 : vector<16xf32>
        %get3A_285 = arith.index_cast %mul3A_279 : i32 to index
        %get3A_286 = tpu.vector_load %arg11[%get3A_285] {strides = array<i32>} : memref<1024xf32, #tpu.memory_space<vmem>>, vector<16xf32>,
        %get3A_287 = vector.shape_cast %get3A_286 : vector<16xf32> to vector<16xf32>
        %mul3A_288 = arith.mulf %mul3A_284, %get3A_287 : vector<16xf32>
        %get3A_289 = arith.index_cast %mul3A_279 : i32 to index
        %get3A_290 = tpu.vector_load %arg12[%get3A_289] {strides = array<i32>} : memref<1024xf32, #tpu.memory_space<vmem>>, vector<16xf32>,
        %get3A_291 = vector.shape_cast %get3A_290 : vector<16xf32> to vector<16xf32>
        %add3A_292 = arith.addf %mul3A_288, %get3A_291 : vector<16xf32>
        %swap3A = arith.index_cast %scan3A_172 : i32 to index
        %swap3A_293 = arith.index_cast %mul3A_279 : i32 to index
        %swap3A_294 = tpu.vector_load %arg9[%swap3A, %swap3A_293] {strides = array<i32>} : memref<32x1024xf32, #tpu.memory_space<vmem>>, vector<1x16xf32>,
        %swap3A_295 = vector.shape_cast %swap3A_294 : vector<1x16xf32> to vector<16xf32>
        %swap3A_296 = vector.shape_cast %add3A_292 : vector<16xf32> to vector<1x16xf32>
        tpu.vector_store %arg9[%swap3A, %swap3A_293], %swap3A_296 {strides = array<i32>} : memref<32x1024xf32, #tpu.memory_space<vmem>>, vector<1x16xf32>,
        %mul3A_297 = arith.constant 4 : i32
        %mul3A_298 = arith.muli %scan3A_273, %mul3A_297 : i32
        %add3A_299 = arith.constant 1 : i32
        %add3A_300 = arith.addi %mul3A_298, %add3A_299 : i32
        %mul3A_301 = arith.constant 16 : i32
        %mul3A_302 = arith.muli %add3A_300, %mul3A_301 : i32
        %get3A_303 = arith.index_cast %scan3A_172 : i32 to index
        %get3A_304 = arith.index_cast %mul3A_302 : i32 to index
        %get3A_305 = tpu.vector_load %arg9[%get3A_303, %get3A_304] {strides = array<i32>} : memref<32x1024xf32, #tpu.memory_space<vmem>>, vector<1x16xf32>,
        %get3A_306 = vector.shape_cast %get3A_305 : vector<1x16xf32> to vector<16xf32>
        %sub3A_307 = arith.subf %get3A_306, %mul3A_226 : vector<16xf32>
        %mul3A_308 = arith.mulf %sub3A_307, %mul3A_265 : vector<16xf32>
        %get3A_309 = arith.index_cast %mul3A_302 : i32 to index
        %get3A_310 = tpu.vector_load %arg11[%get3A_309] {strides = array<i32>} : memref<1024xf32, #tpu.memory_space<vmem>>, vector<16xf32>,
        %get3A_311 = vector.shape_cast %get3A_310 : vector<16xf32> to vector<16xf32>
        %mul3A_312 = arith.mulf %mul3A_308, %get3A_311 : vector<16xf32>
        %get3A_313 = arith.index_cast %mul3A_302 : i32 to index
        %get3A_314 = tpu.vector_load %arg12[%get3A_313] {strides = array<i32>} : memref<1024xf32, #tpu.memory_space<vmem>>, vector<16xf32>,
        %get3A_315 = vector.shape_cast %get3A_314 : vector<16xf32> to vector<16xf32>
        %add3A_316 = arith.addf %mul3A_312, %get3A_315 : vector<16xf32>
        %swap3A_317 = arith.index_cast %scan3A_172 : i32 to index
        %swap3A_318 = arith.index_cast %mul3A_302 : i32 to index
        %swap3A_319 = tpu.vector_load %arg9[%swap3A_317, %swap3A_318] {strides = array<i32>} : memref<32x1024xf32, #tpu.memory_space<vmem>>, vector<1x16xf32>,
        %swap3A_320 = vector.shape_cast %swap3A_319 : vector<1x16xf32> to vector<16xf32>
        %swap3A_321 = vector.shape_cast %add3A_316 : vector<16xf32> to vector<1x16xf32>
        tpu.vector_store %arg9[%swap3A_317, %swap3A_318], %swap3A_321 {strides = array<i32>} : memref<32x1024xf32, #tpu.memory_space<vmem>>, vector<1x16xf32>,
        %mul3A_322 = arith.constant 4 : i32
        %mul3A_323 = arith.muli %scan3A_273, %mul3A_322 : i32
        %add3A_324 = arith.constant 2 : i32
        %add3A_325 = arith.addi %mul3A_323, %add3A_324 : i32
        %mul3A_326 = arith.constant 16 : i32
        %mul3A_327 = arith.muli %add3A_325, %mul3A_326 : i32
        %get3A_328 = arith.index_cast %scan3A_172 : i32 to index
        %get3A_329 = arith.index_cast %mul3A_327 : i32 to index
        %get3A_330 = tpu.vector_load %arg9[%get3A_328, %get3A_329] {strides = array<i32>} : memref<32x1024xf32, #tpu.memory_space<vmem>>, vector<1x16xf32>,
        %get3A_331 = vector.shape_cast %get3A_330 : vector<1x16xf32> to vector<16xf32>
        %sub3A_332 = arith.subf %get3A_331, %mul3A_226 : vector<16xf32>
        %mul3A_333 = arith.mulf %sub3A_332, %mul3A_265 : vector<16xf32>
        %get3A_334 = arith.index_cast %mul3A_327 : i32 to index
        %get3A_335 = tpu.vector_load %arg11[%get3A_334] {strides = array<i32>} : memref<1024xf32, #tpu.memory_space<vmem>>, vector<16xf32>,
        %get3A_336 = vector.shape_cast %get3A_335 : vector<16xf32> to vector<16xf32>
        %mul3A_337 = arith.mulf %mul3A_333, %get3A_336 : vector<16xf32>
        %get3A_338 = arith.index_cast %mul3A_327 : i32 to index
        %get3A_339 = tpu.vector_load %arg12[%get3A_338] {strides = array<i32>} : memref<1024xf32, #tpu.memory_space<vmem>>, vector<16xf32>,
        %get3A_340 = vector.shape_cast %get3A_339 : vector<16xf32> to vector<16xf32>
        %add3A_341 = arith.addf %mul3A_337, %get3A_340 : vector<16xf32>
        %swap3A_342 = arith.index_cast %scan3A_172 : i32 to index
        %swap3A_343 = arith.index_cast %mul3A_327 : i32 to index
        %swap3A_344 = tpu.vector_load %arg9[%swap3A_342, %swap3A_343] {strides = array<i32>} : memref<32x1024xf32, #tpu.memory_space<vmem>>, vector<1x16xf32>,
        %swap3A_345 = vector.shape_cast %swap3A_344 : vector<1x16xf32> to vector<16xf32>
        %swap3A_346 = vector.shape_cast %add3A_341 : vector<16xf32> to vector<1x16xf32>
        tpu.vector_store %arg9[%swap3A_342, %swap3A_343], %swap3A_346 {strides = array<i32>} : memref<32x1024xf32, #tpu.memory_space<vmem>>, vector<1x16xf32>,
        %mul3A_347 = arith.constant 4 : i32
        %mul3A_348 = arith.muli %scan3A_273, %mul3A_347 : i32
        %add3A_349 = arith.constant 3 : i32
        %add3A_350 = arith.addi %mul3A_348, %add3A_349 : i32
        %mul3A_351 = arith.constant 16 : i32
        %mul3A_352 = arith.muli %add3A_350, %mul3A_351 : i32
        %get3A_353 = arith.index_cast %scan3A_172 : i32 to index
        %get3A_354 = arith.index_cast %mul3A_352 : i32 to index
        %get3A_355 = tpu.vector_load %arg9[%get3A_353, %get3A_354] {strides = array<i32>} : memref<32x1024xf32, #tpu.memory_space<vmem>>, vector<1x16xf32>,
        %get3A_356 = vector.shape_cast %get3A_355 : vector<1x16xf32> to vector<16xf32>
        %sub3A_357 = arith.subf %get3A_356, %mul3A_226 : vector<16xf32>
        %mul3A_358 = arith.mulf %sub3A_357, %mul3A_265 : vector<16xf32>
        %get3A_359 = arith.index_cast %mul3A_352 : i32 to index
        %get3A_360 = tpu.vector_load %arg11[%get3A_359] {strides = array<i32>} : memref<1024xf32, #tpu.memory_space<vmem>>, vector<16xf32>,
        %get3A_361 = vector.shape_cast %get3A_360 : vector<16xf32> to vector<16xf32>
        %mul3A_362 = arith.mulf %mul3A_358, %get3A_361 : vector<16xf32>
        %get3A_363 = arith.index_cast %mul3A_352 : i32 to index
        %get3A_364 = tpu.vector_load %arg12[%get3A_363] {strides = array<i32>} : memref<1024xf32, #tpu.memory_space<vmem>>, vector<16xf32>,
        %get3A_365 = vector.shape_cast %get3A_364 : vector<16xf32> to vector<16xf32>
        %add3A_366 = arith.addf %mul3A_362, %get3A_365 : vector<16xf32>
        %swap3A_367 = arith.index_cast %scan3A_172 : i32 to index
        %swap3A_368 = arith.index_cast %mul3A_352 : i32 to index
        %swap3A_369 = tpu.vector_load %arg9[%swap3A_367, %swap3A_368] {strides = array<i32>} : memref<32x1024xf32, #tpu.memory_space<vmem>>, vector<1x16xf32>,
        %swap3A_370 = vector.shape_cast %swap3A_369 : vector<1x16xf32> to vector<16xf32>
        %swap3A_371 = vector.shape_cast %add3A_366 : vector<16xf32> to vector<1x16xf32>
        tpu.vector_store %arg9[%swap3A_367, %swap3A_368], %swap3A_371 {strides = array<i32>} : memref<32x1024xf32, #tpu.memory_space<vmem>>, vector<1x16xf32>,
      }
      %scan3A_271 = arith.constant 16 : i32
      %scan3A_272 = arith.constant 0 : i32
      scf.yield %scan3A_272 : i32
    }
    %scan3A_149 = arith.constant 32 : i32
    %add3A_150 = arith.constant 192 : i32
    %add3A_151 = arith.addi %mul3A_2, %add3A_150 : i32
    "tpu.region"() ({
      %run_scoped3A = tpu.sem_alloc : memref<!tpu.dma_semaphore, #tpu.memory_space<semaphore_mem>>
      %dma_start3A_172 = arith.constant 0 : i32
      %dma_start3A_173 = tpu.memref_slice %arg7[%add3A_151, %dma_start3A_172] : memref<8192x1024xf32, #tpu.memory_space<hbm>> -> memref<32x1024xf32, #tpu.memory_space<hbm>>
      %dma_start3A_174 = arith.constant 0 : i32
      %dma_start3A_175 = tpu.memref_slice %arg7[%add3A_151, %dma_start3A_174] : memref<8192x1024xf32, #tpu.memory_space<hbm>> -> memref<32x1024xf32, #tpu.memory_space<hbm>>
      tpu.enqueue_dma source(%arg9 : memref<32x1024xf32, #tpu.memory_space<vmem>>) target(%dma_start3A_175 : memref<32x1024xf32, #tpu.memory_space<hbm>>) target_semaphore(%run_scoped3A : memref<!tpu.dma_semaphore, #tpu.memory_space<semaphore_mem>>)
      %dma_wait3A_176 = arith.constant 0 : i32
      %dma_wait3A_177 = tpu.memref_slice %arg7[%add3A_151, %dma_wait3A_176] : memref<8192x1024xf32, #tpu.memory_space<hbm>> -> memref<32x1024xf32, #tpu.memory_space<hbm>>
      %dma_wait3A_178 = arith.constant 0 : i32
      %dma_wait3A_179 = tpu.memref_slice %arg7[%add3A_151, %dma_wait3A_178] : memref<8192x1024xf32, #tpu.memory_space<hbm>> -> memref<32x1024xf32, #tpu.memory_space<hbm>>
      tpu.wait_dma2 semaphore(%run_scoped3A : memref<!tpu.dma_semaphore, #tpu.memory_space<semaphore_mem>>) src(%arg9 : memref<32x1024xf32, #tpu.memory_space<vmem>>) dst(%dma_wait3A_179 : memref<32x1024xf32, #tpu.memory_space<hbm>>)
      tpu.yield
    }) : () -> ()
    %add3A_152 = arith.constant 224 : i32
    %add3A_153 = arith.addi %mul3A_2, %add3A_152 : i32
    "tpu.region"() ({
      %run_scoped3A = tpu.sem_alloc : memref<!tpu.dma_semaphore, #tpu.memory_space<semaphore_mem>>
      %dma_start3A_172 = tpu.memref_slice %arg2[%add3A_153] : memref<8192xi32, #tpu.memory_space<hbm>> -> memref<32xi32, #tpu.memory_space<hbm>>
      %dma_start3A_173 = tpu.memref_slice %arg2[%add3A_153] : memref<8192xi32, #tpu.memory_space<hbm>> -> memref<32xi32, #tpu.memory_space<hbm>>
      tpu.enqueue_dma source(%dma_start3A_173 : memref<32xi32, #tpu.memory_space<hbm>>) target(%arg8 : memref<32xi32, #tpu.memory_space<vmem>>) target_semaphore(%run_scoped3A : memref<!tpu.dma_semaphore, #tpu.memory_space<semaphore_mem>>)
      %dma_wait3A_174 = tpu.memref_slice %arg2[%add3A_153] : memref<8192xi32, #tpu.memory_space<hbm>> -> memref<32xi32, #tpu.memory_space<hbm>>
      %dma_wait3A_175 = tpu.memref_slice %arg2[%add3A_153] : memref<8192xi32, #tpu.memory_space<hbm>> -> memref<32xi32, #tpu.memory_space<hbm>>
      tpu.wait_dma2 semaphore(%run_scoped3A : memref<!tpu.dma_semaphore, #tpu.memory_space<semaphore_mem>>) src(%dma_wait3A_175 : memref<32xi32, #tpu.memory_space<hbm>>) dst(%arg8 : memref<32xi32, #tpu.memory_space<vmem>>)
      tpu.yield
    }) : () -> ()
    %add3A_154 = arith.constant 224 : i32
    %add3A_155 = arith.addi %mul3A_13, %add3A_154 : i32
    "tpu.region"() ({
      %run_scoped3A = tpu.sem_alloc : memref<!tpu.dma_semaphore, #tpu.memory_space<semaphore_mem>>
      %dma_start3A_172 = arith.constant 0 : i32
      %dma_start3A_173 = tpu.memref_slice %arg4[%add3A_155, %dma_start3A_172] : memref<2048x1024xf32, #tpu.memory_space<hbm>> -> memref<32x1024xf32, #tpu.memory_space<hbm>>
      %dma_start3A_174 = arith.constant 0 : i32
      %dma_start3A_175 = tpu.memref_slice %arg4[%add3A_155, %dma_start3A_174] : memref<2048x1024xf32, #tpu.memory_space<hbm>> -> memref<32x1024xf32, #tpu.memory_space<hbm>>
      tpu.enqueue_dma source(%dma_start3A_175 : memref<32x1024xf32, #tpu.memory_space<hbm>>) target(%arg10 : memref<32x1024xf32, #tpu.memory_space<vmem>>) target_semaphore(%run_scoped3A : memref<!tpu.dma_semaphore, #tpu.memory_space<semaphore_mem>>)
      %dma_wait3A_176 = arith.constant 0 : i32
      %dma_wait3A_177 = tpu.memref_slice %arg4[%add3A_155, %dma_wait3A_176] : memref<2048x1024xf32, #tpu.memory_space<hbm>> -> memref<32x1024xf32, #tpu.memory_space<hbm>>
      %dma_wait3A_178 = arith.constant 0 : i32
      %dma_wait3A_179 = tpu.memref_slice %arg4[%add3A_155, %dma_wait3A_178] : memref<2048x1024xf32, #tpu.memory_space<hbm>> -> memref<32x1024xf32, #tpu.memory_space<hbm>>
      tpu.wait_dma2 semaphore(%run_scoped3A : memref<!tpu.dma_semaphore, #tpu.memory_space<semaphore_mem>>) src(%dma_wait3A_179 : memref<32x1024xf32, #tpu.memory_space<hbm>>) dst(%arg10 : memref<32x1024xf32, #tpu.memory_space<vmem>>)
      tpu.yield
    }) : () -> ()
    %dma_start3A_156 = arith.constant 0 : i32
    %dma_start3A_157 = arith.constant 0 : i32
    %dma_start3A_158 = tpu.memref_slice %arg3[%dma_start3A_156, %dma_start3A_157] : memref<100000x1024xf32, #tpu.memory_space<hbm>> -> memref<100000x1024xf32, #tpu.memory_space<hbm>>
    tpu.enqueue_indirect_dma source(%dma_start3A_158 : memref<100000x1024xf32, #tpu.memory_space<hbm>>) target(%arg9 : memref<32x1024xf32, #tpu.memory_space<vmem>>) offsets(%arg8 : memref<32xi32, #tpu.memory_space<vmem>>) semaphore(%arg13 : memref<!tpu.dma_semaphore, #tpu.memory_space<semaphore_mem>>)
    %dma_wait3A_159 = arith.constant 0 : i32
    %dma_wait3A_160 = arith.constant 0 : i32
    %dma_wait3A_161 = tpu.memref_slice %arg3[%dma_wait3A_159, %dma_wait3A_160] : memref<100000x1024xf32, #tpu.memory_space<hbm>> -> memref<100000x1024xf32, #tpu.memory_space<hbm>>
    tpu.wait_indirect_dma semaphore(%arg13 : memref<!tpu.dma_semaphore, #tpu.memory_space<semaphore_mem>>) src(%dma_wait3A_161 : memref<100000x1024xf32, #tpu.memory_space<hbm>>) dst(%arg9 : memref<32x1024xf32, #tpu.memory_space<vmem>>)
    %scan3A_162 = arith.constant 9.765625E-4 : f32
    %scan3A_163 = arith.constant 0 : i32
    %scan3A_164 = arith.constant 0 : i32
    %scan3A_165 = arith.constant 32 : i32
    %scan3A_166 = arith.addi %scan3A_164, %scan3A_165 : i32
    %scan3A_167 = arith.constant 1 : i32
    %scan3A_168 = scf.for %scan3A_172 = %scan3A_164 to %scan3A_166 step %scan3A_167 iter_args(%scan3A_173 = %scan3A_163) -> (i32)  : i32 {
      %scan3A_174 = arith.constant 0 : i32
      %scan3A_175 = arith.constant 16 : i32
      %scan3A_176 = arith.addi %scan3A_174, %scan3A_175 : i32
      %scan3A_177 = arith.constant 1 : i32
      %scan3A_178:2 = scf.for %scan3A_273 = %scan3A_174 to %scan3A_176 step %scan3A_177 iter_args(%scan3A_274 = %broadcast_in_dim3A_14, %scan3A_275 = %broadcast_in_dim3A_14) -> (vector<16xf32>, vector<16xf32>)  : i32 {
        %mul3A_276 = arith.constant 4 : i32
        %mul3A_277 = arith.muli %scan3A_273, %mul3A_276 : i32
        %add3A_278 = arith.constant 0 : i32
        %add3A_279 = arith.addi %mul3A_277, %add3A_278 : i32
        %mul3A_280 = arith.constant 16 : i32
        %mul3A_281 = arith.muli %add3A_279, %mul3A_280 : i32
        %get3A = arith.index_cast %scan3A_172 : i32 to index
        %get3A_282 = arith.index_cast %mul3A_281 : i32 to index
        %get3A_283 = tpu.vector_load %arg9[%get3A, %get3A_282] {strides = array<i32>} : memref<32x1024xf32, #tpu.memory_space<vmem>>, vector<1x16xf32>,
        %get3A_284 = vector.shape_cast %get3A_283 : vector<1x16xf32> to vector<16xf32>
        %get3A_285 = arith.index_cast %scan3A_172 : i32 to index
        %get3A_286 = arith.index_cast %mul3A_281 : i32 to index
        %get3A_287 = tpu.vector_load %arg10[%get3A_285, %get3A_286] {strides = array<i32>} : memref<32x1024xf32, #tpu.memory_space<vmem>>, vector<1x16xf32>,
        %get3A_288 = vector.shape_cast %get3A_287 : vector<1x16xf32> to vector<16xf32>
        %add3A_289 = arith.addf %get3A_284, %get3A_288 : vector<16xf32>
        %swap3A = arith.index_cast %scan3A_172 : i32 to index
        %swap3A_290 = arith.index_cast %mul3A_281 : i32 to index
        %swap3A_291 = tpu.vector_load %arg9[%swap3A, %swap3A_290] {strides = array<i32>} : memref<32x1024xf32, #tpu.memory_space<vmem>>, vector<1x16xf32>,
        %swap3A_292 = vector.shape_cast %swap3A_291 : vector<1x16xf32> to vector<16xf32>
        %swap3A_293 = vector.shape_cast %add3A_289 : vector<16xf32> to vector<1x16xf32>
        tpu.vector_store %arg9[%swap3A, %swap3A_290], %swap3A_293 {strides = array<i32>} : memref<32x1024xf32, #tpu.memory_space<vmem>>, vector<1x16xf32>,
        %add3A_294 = arith.addf %scan3A_274, %add3A_289 : vector<16xf32>
        %mul3A_295 = arith.mulf %add3A_289, %add3A_289 : vector<16xf32>
        %add3A_296 = arith.addf %scan3A_275, %mul3A_295 : vector<16xf32>
        %mul3A_297 = arith.constant 4 : i32
        %mul3A_298 = arith.muli %scan3A_273, %mul3A_297 : i32
        %add3A_299 = arith.constant 1 : i32
        %add3A_300 = arith.addi %mul3A_298, %add3A_299 : i32
        %mul3A_301 = arith.constant 16 : i32
        %mul3A_302 = arith.muli %add3A_300, %mul3A_301 : i32
        %get3A_303 = arith.index_cast %scan3A_172 : i32 to index
        %get3A_304 = arith.index_cast %mul3A_302 : i32 to index
        %get3A_305 = tpu.vector_load %arg9[%get3A_303, %get3A_304] {strides = array<i32>} : memref<32x1024xf32, #tpu.memory_space<vmem>>, vector<1x16xf32>,
        %get3A_306 = vector.shape_cast %get3A_305 : vector<1x16xf32> to vector<16xf32>
        %get3A_307 = arith.index_cast %scan3A_172 : i32 to index
        %get3A_308 = arith.index_cast %mul3A_302 : i32 to index
        %get3A_309 = tpu.vector_load %arg10[%get3A_307, %get3A_308] {strides = array<i32>} : memref<32x1024xf32, #tpu.memory_space<vmem>>, vector<1x16xf32>,
        %get3A_310 = vector.shape_cast %get3A_309 : vector<1x16xf32> to vector<16xf32>
        %add3A_311 = arith.addf %get3A_306, %get3A_310 : vector<16xf32>
        %swap3A_312 = arith.index_cast %scan3A_172 : i32 to index
        %swap3A_313 = arith.index_cast %mul3A_302 : i32 to index
        %swap3A_314 = tpu.vector_load %arg9[%swap3A_312, %swap3A_313] {strides = array<i32>} : memref<32x1024xf32, #tpu.memory_space<vmem>>, vector<1x16xf32>,
        %swap3A_315 = vector.shape_cast %swap3A_314 : vector<1x16xf32> to vector<16xf32>
        %swap3A_316 = vector.shape_cast %add3A_311 : vector<16xf32> to vector<1x16xf32>
        tpu.vector_store %arg9[%swap3A_312, %swap3A_313], %swap3A_316 {strides = array<i32>} : memref<32x1024xf32, #tpu.memory_space<vmem>>, vector<1x16xf32>,
        %add3A_317 = arith.addf %add3A_294, %add3A_311 : vector<16xf32>
        %mul3A_318 = arith.mulf %add3A_311, %add3A_311 : vector<16xf32>
        %add3A_319 = arith.addf %add3A_296, %mul3A_318 : vector<16xf32>
        %mul3A_320 = arith.constant 4 : i32
        %mul3A_321 = arith.muli %scan3A_273, %mul3A_320 : i32
        %add3A_322 = arith.constant 2 : i32
        %add3A_323 = arith.addi %mul3A_321, %add3A_322 : i32
        %mul3A_324 = arith.constant 16 : i32
        %mul3A_325 = arith.muli %add3A_323, %mul3A_324 : i32
        %get3A_326 = arith.index_cast %scan3A_172 : i32 to index
        %get3A_327 = arith.index_cast %mul3A_325 : i32 to index
        %get3A_328 = tpu.vector_load %arg9[%get3A_326, %get3A_327] {strides = array<i32>} : memref<32x1024xf32, #tpu.memory_space<vmem>>, vector<1x16xf32>,
        %get3A_329 = vector.shape_cast %get3A_328 : vector<1x16xf32> to vector<16xf32>
        %get3A_330 = arith.index_cast %scan3A_172 : i32 to index
        %get3A_331 = arith.index_cast %mul3A_325 : i32 to index
        %get3A_332 = tpu.vector_load %arg10[%get3A_330, %get3A_331] {strides = array<i32>} : memref<32x1024xf32, #tpu.memory_space<vmem>>, vector<1x16xf32>,
        %get3A_333 = vector.shape_cast %get3A_332 : vector<1x16xf32> to vector<16xf32>
        %add3A_334 = arith.addf %get3A_329, %get3A_333 : vector<16xf32>
        %swap3A_335 = arith.index_cast %scan3A_172 : i32 to index
        %swap3A_336 = arith.index_cast %mul3A_325 : i32 to index
        %swap3A_337 = tpu.vector_load %arg9[%swap3A_335, %swap3A_336] {strides = array<i32>} : memref<32x1024xf32, #tpu.memory_space<vmem>>, vector<1x16xf32>,
        %swap3A_338 = vector.shape_cast %swap3A_337 : vector<1x16xf32> to vector<16xf32>
        %swap3A_339 = vector.shape_cast %add3A_334 : vector<16xf32> to vector<1x16xf32>
        tpu.vector_store %arg9[%swap3A_335, %swap3A_336], %swap3A_339 {strides = array<i32>} : memref<32x1024xf32, #tpu.memory_space<vmem>>, vector<1x16xf32>,
        %add3A_340 = arith.addf %add3A_317, %add3A_334 : vector<16xf32>
        %mul3A_341 = arith.mulf %add3A_334, %add3A_334 : vector<16xf32>
        %add3A_342 = arith.addf %add3A_319, %mul3A_341 : vector<16xf32>
        %mul3A_343 = arith.constant 4 : i32
        %mul3A_344 = arith.muli %scan3A_273, %mul3A_343 : i32
        %add3A_345 = arith.constant 3 : i32
        %add3A_346 = arith.addi %mul3A_344, %add3A_345 : i32
        %mul3A_347 = arith.constant 16 : i32
        %mul3A_348 = arith.muli %add3A_346, %mul3A_347 : i32
        %get3A_349 = arith.index_cast %scan3A_172 : i32 to index
        %get3A_350 = arith.index_cast %mul3A_348 : i32 to index
        %get3A_351 = tpu.vector_load %arg9[%get3A_349, %get3A_350] {strides = array<i32>} : memref<32x1024xf32, #tpu.memory_space<vmem>>, vector<1x16xf32>,
        %get3A_352 = vector.shape_cast %get3A_351 : vector<1x16xf32> to vector<16xf32>
        %get3A_353 = arith.index_cast %scan3A_172 : i32 to index
        %get3A_354 = arith.index_cast %mul3A_348 : i32 to index
        %get3A_355 = tpu.vector_load %arg10[%get3A_353, %get3A_354] {strides = array<i32>} : memref<32x1024xf32, #tpu.memory_space<vmem>>, vector<1x16xf32>,
        %get3A_356 = vector.shape_cast %get3A_355 : vector<1x16xf32> to vector<16xf32>
        %add3A_357 = arith.addf %get3A_352, %get3A_356 : vector<16xf32>
        %swap3A_358 = arith.index_cast %scan3A_172 : i32 to index
        %swap3A_359 = arith.index_cast %mul3A_348 : i32 to index
        %swap3A_360 = tpu.vector_load %arg9[%swap3A_358, %swap3A_359] {strides = array<i32>} : memref<32x1024xf32, #tpu.memory_space<vmem>>, vector<1x16xf32>,
        %swap3A_361 = vector.shape_cast %swap3A_360 : vector<1x16xf32> to vector<16xf32>
        %swap3A_362 = vector.shape_cast %add3A_357 : vector<16xf32> to vector<1x16xf32>
        tpu.vector_store %arg9[%swap3A_358, %swap3A_359], %swap3A_362 {strides = array<i32>} : memref<32x1024xf32, #tpu.memory_space<vmem>>, vector<1x16xf32>,
        %add3A_363 = arith.addf %add3A_340, %add3A_357 : vector<16xf32>
        %mul3A_364 = arith.mulf %add3A_357, %add3A_357 : vector<16xf32>
        %add3A_365 = arith.addf %add3A_342, %mul3A_364 : vector<16xf32>
        scf.yield %add3A_363, %add3A_365 : vector<16xf32>, vector<16xf32>
      }
      %scan3A_179 = arith.constant 16 : i32
      %iota3A = tpu.iota {dimensions = array<i32: 0>} : vector<16xi32>
      %xor3A = arith.constant 8 : i32
      %xor3A_180 = vector.broadcast %xor3A : i32 to vector<16xi32>
      %xor3A_181 = arith.xori %iota3A, %xor3A_180 : vector<16xi32>
      %broadcast_in_dim3A_182 = vector.shape_cast %xor3A_181 : vector<16xi32> to vector<16x1xi32>
      %gather3A = vector.shape_cast %broadcast_in_dim3A_182 : vector<16x1xi32> to vector<16xi32>
      %gather3A_183 = tpu.dynamic_gather %scan3A_178#0[%gather3A] in [0] : vector<16xf32>, vector<16xi32> -> vector<16xf32>
      %add3A_184 = arith.addf %scan3A_178#0, %gather3A_183 : vector<16xf32>
      %broadcast_in_dim3A_185 = vector.shape_cast %xor3A_181 : vector<16xi32> to vector<16x1xi32>
      %gather3A_186 = vector.shape_cast %broadcast_in_dim3A_185 : vector<16x1xi32> to vector<16xi32>
      %gather3A_187 = tpu.dynamic_gather %scan3A_178#1[%gather3A_186] in [0] : vector<16xf32>, vector<16xi32> -> vector<16xf32>
      %add3A_188 = arith.addf %scan3A_178#1, %gather3A_187 : vector<16xf32>
      %iota3A_189 = tpu.iota {dimensions = array<i32: 0>} : vector<16xi32>
      %xor3A_190 = arith.constant 4 : i32
      %xor3A_191 = vector.broadcast %xor3A_190 : i32 to vector<16xi32>
      %xor3A_192 = arith.xori %iota3A_189, %xor3A_191 : vector<16xi32>
      %broadcast_in_dim3A_193 = vector.shape_cast %xor3A_192 : vector<16xi32> to vector<16x1xi32>
      %gather3A_194 = vector.shape_cast %broadcast_in_dim3A_193 : vector<16x1xi32> to vector<16xi32>
      %gather3A_195 = tpu.dynamic_gather %add3A_184[%gather3A_194] in [0] : vector<16xf32>, vector<16xi32> -> vector<16xf32>
      %add3A_196 = arith.addf %add3A_184, %gather3A_195 : vector<16xf32>
      %broadcast_in_dim3A_197 = vector.shape_cast %xor3A_192 : vector<16xi32> to vector<16x1xi32>
      %gather3A_198 = vector.shape_cast %broadcast_in_dim3A_197 : vector<16x1xi32> to vector<16xi32>
      %gather3A_199 = tpu.dynamic_gather %add3A_188[%gather3A_198] in [0] : vector<16xf32>, vector<16xi32> -> vector<16xf32>
      %add3A_200 = arith.addf %add3A_188, %gather3A_199 : vector<16xf32>
      %iota3A_201 = tpu.iota {dimensions = array<i32: 0>} : vector<16xi32>
      %xor3A_202 = arith.constant 2 : i32
      %xor3A_203 = vector.broadcast %xor3A_202 : i32 to vector<16xi32>
      %xor3A_204 = arith.xori %iota3A_201, %xor3A_203 : vector<16xi32>
      %broadcast_in_dim3A_205 = vector.shape_cast %xor3A_204 : vector<16xi32> to vector<16x1xi32>
      %gather3A_206 = vector.shape_cast %broadcast_in_dim3A_205 : vector<16x1xi32> to vector<16xi32>
      %gather3A_207 = tpu.dynamic_gather %add3A_196[%gather3A_206] in [0] : vector<16xf32>, vector<16xi32> -> vector<16xf32>
      %add3A_208 = arith.addf %add3A_196, %gather3A_207 : vector<16xf32>
      %broadcast_in_dim3A_209 = vector.shape_cast %xor3A_204 : vector<16xi32> to vector<16x1xi32>
      %gather3A_210 = vector.shape_cast %broadcast_in_dim3A_209 : vector<16x1xi32> to vector<16xi32>
      %gather3A_211 = tpu.dynamic_gather %add3A_200[%gather3A_210] in [0] : vector<16xf32>, vector<16xi32> -> vector<16xf32>
      %add3A_212 = arith.addf %add3A_200, %gather3A_211 : vector<16xf32>
      %iota3A_213 = tpu.iota {dimensions = array<i32: 0>} : vector<16xi32>
      %xor3A_214 = arith.constant 1 : i32
      %xor3A_215 = vector.broadcast %xor3A_214 : i32 to vector<16xi32>
      %xor3A_216 = arith.xori %iota3A_213, %xor3A_215 : vector<16xi32>
      %broadcast_in_dim3A_217 = vector.shape_cast %xor3A_216 : vector<16xi32> to vector<16x1xi32>
      %gather3A_218 = vector.shape_cast %broadcast_in_dim3A_217 : vector<16x1xi32> to vector<16xi32>
      %gather3A_219 = tpu.dynamic_gather %add3A_208[%gather3A_218] in [0] : vector<16xf32>, vector<16xi32> -> vector<16xf32>
      %add3A_220 = arith.addf %add3A_208, %gather3A_219 : vector<16xf32>
      %broadcast_in_dim3A_221 = vector.shape_cast %xor3A_216 : vector<16xi32> to vector<16x1xi32>
      %gather3A_222 = vector.shape_cast %broadcast_in_dim3A_221 : vector<16x1xi32> to vector<16xi32>
      %gather3A_223 = tpu.dynamic_gather %add3A_212[%gather3A_222] in [0] : vector<16xf32>, vector<16xi32> -> vector<16xf32>
      %add3A_224 = arith.addf %add3A_212, %gather3A_223 : vector<16xf32>
      %mul3A_225 = vector.broadcast %scan3A_162 : f32 to vector<16xf32>
      %mul3A_226 = arith.mulf %add3A_220, %mul3A_225 : vector<16xf32>
      %mul3A_227 = vector.broadcast %scan3A_162 : f32 to vector<16xf32>
      %mul3A_228 = arith.mulf %add3A_224, %mul3A_227 : vector<16xf32>
      %mul3A_229 = arith.mulf %mul3A_226, %mul3A_226 : vector<16xf32>
      %sub3A = arith.subf %mul3A_228, %mul3A_229 : vector<16xf32>
      %add3A_230 = arith.constant 9.99999974E-6 : f32
      %add3A_231 = vector.broadcast %add3A_230 : f32 to vector<16xf32>
      %add3A_232 = arith.addf %sub3A, %add3A_231 : vector<16xf32>
      %bitcast_convert_type3A = tpu.bitcast %add3A_232 : vector<16xf32> -> vector<16xi32>
      %shift_right_arithmetic3A = arith.constant 1 : i32
      %shift_right_arithmetic3A_233 = vector.broadcast %shift_right_arithmetic3A : i32 to vector<16xi32>
      %shift_right_arithmetic3A_234 = arith.shrsi %bitcast_convert_type3A, %shift_right_arithmetic3A_233 : vector<16xi32>
      %sub3A_235 = arith.constant 1597463007 : i32
      %sub3A_236 = vector.broadcast %sub3A_235 : i32 to vector<16xi32>
      %sub3A_237 = arith.subi %sub3A_236, %shift_right_arithmetic3A_234 : vector<16xi32>
      %bitcast_convert_type3A_238 = tpu.bitcast %sub3A_237 : vector<16xi32> -> vector<16xf32>
      %mul3A_239 = arith.constant 5.000000e-01 : f32
      %mul3A_240 = vector.broadcast %mul3A_239 : f32 to vector<16xf32>
      %mul3A_241 = arith.mulf %mul3A_240, %add3A_232 : vector<16xf32>
      %mul3A_242 = arith.mulf %mul3A_241, %bitcast_convert_type3A_238 : vector<16xf32>
      %mul3A_243 = arith.mulf %mul3A_242, %bitcast_convert_type3A_238 : vector<16xf32>
      %sub3A_244 = arith.constant 1.500000e+00 : f32
      %sub3A_245 = vector.broadcast %sub3A_244 : f32 to vector<16xf32>
      %sub3A_246 = arith.subf %sub3A_245, %mul3A_243 : vector<16xf32>
      %mul3A_247 = arith.mulf %bitcast_convert_type3A_238, %sub3A_246 : vector<16xf32>
      %mul3A_248 = arith.constant 5.000000e-01 : f32
      %mul3A_249 = vector.broadcast %mul3A_248 : f32 to vector<16xf32>
      %mul3A_250 = arith.mulf %mul3A_249, %add3A_232 : vector<16xf32>
      %mul3A_251 = arith.mulf %mul3A_250, %mul3A_247 : vector<16xf32>
      %mul3A_252 = arith.mulf %mul3A_251, %mul3A_247 : vector<16xf32>
      %sub3A_253 = arith.constant 1.500000e+00 : f32
      %sub3A_254 = vector.broadcast %sub3A_253 : f32 to vector<16xf32>
      %sub3A_255 = arith.subf %sub3A_254, %mul3A_252 : vector<16xf32>
      %mul3A_256 = arith.mulf %mul3A_247, %sub3A_255 : vector<16xf32>
      %mul3A_257 = arith.constant 5.000000e-01 : f32
      %mul3A_258 = vector.broadcast %mul3A_257 : f32 to vector<16xf32>
      %mul3A_259 = arith.mulf %mul3A_258, %add3A_232 : vector<16xf32>
      %mul3A_260 = arith.mulf %mul3A_259, %mul3A_256 : vector<16xf32>
      %mul3A_261 = arith.mulf %mul3A_260, %mul3A_256 : vector<16xf32>
      %sub3A_262 = arith.constant 1.500000e+00 : f32
      %sub3A_263 = vector.broadcast %sub3A_262 : f32 to vector<16xf32>
      %sub3A_264 = arith.subf %sub3A_263, %mul3A_261 : vector<16xf32>
      %mul3A_265 = arith.mulf %mul3A_256, %sub3A_264 : vector<16xf32>
      %scan3A_266 = arith.constant 0 : i32
      %scan3A_267 = arith.constant 0 : i32
      %scan3A_268 = arith.constant 16 : i32
      %scan3A_269 = arith.addi %scan3A_267, %scan3A_268 : i32
      %scan3A_270 = arith.constant 1 : i32
      scf.for %scan3A_273 = %scan3A_267 to %scan3A_269 step %scan3A_270  : i32 {
        %mul3A_274 = arith.constant 4 : i32
        %mul3A_275 = arith.muli %scan3A_273, %mul3A_274 : i32
        %add3A_276 = arith.constant 0 : i32
        %add3A_277 = arith.addi %mul3A_275, %add3A_276 : i32
        %mul3A_278 = arith.constant 16 : i32
        %mul3A_279 = arith.muli %add3A_277, %mul3A_278 : i32
        %get3A = arith.index_cast %scan3A_172 : i32 to index
        %get3A_280 = arith.index_cast %mul3A_279 : i32 to index
        %get3A_281 = tpu.vector_load %arg9[%get3A, %get3A_280] {strides = array<i32>} : memref<32x1024xf32, #tpu.memory_space<vmem>>, vector<1x16xf32>,
        %get3A_282 = vector.shape_cast %get3A_281 : vector<1x16xf32> to vector<16xf32>
        %sub3A_283 = arith.subf %get3A_282, %mul3A_226 : vector<16xf32>
        %mul3A_284 = arith.mulf %sub3A_283, %mul3A_265 : vector<16xf32>
        %get3A_285 = arith.index_cast %mul3A_279 : i32 to index
        %get3A_286 = tpu.vector_load %arg11[%get3A_285] {strides = array<i32>} : memref<1024xf32, #tpu.memory_space<vmem>>, vector<16xf32>,
        %get3A_287 = vector.shape_cast %get3A_286 : vector<16xf32> to vector<16xf32>
        %mul3A_288 = arith.mulf %mul3A_284, %get3A_287 : vector<16xf32>
        %get3A_289 = arith.index_cast %mul3A_279 : i32 to index
        %get3A_290 = tpu.vector_load %arg12[%get3A_289] {strides = array<i32>} : memref<1024xf32, #tpu.memory_space<vmem>>, vector<16xf32>,
        %get3A_291 = vector.shape_cast %get3A_290 : vector<16xf32> to vector<16xf32>
        %add3A_292 = arith.addf %mul3A_288, %get3A_291 : vector<16xf32>
        %swap3A = arith.index_cast %scan3A_172 : i32 to index
        %swap3A_293 = arith.index_cast %mul3A_279 : i32 to index
        %swap3A_294 = tpu.vector_load %arg9[%swap3A, %swap3A_293] {strides = array<i32>} : memref<32x1024xf32, #tpu.memory_space<vmem>>, vector<1x16xf32>,
        %swap3A_295 = vector.shape_cast %swap3A_294 : vector<1x16xf32> to vector<16xf32>
        %swap3A_296 = vector.shape_cast %add3A_292 : vector<16xf32> to vector<1x16xf32>
        tpu.vector_store %arg9[%swap3A, %swap3A_293], %swap3A_296 {strides = array<i32>} : memref<32x1024xf32, #tpu.memory_space<vmem>>, vector<1x16xf32>,
        %mul3A_297 = arith.constant 4 : i32
        %mul3A_298 = arith.muli %scan3A_273, %mul3A_297 : i32
        %add3A_299 = arith.constant 1 : i32
        %add3A_300 = arith.addi %mul3A_298, %add3A_299 : i32
        %mul3A_301 = arith.constant 16 : i32
        %mul3A_302 = arith.muli %add3A_300, %mul3A_301 : i32
        %get3A_303 = arith.index_cast %scan3A_172 : i32 to index
        %get3A_304 = arith.index_cast %mul3A_302 : i32 to index
        %get3A_305 = tpu.vector_load %arg9[%get3A_303, %get3A_304] {strides = array<i32>} : memref<32x1024xf32, #tpu.memory_space<vmem>>, vector<1x16xf32>,
        %get3A_306 = vector.shape_cast %get3A_305 : vector<1x16xf32> to vector<16xf32>
        %sub3A_307 = arith.subf %get3A_306, %mul3A_226 : vector<16xf32>
        %mul3A_308 = arith.mulf %sub3A_307, %mul3A_265 : vector<16xf32>
        %get3A_309 = arith.index_cast %mul3A_302 : i32 to index
        %get3A_310 = tpu.vector_load %arg11[%get3A_309] {strides = array<i32>} : memref<1024xf32, #tpu.memory_space<vmem>>, vector<16xf32>,
        %get3A_311 = vector.shape_cast %get3A_310 : vector<16xf32> to vector<16xf32>
        %mul3A_312 = arith.mulf %mul3A_308, %get3A_311 : vector<16xf32>
        %get3A_313 = arith.index_cast %mul3A_302 : i32 to index
        %get3A_314 = tpu.vector_load %arg12[%get3A_313] {strides = array<i32>} : memref<1024xf32, #tpu.memory_space<vmem>>, vector<16xf32>,
        %get3A_315 = vector.shape_cast %get3A_314 : vector<16xf32> to vector<16xf32>
        %add3A_316 = arith.addf %mul3A_312, %get3A_315 : vector<16xf32>
        %swap3A_317 = arith.index_cast %scan3A_172 : i32 to index
        %swap3A_318 = arith.index_cast %mul3A_302 : i32 to index
        %swap3A_319 = tpu.vector_load %arg9[%swap3A_317, %swap3A_318] {strides = array<i32>} : memref<32x1024xf32, #tpu.memory_space<vmem>>, vector<1x16xf32>,
        %swap3A_320 = vector.shape_cast %swap3A_319 : vector<1x16xf32> to vector<16xf32>
        %swap3A_321 = vector.shape_cast %add3A_316 : vector<16xf32> to vector<1x16xf32>
        tpu.vector_store %arg9[%swap3A_317, %swap3A_318], %swap3A_321 {strides = array<i32>} : memref<32x1024xf32, #tpu.memory_space<vmem>>, vector<1x16xf32>,
        %mul3A_322 = arith.constant 4 : i32
        %mul3A_323 = arith.muli %scan3A_273, %mul3A_322 : i32
        %add3A_324 = arith.constant 2 : i32
        %add3A_325 = arith.addi %mul3A_323, %add3A_324 : i32
        %mul3A_326 = arith.constant 16 : i32
        %mul3A_327 = arith.muli %add3A_325, %mul3A_326 : i32
        %get3A_328 = arith.index_cast %scan3A_172 : i32 to index
        %get3A_329 = arith.index_cast %mul3A_327 : i32 to index
        %get3A_330 = tpu.vector_load %arg9[%get3A_328, %get3A_329] {strides = array<i32>} : memref<32x1024xf32, #tpu.memory_space<vmem>>, vector<1x16xf32>,
        %get3A_331 = vector.shape_cast %get3A_330 : vector<1x16xf32> to vector<16xf32>
        %sub3A_332 = arith.subf %get3A_331, %mul3A_226 : vector<16xf32>
        %mul3A_333 = arith.mulf %sub3A_332, %mul3A_265 : vector<16xf32>
        %get3A_334 = arith.index_cast %mul3A_327 : i32 to index
        %get3A_335 = tpu.vector_load %arg11[%get3A_334] {strides = array<i32>} : memref<1024xf32, #tpu.memory_space<vmem>>, vector<16xf32>,
        %get3A_336 = vector.shape_cast %get3A_335 : vector<16xf32> to vector<16xf32>
        %mul3A_337 = arith.mulf %mul3A_333, %get3A_336 : vector<16xf32>
        %get3A_338 = arith.index_cast %mul3A_327 : i32 to index
        %get3A_339 = tpu.vector_load %arg12[%get3A_338] {strides = array<i32>} : memref<1024xf32, #tpu.memory_space<vmem>>, vector<16xf32>,
        %get3A_340 = vector.shape_cast %get3A_339 : vector<16xf32> to vector<16xf32>
        %add3A_341 = arith.addf %mul3A_337, %get3A_340 : vector<16xf32>
        %swap3A_342 = arith.index_cast %scan3A_172 : i32 to index
        %swap3A_343 = arith.index_cast %mul3A_327 : i32 to index
        %swap3A_344 = tpu.vector_load %arg9[%swap3A_342, %swap3A_343] {strides = array<i32>} : memref<32x1024xf32, #tpu.memory_space<vmem>>, vector<1x16xf32>,
        %swap3A_345 = vector.shape_cast %swap3A_344 : vector<1x16xf32> to vector<16xf32>
        %swap3A_346 = vector.shape_cast %add3A_341 : vector<16xf32> to vector<1x16xf32>
        tpu.vector_store %arg9[%swap3A_342, %swap3A_343], %swap3A_346 {strides = array<i32>} : memref<32x1024xf32, #tpu.memory_space<vmem>>, vector<1x16xf32>,
        %mul3A_347 = arith.constant 4 : i32
        %mul3A_348 = arith.muli %scan3A_273, %mul3A_347 : i32
        %add3A_349 = arith.constant 3 : i32
        %add3A_350 = arith.addi %mul3A_348, %add3A_349 : i32
        %mul3A_351 = arith.constant 16 : i32
        %mul3A_352 = arith.muli %add3A_350, %mul3A_351 : i32
        %get3A_353 = arith.index_cast %scan3A_172 : i32 to index
        %get3A_354 = arith.index_cast %mul3A_352 : i32 to index
        %get3A_355 = tpu.vector_load %arg9[%get3A_353, %get3A_354] {strides = array<i32>} : memref<32x1024xf32, #tpu.memory_space<vmem>>, vector<1x16xf32>,
        %get3A_356 = vector.shape_cast %get3A_355 : vector<1x16xf32> to vector<16xf32>
        %sub3A_357 = arith.subf %get3A_356, %mul3A_226 : vector<16xf32>
        %mul3A_358 = arith.mulf %sub3A_357, %mul3A_265 : vector<16xf32>
        %get3A_359 = arith.index_cast %mul3A_352 : i32 to index
        %get3A_360 = tpu.vector_load %arg11[%get3A_359] {strides = array<i32>} : memref<1024xf32, #tpu.memory_space<vmem>>, vector<16xf32>,
        %get3A_361 = vector.shape_cast %get3A_360 : vector<16xf32> to vector<16xf32>
        %mul3A_362 = arith.mulf %mul3A_358, %get3A_361 : vector<16xf32>
        %get3A_363 = arith.index_cast %mul3A_352 : i32 to index
        %get3A_364 = tpu.vector_load %arg12[%get3A_363] {strides = array<i32>} : memref<1024xf32, #tpu.memory_space<vmem>>, vector<16xf32>,
        %get3A_365 = vector.shape_cast %get3A_364 : vector<16xf32> to vector<16xf32>
        %add3A_366 = arith.addf %mul3A_362, %get3A_365 : vector<16xf32>
        %swap3A_367 = arith.index_cast %scan3A_172 : i32 to index
        %swap3A_368 = arith.index_cast %mul3A_352 : i32 to index
        %swap3A_369 = tpu.vector_load %arg9[%swap3A_367, %swap3A_368] {strides = array<i32>} : memref<32x1024xf32, #tpu.memory_space<vmem>>, vector<1x16xf32>,
        %swap3A_370 = vector.shape_cast %swap3A_369 : vector<1x16xf32> to vector<16xf32>
        %swap3A_371 = vector.shape_cast %add3A_366 : vector<16xf32> to vector<1x16xf32>
        tpu.vector_store %arg9[%swap3A_367, %swap3A_368], %swap3A_371 {strides = array<i32>} : memref<32x1024xf32, #tpu.memory_space<vmem>>, vector<1x16xf32>,
      }
      %scan3A_271 = arith.constant 16 : i32
      %scan3A_272 = arith.constant 0 : i32
      scf.yield %scan3A_272 : i32
    }
    %scan3A_169 = arith.constant 32 : i32
    %add3A_170 = arith.constant 224 : i32
    %add3A_171 = arith.addi %mul3A_2, %add3A_170 : i32
    "tpu.region"() ({
      %run_scoped3A = tpu.sem_alloc : memref<!tpu.dma_semaphore, #tpu.memory_space<semaphore_mem>>
      %dma_start3A_172 = arith.constant 0 : i32
      %dma_start3A_173 = tpu.memref_slice %arg7[%add3A_171, %dma_start3A_172] : memref<8192x1024xf32, #tpu.memory_space<hbm>> -> memref<32x1024xf32, #tpu.memory_space<hbm>>
      %dma_start3A_174 = arith.constant 0 : i32
      %dma_start3A_175 = tpu.memref_slice %arg7[%add3A_171, %dma_start3A_174] : memref<8192x1024xf32, #tpu.memory_space<hbm>> -> memref<32x1024xf32, #tpu.memory_space<hbm>>
      tpu.enqueue_dma source(%arg9 : memref<32x1024xf32, #tpu.memory_space<vmem>>) target(%dma_start3A_175 : memref<32x1024xf32, #tpu.memory_space<hbm>>) target_semaphore(%run_scoped3A : memref<!tpu.dma_semaphore, #tpu.memory_space<semaphore_mem>>)
      %dma_wait3A_176 = arith.constant 0 : i32
      %dma_wait3A_177 = tpu.memref_slice %arg7[%add3A_171, %dma_wait3A_176] : memref<8192x1024xf32, #tpu.memory_space<hbm>> -> memref<32x1024xf32, #tpu.memory_space<hbm>>
      %dma_wait3A_178 = arith.constant 0 : i32
      %dma_wait3A_179 = tpu.memref_slice %arg7[%add3A_171, %dma_wait3A_178] : memref<8192x1024xf32, #tpu.memory_space<hbm>> -> memref<32x1024xf32, #tpu.memory_space<hbm>>
      tpu.wait_dma2 semaphore(%run_scoped3A : memref<!tpu.dma_semaphore, #tpu.memory_space<semaphore_mem>>) src(%arg9 : memref<32x1024xf32, #tpu.memory_space<vmem>>) dst(%dma_wait3A_179 : memref<32x1024xf32, #tpu.memory_space<hbm>>)
      tpu.yield
    }) : () -> ()
    return
  }
}

</mosaic_0001>

<sc_bundles>
// kernel: kernel.3.cloned.1.call-start
scs
__scs_entry_jumppad:
0x0: {  	(pc) =	sbr.rel $0x88, $3  }
0x1: {  	(tag) =	ssettag $0x0;
	lr =	simm.s32 $0x1  }
0x2: {  	[smem:$0x3F9C] =	sst lr;
	_ =	strace $0xD0000000  }
0x3: {  	_ = 	snop  }
0x4: {  	_ = 	snop  }
0x5: {  	_ = 	snop  }
0x6: {  	_ = 	snop  }
0x7: {  	_ = 	snop  }
__scs_overlays_trampoline_lowered:
0x8: {  	[smem:$0x3FAB] =	sst s0  }
0x9: {  	[smem:$0x3FAC] =	sst s1  }
0xa: {  	[smem:$0x3FAD] =	sst s2  }
0xb: {  	[smem:$0x3FAE] =	sst s3  }
0xc: {  	[smem:$0x3FAF] =	sst s4  }
0xd: {  	[smem:$0x3FB0] =	sst s5  }
0xe: {  	[smem:$0x3FB1] =	sst s6  }
0xf: {  	[smem:$0x3FB2] =	sst s7  }
0x10: {  	[smem:$0x3FB3] =	sst s8  }
0x11: {  	[smem:$0x3FB4] =	sst s9;
	s0 =	simm.s32 @!p0 $0x0  }
0x12: {  	s1 =	sld [smem:$0x3F9A];
	s0 =	simm.s32 @p0 $0x1  }
0x13: {  	[smem:$0x3FB5] =	sst s0;
	s0 =	simm.s32 @!p1 $0x0  }
0x14: {  	s2 =	sld [smem:$0x3F99];
	s0 =	simm.s32 @p1 $0x1  }
0x15: {  	[smem:$0x3FB6] =	sst s0;
	s0 =	simm.s32 @!p2 $0x0  }
0x16: {  	s3 =	sld [smem:$0x3FDB];
	s0 =	simm.s32 @p2 $0x1  }
0x17: {  	s4 =	simm.s32 $0x1BF5;
	[smem:$0x3FB8] =	sst s0  }
0x18: {  	s0 =	sld [smem:$0x3F9B];
	_ =	swait.ge [sflag:s4], $0x0  }
0x19: {  	s7 =	sld [smem:$0x3F9C]  }
0x1a: {  	s8 =	sadd.s32 $0xFFFFE003, lr  }
0x1b: {  	s9 =	sadd.s32 $0xFFFFFEF7, lr;
	s5 =	simm.s32 $0xFFFFFFFF;
	p2 =	slt.u32 s8, $0xFFFFF086  }
0x1c: {  	p1 =	slt.u32 s9, $0xF7A;
	s5 =	simm.s32 @!p2 $0x0  }
0x1d: {  	s5 =	simm.s32 @p1 $0x1;
	p0 =	seq.s32 s7, s2  }
0x1e: {  	s7 =	smul.u32 @!p0 $0xF7A, s2;
	p2 =	seq.s32 @!p0 s5, $0x0  }
0x1f: {  	s9 =	smul.u32 $0xF7A, s1;
	s8 =	simm.s32 @!p0 $0x1BF5;
	p2 =	por !p2, p0  }
0x20: {  	[sflag:s8] =	ssyncset.s32 @!p0 $0xFFFFF086;
	s6 =	sadd.s32 @!p0 s3, s7;
	s7 =	simm.s32 @!p0 $0x108  }
0x21: {  	s3 =	sadd.s32 s3, s9;
	s6 =	sadd.s32 @!p0 $0x88, s6;
	s7 =	simm.s32 @p2 $0x1082  }
0x22: {  	[simem:s7], [sflag:s8] =	dma.local @!p0 [hbm:s6], $0xF7A  }
0x23: {  	s9 =	sor.u32 $0xD0000000, s2;
	s6 =	simm.s32 $0x108;
	_ =	swait.ge @!p0 [sflag:s8], $0x0  }
0x24: {  	s3 =	sadd.s32 $0x88, s3;
	s6 =	simm.s32 @!p1 $0x1082;
	[sflag:s4] =	ssyncset.s32 $0xFFFFF086  }
0x25: {  	[simem:s6], [sflag:s4] =	dma.local [hbm:s3], $0xF7A  }
0x26: {  	[smem:$0x3F9C] =	sst s1;
	(tag) =	ssettag s2;
	_ =	strace s9  }
0x27: {  	s1 =	sld [smem:$0x3FAC]  }
0x28: {  	s2 =	sld [smem:$0x3FAD]  }
0x29: {  	s4 =	sld [smem:$0x3FAF]  }
0x2a: {  	p0 =	seq.s32 s5, $0x0;
	s5 =	sld [smem:$0x3FB0]  }
0x2b: {  	s6 =	sld [smem:$0x3FB1]  }
0x2c: {  	s7 =	sld [smem:$0x3FB2]  }
0x2d: {  	s3 =	simm.s32 $0x108;
	s8 =	sld [smem:$0x3FB3]  }
0x2e: {  	s3 =	simm.s32 @!p0 $0x1082;
	s9 =	sld [smem:$0x3FB4]  }
0x2f: {  	lr =	sadd.s32 s0, s3;
	s0 =	sld [smem:$0x3FAB]  }
0x30: {  	s3 =	sld [smem:$0x3FAE]  }
0x31: {  	[smem:$0x3FB7] =	sst s10  }
0x32: {  	s10 =	sld [smem:$0x3FB5];
	_ =	sdelay $0x3  }
0x33: {  	p0 =	seq.s32 s10, $0x1;
	s10 =	sld [smem:$0x3FB7];
	_ =	sdelay $0x3  }
0x34: {  	[smem:$0x3FB7] =	sst s10  }
0x35: {  	s10 =	sld [smem:$0x3FB6];
	_ =	sdelay $0x3  }
0x36: {  	p1 =	seq.s32 s10, $0x1;
	s10 =	sld [smem:$0x3FB7];
	_ =	sdelay $0x3  }
0x37: {  	[smem:$0x3FB7] =	sst s10  }
0x38: {  	s10 =	sld [smem:$0x3FB8]  }
0x39: {  	_ = 	snop;
	(pc) =	sbr.ind lr, $3  }
0x3a: {  	_ = 	snop  }
0x3b: {  	_ = 	snop  }
0x3c: {  	p2 =	seq.s32 s10, $0x1;
	s10 =	sld [smem:$0x3FB7]  }
0x3d: {  	_ =	shalt  }
0x3e: {  	_ =	shalt  }
0x3f: {  	_ =	shalt  }
0x40: {  	_ =	shalt  }
0x41: {  	_ =	shalt  }
0x42: {  	_ =	shalt  }
0x43: {  	_ =	shalt  }
0x44: {  	_ =	shalt  }
0x45: {  	_ =	shalt  }
0x46: {  	_ =	shalt  }
0x47: {  	_ =	shalt  }
0x48: {  	_ =	shalt  }
0x49: {  	_ =	shalt  }
0x4a: {  	_ =	shalt  }
0x4b: {  	_ =	shalt  }
0x4c: {  	_ =	shalt  }
0x4d: {  	_ =	shalt  }
0x4e: {  	_ =	shalt  }
0x4f: {  	_ =	shalt  }
0x50: {  	_ =	shalt  }
0x51: {  	_ =	shalt  }
0x52: {  	_ =	shalt  }
0x53: {  	_ =	shalt  }
0x54: {  	_ =	shalt  }
0x55: {  	_ =	shalt  }
0x56: {  	_ =	shalt  }
0x57: {  	_ =	shalt  }
0x58: {  	_ =	shalt  }
0x59: {  	_ =	shalt  }
0x5a: {  	_ =	shalt  }
0x5b: {  	_ =	shalt  }
0x5c: {  	_ =	shalt  }
0x5d: {  	_ =	shalt  }
0x5e: {  	_ =	shalt  }
0x5f: {  	_ =	shalt  }
0x60: {  	_ =	shalt  }
0x61: {  	_ =	shalt  }
0x62: {  	_ =	shalt  }
0x63: {  	_ =	shalt  }
0x64: {  	_ =	shalt  }
0x65: {  	_ =	shalt  }
0x66: {  	_ =	shalt  }
0x67: {  	_ =	shalt  }
0x68: {  	_ =	shalt  }
0x69: {  	_ =	shalt  }
0x6a: {  	_ =	shalt  }
0x6b: {  	_ =	shalt  }
0x6c: {  	_ =	shalt  }
0x6d: {  	_ =	shalt  }
0x6e: {  	_ =	shalt  }
0x6f: {  	_ =	shalt  }
0x70: {  	_ =	shalt  }
0x71: {  	_ =	shalt  }
0x72: {  	_ =	shalt  }
0x73: {  	_ =	shalt  }
0x74: {  	_ =	shalt  }
0x75: {  	_ =	shalt  }
0x76: {  	_ =	shalt  }
0x77: {  	_ =	shalt  }
0x78: {  	_ =	shalt  }
0x79: {  	_ =	shalt  }
0x7a: {  	_ =	shalt  }
0x7b: {  	_ =	shalt  }
0x7c: {  	_ =	shalt  }
0x7d: {  	_ =	shalt  }
0x7e: {  	_ =	shalt  }
0x7f: {  	_ =	shalt  }
0x80: {  	_ =	shalt  }
0x81: {  	_ =	shalt  }
0x82: {  	_ =	shalt  }
0x83: {  	_ =	shalt  }
0x84: {  	_ =	shalt  }
0x85: {  	_ =	shalt  }
0x86: {  	_ =	shalt  }
0x87: {  	_ =	shalt  }
.Lfunc_end0:
.L_simem_size_0:
called_computation_lowered:
.L_overlay_start_0:
0x88: {  	s2 =	sld [smem:$0x3FD9]  }
0x89: {  	s3 =	sld [smem:$0x3FFE];
	_ =	sdelay $0x1  }
0x8a: {  	s1 =	srdreg.scid  }
0x8b: {  	s0 =	sand.u32 $0x1, s1  }
0x8c: {  	s17 =	sshll.u32 s0, $0xA;
	s2 =	sadd.s32 s3, s2  }
0x8d: {  	s2 =	sadd.s32 s2, s17  }
0x8e: {  	[smem:$0x3FC3] =	sst s2  }
0x8f: {  	_ = 	snop  }
0x90: {  	s2 =	sld [smem:$0x3FC8]  }
0x91: {  	s18 =	sld [smem:$0x3FC7]  }
0x92: {  	s4 =	sld [smem:$0x3FC6]  }
0x93: {  	s5 =	sld [smem:$0x3FC5]  }
0x94: {  	s6 =	sld [smem:$0x3FD0];
	(tm) =	ssettm $0x1  }
0x95: {  	s7 =	sld [smem:$0x3FFB];
	_ =	sdelay $0x3  }
0x96: {  	_ =	strace s7  }
0x97: {  	s7 =	sld [smem:$0x3FFC];
	_ =	sdelay $0x3  }
0x98: {  	_ =	strace s7  }
0x99: {  	s7 =	sld [smem:$0x3FFD];
	_ =	sdelay $0x3  }
0x9a: {  	_ =	strace s7  }
0x9b: {  	_ =	strace $0x8FFFFFFF  }
0x9c: {  	s19 =	sld [smem:$0x3FDB];
	_ =	sdelay $0x1  }
0x9d: {  	s8 =	simm.s32 $_scs_section_size  }
0x9e: {  	s9 =	simm.s32 $_size__tile_overlayer_lowered;
	s10 =	simm.s32 $_tile_overlayer_lowered  }
0x9f: {  	s22 =	simm.s32 $0x1BFF;
	s21 =	sshll.u32 s10, $0x1;
	s7 =	sadd.s32 s8, s19  }
0xa0: {  	s11 =	simm.s32 $0x0;
	s20 =	sshll.u32 s9, $0x1;
	s9 =	sadd.s32 s21, s7  }
0xa1: {  	[timem:s11], [sflag:s22] =	dma.local [hbm:s9], s20  }
0xa2: {  	_ =	swait.ge [sflag:s22], s20  }
0xa3: {  	s8 =	ssub.s32 $0x0, s20;
	[sflag:s22] =	ssyncset.done $0x0  }
0xa4: {  	[sflag:s22] =	ssyncadd.s32 s8;
	_ =	sdelay $0x1  }
0xa5: {  	s23 =	simm.s32 $0x1B8B  }
0xa6: {  	_ =	swait.ge [sflag:s23], $0x1  }
0xa7: {  	[sflag:s23] =	ssyncset.done $0x0  }
0xa8: {  	s25 =	simm.s32 $0x1B8E;
	s24 =	sld [smem:$0x3FFE];
	[sflag:s23] =	ssyncadd.s32 $0xFFFFFFFF  }
0xa9: {  	s26 =	simm.s32 $execute0_lowered;
	[smem:$0x3FD2] =	sst s25  }
0xaa: {  	s9 =	sshll.u32 s26, $0x1;
	_ =	strace $0x80000046;
	[dreg:$0x1] =	wrdreg $0xFFFFFFFF  }
0xab: {  	s28 =	simm.s32 $_size_execute0_lowered;
	s7 =	sadd.s32 s7, s9;
	[dreg:$0x0] =	wrdreg $0x0  }
0xac: {  	s9 =	sshll.u32 s28, $0x1;
	[dreg:$0x2] =	wrdreg s7  }
0xad: {  	[dreg:$0x3] =	wrdreg s9  }
0xae: {  	[dreg:$0x4] =	wrdreg $0xC0  }
0xaf: {  	_ =	task [dreg:s11], $0x5FFFF  }
0xb0: {  	[dreg:$0x1] =	wrdreg $0xFFFFFFFF  }
0xb1: {  	[dreg:$0x0] =	wrdreg $0x60  }
0xb2: {  	[dreg:$0x2] =	wrdreg s24  }
0xb3: {  	[dreg:$0x3] =	wrdreg s2  }
0xb4: {  	[dreg:$0x4] =	wrdreg s18  }
0xb5: {  	[dreg:$0x5] =	wrdreg s4  }
0xb6: {  	[dreg:$0x6] =	wrdreg s5  }
0xb7: {  	[dreg:$0x7] =	wrdreg s6  }
0xb8: {  	[dreg:$0x8] =	wrdreg $0x9  }
0xb9: {  	_ =	task.clear_ibuf [dreg:s11], $0x9FFFF;
	_ =	strace $0x90000046  }
0xba: {  	s29 =	simm.s32 $0x9;
	_ =	strace $0x80000048  }
0xbb: {  	_ =	swait.ge [sflag:s29], $0x1  }
0xbc: {  	[sflag:s29] =	ssyncadd.s32 $0xFFFFFFFF  }
0xbd: {  	_ =	strace $0x90000048  }
0xbe: {  	_ =	sfence  }
0xbf: {  	s30 =	sld [smem:$0x0];
	_ =	sdelay $0x2  }
0xc0: {  	s31 =	sshll.u32 s1, $0xD;
	s1 =	sshrl.u32 s1, $0x2  }
0xc1: {  	s3 =	sand.u32 $0x4000, s31;
	s1 =	sadd.s32 s1, s30  }
0xc2: {  	s0 =	sor.u32 s3, s0;
	s1 =	sshll.u32 s1, $0x11  }
0xc3: {  	s0 =	sor.u32 s1, s0  }
0xc4: {  	s0 =	sadd.s32 $0x8F2B, s0  }
0xc5: {  	[sflag:s0] =	ssyncadd.remote.s32 $0x1  }
0xc6: {  	_ =	sfence.sel $0xFFFF  }
0xc7: {  	[dreg:$0x0] =	wrdreg $0xFFFFFFFF;
	(pc) =	sbr.abs _section_cstart, $3  }
0xc8: {  	[dreg:$0x1] =	wrdreg $0xFFFFFFFF  }
0xc9: {  	_ =	task.clear_ibuf [dreg:s11], $0x2FFFF;
	_ =	strace $0x9FFFFFFF  }
0xca: {  	(tm) =	ssettm $0x7FFFFFFF  }
0xcb: {  	_ =	shalt  }
tec
execute0_lowered:
.L_overlay_start_1:
0x0: {  	(tag) =	ssettag $0x1  }
0x1: {  	s0 =	rddreg [dreg:$0x0]  }
0x2: {  	s1 =	rddreg [dreg:$0x1]  }
0x3: {  	s2 =	rddreg [dreg:$0x2]  }
0x4: {  	s3 =	rddreg [dreg:$0x5]  }
0x5: {  	s5 =	simm.s32 $0x0;
	s4 =	srdreg.scid;
	s6 =	stileid.u32  }
0x6: {  	s28 =	simm.s32 $0x1;
	s29 =	simm.s32 $0x0;
	[smem:$0x7FF] =	sst s5  }
0x7: {  	s4 =	sand.u32 $0x1, s4;
	s6 =	sshll.u32 s6, $0x1;
	s0 =	sadd.s32 $0x400, s0  }
0x8: {  	_ =	strace $0x80000047;
	s7 =	ssub.s32 $0x2, s4;
	s4 =	sor.u32 s4, s6  }
0x9: {  	s30 =	sshrl.u32 s7, $0x1;
	s8 =	sshll.u32 s4, $0x8;
	s31 =	sshll.u32 s4, $0xF  }
0xa: {  	s4 =	sshll.u32 s4, $0x5;
	s6 =	ssub.s32 s7, s30;
	s9 =	sor.u32 $0x20, s8  }
0xb: {  	s10 =	sand.u32 $0x38000, s31;
	s4 =	sadd.s32 s0, s4;
	s17 =	sor.u32 $0x40, s8  }
0xc: {  	s18 =	sor.u32 $0x60, s8;
	s19 =	sor.u32 $0x80, s8;
	s23 =	sor.u32 $0xA0, s8  }
0xd: {  	s24 =	sor.u32 $0xC0, s8;
	s8 =	sor.u32 $0xE0, s8;
	s30 =	sadd.s32 s3, s31  }
0xe: {  	[dreg:$0x7] =	wrdreg s4;
	s16 =	sadd.s32 s2, s10;
	s13 =	sshrl.u32 s19, $0x3  }
0xf: {  	[dreg:$0x10] =	wrdreg s30;
	s10 =	sshll.u32 s19, $0x7;
	s19 =	smax.u32 s6, $0x1  }
0x10: {  	s11 =	sshrl.u32 s9, $0x3;
	s20 =	sshrl.u32 s17, $0x3;
	[dreg:$0x18] =	wrdreg s19  }
0x11: {  	s12 =	sshrl.u32 s18, $0x3;
	s15 =	sadd.s32 s0, s11;
	[dreg:$0x8] =	wrdreg s16  }
0x12: {  	s25 =	sshrl.u32 s23, $0x3;
	s11 =	sadd.s32 s0, s20;
	[dreg:$0x9] =	wrdreg s15  }
0x13: {  	s14 =	sshrl.u32 s24, $0x3;
	s21 =	sadd.s32 s0, s12;
	[dreg:$0xa] =	wrdreg s11  }
0x14: {  	s31 =	sshll.u32 s9, $0x7;
	s22 =	sadd.s32 s0, s13;
	[dreg:$0xb] =	wrdreg s21  }
0x15: {  	s2 =	sshll.u32 s17, $0x7;
	s13 =	sadd.s32 s0, s25;
	[dreg:$0xc] =	wrdreg s22  }
0x16: {  	s7 =	sshll.u32 s18, $0x7;
	s26 =	sadd.s32 s0, s14;
	[dreg:$0xd] =	wrdreg s13  }
0x17: {  	s18 =	sshll.u32 s8, $0x7;
	s9 =	sadd.s32 s3, s7;
	[dreg:$0xe] =	wrdreg s26  }
0x18: {  	s14 =	sshll.u32 s24, $0x7;
	s20 =	sadd.s32 $0x1000, s16;
	[dreg:$0x13] =	wrdreg s9  }
0x19: {  	v0 =	vimm.s32 $0x76543210;
	s24 =	sadd.s32 $0x100, s1;
	s25 =	sadd.s32 $0x5000, s16;
	[dreg:$0x19] =	wrdreg s20  }
0x1a: {  	v1 =	vimm.s32 $0xBA98FEDC;
	v2 =	vimm.s32 $0xFEDCBA98;
	s30 =	sadd.s32 $0x6000, s16;
	s19 =	simm.s32 $0x5080;
	[dreg:$0x1d] =	wrdreg s25  }
0x1b: {  	v3 =	vimm.s32 $0x32107654;
	v4 =	vimm.s32 $0xDCFE98BA;
	v5 =	vimm.s32 $0x54761032;
	s15 =	sshrl.u32 s8, $0x3;
	s17 =	sadd.s32 s3, s14;
	[dreg:$0x1e] =	wrdreg s30  }
0x1c: {  	v6 =	vimm.s32 $0xEFCDAB89;
	v7 =	vimm.s32 $0x67452301;
	s13 =	sshll.u32 s23, $0x7;
	s21 =	sadd.s32 $0x2000, s16;
	[dreg:$0x16] =	wrdreg s17  }
0x1d: {  	vm0 =	vmmov $0xffff;
	v1 =	vunpack.c.l.s4.s8 v1;
	v3 =	vunpack.c.l.s4.s8 v3;
	s26 =	sadd.s32 $0x300, s1;
	s22 =	sadd.s32 $0x3000, s16;
	[dreg:$0x1a] =	wrdreg s21  }
0x1e: {  	v0 =	vunpack.c.l.s4.s8 v0;
	v4 =	vunpack.c.l.s4.s8 v4;
	v5 =	vunpack.c.l.s4.s8 v5;
	s23 =	sadd.s32 $0x4000, s16;
	s8 =	simm.s32 $0x80;
	[dreg:$0x1b] =	wrdreg s22  }
0x1f: {  	v2 =	vunpack.c.l.s4.s8 v2;
	v1 =	vunpack.c.0.s8.s32 v1;
	v3 =	vunpack.c.0.s8.s32 v3;
	s20 =	simm.s32 $0x5880;
	s0 =	sadd.s32 s0, s15;
	[dreg:$0x1c] =	wrdreg s23  }
0x20: {  	v6 =	vunpack.c.l.s4.s8 v6;
	v7 =	vunpack.c.l.s4.s8 v7;
	v4 =	vunpack.c.0.s8.s32 v4;
	s25 =	simm.s32 $0x7880;
	[dreg:$0xf] =	wrdreg s0;
	s0 =	sadd.s32 s3, s31  }
0x21: {  	v5 =	vunpack.c.0.s8.s32 v5;
	v2 =	vunpack.c.0.s8.s32 v2;
	v8 =	vcombine.low v3, v1;
	s15 =	sadd.s32 $0x200, s1;
	s31 =	sadd.s32 $0x7000, s16;
	[dreg:$0x11] =	wrdreg s0  }
0x22: {  	v1 =	vunpack.c.0.s8.s32 v6;
	v3 =	vunpack.c.0.s8.s32 v7;
	v6 =	vlaneseq.u32;
	s17 =	simm.s32 $0x4080;
	s0 =	sadd.s32 s3, s2;
	[dreg:$0x1f] =	wrdreg s31  }
0x23: {  	v5 =	vcombine.low v5, v4;
	v7 =	vunpack.c.0.s8.s32 v0;
	v4 =	vshrl.u32 v6, $0x3;
	s21 =	simm.s32 $0x6080;
	[dreg:$0x12] =	wrdreg s0;
	s0 =	sadd.s32 s3, s10  }
0x24: {  	v0 =	vand.u32 $0x7, v6;
	v9 =	vcombine.low v3, v1;
	v1 =	vmul.u32 $0x8, v4;
	s22 =	simm.s32 $0x6880;
	[dreg:$0x14] =	wrdreg s0;
	s0 =	sadd.s32 s3, s13  }
0x25: {  	v3 =	vand.u32 $0xF, v2;
	v2 =	vor.u32 $0x8, v6;
	v4 =	vand.u32 $0xF, v8;
	s23 =	simm.s32 $0x7080;
	[dreg:$0x15] =	wrdreg s0;
	s0 =	sadd.s32 s3, s18  }
0x26: {  	v5 =	vand.u32 $0xF, v5;
	v3 =	vcombine.low v3, v7;
	v6 =	vand.u32 $0xF, v9;
	s3 =	simm.s32 $0x2;
	s18 =	simm.s32 $0x4880;
	[dreg:$0x17] =	wrdreg s0  }
.LBB2_1:
0x27: {  	s0 =	rddreg [dreg:$0x3];
	s2 =	simm.s32 $0x10080  }
0x28: {  	[tilespmem:s2], [sflag:$0x2] =	stream.linear.gather [hbm4b:s0+s5], $0x400, $0x38;
	[tilespmem:$0x10880] =	vst v63  }
0x29: {  	_ =	swait.ge [sflag:s3], $0x400  }
0x2a: {  	[sflag:s3] =	ssyncset.done $0x0  }
0x2b: {  	[sflag:s3] =	ssyncadd.s32 $0xFFFFFC00  }
0x2c: {  	s4 =	simm.s32 $0x10480;
	s2 =	rddreg [dreg:$0x4]  }
0x2d: {  	[tilespmem:s4], [sflag:$0x2] =	stream.linear.gather [hbm4b:s2+s5], $0x400, $0x38;
	[tilespmem:$0x10880] =	vst v63  }
0x2e: {  	_ =	swait.ge [sflag:s3], $0x400  }
0x2f: {  	[sflag:s3] =	ssyncset.done $0x0  }
0x30: {  	s6 =	rddreg [dreg:$0x7];
	[sflag:s3] =	ssyncadd.s32 $0xFFFFFC00  }
0x31: {  	[tilespmem:s5], [sflag:$0x2] =	stream.linear.gather [hbm4b:s6+s5], $0x20, $0x38;
	[tilespmem:$0x10880] =	vst v63  }
0x32: {  	_ =	swait.ge [sflag:s3], $0x20  }
0x33: {  	[sflag:s3] =	ssyncset.done $0x0  }
0x34: {  	s9 =	simm.s32 $0x8080;
	s7 =	rddreg [dreg:$0x8];
	[sflag:s3] =	ssyncadd.s32 $0xFFFFFFE0  }
0x35: {  	[tilespmem:s9], [sflag:$0x2] =	stream.linear.gather [hbm4b:s7+s5], $0x8000, $0x38;
	[tilespmem:$0x10880] =	vst v63  }
0x36: {  	_ =	swait.ge [sflag:s3], $0x8000  }
0x37: {  	[sflag:s3] =	ssyncset.done $0x0  }
0x38: {  	[sflag:s3] =	ssyncadd.s32 $0xFFFF8000  }
0x39: {  	v7 =	vld [tilespmem:$0x0];
	_ =	sdelay $0x4  }
0x3a: {  	v8 =	vshll.u32 v7, $0x3  }
0x3b: {  	v7 =	vand.u32 $0x7, v7;
	v8 =	vand.u32 $0xFFFFFFC0, v8  }
0x3c: {  	v7 =	vor.u32 v7, v8  }
0x3d: {  	v8 =	vperm.xlane v7, v0;
	_ =	sdelay $0x1  }
0x3e: {  	v8 =	vadd.s32 v1, v8;
	_ =	sdelay $0x4  }
0x3f: {  	[tilespmem:s8], [sflag:$0x1] =	stream.indirect_vreg.gather [hbm4b:s1+s5], $0x80, v8, vm0, $0xb8;
	[tilespmem:$0x10880] =	vst v63  }
0x40: {  	s10 =	simm.s32 $0x880;
	v7 =	vperm.xlane v7, v2  }
0x41: {  	[tilespmem:s10], [sflag:$0x1] =	stream.indirect_vreg.gather [hbm4b:s24+s5], $0x80, v8, vm0, $0xb8;
	[tilespmem:$0x10880] =	vst v63  }
0x42: {  	s11 =	simm.s32 $0x1080;
	v7 =	vadd.s32 v1, v7  }
0x43: {  	[tilespmem:s11], [sflag:$0x1] =	stream.indirect_vreg.gather [hbm4b:s15+s5], $0x80, v8, vm0, $0xb8;
	[tilespmem:$0x10880] =	vst v63  }
0x44: {  	s12 =	simm.s32 $0x1880  }
0x45: {  	[tilespmem:s12], [sflag:$0x1] =	stream.indirect_vreg.gather [hbm4b:s26+s5], $0x80, v8, vm0, $0xb8;
	[tilespmem:$0x10880] =	vst v63  }
0x46: {  	s13 =	simm.s32 $0x2080  }
0x47: {  	[tilespmem:s13], [sflag:$0x1] =	stream.indirect_vreg.gather [hbm4b:s1+s5], $0x80, v7, vm0, $0xb8;
	[tilespmem:$0x10880] =	vst v63  }
0x48: {  	s14 =	simm.s32 $0x2880  }
0x49: {  	[tilespmem:s14], [sflag:$0x1] =	stream.indirect_vreg.gather [hbm4b:s24+s5], $0x80, v7, vm0, $0xb8;
	[tilespmem:$0x10880] =	vst v63  }
0x4a: {  	s16 =	simm.s32 $0x3080  }
0x4b: {  	[tilespmem:s16], [sflag:$0x1] =	stream.indirect_vreg.gather [hbm4b:s15+s5], $0x80, v7, vm0, $0xb8;
	[tilespmem:$0x10880] =	vst v63  }
0x4c: {  	s31 =	simm.s32 $0x3880  }
0x4d: {  	[tilespmem:s31], [sflag:$0x1] =	stream.indirect_vreg.gather [hbm4b:s26+s5], $0x80, v7, vm0, $0xb8;
	[tilespmem:$0x10880] =	vst v63  }
0x4e: {  	v7 =	vld [tilespmem:$0x10];
	_ =	sdelay $0x4  }
0x4f: {  	v8 =	vshll.u32 v7, $0x3  }
0x50: {  	v7 =	vand.u32 $0x7, v7;
	v8 =	vand.u32 $0xFFFFFFC0, v8  }
0x51: {  	v7 =	vor.u32 v7, v8  }
0x52: {  	v8 =	vperm.xlane v7, v0;
	_ =	sdelay $0x1  }
0x53: {  	v8 =	vadd.s32 v1, v8;
	_ =	sdelay $0x4  }
0x54: {  	[tilespmem:s17], [sflag:$0x1] =	stream.indirect_vreg.gather [hbm4b:s1+s5], $0x80, v8, vm0, $0xb8;
	[tilespmem:$0x10880] =	vst v63  }
0x55: {  	v7 =	vperm.xlane v7, v2  }
0x56: {  	[tilespmem:s18], [sflag:$0x1] =	stream.indirect_vreg.gather [hbm4b:s24+s5], $0x80, v8, vm0, $0xb8;
	[tilespmem:$0x10880] =	vst v63  }
0x57: {  	v7 =	vadd.s32 v1, v7  }
0x58: {  	[tilespmem:s19], [sflag:$0x1] =	stream.indirect_vreg.gather [hbm4b:s15+s5], $0x80, v8, vm0, $0xb8;
	[tilespmem:$0x10880] =	vst v63  }
0x59: {  	_ = 	snop  }
0x5a: {  	[tilespmem:s20], [sflag:$0x1] =	stream.indirect_vreg.gather [hbm4b:s26+s5], $0x80, v8, vm0, $0xb8;
	[tilespmem:$0x10880] =	vst v63  }
0x5b: {  	_ = 	snop  }
0x5c: {  	[tilespmem:s21], [sflag:$0x1] =	stream.indirect_vreg.gather [hbm4b:s1+s5], $0x80, v7, vm0, $0xb8;
	[tilespmem:$0x10880] =	vst v63  }
0x5d: {  	_ = 	snop  }
0x5e: {  	[tilespmem:s22], [sflag:$0x1] =	stream.indirect_vreg.gather [hbm4b:s24+s5], $0x80, v7, vm0, $0xb8;
	[tilespmem:$0x10880] =	vst v63  }
0x5f: {  	_ = 	snop  }
0x60: {  	[tilespmem:s23], [sflag:$0x1] =	stream.indirect_vreg.gather [hbm4b:s15+s5], $0x80, v7, vm0, $0xb8;
	[tilespmem:$0x10880] =	vst v63  }
0x61: {  	_ = 	snop  }
0x62: {  	[tilespmem:s25], [sflag:$0x1] =	stream.indirect_vreg.gather [hbm4b:s26+s5], $0x80, v7, vm0, $0xb8;
	[tilespmem:$0x10880] =	vst v63  }
0x63: {  	_ =	swait.ge [sflag:s28], $0x8000  }
0x64: {  	[sflag:s28] =	ssyncset.done $0x0  }
0x65: {  	s30 =	simm.s32 $0x0;
	[sflag:s28] =	ssyncadd.s32 $0xFFFF8000  }
.LBB2_2:
0x66: {  	s0 =	sshll.u32 s30, $0xA  }
0x67: {  	s13 =	sshll.u32 s30, $0x7;
	s2 =	simm.s32 $0x0;
	s31 =	sand.u32 $0x6000, s0  }
0x68: {  	s0 =	sand.u32 $0x380, s13;
	s4 =	sand.u32 $0x40, s2;
	s6 =	sand.u32 $0x1C00, s2  }
0x69: {  	s2 =	sor.u32 s0, s31;
	s4 =	sor.u32 s6, s4  }
0x6a: {  	s4 =	sor.u32 s2, s4  }
0x6b: {  	v7 =	vld [tilespmem:s4+$0x80B0]  }
0x6c: {  	v9 =	vld [tilespmem:s4+$0x8090]  }
0x6d: {  	v10 =	vld [tilespmem:s4+$0x90]  }
0x6e: {  	v8 =	vld [tilespmem:s4+$0x80A0]  }
0x6f: {  	s14 =	simm.s32 $0x40;
	s7 =	simm.s32 $0x200;
	v11 =	vld [tilespmem:s4+$0xA0]  }
0x70: {  	s7 =	sand.u32 $0x1C00, s7;
	s6 =	sand.u32 $0x40, s14;
	v12 =	vld [tilespmem:s4+$0x8080]  }
0x71: {  	s6 =	sor.u32 s7, s6;
	v13 =	vld [tilespmem:s4+$0xB0]  }
0x72: {  	s6 =	sor.u32 s2, s6;
	v14 =	vadd.f32 v9, v10;
	v9 =	vld [tilespmem:s4+$0x80]  }
0x73: {  	v15 =	vld [tilespmem:s6+$0x80B0]  }
0x74: {  	v16 =	vld [tilespmem:s6+$0x8090]  }
0x75: {  	v10 =	vld [tilespmem:s6+$0x80A0];
	[tilespmem:s4+$0x90] =	vst v14  }
0x76: {  	v17 =	vadd.f32 v8, v11;
	v11 =	vld [tilespmem:s6+$0x90]  }
0x77: {  	v8 =	vadd.f32 v7, v13;
	v7 =	vadd.f32 v12, v9  }
0x78: {  	[tilespmem:s4+$0xA0] =	vst v17  }
0x79: {  	s16 =	simm.s32 $0x80;
	s9 =	simm.s32 $0x400;
	v21 =	vimm.f32 $0.0e+00;
	v13 =	vld [tilespmem:s6+$0xA0];
	v22 =	vmul.f32 v7, v7  }
0x7a: {  	s9 =	sand.u32 $0x1C00, s9;
	s7 =	sand.u32 $0x40, s16;
	v19 =	vld [tilespmem:s6+$0x8080];
	[tilespmem:s4+$0xB0] =	vst v8;
	v23 =	vadd.f32 v7, v21  }
0x7b: {  	s7 =	sor.u32 s9, s7;
	v18 =	vld [tilespmem:s6+$0xB0];
	[tilespmem:s4+$0x80] =	vst v7;
	v12 =	vadd.f32 v16, v11;
	v16 =	vmul.f32 v14, v14;
	v21 =	vadd.f32 v22, v21  }
0x7c: {  	s4 =	sor.u32 s2, s7;
	v20 =	vld [tilespmem:s6+$0x80]  }
0x7d: {  	v9 =	vld [tilespmem:s4+$0x80B0];
	v16 =	vadd.f32 v16, v21  }
0x7e: {  	v7 =	vld [tilespmem:s4+$0x80A0];
	v10 =	vadd.f32 v10, v13;
	v22 =	vadd.f32 v14, v23  }
0x7f: {  	v11 =	vld [tilespmem:s4+$0x8090];
	v23 =	vmul.f32 v17, v17;
	[tilespmem:s6+$0x90] =	vst v12  }
0x80: {  	v13 =	vadd.f32 v15, v18;
	v18 =	vmul.f32 v8, v8;
	v14 =	vld [tilespmem:s4+$0x90];
	[tilespmem:s6+$0xA0] =	vst v10;
	v21 =	vadd.f32 v17, v22  }
0x81: {  	s9 =	simm.s32 $0xC0;
	s7 =	simm.s32 $0x600;
	v17 =	vmovc v12;
	v15 =	vld [tilespmem:s4+$0xA0];
	v19 =	vadd.f32 v19, v20;
	v20 =	vadd.f32 v23, v16;
	v16 =	vmov v10  }
.LBB2_3:
0x82: {  	s12 =	smov.u32 s9  }
0x83: {  	s10 =	sand.u32 $0x40, s9;
	s11 =	sand.u32 $0x1C00, s7;
	v22 =	vld [tilespmem:s4+$0x8080];
	[tilespmem:s6+$0xB0] =	vst v13;
	v21 =	vadd.f32 v8, v21;
	v23 =	vmov v9;
	v8 =	vmov v13;
	s12 =	sadd.s32 $0x40, s9  }
0x84: {  	p0 =	sne.s32 s9, $0x3C0;
	s10 =	sor.u32 s11, s10;
	v25 =	vmul.f32 v19, v19;
	v18 =	vadd.f32 v18, v20;
	v24 =	vld [tilespmem:s4+$0xB0];
	[tilespmem:s6+$0x80] =	vst v19;
	s6 =	smov.u32 s4  }
0x85: {  	s4 =	sor.u32 s2, s10;
	v19 =	vadd.f32 v19, v21;
	v21 =	vmul.f32 v17, v12;
	v20 =	vld [tilespmem:s6+$0x80]  }
.Ltmp0:
0x86: {  	v17 =	vadd.f32 v11, v14;
	v14 =	vadd.f32 v25, v18;
	v9 =	vld [tilespmem:s4+$0x80B0];
	(pc) =	sbr.rel @p0 .LBB2_3-.Ltmp0, $4  }
0x87: {  	v25 =	vmul.f32 v16, v10;
	v19 =	vadd.f32 v12, v19;
	v16 =	vadd.f32 v7, v15;
	v7 =	vld [tilespmem:s4+$0x80A0]  }
0x88: {  	v18 =	vmul.f32 v13, v8;
	v26 =	vadd.f32 v21, v14;
	v12 =	vmov v17;
	v11 =	vld [tilespmem:s4+$0x8090];
	[tilespmem:s6+$0x90] =	vst v17  }
0x89: {  	v21 =	vadd.f32 v10, v19;
	v10 =	vmov v16;
	v14 =	vld [tilespmem:s4+$0x90];
	[tilespmem:s6+$0xA0] =	vst v16;
	v13 =	vadd.f32 v23, v24  }
0x8a: {  	s7 =	sadd.s32 $0x200, s7;
	s9 =	smov.u32 s12;
	v15 =	vld [tilespmem:s4+$0xA0];
	v19 =	vadd.f32 v22, v20;
	v20 =	vadd.f32 v25, v26  }
0x8b: {  	v22 =	vld [tilespmem:s4+$0x8080];
	[tilespmem:s6+$0xB0] =	vst v13;
	v8 =	vadd.f32 v8, v21  }
0x8c: {  	v44 =	vld [tilespmem:s4+$0xB0];
	[tilespmem:s6+$0x80] =	vst v19  }
0x8d: {  	v23 =	vmul.f32 v19, v19;
	v18 =	vadd.f32 v18, v20;
	v45 =	vld [tilespmem:s4+$0x80];
	v8 =	vadd.f32 v19, v8;
	_ =	sdelay $0x1  }
0x8e: {  	v17 =	vmul.f32 v17, v12;
	v18 =	vadd.f32 v23, v18;
	v8 =	vadd.f32 v12, v8;
	_ =	sdelay $0x1  }
0x8f: {  	v46 =	vmul.f32 v16, v10;
	v47 =	vadd.f32 v17, v18;
	v8 =	vadd.f32 v10, v8  }
0x90: {  	v10 =	vadd.f32 v22, v45  }
0x91: {  	v48 =	vmul.f32 v13, v13;
	v12 =	vadd.f32 v46, v47;
	v8 =	vadd.f32 v13, v8  }
0x92: {  	v11 =	vadd.f32 v11, v14  }
0x93: {  	v49 =	vmul.f32 v10, v10;
	v12 =	vadd.f32 v48, v12;
	v8 =	vadd.f32 v10, v8  }
0x94: {  	v50 =	vadd.f32 v7, v15  }
0x95: {  	v7 =	vmul.f32 v11, v11;
	v12 =	vadd.f32 v49, v12;
	v8 =	vadd.f32 v11, v8  }
0x96: {  	v9 =	vadd.f32 v9, v44  }
0x97: {  	v51 =	vmul.f32 v50, v50;
	v7 =	vadd.f32 v7, v12;
	v8 =	vadd.f32 v50, v8;
	_ =	sdelay $0x1  }
0x98: {  	v52 =	vmul.f32 v9, v9;
	v7 =	vadd.f32 v51, v7;
	v8 =	vadd.f32 v9, v8;
	_ =	sdelay $0x1  }
0x99: {  	v7 =	vadd.f32 v52, v7;
	v53 =	vperm.xlane v8, v3;
	_ =	sdelay $0x1  }
0x9a: {  	v54 =	vperm.xlane v7, v3;
	v8 =	vadd.f32 v53, v8;
	_ =	sdelay $0x1  }
0x9b: {  	v7 =	vadd.f32 v54, v7;
	v55 =	vperm.xlane v8, v4;
	_ =	sdelay $0x1  }
0x9c: {  	v56 =	vperm.xlane v7, v4;
	v8 =	vadd.f32 v55, v8;
	_ =	sdelay $0x1  }
0x9d: {  	v7 =	vadd.f32 v56, v7;
	v57 =	vperm.xlane v8, v5;
	_ =	sdelay $0x1  }
0x9e: {  	v58 =	vperm.xlane v7, v5;
	v8 =	vadd.f32 v57, v8;
	_ =	sdelay $0x1  }
0x9f: {  	v7 =	vadd.f32 v58, v7;
	v59 =	vperm.xlane v8, v6;
	_ =	sdelay $0x1  }
0xa0: {  	v60 =	vperm.xlane v7, v6;
	v8 =	vadd.f32 v59, v8;
	_ =	sdelay $0x1  }
0xa1: {  	v12 =	vadd.f32 v60, v7;
	v7 =	vmul.f32 $9.765625000e-04, v8;
	_ =	sdelay $0x1  }
0xa2: {  	v8 =	vmul.f32 $9.765625000e-04, v12;
	v61 =	vmul.f32 v7, v7;
	_ =	sdelay $0x1  }
0xa3: {  	v8 =	vsub.f32 v8, v61;
	_ =	sdelay $0x1  }
0xa4: {  	v8 =	vadd.f32 $9.999999740e-06, v8;
	_ =	sdelay $0x1  }
0xa5: {  	v62 =	vshra.s32 v8, $0x1;
	v8 =	vmul.f32 $5.000000000e-01, v8  }
0xa6: {  	v12 =	vsub.s32 $0x5F3759DF, v62  }
0xa7: {  	v63 =	vmul.f32 v12, v8;
	_ =	sdelay $0x1  }
0xa8: {  	v13 =	vmul.f32 v12, v63;
	_ =	sdelay $0x1  }
0xa9: {  	v13 =	vsub.f32 $1.500000000e+00, v13;
	_ =	sdelay $0x1  }
0xaa: {  	v12 =	vmul.f32 v12, v13;
	_ =	sdelay $0x1  }
0xab: {  	v13 =	vmul.f32 v12, v8;
	_ =	sdelay $0x1  }
0xac: {  	v13 =	vmul.f32 v13, v12;
	_ =	sdelay $0x1  }
0xad: {  	s2 =	simm.s32 $0x0;
	v13 =	vsub.f32 $1.500000000e+00, v13  }
0xae: {  	s0 =	sadd.s32 s0, s31;
	s14 =	sand.u32 $0x7000, s2;
	[tilespmem:s4+$0x90] =	vst v11  }
0xaf: {  	s0 =	sadd.s32 $0x80, s0;
	s6 =	sshrl.u32 s14, $0x2;
	[tilespmem:s4+$0xA0] =	vst v50;
	v11 =	vmul.f32 v13, v12  }
0xb0: {  	s7 =	sand.u32 $0x40, s2;
	s6 =	sadd.s32 s6, s0;
	[tilespmem:s4+$0xB0] =	vst v9  }
0xb1: {  	s9 =	sadd.s32 s7, s6;
	[tilespmem:s4+$0x80] =	vst v10;
	v8 =	vmul.f32 v11, v8  }
0xb2: {  	v9 =	vld [tilespmem:s9+$0x0]  }
0xb3: {  	v8 =	vmul.f32 v8, v11;
	_ =	sdelay $0x1  }
0xb4: {  	s4 =	simm.s32 $0x10080;
	v8 =	vsub.f32 $1.500000000e+00, v8  }
0xb5: {  	v10 =	vld [tilespmem:s4+$0x0]  }
0xb6: {  	s10 =	simm.s32 $0x10480;
	v9 =	vsub.f32 v9, v7;
	v8 =	vmul.f32 v8, v11  }
0xb7: {  	v11 =	vld [tilespmem:s10+$0x0]  }
0xb8: {  	v9 =	vmul.f32 v9, v8;
	_ =	sdelay $0x1  }
0xb9: {  	v9 =	vmul.f32 v9, v10;
	_ =	sdelay $0x1  }
0xba: {  	v9 =	vadd.f32 v9, v11  }
0xbb: {  	s16 =	sor.u32 $0x10, s7  }
0xbc: {  	s11 =	sadd.s32 s16, s6;
	[tilespmem:s9+$0x0] =	vst v9  }
0xbd: {  	v9 =	vld [tilespmem:s11+$0x0];
	_ =	sdelay $0x1  }
0xbe: {  	s2 =	sand.u32 $0x380, s2  }
0xbf: {  	s10 =	sor.u32 s2, s16  }
0xc0: {  	v10 =	vld [tilespmem:s10+$0x10080]  }
0xc1: {  	v9 =	vsub.f32 v9, v7  }
0xc2: {  	v11 =	vld [tilespmem:s10+$0x10480]  }
0xc3: {  	v9 =	vmul.f32 v9, v8;
	_ =	sdelay $0x1  }
0xc4: {  	v9 =	vmul.f32 v9, v10;
	_ =	sdelay $0x1  }
0xc5: {  	v9 =	vadd.f32 v9, v11  }
0xc6: {  	s12 =	sor.u32 $0x20, s7  }
0xc7: {  	s13 =	sadd.s32 s12, s6;
	[tilespmem:s11+$0x0] =	vst v9  }
0xc8: {  	v9 =	vld [tilespmem:s13+$0x0];
	_ =	sdelay $0x2  }
0xc9: {  	s10 =	sor.u32 s2, s12  }
0xca: {  	v10 =	vld [tilespmem:s10+$0x10080]  }
0xcb: {  	v9 =	vsub.f32 v9, v7  }
0xcc: {  	v11 =	vld [tilespmem:s10+$0x10480]  }
0xcd: {  	v9 =	vmul.f32 v9, v8;
	_ =	sdelay $0x1  }
0xce: {  	v9 =	vmul.f32 v9, v10;
	_ =	sdelay $0x1  }
0xcf: {  	v9 =	vadd.f32 v9, v11  }
0xd0: {  	s7 =	sor.u32 $0x30, s7  }
0xd1: {  	s11 =	sadd.s32 s7, s6;
	[tilespmem:s13+$0x0] =	vst v9  }
0xd2: {  	v9 =	vld [tilespmem:s11+$0x0];
	_ =	sdelay $0x2  }
0xd3: {  	s2 =	sor.u32 s2, s7  }
0xd4: {  	v10 =	vld [tilespmem:s2+$0x10080]  }
0xd5: {  	v9 =	vsub.f32 v9, v7  }
0xd6: {  	v11 =	vld [tilespmem:s2+$0x10480]  }
0xd7: {  	v9 =	vmul.f32 v9, v8  }
0xd8: {  	s7 =	simm.s32 $0x800  }
0xd9: {  	s14 =	sand.u32 $0x7000, s7;
	v9 =	vmul.f32 v9, v10  }
0xda: {  	s9 =	simm.s32 $0x104C0;
	s16 =	sshrl.u32 s14, $0x2;
	s2 =	simm.s32 $0x40  }
0xdb: {  	s12 =	simm.s32 $0x80;
	s31 =	sadd.s32 s16, s0;
	s6 =	sand.u32 $0x40, s2;
	v9 =	vadd.f32 v9, v11  }
.LBB2_5:
0xdc: {  	s13 =	sadd.s32 s6, s31  }
0xdd: {  	[tilespmem:s11+$0x0] =	vst v9;
	s4 =	sadd.s32 $0x40, s4;
	s11 =	smov.u32 s12;
	s10 =	sadd.s32 $0x40, s12  }
0xde: {  	p0 =	sne.s32 s12, $0x3C0;
	v9 =	vld [tilespmem:s13+$0x0];
	_ =	sdelay $0x3  }
0xdf: {  	v10 =	vld [tilespmem:s4+$0x0]  }
0xe0: {  	v9 =	vsub.f32 v9, v7  }
0xe1: {  	v11 =	vld [tilespmem:s9+$0x0]  }
0xe2: {  	v9 =	vmul.f32 v9, v8;
	_ =	sdelay $0x1  }
0xe3: {  	v9 =	vmul.f32 v9, v10;
	_ =	sdelay $0x1  }
0xe4: {  	v9 =	vadd.f32 v9, v11  }
0xe5: {  	s12 =	sor.u32 $0x10, s6  }
0xe6: {  	[tilespmem:s13+$0x0] =	vst v9;
	s13 =	sadd.s32 s12, s31  }
0xe7: {  	v9 =	vld [tilespmem:s13+$0x0];
	_ =	sdelay $0x1  }
0xe8: {  	s14 =	sand.u32 $0x380, s2;
	s2 =	smov.u32 s11  }
0xe9: {  	s11 =	sor.u32 s14, s12  }
0xea: {  	v10 =	vld [tilespmem:s11+$0x10080]  }
0xeb: {  	v9 =	vsub.f32 v9, v7  }
0xec: {  	v11 =	vld [tilespmem:s11+$0x10480]  }
0xed: {  	v9 =	vmul.f32 v9, v8;
	_ =	sdelay $0x1  }
0xee: {  	v9 =	vmul.f32 v9, v10;
	_ =	sdelay $0x1  }
0xef: {  	v9 =	vadd.f32 v9, v11  }
0xf0: {  	s11 =	sor.u32 $0x20, s6  }
0xf1: {  	s12 =	sadd.s32 s11, s31;
	[tilespmem:s13+$0x0] =	vst v9  }
0xf2: {  	v9 =	vld [tilespmem:s12+$0x0];
	_ =	sdelay $0x2  }
0xf3: {  	s11 =	sor.u32 s14, s11  }
0xf4: {  	v10 =	vld [tilespmem:s11+$0x10080]  }
0xf5: {  	v9 =	vsub.f32 v9, v7  }
0xf6: {  	v11 =	vld [tilespmem:s11+$0x10480]  }
0xf7: {  	v9 =	vmul.f32 v9, v8;
	_ =	sdelay $0x1  }
0xf8: {  	v9 =	vmul.f32 v9, v10;
	_ =	sdelay $0x1  }
0xf9: {  	v9 =	vadd.f32 v9, v11  }
0xfa: {  	s6 =	sor.u32 $0x30, s6  }
0xfb: {  	s11 =	sadd.s32 s6, s31;
	[tilespmem:s12+$0x0] =	vst v9  }
0xfc: {  	s6 =	sor.u32 s14, s6;
	v9 =	vld [tilespmem:s11+$0x0]  }
0xfd: {  	v10 =	vld [tilespmem:s6+$0x10080]  }
0xfe: {  	v11 =	vld [tilespmem:s6+$0x10480];
	_ =	sdelay $0x2  }
0xff: {  	v9 =	vsub.f32 v9, v7;
	_ =	sdelay $0x1  }
0x100: {  	v9 =	vmul.f32 v9, v8  }
.Ltmp1:
0x101: {  	(pc) =	sbr.rel @p0 .LBB2_5-.Ltmp1, $4  }
0x102: {  	s7 =	sadd.s32 $0x800, s7;
	v9 =	vmul.f32 v9, v10  }
0x103: {  	s6 =	sand.u32 $0x7000, s7  }
0x104: {  	s9 =	sadd.s32 $0x40, s9;
	s12 =	sshrl.u32 s6, $0x2;
	v9 =	vadd.f32 v9, v11  }
0x105: {  	s6 =	sand.u32 $0x40, s2;
	s31 =	sadd.s32 s12, s0;
	s12 =	smov.u32 s10  }
0x106: {  	s0 =	sadd.s32 s6, s31;
	[tilespmem:s11+$0x0] =	vst v9  }
0x107: {  	v9 =	vld [tilespmem:s0+$0x0];
	_ =	sdelay $0x2  }
0x108: {  	s4 =	sadd.s32 $0x40, s4  }
0x109: {  	v10 =	vld [tilespmem:s4+$0x0]  }
0x10a: {  	v9 =	vsub.f32 v9, v7  }
0x10b: {  	v11 =	vld [tilespmem:s9+$0x0]  }
0x10c: {  	v9 =	vmul.f32 v9, v8;
	_ =	sdelay $0x1  }
0x10d: {  	v9 =	vmul.f32 v9, v10;
	_ =	sdelay $0x1  }
0x10e: {  	v9 =	vadd.f32 v9, v11  }
0x10f: {  	s11 =	sor.u32 $0x10, s6  }
0x110: {  	s12 =	sadd.s32 s11, s31;
	[tilespmem:s0+$0x0] =	vst v9  }
0x111: {  	v9 =	vld [tilespmem:s12+$0x0];
	_ =	sdelay $0x1  }
0x112: {  	s2 =	sand.u32 $0x380, s2  }
0x113: {  	s4 =	sor.u32 s2, s11  }
0x114: {  	v58 =	vld [tilespmem:s4+$0x10080]  }
0x115: {  	v9 =	vsub.f32 v9, v7  }
0x116: {  	v59 =	vld [tilespmem:s4+$0x10480]  }
0x117: {  	v9 =	vmul.f32 v9, v8;
	_ =	sdelay $0x1  }
0x118: {  	v9 =	vmul.f32 v9, v58;
	_ =	sdelay $0x1  }
0x119: {  	v9 =	vadd.f32 v9, v59  }
0x11a: {  	s13 =	sor.u32 $0x20, s6  }
0x11b: {  	s14 =	sadd.s32 s13, s31;
	[tilespmem:s12+$0x0] =	vst v9  }
0x11c: {  	v9 =	vld [tilespmem:s14+$0x0];
	_ =	sdelay $0x2  }
0x11d: {  	s4 =	sor.u32 s2, s13  }
0x11e: {  	v60 =	vld [tilespmem:s4+$0x10080]  }
0x11f: {  	v9 =	vsub.f32 v9, v7  }
0x120: {  	v61 =	vld [tilespmem:s4+$0x10480]  }
0x121: {  	v9 =	vmul.f32 v9, v8;
	_ =	sdelay $0x1  }
0x122: {  	v9 =	vmul.f32 v9, v60;
	_ =	sdelay $0x1  }
0x123: {  	v9 =	vadd.f32 v9, v61  }
0x124: {  	s16 =	sor.u32 $0x30, s6  }
0x125: {  	s31 =	sadd.s32 s16, s31;
	[tilespmem:s14+$0x0] =	vst v9  }
0x126: {  	v9 =	vld [tilespmem:s31+$0x0];
	_ =	sdelay $0x2  }
0x127: {  	s2 =	sor.u32 s2, s16  }
0x128: {  	v62 =	vld [tilespmem:s2+$0x10080]  }
0x129: {  	v7 =	vsub.f32 v9, v7  }
0x12a: {  	v63 =	vld [tilespmem:s2+$0x10480]  }
0x12b: {  	s30 =	sadd.s32 $0x1, s30;
	v7 =	vmul.f32 v7, v8  }
0x12c: {  	p0 =	sne.s32 s30, $0x20  }
.Ltmp2:
0x12d: {  	v7 =	vmul.f32 v7, v62;
	(pc) =	sbr.rel @p0 .LBB2_2-.Ltmp2, $3  }
0x12e: {  	_ = 	snop  }
0x12f: {  	v7 =	vadd.f32 v7, v63;
	_ =	sdelay $0x1  }
0x130: {  	[tilespmem:s31+$0x0] =	vst v7  }
0x131: {  	s30 =	simm.s32 $0x0;
	s0 =	rddreg [dreg:$0x10]  }
0x132: {  	[hbm4b:s0+s30] =	stream.linear.scatter [tilespmem:s8], [sflag:$0x2], $0x8000, $0x38;
	[tilespmem:$0x10880] =	vst v63  }
0x133: {  	_ =	swait.ge [sflag:s3], $0x8000  }
0x134: {  	[sflag:s3] =	ssyncset.done $0x0  }
0x135: {  	s6 =	rddreg [dreg:$0x9];
	[sflag:s3] =	ssyncadd.s32 $0xFFFF8000  }
0x136: {  	[tilespmem:s30], [sflag:$0x2] =	stream.linear.gather [hbm4b:s6+s30], $0x20, $0x38;
	[tilespmem:$0x10880] =	vst v63  }
0x137: {  	_ =	swait.ge [sflag:s3], $0x20  }
0x138: {  	[sflag:s3] =	ssyncset.done $0x0  }
0x139: {  	s2 =	simm.s32 $0x8080;
	s7 =	rddreg [dreg:$0x19];
	[sflag:s3] =	ssyncadd.s32 $0xFFFFFFE0  }
0x13a: {  	[tilespmem:s2], [sflag:$0x2] =	stream.linear.gather [hbm4b:s7+s30], $0x8000, $0x38;
	[tilespmem:$0x10880] =	vst v63  }
0x13b: {  	_ =	swait.ge [sflag:s3], $0x8000  }
0x13c: {  	[sflag:s3] =	ssyncset.done $0x0  }
0x13d: {  	[sflag:s3] =	ssyncadd.s32 $0xFFFF8000  }
0x13e: {  	v7 =	vld [tilespmem:$0x0];
	_ =	sdelay $0x4  }
0x13f: {  	v8 =	vshll.u32 v7, $0x3  }
0x140: {  	v7 =	vand.u32 $0x7, v7;
	v8 =	vand.u32 $0xFFFFFFC0, v8  }
0x141: {  	v7 =	vor.u32 v7, v8  }
0x142: {  	v8 =	vperm.xlane v7, v0;
	_ =	sdelay $0x1  }
0x143: {  	v8 =	vadd.s32 v1, v8;
	_ =	sdelay $0x4  }
0x144: {  	[tilespmem:s8], [sflag:$0x1] =	stream.indirect_vreg.gather [hbm4b:s1+s30], $0x80, v8, vm0, $0xb8;
	[tilespmem:$0x10880] =	vst v63  }
0x145: {  	s9 =	simm.s32 $0x880;
	v7 =	vperm.xlane v7, v2  }
0x146: {  	[tilespmem:s9], [sflag:$0x1] =	stream.indirect_vreg.gather [hbm4b:s24+s30], $0x80, v8, vm0, $0xb8;
	[tilespmem:$0x10880] =	vst v63  }
0x147: {  	s10 =	simm.s32 $0x1080;
	v7 =	vadd.s32 v1, v7  }
0x148: {  	[tilespmem:s10], [sflag:$0x1] =	stream.indirect_vreg.gather [hbm4b:s15+s30], $0x80, v8, vm0, $0xb8;
	[tilespmem:$0x10880] =	vst v63  }
0x149: {  	s11 =	simm.s32 $0x1880  }
0x14a: {  	[tilespmem:s11], [sflag:$0x1] =	stream.indirect_vreg.gather [hbm4b:s26+s30], $0x80, v8, vm0, $0xb8;
	[tilespmem:$0x10880] =	vst v63  }
0x14b: {  	s12 =	simm.s32 $0x2080  }
0x14c: {  	[tilespmem:s12], [sflag:$0x1] =	stream.indirect_vreg.gather [hbm4b:s1+s30], $0x80, v7, vm0, $0xb8;
	[tilespmem:$0x10880] =	vst v63  }
0x14d: {  	s13 =	simm.s32 $0x2880  }
0x14e: {  	[tilespmem:s13], [sflag:$0x1] =	stream.indirect_vreg.gather [hbm4b:s24+s30], $0x80, v7, vm0, $0xb8;
	[tilespmem:$0x10880] =	vst v63  }
0x14f: {  	s14 =	simm.s32 $0x3080  }
0x150: {  	[tilespmem:s14], [sflag:$0x1] =	stream.indirect_vreg.gather [hbm4b:s15+s30], $0x80, v7, vm0, $0xb8;
	[tilespmem:$0x10880] =	vst v63  }
0x151: {  	s16 =	simm.s32 $0x3880  }
0x152: {  	[tilespmem:s16], [sflag:$0x1] =	stream.indirect_vreg.gather [hbm4b:s26+s30], $0x80, v7, vm0, $0xb8;
	[tilespmem:$0x10880] =	vst v63  }
0x153: {  	v7 =	vld [tilespmem:$0x10];
	_ =	sdelay $0x4  }
0x154: {  	v8 =	vshll.u32 v7, $0x3  }
0x155: {  	v7 =	vand.u32 $0x7, v7;
	v8 =	vand.u32 $0xFFFFFFC0, v8  }
0x156: {  	v7 =	vor.u32 v7, v8  }
0x157: {  	v8 =	vperm.xlane v7, v0;
	_ =	sdelay $0x1  }
0x158: {  	v8 =	vadd.s32 v1, v8;
	_ =	sdelay $0x4  }
0x159: {  	[tilespmem:s17], [sflag:$0x1] =	stream.indirect_vreg.gather [hbm4b:s1+s30], $0x80, v8, vm0, $0xb8;
	[tilespmem:$0x10880] =	vst v63  }
0x15a: {  	v7 =	vperm.xlane v7, v2  }
0x15b: {  	[tilespmem:s18], [sflag:$0x1] =	stream.indirect_vreg.gather [hbm4b:s24+s30], $0x80, v8, vm0, $0xb8;
	[tilespmem:$0x10880] =	vst v63  }
0x15c: {  	v7 =	vadd.s32 v1, v7  }
0x15d: {  	[tilespmem:s19], [sflag:$0x1] =	stream.indirect_vreg.gather [hbm4b:s15+s30], $0x80, v8, vm0, $0xb8;
	[tilespmem:$0x10880] =	vst v63  }
0x15e: {  	_ = 	snop  }
0x15f: {  	[tilespmem:s20], [sflag:$0x1] =	stream.indirect_vreg.gather [hbm4b:s26+s30], $0x80, v8, vm0, $0xb8;
	[tilespmem:$0x10880] =	vst v63  }
0x160: {  	_ = 	snop  }
0x161: {  	[tilespmem:s21], [sflag:$0x1] =	stream.indirect_vreg.gather [hbm4b:s1+s30], $0x80, v7, vm0, $0xb8;
	[tilespmem:$0x10880] =	vst v63  }
0x162: {  	_ = 	snop  }
0x163: {  	[tilespmem:s22], [sflag:$0x1] =	stream.indirect_vreg.gather [hbm4b:s24+s30], $0x80, v7, vm0, $0xb8;
	[tilespmem:$0x10880] =	vst v63  }
0x164: {  	_ = 	snop  }
0x165: {  	[tilespmem:s23], [sflag:$0x1] =	stream.indirect_vreg.gather [hbm4b:s15+s30], $0x80, v7, vm0, $0xb8;
	[tilespmem:$0x10880] =	vst v63  }
0x166: {  	_ = 	snop  }
0x167: {  	[tilespmem:s25], [sflag:$0x1] =	stream.indirect_vreg.gather [hbm4b:s26+s30], $0x80, v7, vm0, $0xb8;
	[tilespmem:$0x10880] =	vst v63  }
0x168: {  	_ =	swait.ge [sflag:s28], $0x8000  }
0x169: {  	[sflag:s28] =	ssyncset.done $0x0  }
0x16a: {  	s31 =	simm.s32 $0x0;
	[sflag:s28] =	ssyncadd.s32 $0xFFFF8000  }
.LBB2_8:
0x16b: {  	s0 =	sshll.u32 s31, $0xA;
	s2 =	sshll.u32 s31, $0x7;
	s13 =	sand.u32 $0x40, s30  }
0x16c: {  	s7 =	sand.u32 $0x1C00, s30;
	s0 =	sand.u32 $0x6000, s0;
	s4 =	sand.u32 $0x380, s2  }
0x16d: {  	s2 =	sor.u32 s7, s13;
	s6 =	sor.u32 s4, s0  }
0x16e: {  	s2 =	sor.u32 s6, s2  }
0x16f: {  	v7 =	vld [tilespmem:s2+$0x80B0]  }
0x170: {  	v9 =	vld [tilespmem:s2+$0x8090]  }
0x171: {  	v10 =	vld [tilespmem:s2+$0x90]  }
0x172: {  	v8 =	vld [tilespmem:s2+$0x80A0]  }
0x173: {  	s14 =	simm.s32 $0x40;
	s9 =	simm.s32 $0x200;
	v11 =	vld [tilespmem:s2+$0xA0]  }
0x174: {  	s7 =	sand.u32 $0x40, s14;
	s9 =	sand.u32 $0x1C00, s9;
	v12 =	vld [tilespmem:s2+$0x8080]  }
0x175: {  	s7 =	sor.u32 s9, s7;
	v13 =	vld [tilespmem:s2+$0xB0]  }
0x176: {  	s7 =	sor.u32 s6, s7;
	v14 =	vadd.f32 v9, v10;
	v9 =	vld [tilespmem:s2+$0x80]  }
0x177: {  	v15 =	vld [tilespmem:s7+$0x80B0]  }
0x178: {  	v16 =	vld [tilespmem:s7+$0x8090]  }
0x179: {  	v10 =	vld [tilespmem:s7+$0x80A0];
	[tilespmem:s2+$0x90] =	vst v14  }
0x17a: {  	v17 =	vadd.f32 v8, v11;
	v11 =	vld [tilespmem:s7+$0x90]  }
0x17b: {  	v8 =	vadd.f32 v7, v13;
	v7 =	vadd.f32 v12, v9  }
0x17c: {  	[tilespmem:s2+$0xA0] =	vst v17  }
0x17d: {  	s16 =	simm.s32 $0x80;
	s10 =	simm.s32 $0x400;
	v21 =	vimm.f32 $0.0e+00;
	v13 =	vld [tilespmem:s7+$0xA0];
	v22 =	vmul.f32 v7, v7  }
0x17e: {  	s10 =	sand.u32 $0x1C00, s10;
	s9 =	sand.u32 $0x40, s16;
	v19 =	vld [tilespmem:s7+$0x8080];
	[tilespmem:s2+$0xB0] =	vst v8;
	v23 =	vadd.f32 v7, v21  }
0x17f: {  	s9 =	sor.u32 s10, s9;
	v18 =	vld [tilespmem:s7+$0xB0];
	[tilespmem:s2+$0x80] =	vst v7;
	v12 =	vadd.f32 v16, v11;
	v16 =	vmul.f32 v14, v14;
	v21 =	vadd.f32 v22, v21  }
0x180: {  	s2 =	sor.u32 s6, s9;
	v20 =	vld [tilespmem:s7+$0x80]  }
0x181: {  	v9 =	vld [tilespmem:s2+$0x80B0];
	v16 =	vadd.f32 v16, v21  }
0x182: {  	v7 =	vld [tilespmem:s2+$0x80A0];
	v10 =	vadd.f32 v10, v13;
	v22 =	vadd.f32 v14, v23  }
0x183: {  	v11 =	vld [tilespmem:s2+$0x8090];
	v23 =	vmul.f32 v17, v17;
	[tilespmem:s7+$0x90] =	vst v12  }
0x184: {  	v13 =	vadd.f32 v15, v18;
	v18 =	vmul.f32 v8, v8;
	v14 =	vld [tilespmem:s2+$0x90];
	[tilespmem:s7+$0xA0] =	vst v10;
	v21 =	vadd.f32 v17, v22  }
0x185: {  	s10 =	simm.s32 $0xC0;
	s9 =	simm.s32 $0x600;
	v17 =	vmovc v12;
	v15 =	vld [tilespmem:s2+$0xA0];
	v19 =	vadd.f32 v19, v20;
	v20 =	vadd.f32 v23, v16;
	v16 =	vmov v10  }
.LBB2_9:
0x186: {  	s13 =	smov.u32 s10  }
0x187: {  	s11 =	sand.u32 $0x40, s10;
	s12 =	sand.u32 $0x1C00, s9;
	v22 =	vld [tilespmem:s2+$0x8080];
	[tilespmem:s7+$0xB0] =	vst v13;
	v21 =	vadd.f32 v8, v21;
	v23 =	vmov v9;
	v8 =	vmov v13;
	s13 =	sadd.s32 $0x40, s10  }
0x188: {  	p0 =	sne.s32 s10, $0x3C0;
	s11 =	sor.u32 s12, s11;
	v25 =	vmul.f32 v19, v19;
	v18 =	vadd.f32 v18, v20;
	v24 =	vld [tilespmem:s2+$0xB0];
	[tilespmem:s7+$0x80] =	vst v19;
	s7 =	smov.u32 s2  }
0x189: {  	s2 =	sor.u32 s6, s11;
	v19 =	vadd.f32 v19, v21;
	v21 =	vmul.f32 v17, v12;
	v20 =	vld [tilespmem:s7+$0x80]  }
.Ltmp3:
0x18a: {  	v17 =	vadd.f32 v11, v14;
	v14 =	vadd.f32 v25, v18;
	v9 =	vld [tilespmem:s2+$0x80B0];
	(pc) =	sbr.rel @p0 .LBB2_9-.Ltmp3, $4  }
0x18b: {  	v25 =	vmul.f32 v16, v10;
	v19 =	vadd.f32 v12, v19;
	v16 =	vadd.f32 v7, v15;
	v7 =	vld [tilespmem:s2+$0x80A0]  }
0x18c: {  	v18 =	vmul.f32 v13, v8;
	v26 =	vadd.f32 v21, v14;
	v12 =	vmov v17;
	v11 =	vld [tilespmem:s2+$0x8090];
	[tilespmem:s7+$0x90] =	vst v17  }
0x18d: {  	v21 =	vadd.f32 v10, v19;
	v10 =	vmov v16;
	v14 =	vld [tilespmem:s2+$0x90];
	[tilespmem:s7+$0xA0] =	vst v16;
	v13 =	vadd.f32 v23, v24  }
0x18e: {  	s9 =	sadd.s32 $0x200, s9;
	s10 =	smov.u32 s13;
	v15 =	vld [tilespmem:s2+$0xA0];
	v19 =	vadd.f32 v22, v20;
	v20 =	vadd.f32 v25, v26  }
0x18f: {  	v22 =	vld [tilespmem:s2+$0x8080];
	[tilespmem:s7+$0xB0] =	vst v13;
	v8 =	vadd.f32 v8, v21  }
0x190: {  	v44 =	vld [tilespmem:s2+$0xB0];
	[tilespmem:s7+$0x80] =	vst v19  }
0x191: {  	v23 =	vmul.f32 v19, v19;
	v18 =	vadd.f32 v18, v20;
	v45 =	vld [tilespmem:s2+$0x80];
	v8 =	vadd.f32 v19, v8;
	_ =	sdelay $0x1  }
0x192: {  	v17 =	vmul.f32 v17, v12;
	v18 =	vadd.f32 v23, v18;
	v8 =	vadd.f32 v12, v8;
	_ =	sdelay $0x1  }
0x193: {  	v46 =	vmul.f32 v16, v10;
	v47 =	vadd.f32 v17, v18;
	v8 =	vadd.f32 v10, v8  }
0x194: {  	v10 =	vadd.f32 v22, v45  }
0x195: {  	v48 =	vmul.f32 v13, v13;
	v12 =	vadd.f32 v46, v47;
	v8 =	vadd.f32 v13, v8  }
0x196: {  	v11 =	vadd.f32 v11, v14  }
0x197: {  	v49 =	vmul.f32 v10, v10;
	v12 =	vadd.f32 v48, v12;
	v8 =	vadd.f32 v10, v8  }
0x198: {  	v50 =	vadd.f32 v7, v15  }
0x199: {  	v7 =	vmul.f32 v11, v11;
	v12 =	vadd.f32 v49, v12;
	v8 =	vadd.f32 v11, v8  }
0x19a: {  	v9 =	vadd.f32 v9, v44  }
0x19b: {  	v51 =	vmul.f32 v50, v50;
	v7 =	vadd.f32 v7, v12;
	v8 =	vadd.f32 v50, v8;
	_ =	sdelay $0x1  }
0x19c: {  	v52 =	vmul.f32 v9, v9;
	v7 =	vadd.f32 v51, v7;
	v8 =	vadd.f32 v9, v8;
	_ =	sdelay $0x1  }
0x19d: {  	v7 =	vadd.f32 v52, v7;
	v53 =	vperm.xlane v8, v3;
	_ =	sdelay $0x1  }
0x19e: {  	v54 =	vperm.xlane v7, v3;
	v8 =	vadd.f32 v53, v8;
	_ =	sdelay $0x1  }
0x19f: {  	v7 =	vadd.f32 v54, v7;
	v55 =	vperm.xlane v8, v4;
	_ =	sdelay $0x1  }
0x1a0: {  	v56 =	vperm.xlane v7, v4;
	v8 =	vadd.f32 v55, v8;
	_ =	sdelay $0x1  }
0x1a1: {  	v7 =	vadd.f32 v56, v7;
	v57 =	vperm.xlane v8, v5;
	_ =	sdelay $0x1  }
0x1a2: {  	v58 =	vperm.xlane v7, v5;
	v8 =	vadd.f32 v57, v8;
	_ =	sdelay $0x1  }
0x1a3: {  	v7 =	vadd.f32 v58, v7;
	v59 =	vperm.xlane v8, v6;
	_ =	sdelay $0x1  }
0x1a4: {  	v60 =	vperm.xlane v7, v6;
	v8 =	vadd.f32 v59, v8;
	_ =	sdelay $0x1  }
0x1a5: {  	v12 =	vadd.f32 v60, v7;
	v7 =	vmul.f32 $9.765625000e-04, v8;
	_ =	sdelay $0x1  }
0x1a6: {  	v8 =	vmul.f32 $9.765625000e-04, v12;
	v61 =	vmul.f32 v7, v7;
	_ =	sdelay $0x1  }
0x1a7: {  	v8 =	vsub.f32 v8, v61;
	_ =	sdelay $0x1  }
0x1a8: {  	v8 =	vadd.f32 $9.999999740e-06, v8;
	_ =	sdelay $0x1  }
0x1a9: {  	v62 =	vshra.s32 v8, $0x1;
	v8 =	vmul.f32 $5.000000000e-01, v8  }
0x1aa: {  	v12 =	vsub.s32 $0x5F3759DF, v62  }
0x1ab: {  	v63 =	vmul.f32 v12, v8;
	_ =	sdelay $0x1  }
0x1ac: {  	v13 =	vmul.f32 v12, v63;
	_ =	sdelay $0x1  }
0x1ad: {  	v13 =	vsub.f32 $1.500000000e+00, v13;
	_ =	sdelay $0x1  }
0x1ae: {  	v12 =	vmul.f32 v12, v13;
	_ =	sdelay $0x1  }
0x1af: {  	v13 =	vmul.f32 v12, v8;
	_ =	sdelay $0x1  }
0x1b0: {  	v13 =	vmul.f32 v13, v12;
	_ =	sdelay $0x1  }
0x1b1: {  	s6 =	simm.s32 $0x0;
	v13 =	vsub.f32 $1.500000000e+00, v13  }
0x1b2: {  	s0 =	sadd.s32 s4, s0;
	s13 =	sand.u32 $0x7000, s6;
	[tilespmem:s2+$0x90] =	vst v11  }
0x1b3: {  	s0 =	sadd.s32 $0x80, s0;
	s4 =	sshrl.u32 s13, $0x2;
	[tilespmem:s2+$0xA0] =	vst v50;
	v11 =	vmul.f32 v13, v12  }
0x1b4: {  	s7 =	sand.u32 $0x40, s6;
	s9 =	sadd.s32 s4, s0;
	[tilespmem:s2+$0xB0] =	vst v9  }
0x1b5: {  	s14 =	sadd.s32 s7, s9;
	[tilespmem:s2+$0x80] =	vst v10;
	v8 =	vmul.f32 v11, v8  }
0x1b6: {  	v9 =	vld [tilespmem:s14+$0x0]  }
0x1b7: {  	v8 =	vmul.f32 v8, v11;
	_ =	sdelay $0x1  }
0x1b8: {  	s4 =	simm.s32 $0x10080;
	v8 =	vsub.f32 $1.500000000e+00, v8  }
0x1b9: {  	v10 =	vld [tilespmem:s4+$0x0]  }
0x1ba: {  	s10 =	simm.s32 $0x10480;
	v9 =	vsub.f32 v9, v7;
	v8 =	vmul.f32 v8, v11  }
0x1bb: {  	v11 =	vld [tilespmem:s10+$0x0]  }
0x1bc: {  	v9 =	vmul.f32 v9, v8;
	_ =	sdelay $0x1  }
0x1bd: {  	v9 =	vmul.f32 v9, v10;
	_ =	sdelay $0x1  }
0x1be: {  	v9 =	vadd.f32 v9, v11  }
0x1bf: {  	s16 =	sor.u32 $0x10, s7  }
0x1c0: {  	s11 =	sadd.s32 s16, s9;
	[tilespmem:s14+$0x0] =	vst v9  }
0x1c1: {  	v9 =	vld [tilespmem:s11+$0x0];
	_ =	sdelay $0x1  }
0x1c2: {  	s6 =	sand.u32 $0x380, s6  }
0x1c3: {  	s10 =	sor.u32 s6, s16  }
0x1c4: {  	v10 =	vld [tilespmem:s10+$0x10080]  }
0x1c5: {  	v9 =	vsub.f32 v9, v7  }
0x1c6: {  	v11 =	vld [tilespmem:s10+$0x10480]  }
0x1c7: {  	v9 =	vmul.f32 v9, v8;
	_ =	sdelay $0x1  }
0x1c8: {  	v9 =	vmul.f32 v9, v10;
	_ =	sdelay $0x1  }
0x1c9: {  	v9 =	vadd.f32 v9, v11  }
0x1ca: {  	s12 =	sor.u32 $0x20, s7  }
0x1cb: {  	s13 =	sadd.s32 s12, s9;
	[tilespmem:s11+$0x0] =	vst v9  }
0x1cc: {  	v9 =	vld [tilespmem:s13+$0x0];
	_ =	sdelay $0x2  }
0x1cd: {  	s10 =	sor.u32 s6, s12  }
0x1ce: {  	v10 =	vld [tilespmem:s10+$0x10080]  }
0x1cf: {  	v9 =	vsub.f32 v9, v7  }
0x1d0: {  	v11 =	vld [tilespmem:s10+$0x10480]  }
0x1d1: {  	v9 =	vmul.f32 v9, v8;
	_ =	sdelay $0x1  }
0x1d2: {  	v9 =	vmul.f32 v9, v10;
	_ =	sdelay $0x1  }
0x1d3: {  	v9 =	vadd.f32 v9, v11  }
0x1d4: {  	s7 =	sor.u32 $0x30, s7  }
0x1d5: {  	s12 =	sadd.s32 s7, s9;
	[tilespmem:s13+$0x0] =	vst v9  }
0x1d6: {  	v9 =	vld [tilespmem:s12+$0x0];
	_ =	sdelay $0x2  }
0x1d7: {  	s14 =	sor.u32 s6, s7  }
0x1d8: {  	v10 =	vld [tilespmem:s14+$0x10080]  }
0x1d9: {  	v9 =	vsub.f32 v9, v7  }
0x1da: {  	v11 =	vld [tilespmem:s14+$0x10480]  }
0x1db: {  	v9 =	vmul.f32 v9, v8  }
0x1dc: {  	s6 =	simm.s32 $0x800  }
0x1dd: {  	s2 =	simm.s32 $0x40;
	s16 =	sand.u32 $0x7000, s6;
	v9 =	vmul.f32 v9, v10  }
0x1de: {  	s9 =	sand.u32 $0x40, s2;
	s7 =	sshrl.u32 s16, $0x2  }
0x1df: {  	s7 =	sadd.s32 s7, s0;
	s11 =	simm.s32 $0x80;
	s10 =	simm.s32 $0x104C0;
	v9 =	vadd.f32 v9, v11  }
.LBB2_11:
0x1e0: {  	s14 =	sadd.s32 s9, s7  }
0x1e1: {  	[tilespmem:s12+$0x0] =	vst v9;
	s4 =	sadd.s32 $0x40, s4;
	s12 =	smov.u32 s11;
	s13 =	sadd.s32 $0x40, s11  }
0x1e2: {  	p0 =	sne.s32 s11, $0x3C0;
	v9 =	vld [tilespmem:s14+$0x0];
	_ =	sdelay $0x3  }
0x1e3: {  	v10 =	vld [tilespmem:s4+$0x0]  }
0x1e4: {  	v9 =	vsub.f32 v9, v7  }
0x1e5: {  	v11 =	vld [tilespmem:s10+$0x0]  }
0x1e6: {  	v9 =	vmul.f32 v9, v8;
	_ =	sdelay $0x1  }
0x1e7: {  	v9 =	vmul.f32 v9, v10;
	_ =	sdelay $0x1  }
0x1e8: {  	v9 =	vadd.f32 v9, v11  }
0x1e9: {  	s11 =	sor.u32 $0x10, s9  }
0x1ea: {  	[tilespmem:s14+$0x0] =	vst v9;
	s14 =	sadd.s32 s11, s7  }
0x1eb: {  	v9 =	vld [tilespmem:s14+$0x0];
	_ =	sdelay $0x1  }
0x1ec: {  	s16 =	sand.u32 $0x380, s2;
	s2 =	smov.u32 s12  }
0x1ed: {  	s11 =	sor.u32 s16, s11  }
0x1ee: {  	v10 =	vld [tilespmem:s11+$0x10080]  }
0x1ef: {  	v9 =	vsub.f32 v9, v7  }
0x1f0: {  	v11 =	vld [tilespmem:s11+$0x10480]  }
0x1f1: {  	v9 =	vmul.f32 v9, v8;
	_ =	sdelay $0x1  }
0x1f2: {  	v9 =	vmul.f32 v9, v10;
	_ =	sdelay $0x1  }
0x1f3: {  	v9 =	vadd.f32 v9, v11  }
0x1f4: {  	s11 =	sor.u32 $0x20, s9  }
0x1f5: {  	s12 =	sadd.s32 s11, s7;
	[tilespmem:s14+$0x0] =	vst v9  }
0x1f6: {  	v9 =	vld [tilespmem:s12+$0x0];
	_ =	sdelay $0x2  }
0x1f7: {  	s11 =	sor.u32 s16, s11  }
0x1f8: {  	v10 =	vld [tilespmem:s11+$0x10080]  }
0x1f9: {  	v9 =	vsub.f32 v9, v7  }
0x1fa: {  	v11 =	vld [tilespmem:s11+$0x10480]  }
0x1fb: {  	v9 =	vmul.f32 v9, v8;
	_ =	sdelay $0x1  }
0x1fc: {  	v9 =	vmul.f32 v9, v10;
	_ =	sdelay $0x1  }
0x1fd: {  	v9 =	vadd.f32 v9, v11  }
0x1fe: {  	s9 =	sor.u32 $0x30, s9  }
0x1ff: {  	[tilespmem:s12+$0x0] =	vst v9;
	s12 =	sadd.s32 s9, s7  }
0x200: {  	s7 =	sor.u32 s16, s9;
	v9 =	vld [tilespmem:s12+$0x0]  }
0x201: {  	v10 =	vld [tilespmem:s7+$0x10080]  }
0x202: {  	v11 =	vld [tilespmem:s7+$0x10480];
	_ =	sdelay $0x2  }
0x203: {  	v9 =	vsub.f32 v9, v7;
	_ =	sdelay $0x1  }
0x204: {  	v9 =	vmul.f32 v9, v8  }
.Ltmp4:
0x205: {  	(pc) =	sbr.rel @p0 .LBB2_11-.Ltmp4, $4  }
0x206: {  	s6 =	sadd.s32 $0x800, s6;
	v9 =	vmul.f32 v9, v10  }
0x207: {  	s7 =	sand.u32 $0x7000, s6  }
0x208: {  	s10 =	sadd.s32 $0x40, s10;
	s7 =	sshrl.u32 s7, $0x2;
	v9 =	vadd.f32 v9, v11  }
0x209: {  	s11 =	smov.u32 s13;
	s9 =	sand.u32 $0x40, s2;
	s7 =	sadd.s32 s7, s0  }
0x20a: {  	s0 =	sadd.s32 s9, s7;
	[tilespmem:s12+$0x0] =	vst v9  }
0x20b: {  	v9 =	vld [tilespmem:s0+$0x0];
	_ =	sdelay $0x2  }
0x20c: {  	s4 =	sadd.s32 $0x40, s4  }
0x20d: {  	v10 =	vld [tilespmem:s4+$0x0]  }
0x20e: {  	v9 =	vsub.f32 v9, v7  }
0x20f: {  	v11 =	vld [tilespmem:s10+$0x0]  }
0x210: {  	v9 =	vmul.f32 v9, v8;
	_ =	sdelay $0x1  }
0x211: {  	v9 =	vmul.f32 v9, v10;
	_ =	sdelay $0x1  }
0x212: {  	v9 =	vadd.f32 v9, v11  }
0x213: {  	s10 =	sor.u32 $0x10, s9  }
0x214: {  	s11 =	sadd.s32 s10, s7;
	[tilespmem:s0+$0x0] =	vst v9  }
0x215: {  	v9 =	vld [tilespmem:s11+$0x0];
	_ =	sdelay $0x1  }
0x216: {  	s2 =	sand.u32 $0x380, s2  }
0x217: {  	s4 =	sor.u32 s2, s10  }
0x218: {  	v58 =	vld [tilespmem:s4+$0x10080]  }
0x219: {  	v9 =	vsub.f32 v9, v7  }
0x21a: {  	v59 =	vld [tilespmem:s4+$0x10480]  }
0x21b: {  	v9 =	vmul.f32 v9, v8;
	_ =	sdelay $0x1  }
0x21c: {  	v9 =	vmul.f32 v9, v58;
	_ =	sdelay $0x1  }
0x21d: {  	v9 =	vadd.f32 v9, v59  }
0x21e: {  	s12 =	sor.u32 $0x20, s9  }
0x21f: {  	s13 =	sadd.s32 s12, s7;
	[tilespmem:s11+$0x0] =	vst v9  }
0x220: {  	v9 =	vld [tilespmem:s13+$0x0];
	_ =	sdelay $0x2  }
0x221: {  	s4 =	sor.u32 s2, s12  }
0x222: {  	v60 =	vld [tilespmem:s4+$0x10080]  }
0x223: {  	v9 =	vsub.f32 v9, v7  }
0x224: {  	v61 =	vld [tilespmem:s4+$0x10480]  }
0x225: {  	v9 =	vmul.f32 v9, v8;
	_ =	sdelay $0x1  }
0x226: {  	v9 =	vmul.f32 v9, v60;
	_ =	sdelay $0x1  }
0x227: {  	v9 =	vadd.f32 v9, v61  }
0x228: {  	s14 =	sor.u32 $0x30, s9  }
0x229: {  	s16 =	sadd.s32 s14, s7;
	[tilespmem:s13+$0x0] =	vst v9  }
0x22a: {  	v9 =	vld [tilespmem:s16+$0x0];
	_ =	sdelay $0x2  }
0x22b: {  	s2 =	sor.u32 s2, s14  }
0x22c: {  	v62 =	vld [tilespmem:s2+$0x10080]  }
0x22d: {  	v7 =	vsub.f32 v9, v7  }
0x22e: {  	v63 =	vld [tilespmem:s2+$0x10480]  }
0x22f: {  	s31 =	sadd.s32 $0x1, s31;
	v7 =	vmul.f32 v7, v8  }
0x230: {  	p0 =	sne.s32 s31, $0x20  }
.Ltmp5:
0x231: {  	v7 =	vmul.f32 v7, v62;
	(pc) =	sbr.rel @p0 .LBB2_8-.Ltmp5, $3  }
0x232: {  	_ = 	snop  }
0x233: {  	v7 =	vadd.f32 v7, v63;
	_ =	sdelay $0x1  }
0x234: {  	[tilespmem:s16+$0x0] =	vst v7  }
0x235: {  	s30 =	simm.s32 $0x0;
	s0 =	rddreg [dreg:$0x11]  }
0x236: {  	[hbm4b:s0+s30] =	stream.linear.scatter [tilespmem:s8], [sflag:$0x2], $0x8000, $0x38;
	[tilespmem:$0x10880] =	vst v63  }
0x237: {  	_ =	swait.ge [sflag:s3], $0x8000  }
0x238: {  	[sflag:s3] =	ssyncset.done $0x0  }
0x239: {  	s6 =	rddreg [dreg:$0xa];
	[sflag:s3] =	ssyncadd.s32 $0xFFFF8000  }
0x23a: {  	[tilespmem:s30], [sflag:$0x2] =	stream.linear.gather [hbm4b:s6+s30], $0x20, $0x38;
	[tilespmem:$0x10880] =	vst v63  }
0x23b: {  	_ =	swait.ge [sflag:s3], $0x20  }
0x23c: {  	[sflag:s3] =	ssyncset.done $0x0  }
0x23d: {  	s2 =	simm.s32 $0x8080;
	s7 =	rddreg [dreg:$0x1a];
	[sflag:s3] =	ssyncadd.s32 $0xFFFFFFE0  }
0x23e: {  	[tilespmem:s2], [sflag:$0x2] =	stream.linear.gather [hbm4b:s7+s30], $0x8000, $0x38;
	[tilespmem:$0x10880] =	vst v63  }
0x23f: {  	_ =	swait.ge [sflag:s3], $0x8000  }
0x240: {  	[sflag:s3] =	ssyncset.done $0x0  }
0x241: {  	[sflag:s3] =	ssyncadd.s32 $0xFFFF8000  }
0x242: {  	v7 =	vld [tilespmem:$0x0];
	_ =	sdelay $0x4  }
0x243: {  	v8 =	vshll.u32 v7, $0x3  }
0x244: {  	v7 =	vand.u32 $0x7, v7;
	v8 =	vand.u32 $0xFFFFFFC0, v8  }
0x245: {  	v7 =	vor.u32 v7, v8  }
0x246: {  	v8 =	vperm.xlane v7, v0;
	_ =	sdelay $0x1  }
0x247: {  	v8 =	vadd.s32 v1, v8;
	_ =	sdelay $0x4  }
0x248: {  	[tilespmem:s8], [sflag:$0x1] =	stream.indirect_vreg.gather [hbm4b:s1+s30], $0x80, v8, vm0, $0xb8;
	[tilespmem:$0x10880] =	vst v63  }
0x249: {  	s9 =	simm.s32 $0x880;
	v7 =	vperm.xlane v7, v2  }
0x24a: {  	[tilespmem:s9], [sflag:$0x1] =	stream.indirect_vreg.gather [hbm4b:s24+s30], $0x80, v8, vm0, $0xb8;
	[tilespmem:$0x10880] =	vst v63  }
0x24b: {  	s10 =	simm.s32 $0x1080;
	v7 =	vadd.s32 v1, v7  }
0x24c: {  	[tilespmem:s10], [sflag:$0x1] =	stream.indirect_vreg.gather [hbm4b:s15+s30], $0x80, v8, vm0, $0xb8;
	[tilespmem:$0x10880] =	vst v63  }
0x24d: {  	s11 =	simm.s32 $0x1880  }
0x24e: {  	[tilespmem:s11], [sflag:$0x1] =	stream.indirect_vreg.gather [hbm4b:s26+s30], $0x80, v8, vm0, $0xb8;
	[tilespmem:$0x10880] =	vst v63  }
0x24f: {  	s12 =	simm.s32 $0x2080  }
0x250: {  	[tilespmem:s12], [sflag:$0x1] =	stream.indirect_vreg.gather [hbm4b:s1+s30], $0x80, v7, vm0, $0xb8;
	[tilespmem:$0x10880] =	vst v63  }
0x251: {  	s13 =	simm.s32 $0x2880  }
0x252: {  	[tilespmem:s13], [sflag:$0x1] =	stream.indirect_vreg.gather [hbm4b:s24+s30], $0x80, v7, vm0, $0xb8;
	[tilespmem:$0x10880] =	vst v63  }
0x253: {  	s14 =	simm.s32 $0x3080  }
0x254: {  	[tilespmem:s14], [sflag:$0x1] =	stream.indirect_vreg.gather [hbm4b:s15+s30], $0x80, v7, vm0, $0xb8;
	[tilespmem:$0x10880] =	vst v63  }
0x255: {  	s16 =	simm.s32 $0x3880  }
0x256: {  	[tilespmem:s16], [sflag:$0x1] =	stream.indirect_vreg.gather [hbm4b:s26+s30], $0x80, v7, vm0, $0xb8;
	[tilespmem:$0x10880] =	vst v63  }
0x257: {  	v7 =	vld [tilespmem:$0x10];
	_ =	sdelay $0x4  }
0x258: {  	v8 =	vshll.u32 v7, $0x3  }
0x259: {  	v7 =	vand.u32 $0x7, v7;
	v8 =	vand.u32 $0xFFFFFFC0, v8  }
0x25a: {  	v7 =	vor.u32 v7, v8  }
0x25b: {  	v8 =	vperm.xlane v7, v0;
	_ =	sdelay $0x1  }
0x25c: {  	v8 =	vadd.s32 v1, v8;
	_ =	sdelay $0x4  }
0x25d: {  	[tilespmem:s17], [sflag:$0x1] =	stream.indirect_vreg.gather [hbm4b:s1+s30], $0x80, v8, vm0, $0xb8;
	[tilespmem:$0x10880] =	vst v63  }
0x25e: {  	v7 =	vperm.xlane v7, v2  }
0x25f: {  	[tilespmem:s18], [sflag:$0x1] =	stream.indirect_vreg.gather [hbm4b:s24+s30], $0x80, v8, vm0, $0xb8;
	[tilespmem:$0x10880] =	vst v63  }
0x260: {  	v7 =	vadd.s32 v1, v7  }
0x261: {  	[tilespmem:s19], [sflag:$0x1] =	stream.indirect_vreg.gather [hbm4b:s15+s30], $0x80, v8, vm0, $0xb8;
	[tilespmem:$0x10880] =	vst v63  }
0x262: {  	_ = 	snop  }
0x263: {  	[tilespmem:s20], [sflag:$0x1] =	stream.indirect_vreg.gather [hbm4b:s26+s30], $0x80, v8, vm0, $0xb8;
	[tilespmem:$0x10880] =	vst v63  }
0x264: {  	_ = 	snop  }
0x265: {  	[tilespmem:s21], [sflag:$0x1] =	stream.indirect_vreg.gather [hbm4b:s1+s30], $0x80, v7, vm0, $0xb8;
	[tilespmem:$0x10880] =	vst v63  }
0x266: {  	_ = 	snop  }
0x267: {  	[tilespmem:s22], [sflag:$0x1] =	stream.indirect_vreg.gather [hbm4b:s24+s30], $0x80, v7, vm0, $0xb8;
	[tilespmem:$0x10880] =	vst v63  }
0x268: {  	_ = 	snop  }
0x269: {  	[tilespmem:s23], [sflag:$0x1] =	stream.indirect_vreg.gather [hbm4b:s15+s30], $0x80, v7, vm0, $0xb8;
	[tilespmem:$0x10880] =	vst v63  }
0x26a: {  	_ = 	snop  }
0x26b: {  	[tilespmem:s25], [sflag:$0x1] =	stream.indirect_vreg.gather [hbm4b:s26+s30], $0x80, v7, vm0, $0xb8;
	[tilespmem:$0x10880] =	vst v63  }
0x26c: {  	_ =	swait.ge [sflag:s28], $0x8000  }
0x26d: {  	[sflag:s28] =	ssyncset.done $0x0  }
0x26e: {  	s31 =	simm.s32 $0x0;
	[sflag:s28] =	ssyncadd.s32 $0xFFFF8000  }
.LBB2_14:
0x26f: {  	s0 =	sshll.u32 s31, $0xA;
	s2 =	sshll.u32 s31, $0x7;
	s13 =	sand.u32 $0x40, s30  }
0x270: {  	s7 =	sand.u32 $0x1C00, s30;
	s0 =	sand.u32 $0x6000, s0;
	s4 =	sand.u32 $0x380, s2  }
0x271: {  	s2 =	sor.u32 s7, s13;
	s6 =	sor.u32 s4, s0  }
0x272: {  	s2 =	sor.u32 s6, s2  }
0x273: {  	v7 =	vld [tilespmem:s2+$0x80B0]  }
0x274: {  	v9 =	vld [tilespmem:s2+$0x8090]  }
0x275: {  	v10 =	vld [tilespmem:s2+$0x90]  }
0x276: {  	v8 =	vld [tilespmem:s2+$0x80A0]  }
0x277: {  	s14 =	simm.s32 $0x40;
	s9 =	simm.s32 $0x200;
	v11 =	vld [tilespmem:s2+$0xA0]  }
0x278: {  	s7 =	sand.u32 $0x40, s14;
	s9 =	sand.u32 $0x1C00, s9;
	v12 =	vld [tilespmem:s2+$0x8080]  }
0x279: {  	s7 =	sor.u32 s9, s7;
	v13 =	vld [tilespmem:s2+$0xB0]  }
0x27a: {  	s7 =	sor.u32 s6, s7;
	v14 =	vadd.f32 v9, v10;
	v9 =	vld [tilespmem:s2+$0x80]  }
0x27b: {  	v15 =	vld [tilespmem:s7+$0x80B0]  }
0x27c: {  	v16 =	vld [tilespmem:s7+$0x8090]  }
0x27d: {  	v10 =	vld [tilespmem:s7+$0x80A0];
	[tilespmem:s2+$0x90] =	vst v14  }
0x27e: {  	v17 =	vadd.f32 v8, v11;
	v11 =	vld [tilespmem:s7+$0x90]  }
0x27f: {  	v8 =	vadd.f32 v7, v13;
	v7 =	vadd.f32 v12, v9  }
0x280: {  	[tilespmem:s2+$0xA0] =	vst v17  }
0x281: {  	s16 =	simm.s32 $0x80;
	s10 =	simm.s32 $0x400;
	v21 =	vimm.f32 $0.0e+00;
	v13 =	vld [tilespmem:s7+$0xA0];
	v22 =	vmul.f32 v7, v7  }
0x282: {  	s10 =	sand.u32 $0x1C00, s10;
	s9 =	sand.u32 $0x40, s16;
	v19 =	vld [tilespmem:s7+$0x8080];
	[tilespmem:s2+$0xB0] =	vst v8;
	v23 =	vadd.f32 v7, v21  }
0x283: {  	s9 =	sor.u32 s10, s9;
	v18 =	vld [tilespmem:s7+$0xB0];
	[tilespmem:s2+$0x80] =	vst v7;
	v12 =	vadd.f32 v16, v11;
	v16 =	vmul.f32 v14, v14;
	v21 =	vadd.f32 v22, v21  }
0x284: {  	s2 =	sor.u32 s6, s9;
	v20 =	vld [tilespmem:s7+$0x80]  }
0x285: {  	v9 =	vld [tilespmem:s2+$0x80B0];
	v16 =	vadd.f32 v16, v21  }
0x286: {  	v7 =	vld [tilespmem:s2+$0x80A0];
	v10 =	vadd.f32 v10, v13;
	v22 =	vadd.f32 v14, v23  }
0x287: {  	v11 =	vld [tilespmem:s2+$0x8090];
	v23 =	vmul.f32 v17, v17;
	[tilespmem:s7+$0x90] =	vst v12  }
0x288: {  	v13 =	vadd.f32 v15, v18;
	v18 =	vmul.f32 v8, v8;
	v14 =	vld [tilespmem:s2+$0x90];
	[tilespmem:s7+$0xA0] =	vst v10;
	v21 =	vadd.f32 v17, v22  }
0x289: {  	s10 =	simm.s32 $0xC0;
	s9 =	simm.s32 $0x600;
	v17 =	vmovc v12;
	v15 =	vld [tilespmem:s2+$0xA0];
	v19 =	vadd.f32 v19, v20;
	v20 =	vadd.f32 v23, v16;
	v16 =	vmov v10  }
.LBB2_15:
0x28a: {  	s13 =	smov.u32 s10  }
0x28b: {  	s11 =	sand.u32 $0x40, s10;
	s12 =	sand.u32 $0x1C00, s9;
	v22 =	vld [tilespmem:s2+$0x8080];
	[tilespmem:s7+$0xB0] =	vst v13;
	v21 =	vadd.f32 v8, v21;
	v23 =	vmov v9;
	v8 =	vmov v13;
	s13 =	sadd.s32 $0x40, s10  }
0x28c: {  	p0 =	sne.s32 s10, $0x3C0;
	s11 =	sor.u32 s12, s11;
	v25 =	vmul.f32 v19, v19;
	v18 =	vadd.f32 v18, v20;
	v24 =	vld [tilespmem:s2+$0xB0];
	[tilespmem:s7+$0x80] =	vst v19;
	s7 =	smov.u32 s2  }
0x28d: {  	s2 =	sor.u32 s6, s11;
	v19 =	vadd.f32 v19, v21;
	v21 =	vmul.f32 v17, v12;
	v20 =	vld [tilespmem:s7+$0x80]  }
.Ltmp6:
0x28e: {  	v17 =	vadd.f32 v11, v14;
	v14 =	vadd.f32 v25, v18;
	v9 =	vld [tilespmem:s2+$0x80B0];
	(pc) =	sbr.rel @p0 .LBB2_15-.Ltmp6, $4  }
0x28f: {  	v25 =	vmul.f32 v16, v10;
	v19 =	vadd.f32 v12, v19;
	v16 =	vadd.f32 v7, v15;
	v7 =	vld [tilespmem:s2+$0x80A0]  }
0x290: {  	v18 =	vmul.f32 v13, v8;
	v26 =	vadd.f32 v21, v14;
	v12 =	vmov v17;
	v11 =	vld [tilespmem:s2+$0x8090];
	[tilespmem:s7+$0x90] =	vst v17  }
0x291: {  	v21 =	vadd.f32 v10, v19;
	v10 =	vmov v16;
	v14 =	vld [tilespmem:s2+$0x90];
	[tilespmem:s7+$0xA0] =	vst v16;
	v13 =	vadd.f32 v23, v24  }
0x292: {  	s9 =	sadd.s32 $0x200, s9;
	s10 =	smov.u32 s13;
	v15 =	vld [tilespmem:s2+$0xA0];
	v19 =	vadd.f32 v22, v20;
	v20 =	vadd.f32 v25, v26  }
0x293: {  	v22 =	vld [tilespmem:s2+$0x8080];
	[tilespmem:s7+$0xB0] =	vst v13;
	v8 =	vadd.f32 v8, v21  }
0x294: {  	v44 =	vld [tilespmem:s2+$0xB0];
	[tilespmem:s7+$0x80] =	vst v19  }
0x295: {  	v23 =	vmul.f32 v19, v19;
	v18 =	vadd.f32 v18, v20;
	v45 =	vld [tilespmem:s2+$0x80];
	v8 =	vadd.f32 v19, v8;
	_ =	sdelay $0x1  }
0x296: {  	v17 =	vmul.f32 v17, v12;
	v18 =	vadd.f32 v23, v18;
	v8 =	vadd.f32 v12, v8;
	_ =	sdelay $0x1  }
0x297: {  	v46 =	vmul.f32 v16, v10;
	v47 =	vadd.f32 v17, v18;
	v8 =	vadd.f32 v10, v8  }
0x298: {  	v10 =	vadd.f32 v22, v45  }
0x299: {  	v48 =	vmul.f32 v13, v13;
	v12 =	vadd.f32 v46, v47;
	v8 =	vadd.f32 v13, v8  }
0x29a: {  	v11 =	vadd.f32 v11, v14  }
0x29b: {  	v49 =	vmul.f32 v10, v10;
	v12 =	vadd.f32 v48, v12;
	v8 =	vadd.f32 v10, v8  }
0x29c: {  	v50 =	vadd.f32 v7, v15  }
0x29d: {  	v7 =	vmul.f32 v11, v11;
	v12 =	vadd.f32 v49, v12;
	v8 =	vadd.f32 v11, v8  }
0x29e: {  	v9 =	vadd.f32 v9, v44  }
0x29f: {  	v51 =	vmul.f32 v50, v50;
	v7 =	vadd.f32 v7, v12;
	v8 =	vadd.f32 v50, v8;
	_ =	sdelay $0x1  }
0x2a0: {  	v52 =	vmul.f32 v9, v9;
	v7 =	vadd.f32 v51, v7;
	v8 =	vadd.f32 v9, v8;
	_ =	sdelay $0x1  }
0x2a1: {  	v7 =	vadd.f32 v52, v7;
	v53 =	vperm.xlane v8, v3;
	_ =	sdelay $0x1  }
0x2a2: {  	v54 =	vperm.xlane v7, v3;
	v8 =	vadd.f32 v53, v8;
	_ =	sdelay $0x1  }
0x2a3: {  	v7 =	vadd.f32 v54, v7;
	v55 =	vperm.xlane v8, v4;
	_ =	sdelay $0x1  }
0x2a4: {  	v56 =	vperm.xlane v7, v4;
	v8 =	vadd.f32 v55, v8;
	_ =	sdelay $0x1  }
0x2a5: {  	v7 =	vadd.f32 v56, v7;
	v57 =	vperm.xlane v8, v5;
	_ =	sdelay $0x1  }
0x2a6: {  	v58 =	vperm.xlane v7, v5;
	v8 =	vadd.f32 v57, v8;
	_ =	sdelay $0x1  }
0x2a7: {  	v7 =	vadd.f32 v58, v7;
	v59 =	vperm.xlane v8, v6;
	_ =	sdelay $0x1  }
0x2a8: {  	v60 =	vperm.xlane v7, v6;
	v8 =	vadd.f32 v59, v8;
	_ =	sdelay $0x1  }
0x2a9: {  	v12 =	vadd.f32 v60, v7;
	v7 =	vmul.f32 $9.765625000e-04, v8;
	_ =	sdelay $0x1  }
0x2aa: {  	v8 =	vmul.f32 $9.765625000e-04, v12;
	v61 =	vmul.f32 v7, v7;
	_ =	sdelay $0x1  }
0x2ab: {  	v8 =	vsub.f32 v8, v61;
	_ =	sdelay $0x1  }
0x2ac: {  	v8 =	vadd.f32 $9.999999740e-06, v8;
	_ =	sdelay $0x1  }
0x2ad: {  	v62 =	vshra.s32 v8, $0x1;
	v8 =	vmul.f32 $5.000000000e-01, v8  }
0x2ae: {  	v12 =	vsub.s32 $0x5F3759DF, v62  }
0x2af: {  	v63 =	vmul.f32 v12, v8;
	_ =	sdelay $0x1  }
0x2b0: {  	v13 =	vmul.f32 v12, v63;
	_ =	sdelay $0x1  }
0x2b1: {  	v13 =	vsub.f32 $1.500000000e+00, v13;
	_ =	sdelay $0x1  }
0x2b2: {  	v12 =	vmul.f32 v12, v13;
	_ =	sdelay $0x1  }
0x2b3: {  	v13 =	vmul.f32 v12, v8;
	_ =	sdelay $0x1  }
0x2b4: {  	v13 =	vmul.f32 v13, v12;
	_ =	sdelay $0x1  }
0x2b5: {  	s6 =	simm.s32 $0x0;
	v13 =	vsub.f32 $1.500000000e+00, v13  }
0x2b6: {  	s0 =	sadd.s32 s4, s0;
	s13 =	sand.u32 $0x7000, s6;
	[tilespmem:s2+$0x90] =	vst v11  }
0x2b7: {  	s0 =	sadd.s32 $0x80, s0;
	s4 =	sshrl.u32 s13, $0x2;
	[tilespmem:s2+$0xA0] =	vst v50;
	v11 =	vmul.f32 v13, v12  }
0x2b8: {  	s7 =	sand.u32 $0x40, s6;
	s9 =	sadd.s32 s4, s0;
	[tilespmem:s2+$0xB0] =	vst v9  }
0x2b9: {  	s14 =	sadd.s32 s7, s9;
	[tilespmem:s2+$0x80] =	vst v10;
	v8 =	vmul.f32 v11, v8  }
0x2ba: {  	v9 =	vld [tilespmem:s14+$0x0]  }
0x2bb: {  	v8 =	vmul.f32 v8, v11;
	_ =	sdelay $0x1  }
0x2bc: {  	s4 =	simm.s32 $0x10080;
	v8 =	vsub.f32 $1.500000000e+00, v8  }
0x2bd: {  	v10 =	vld [tilespmem:s4+$0x0]  }
0x2be: {  	s10 =	simm.s32 $0x10480;
	v9 =	vsub.f32 v9, v7;
	v8 =	vmul.f32 v8, v11  }
0x2bf: {  	v11 =	vld [tilespmem:s10+$0x0]  }
0x2c0: {  	v9 =	vmul.f32 v9, v8;
	_ =	sdelay $0x1  }
0x2c1: {  	v9 =	vmul.f32 v9, v10;
	_ =	sdelay $0x1  }
0x2c2: {  	v9 =	vadd.f32 v9, v11  }
0x2c3: {  	s16 =	sor.u32 $0x10, s7  }
0x2c4: {  	s11 =	sadd.s32 s16, s9;
	[tilespmem:s14+$0x0] =	vst v9  }
0x2c5: {  	v9 =	vld [tilespmem:s11+$0x0];
	_ =	sdelay $0x1  }
0x2c6: {  	s6 =	sand.u32 $0x380, s6  }
0x2c7: {  	s10 =	sor.u32 s6, s16  }
0x2c8: {  	v10 =	vld [tilespmem:s10+$0x10080]  }
0x2c9: {  	v9 =	vsub.f32 v9, v7  }
0x2ca: {  	v11 =	vld [tilespmem:s10+$0x10480]  }
0x2cb: {  	v9 =	vmul.f32 v9, v8;
	_ =	sdelay $0x1  }
0x2cc: {  	v9 =	vmul.f32 v9, v10;
	_ =	sdelay $0x1  }
0x2cd: {  	v9 =	vadd.f32 v9, v11  }
0x2ce: {  	s12 =	sor.u32 $0x20, s7  }
0x2cf: {  	s13 =	sadd.s32 s12, s9;
	[tilespmem:s11+$0x0] =	vst v9  }
0x2d0: {  	v9 =	vld [tilespmem:s13+$0x0];
	_ =	sdelay $0x2  }
0x2d1: {  	s10 =	sor.u32 s6, s12  }
0x2d2: {  	v10 =	vld [tilespmem:s10+$0x10080]  }
0x2d3: {  	v9 =	vsub.f32 v9, v7  }
0x2d4: {  	v11 =	vld [tilespmem:s10+$0x10480]  }
0x2d5: {  	v9 =	vmul.f32 v9, v8;
	_ =	sdelay $0x1  }
0x2d6: {  	v9 =	vmul.f32 v9, v10;
	_ =	sdelay $0x1  }
0x2d7: {  	v9 =	vadd.f32 v9, v11  }
0x2d8: {  	s7 =	sor.u32 $0x30, s7  }
0x2d9: {  	s12 =	sadd.s32 s7, s9;
	[tilespmem:s13+$0x0] =	vst v9  }
0x2da: {  	v9 =	vld [tilespmem:s12+$0x0];
	_ =	sdelay $0x2  }
0x2db: {  	s14 =	sor.u32 s6, s7  }
0x2dc: {  	v10 =	vld [tilespmem:s14+$0x10080]  }
0x2dd: {  	v9 =	vsub.f32 v9, v7  }
0x2de: {  	v11 =	vld [tilespmem:s14+$0x10480]  }
0x2df: {  	v9 =	vmul.f32 v9, v8  }
0x2e0: {  	s6 =	simm.s32 $0x800  }
0x2e1: {  	s2 =	simm.s32 $0x40;
	s16 =	sand.u32 $0x7000, s6;
	v9 =	vmul.f32 v9, v10  }
0x2e2: {  	s9 =	sand.u32 $0x40, s2;
	s7 =	sshrl.u32 s16, $0x2  }
0x2e3: {  	s7 =	sadd.s32 s7, s0;
	s10 =	simm.s32 $0x104C0;
	s13 =	simm.s32 $0x80;
	v9 =	vadd.f32 v9, v11  }
.LBB2_17:
0x2e4: {  	s14 =	sadd.s32 s9, s7  }
0x2e5: {  	[tilespmem:s12+$0x0] =	vst v9;
	s4 =	sadd.s32 $0x40, s4;
	s12 =	smov.u32 s13;
	s11 =	sadd.s32 $0x40, s13  }
0x2e6: {  	p0 =	sne.s32 s13, $0x3C0;
	v9 =	vld [tilespmem:s14+$0x0];
	_ =	sdelay $0x3  }
0x2e7: {  	v10 =	vld [tilespmem:s4+$0x0]  }
0x2e8: {  	v9 =	vsub.f32 v9, v7  }
0x2e9: {  	v11 =	vld [tilespmem:s10+$0x0]  }
0x2ea: {  	v9 =	vmul.f32 v9, v8;
	_ =	sdelay $0x1  }
0x2eb: {  	v9 =	vmul.f32 v9, v10;
	_ =	sdelay $0x1  }
0x2ec: {  	v9 =	vadd.f32 v9, v11  }
0x2ed: {  	s13 =	sor.u32 $0x10, s9  }
0x2ee: {  	[tilespmem:s14+$0x0] =	vst v9;
	s14 =	sadd.s32 s13, s7  }
0x2ef: {  	v9 =	vld [tilespmem:s14+$0x0];
	_ =	sdelay $0x1  }
0x2f0: {  	s16 =	sand.u32 $0x380, s2;
	s2 =	smov.u32 s12  }
0x2f1: {  	s12 =	sor.u32 s16, s13  }
0x2f2: {  	v10 =	vld [tilespmem:s12+$0x10080]  }
0x2f3: {  	v9 =	vsub.f32 v9, v7  }
0x2f4: {  	v11 =	vld [tilespmem:s12+$0x10480]  }
0x2f5: {  	v9 =	vmul.f32 v9, v8;
	_ =	sdelay $0x1  }
0x2f6: {  	v9 =	vmul.f32 v9, v10;
	_ =	sdelay $0x1  }
0x2f7: {  	v9 =	vadd.f32 v9, v11  }
0x2f8: {  	s12 =	sor.u32 $0x20, s9  }
0x2f9: {  	s13 =	sadd.s32 s12, s7;
	[tilespmem:s14+$0x0] =	vst v9  }
0x2fa: {  	v9 =	vld [tilespmem:s13+$0x0];
	_ =	sdelay $0x2  }
0x2fb: {  	s12 =	sor.u32 s16, s12  }
0x2fc: {  	v10 =	vld [tilespmem:s12+$0x10080]  }
0x2fd: {  	v9 =	vsub.f32 v9, v7  }
0x2fe: {  	v11 =	vld [tilespmem:s12+$0x10480]  }
0x2ff: {  	v9 =	vmul.f32 v9, v8;
	_ =	sdelay $0x1  }
0x300: {  	v9 =	vmul.f32 v9, v10;
	_ =	sdelay $0x1  }
0x301: {  	v9 =	vadd.f32 v9, v11  }
0x302: {  	s9 =	sor.u32 $0x30, s9  }
0x303: {  	s12 =	sadd.s32 s9, s7;
	[tilespmem:s13+$0x0] =	vst v9  }
0x304: {  	s7 =	sor.u32 s16, s9;
	v9 =	vld [tilespmem:s12+$0x0]  }
0x305: {  	v10 =	vld [tilespmem:s7+$0x10080]  }
0x306: {  	v11 =	vld [tilespmem:s7+$0x10480];
	_ =	sdelay $0x2  }
0x307: {  	v9 =	vsub.f32 v9, v7;
	_ =	sdelay $0x1  }
0x308: {  	v9 =	vmul.f32 v9, v8  }
.Ltmp7:
0x309: {  	(pc) =	sbr.rel @p0 .LBB2_17-.Ltmp7, $4  }
0x30a: {  	s6 =	sadd.s32 $0x800, s6;
	v9 =	vmul.f32 v9, v10  }
0x30b: {  	s7 =	sand.u32 $0x7000, s6  }
0x30c: {  	s10 =	sadd.s32 $0x40, s10;
	s7 =	sshrl.u32 s7, $0x2;
	v9 =	vadd.f32 v9, v11  }
0x30d: {  	s9 =	sand.u32 $0x40, s2;
	s13 =	smov.u32 s11;
	s7 =	sadd.s32 s7, s0  }
0x30e: {  	s0 =	sadd.s32 s9, s7;
	[tilespmem:s12+$0x0] =	vst v9  }
0x30f: {  	v9 =	vld [tilespmem:s0+$0x0];
	_ =	sdelay $0x2  }
0x310: {  	s4 =	sadd.s32 $0x40, s4  }
0x311: {  	v10 =	vld [tilespmem:s4+$0x0]  }
0x312: {  	v9 =	vsub.f32 v9, v7  }
0x313: {  	v11 =	vld [tilespmem:s10+$0x0]  }
0x314: {  	v9 =	vmul.f32 v9, v8;
	_ =	sdelay $0x1  }
0x315: {  	v9 =	vmul.f32 v9, v10;
	_ =	sdelay $0x1  }
0x316: {  	v9 =	vadd.f32 v9, v11  }
0x317: {  	s10 =	sor.u32 $0x10, s9  }
0x318: {  	s11 =	sadd.s32 s10, s7;
	[tilespmem:s0+$0x0] =	vst v9  }
0x319: {  	v9 =	vld [tilespmem:s11+$0x0];
	_ =	sdelay $0x1  }
0x31a: {  	s2 =	sand.u32 $0x380, s2  }
0x31b: {  	s4 =	sor.u32 s2, s10  }
0x31c: {  	v58 =	vld [tilespmem:s4+$0x10080]  }
0x31d: {  	v9 =	vsub.f32 v9, v7  }
0x31e: {  	v59 =	vld [tilespmem:s4+$0x10480]  }
0x31f: {  	v9 =	vmul.f32 v9, v8;
	_ =	sdelay $0x1  }
0x320: {  	v9 =	vmul.f32 v9, v58;
	_ =	sdelay $0x1  }
0x321: {  	v9 =	vadd.f32 v9, v59  }
0x322: {  	s12 =	sor.u32 $0x20, s9  }
0x323: {  	s13 =	sadd.s32 s12, s7;
	[tilespmem:s11+$0x0] =	vst v9  }
0x324: {  	v9 =	vld [tilespmem:s13+$0x0];
	_ =	sdelay $0x2  }
0x325: {  	s4 =	sor.u32 s2, s12  }
0x326: {  	v60 =	vld [tilespmem:s4+$0x10080]  }
0x327: {  	v9 =	vsub.f32 v9, v7  }
0x328: {  	v61 =	vld [tilespmem:s4+$0x10480]  }
0x329: {  	v9 =	vmul.f32 v9, v8;
	_ =	sdelay $0x1  }
0x32a: {  	v9 =	vmul.f32 v9, v60;
	_ =	sdelay $0x1  }
0x32b: {  	v9 =	vadd.f32 v9, v61  }
0x32c: {  	s14 =	sor.u32 $0x30, s9  }
0x32d: {  	s16 =	sadd.s32 s14, s7;
	[tilespmem:s13+$0x0] =	vst v9  }
0x32e: {  	v9 =	vld [tilespmem:s16+$0x0];
	_ =	sdelay $0x2  }
0x32f: {  	s2 =	sor.u32 s2, s14  }
0x330: {  	v62 =	vld [tilespmem:s2+$0x10080]  }
0x331: {  	v7 =	vsub.f32 v9, v7  }
0x332: {  	v63 =	vld [tilespmem:s2+$0x10480]  }
0x333: {  	s31 =	sadd.s32 $0x1, s31;
	v7 =	vmul.f32 v7, v8  }
0x334: {  	p0 =	sne.s32 s31, $0x20  }
.Ltmp8:
0x335: {  	v7 =	vmul.f32 v7, v62;
	(pc) =	sbr.rel @p0 .LBB2_14-.Ltmp8, $3  }
0x336: {  	_ = 	snop  }
0x337: {  	v7 =	vadd.f32 v7, v63;
	_ =	sdelay $0x1  }
0x338: {  	[tilespmem:s16+$0x0] =	vst v7  }
0x339: {  	s30 =	simm.s32 $0x0;
	s0 =	rddreg [dreg:$0x12]  }
0x33a: {  	[hbm4b:s0+s30] =	stream.linear.scatter [tilespmem:s8], [sflag:$0x2], $0x8000, $0x38;
	[tilespmem:$0x10880] =	vst v63  }
0x33b: {  	_ =	swait.ge [sflag:s3], $0x8000  }
0x33c: {  	[sflag:s3] =	ssyncset.done $0x0  }
0x33d: {  	s6 =	rddreg [dreg:$0xb];
	[sflag:s3] =	ssyncadd.s32 $0xFFFF8000  }
0x33e: {  	[tilespmem:s30], [sflag:$0x2] =	stream.linear.gather [hbm4b:s6+s30], $0x20, $0x38;
	[tilespmem:$0x10880] =	vst v63  }
0x33f: {  	_ =	swait.ge [sflag:s3], $0x20  }
0x340: {  	[sflag:s3] =	ssyncset.done $0x0  }
0x341: {  	s2 =	simm.s32 $0x8080;
	s7 =	rddreg [dreg:$0x1b];
	[sflag:s3] =	ssyncadd.s32 $0xFFFFFFE0  }
0x342: {  	[tilespmem:s2], [sflag:$0x2] =	stream.linear.gather [hbm4b:s7+s30], $0x8000, $0x38;
	[tilespmem:$0x10880] =	vst v63  }
0x343: {  	_ =	swait.ge [sflag:s3], $0x8000  }
0x344: {  	[sflag:s3] =	ssyncset.done $0x0  }
0x345: {  	[sflag:s3] =	ssyncadd.s32 $0xFFFF8000  }
0x346: {  	v7 =	vld [tilespmem:$0x0];
	_ =	sdelay $0x4  }
0x347: {  	v8 =	vshll.u32 v7, $0x3  }
0x348: {  	v7 =	vand.u32 $0x7, v7;
	v8 =	vand.u32 $0xFFFFFFC0, v8  }
0x349: {  	v7 =	vor.u32 v7, v8  }
0x34a: {  	v8 =	vperm.xlane v7, v0;
	_ =	sdelay $0x1  }
0x34b: {  	v8 =	vadd.s32 v1, v8;
	_ =	sdelay $0x4  }
0x34c: {  	[tilespmem:s8], [sflag:$0x1] =	stream.indirect_vreg.gather [hbm4b:s1+s30], $0x80, v8, vm0, $0xb8;
	[tilespmem:$0x10880] =	vst v63  }
0x34d: {  	s9 =	simm.s32 $0x880;
	v7 =	vperm.xlane v7, v2  }
0x34e: {  	[tilespmem:s9], [sflag:$0x1] =	stream.indirect_vreg.gather [hbm4b:s24+s30], $0x80, v8, vm0, $0xb8;
	[tilespmem:$0x10880] =	vst v63  }
0x34f: {  	s10 =	simm.s32 $0x1080;
	v7 =	vadd.s32 v1, v7  }
0x350: {  	[tilespmem:s10], [sflag:$0x1] =	stream.indirect_vreg.gather [hbm4b:s15+s30], $0x80, v8, vm0, $0xb8;
	[tilespmem:$0x10880] =	vst v63  }
0x351: {  	s11 =	simm.s32 $0x1880  }
0x352: {  	[tilespmem:s11], [sflag:$0x1] =	stream.indirect_vreg.gather [hbm4b:s26+s30], $0x80, v8, vm0, $0xb8;
	[tilespmem:$0x10880] =	vst v63  }
0x353: {  	s12 =	simm.s32 $0x2080  }
0x354: {  	[tilespmem:s12], [sflag:$0x1] =	stream.indirect_vreg.gather [hbm4b:s1+s30], $0x80, v7, vm0, $0xb8;
	[tilespmem:$0x10880] =	vst v63  }
0x355: {  	s13 =	simm.s32 $0x2880  }
0x356: {  	[tilespmem:s13], [sflag:$0x1] =	stream.indirect_vreg.gather [hbm4b:s24+s30], $0x80, v7, vm0, $0xb8;
	[tilespmem:$0x10880] =	vst v63  }
0x357: {  	s14 =	simm.s32 $0x3080  }
0x358: {  	[tilespmem:s14], [sflag:$0x1] =	stream.indirect_vreg.gather [hbm4b:s15+s30], $0x80, v7, vm0, $0xb8;
	[tilespmem:$0x10880] =	vst v63  }
0x359: {  	s16 =	simm.s32 $0x3880  }
0x35a: {  	[tilespmem:s16], [sflag:$0x1] =	stream.indirect_vreg.gather [hbm4b:s26+s30], $0x80, v7, vm0, $0xb8;
	[tilespmem:$0x10880] =	vst v63  }
0x35b: {  	v7 =	vld [tilespmem:$0x10];
	_ =	sdelay $0x4  }
0x35c: {  	v8 =	vshll.u32 v7, $0x3  }
0x35d: {  	v7 =	vand.u32 $0x7, v7;
	v8 =	vand.u32 $0xFFFFFFC0, v8  }
0x35e: {  	v7 =	vor.u32 v7, v8  }
0x35f: {  	v8 =	vperm.xlane v7, v0;
	_ =	sdelay $0x1  }
0x360: {  	v8 =	vadd.s32 v1, v8;
	_ =	sdelay $0x4  }
0x361: {  	[tilespmem:s17], [sflag:$0x1] =	stream.indirect_vreg.gather [hbm4b:s1+s30], $0x80, v8, vm0, $0xb8;
	[tilespmem:$0x10880] =	vst v63  }
0x362: {  	v7 =	vperm.xlane v7, v2  }
0x363: {  	[tilespmem:s18], [sflag:$0x1] =	stream.indirect_vreg.gather [hbm4b:s24+s30], $0x80, v8, vm0, $0xb8;
	[tilespmem:$0x10880] =	vst v63  }
0x364: {  	v7 =	vadd.s32 v1, v7  }
0x365: {  	[tilespmem:s19], [sflag:$0x1] =	stream.indirect_vreg.gather [hbm4b:s15+s30], $0x80, v8, vm0, $0xb8;
	[tilespmem:$0x10880] =	vst v63  }
0x366: {  	_ = 	snop  }
0x367: {  	[tilespmem:s20], [sflag:$0x1] =	stream.indirect_vreg.gather [hbm4b:s26+s30], $0x80, v8, vm0, $0xb8;
	[tilespmem:$0x10880] =	vst v63  }
0x368: {  	_ = 	snop  }
0x369: {  	[tilespmem:s21], [sflag:$0x1] =	stream.indirect_vreg.gather [hbm4b:s1+s30], $0x80, v7, vm0, $0xb8;
	[tilespmem:$0x10880] =	vst v63  }
0x36a: {  	_ = 	snop  }
0x36b: {  	[tilespmem:s22], [sflag:$0x1] =	stream.indirect_vreg.gather [hbm4b:s24+s30], $0x80, v7, vm0, $0xb8;
	[tilespmem:$0x10880] =	vst v63  }
0x36c: {  	_ = 	snop  }
0x36d: {  	[tilespmem:s23], [sflag:$0x1] =	stream.indirect_vreg.gather [hbm4b:s15+s30], $0x80, v7, vm0, $0xb8;
	[tilespmem:$0x10880] =	vst v63  }
0x36e: {  	_ = 	snop  }
0x36f: {  	[tilespmem:s25], [sflag:$0x1] =	stream.indirect_vreg.gather [hbm4b:s26+s30], $0x80, v7, vm0, $0xb8;
	[tilespmem:$0x10880] =	vst v63  }
0x370: {  	_ =	swait.ge [sflag:s28], $0x8000  }
0x371: {  	[sflag:s28] =	ssyncset.done $0x0  }
0x372: {  	s31 =	simm.s32 $0x0;
	[sflag:s28] =	ssyncadd.s32 $0xFFFF8000  }
.LBB2_20:
0x373: {  	s0 =	sshll.u32 s31, $0xA;
	s2 =	sshll.u32 s31, $0x7;
	s13 =	sand.u32 $0x40, s30  }
0x374: {  	s7 =	sand.u32 $0x1C00, s30;
	s0 =	sand.u32 $0x6000, s0;
	s4 =	sand.u32 $0x380, s2  }
0x375: {  	s2 =	sor.u32 s7, s13;
	s6 =	sor.u32 s4, s0  }
0x376: {  	s2 =	sor.u32 s6, s2  }
0x377: {  	v7 =	vld [tilespmem:s2+$0x80B0]  }
0x378: {  	v9 =	vld [tilespmem:s2+$0x8090]  }
0x379: {  	v10 =	vld [tilespmem:s2+$0x90]  }
0x37a: {  	v8 =	vld [tilespmem:s2+$0x80A0]  }
0x37b: {  	s14 =	simm.s32 $0x40;
	s9 =	simm.s32 $0x200;
	v11 =	vld [tilespmem:s2+$0xA0]  }
0x37c: {  	s7 =	sand.u32 $0x40, s14;
	s9 =	sand.u32 $0x1C00, s9;
	v12 =	vld [tilespmem:s2+$0x8080]  }
0x37d: {  	s7 =	sor.u32 s9, s7;
	v13 =	vld [tilespmem:s2+$0xB0]  }
0x37e: {  	s7 =	sor.u32 s6, s7;
	v14 =	vadd.f32 v9, v10;
	v9 =	vld [tilespmem:s2+$0x80]  }
0x37f: {  	v15 =	vld [tilespmem:s7+$0x80B0]  }
0x380: {  	v16 =	vld [tilespmem:s7+$0x8090]  }
0x381: {  	v10 =	vld [tilespmem:s7+$0x80A0];
	[tilespmem:s2+$0x90] =	vst v14  }
0x382: {  	v17 =	vadd.f32 v8, v11;
	v11 =	vld [tilespmem:s7+$0x90]  }
0x383: {  	v8 =	vadd.f32 v7, v13;
	v7 =	vadd.f32 v12, v9  }
0x384: {  	[tilespmem:s2+$0xA0] =	vst v17  }
0x385: {  	s16 =	simm.s32 $0x80;
	s10 =	simm.s32 $0x400;
	v21 =	vimm.f32 $0.0e+00;
	v13 =	vld [tilespmem:s7+$0xA0];
	v22 =	vmul.f32 v7, v7  }
0x386: {  	s10 =	sand.u32 $0x1C00, s10;
	s9 =	sand.u32 $0x40, s16;
	v19 =	vld [tilespmem:s7+$0x8080];
	[tilespmem:s2+$0xB0] =	vst v8;
	v23 =	vadd.f32 v7, v21  }
0x387: {  	s9 =	sor.u32 s10, s9;
	v18 =	vld [tilespmem:s7+$0xB0];
	[tilespmem:s2+$0x80] =	vst v7;
	v12 =	vadd.f32 v16, v11;
	v16 =	vmul.f32 v14, v14;
	v21 =	vadd.f32 v22, v21  }
0x388: {  	s2 =	sor.u32 s6, s9;
	v20 =	vld [tilespmem:s7+$0x80]  }
0x389: {  	v9 =	vld [tilespmem:s2+$0x80B0];
	v16 =	vadd.f32 v16, v21  }
0x38a: {  	v7 =	vld [tilespmem:s2+$0x80A0];
	v10 =	vadd.f32 v10, v13;
	v22 =	vadd.f32 v14, v23  }
0x38b: {  	v11 =	vld [tilespmem:s2+$0x8090];
	v23 =	vmul.f32 v17, v17;
	[tilespmem:s7+$0x90] =	vst v12  }
0x38c: {  	v13 =	vadd.f32 v15, v18;
	v18 =	vmul.f32 v8, v8;
	v14 =	vld [tilespmem:s2+$0x90];
	[tilespmem:s7+$0xA0] =	vst v10;
	v21 =	vadd.f32 v17, v22  }
0x38d: {  	s10 =	simm.s32 $0xC0;
	s9 =	simm.s32 $0x600;
	v17 =	vmovc v12;
	v15 =	vld [tilespmem:s2+$0xA0];
	v19 =	vadd.f32 v19, v20;
	v20 =	vadd.f32 v23, v16;
	v16 =	vmov v10  }
.LBB2_21:
0x38e: {  	s13 =	smov.u32 s10  }
0x38f: {  	s11 =	sand.u32 $0x40, s10;
	s12 =	sand.u32 $0x1C00, s9;
	v22 =	vld [tilespmem:s2+$0x8080];
	[tilespmem:s7+$0xB0] =	vst v13;
	v21 =	vadd.f32 v8, v21;
	v23 =	vmov v9;
	v8 =	vmov v13;
	s13 =	sadd.s32 $0x40, s10  }
0x390: {  	p0 =	sne.s32 s10, $0x3C0;
	s11 =	sor.u32 s12, s11;
	v25 =	vmul.f32 v19, v19;
	v18 =	vadd.f32 v18, v20;
	v24 =	vld [tilespmem:s2+$0xB0];
	[tilespmem:s7+$0x80] =	vst v19;
	s7 =	smov.u32 s2  }
0x391: {  	s2 =	sor.u32 s6, s11;
	v19 =	vadd.f32 v19, v21;
	v21 =	vmul.f32 v17, v12;
	v20 =	vld [tilespmem:s7+$0x80]  }
.Ltmp9:
0x392: {  	v17 =	vadd.f32 v11, v14;
	v14 =	vadd.f32 v25, v18;
	v9 =	vld [tilespmem:s2+$0x80B0];
	(pc) =	sbr.rel @p0 .LBB2_21-.Ltmp9, $4  }
0x393: {  	v25 =	vmul.f32 v16, v10;
	v19 =	vadd.f32 v12, v19;
	v16 =	vadd.f32 v7, v15;
	v7 =	vld [tilespmem:s2+$0x80A0]  }
0x394: {  	v18 =	vmul.f32 v13, v8;
	v26 =	vadd.f32 v21, v14;
	v12 =	vmov v17;
	v11 =	vld [tilespmem:s2+$0x8090];
	[tilespmem:s7+$0x90] =	vst v17  }
0x395: {  	v21 =	vadd.f32 v10, v19;
	v10 =	vmov v16;
	v14 =	vld [tilespmem:s2+$0x90];
	[tilespmem:s7+$0xA0] =	vst v16;
	v13 =	vadd.f32 v23, v24  }
0x396: {  	s9 =	sadd.s32 $0x200, s9;
	s10 =	smov.u32 s13;
	v15 =	vld [tilespmem:s2+$0xA0];
	v19 =	vadd.f32 v22, v20;
	v20 =	vadd.f32 v25, v26  }
0x397: {  	v22 =	vld [tilespmem:s2+$0x8080];
	[tilespmem:s7+$0xB0] =	vst v13;
	v8 =	vadd.f32 v8, v21  }
0x398: {  	v44 =	vld [tilespmem:s2+$0xB0];
	[tilespmem:s7+$0x80] =	vst v19  }
0x399: {  	v23 =	vmul.f32 v19, v19;
	v18 =	vadd.f32 v18, v20;
	v45 =	vld [tilespmem:s2+$0x80];
	v8 =	vadd.f32 v19, v8;
	_ =	sdelay $0x1  }
0x39a: {  	v17 =	vmul.f32 v17, v12;
	v18 =	vadd.f32 v23, v18;
	v8 =	vadd.f32 v12, v8;
	_ =	sdelay $0x1  }
0x39b: {  	v46 =	vmul.f32 v16, v10;
	v47 =	vadd.f32 v17, v18;
	v8 =	vadd.f32 v10, v8  }
0x39c: {  	v10 =	vadd.f32 v22, v45  }
0x39d: {  	v48 =	vmul.f32 v13, v13;
	v12 =	vadd.f32 v46, v47;
	v8 =	vadd.f32 v13, v8  }
0x39e: {  	v11 =	vadd.f32 v11, v14  }
0x39f: {  	v49 =	vmul.f32 v10, v10;
	v12 =	vadd.f32 v48, v12;
	v8 =	vadd.f32 v10, v8  }
0x3a0: {  	v50 =	vadd.f32 v7, v15  }
0x3a1: {  	v7 =	vmul.f32 v11, v11;
	v12 =	vadd.f32 v49, v12;
	v8 =	vadd.f32 v11, v8  }
0x3a2: {  	v9 =	vadd.f32 v9, v44  }
0x3a3: {  	v51 =	vmul.f32 v50, v50;
	v7 =	vadd.f32 v7, v12;
	v8 =	vadd.f32 v50, v8;
	_ =	sdelay $0x1  }
0x3a4: {  	v52 =	vmul.f32 v9, v9;
	v7 =	vadd.f32 v51, v7;
	v8 =	vadd.f32 v9, v8;
	_ =	sdelay $0x1  }
0x3a5: {  	v7 =	vadd.f32 v52, v7;
	v53 =	vperm.xlane v8, v3;
	_ =	sdelay $0x1  }
0x3a6: {  	v54 =	vperm.xlane v7, v3;
	v8 =	vadd.f32 v53, v8;
	_ =	sdelay $0x1  }
0x3a7: {  	v7 =	vadd.f32 v54, v7;
	v55 =	vperm.xlane v8, v4;
	_ =	sdelay $0x1  }
0x3a8: {  	v56 =	vperm.xlane v7, v4;
	v8 =	vadd.f32 v55, v8;
	_ =	sdelay $0x1  }
0x3a9: {  	v7 =	vadd.f32 v56, v7;
	v57 =	vperm.xlane v8, v5;
	_ =	sdelay $0x1  }
0x3aa: {  	v58 =	vperm.xlane v7, v5;
	v8 =	vadd.f32 v57, v8;
	_ =	sdelay $0x1  }
0x3ab: {  	v7 =	vadd.f32 v58, v7;
	v59 =	vperm.xlane v8, v6;
	_ =	sdelay $0x1  }
0x3ac: {  	v60 =	vperm.xlane v7, v6;
	v8 =	vadd.f32 v59, v8;
	_ =	sdelay $0x1  }
0x3ad: {  	v12 =	vadd.f32 v60, v7;
	v7 =	vmul.f32 $9.765625000e-04, v8;
	_ =	sdelay $0x1  }
0x3ae: {  	v8 =	vmul.f32 $9.765625000e-04, v12;
	v61 =	vmul.f32 v7, v7;
	_ =	sdelay $0x1  }
0x3af: {  	v8 =	vsub.f32 v8, v61;
	_ =	sdelay $0x1  }
0x3b0: {  	v8 =	vadd.f32 $9.999999740e-06, v8;
	_ =	sdelay $0x1  }
0x3b1: {  	v62 =	vshra.s32 v8, $0x1;
	v8 =	vmul.f32 $5.000000000e-01, v8  }
0x3b2: {  	v12 =	vsub.s32 $0x5F3759DF, v62  }
0x3b3: {  	v63 =	vmul.f32 v12, v8;
	_ =	sdelay $0x1  }
0x3b4: {  	v13 =	vmul.f32 v12, v63;
	_ =	sdelay $0x1  }
0x3b5: {  	v13 =	vsub.f32 $1.500000000e+00, v13;
	_ =	sdelay $0x1  }
0x3b6: {  	v12 =	vmul.f32 v12, v13;
	_ =	sdelay $0x1  }
0x3b7: {  	v13 =	vmul.f32 v12, v8;
	_ =	sdelay $0x1  }
0x3b8: {  	v13 =	vmul.f32 v13, v12;
	_ =	sdelay $0x1  }
0x3b9: {  	s6 =	simm.s32 $0x0;
	v13 =	vsub.f32 $1.500000000e+00, v13  }
0x3ba: {  	s0 =	sadd.s32 s4, s0;
	s13 =	sand.u32 $0x7000, s6;
	[tilespmem:s2+$0x90] =	vst v11  }
0x3bb: {  	s0 =	sadd.s32 $0x80, s0;
	s4 =	sshrl.u32 s13, $0x2;
	[tilespmem:s2+$0xA0] =	vst v50;
	v11 =	vmul.f32 v13, v12  }
0x3bc: {  	s7 =	sand.u32 $0x40, s6;
	s9 =	sadd.s32 s4, s0;
	[tilespmem:s2+$0xB0] =	vst v9  }
0x3bd: {  	s14 =	sadd.s32 s7, s9;
	[tilespmem:s2+$0x80] =	vst v10;
	v8 =	vmul.f32 v11, v8  }
0x3be: {  	v9 =	vld [tilespmem:s14+$0x0]  }
0x3bf: {  	v8 =	vmul.f32 v8, v11;
	_ =	sdelay $0x1  }
0x3c0: {  	s4 =	simm.s32 $0x10080;
	v8 =	vsub.f32 $1.500000000e+00, v8  }
0x3c1: {  	v10 =	vld [tilespmem:s4+$0x0]  }
0x3c2: {  	s10 =	simm.s32 $0x10480;
	v9 =	vsub.f32 v9, v7;
	v8 =	vmul.f32 v8, v11  }
0x3c3: {  	v11 =	vld [tilespmem:s10+$0x0]  }
0x3c4: {  	v9 =	vmul.f32 v9, v8;
	_ =	sdelay $0x1  }
0x3c5: {  	v9 =	vmul.f32 v9, v10;
	_ =	sdelay $0x1  }
0x3c6: {  	v9 =	vadd.f32 v9, v11  }
0x3c7: {  	s16 =	sor.u32 $0x10, s7  }
0x3c8: {  	s11 =	sadd.s32 s16, s9;
	[tilespmem:s14+$0x0] =	vst v9  }
0x3c9: {  	v9 =	vld [tilespmem:s11+$0x0];
	_ =	sdelay $0x1  }
0x3ca: {  	s6 =	sand.u32 $0x380, s6  }
0x3cb: {  	s10 =	sor.u32 s6, s16  }
0x3cc: {  	v10 =	vld [tilespmem:s10+$0x10080]  }
0x3cd: {  	v9 =	vsub.f32 v9, v7  }
0x3ce: {  	v11 =	vld [tilespmem:s10+$0x10480]  }
0x3cf: {  	v9 =	vmul.f32 v9, v8;
	_ =	sdelay $0x1  }
0x3d0: {  	v9 =	vmul.f32 v9, v10;
	_ =	sdelay $0x1  }
0x3d1: {  	v9 =	vadd.f32 v9, v11  }
0x3d2: {  	s12 =	sor.u32 $0x20, s7  }
0x3d3: {  	s13 =	sadd.s32 s12, s9;
	[tilespmem:s11+$0x0] =	vst v9  }
0x3d4: {  	v9 =	vld [tilespmem:s13+$0x0];
	_ =	sdelay $0x2  }
0x3d5: {  	s10 =	sor.u32 s6, s12  }
0x3d6: {  	v10 =	vld [tilespmem:s10+$0x10080]  }
0x3d7: {  	v9 =	vsub.f32 v9, v7  }
0x3d8: {  	v11 =	vld [tilespmem:s10+$0x10480]  }
0x3d9: {  	v9 =	vmul.f32 v9, v8;
	_ =	sdelay $0x1  }
0x3da: {  	v9 =	vmul.f32 v9, v10;
	_ =	sdelay $0x1  }
0x3db: {  	v9 =	vadd.f32 v9, v11  }
0x3dc: {  	s7 =	sor.u32 $0x30, s7  }
0x3dd: {  	s12 =	sadd.s32 s7, s9;
	[tilespmem:s13+$0x0] =	vst v9  }
0x3de: {  	v9 =	vld [tilespmem:s12+$0x0];
	_ =	sdelay $0x2  }
0x3df: {  	s14 =	sor.u32 s6, s7  }
0x3e0: {  	v10 =	vld [tilespmem:s14+$0x10080]  }
0x3e1: {  	v9 =	vsub.f32 v9, v7  }
0x3e2: {  	v11 =	vld [tilespmem:s14+$0x10480]  }
0x3e3: {  	v9 =	vmul.f32 v9, v8  }
0x3e4: {  	s6 =	simm.s32 $0x800  }
0x3e5: {  	s2 =	simm.s32 $0x40;
	s16 =	sand.u32 $0x7000, s6;
	v9 =	vmul.f32 v9, v10  }
0x3e6: {  	s9 =	sand.u32 $0x40, s2;
	s7 =	sshrl.u32 s16, $0x2  }
0x3e7: {  	s7 =	sadd.s32 s7, s0;
	s10 =	simm.s32 $0x104C0;
	s13 =	simm.s32 $0x80;
	v9 =	vadd.f32 v9, v11  }
.LBB2_23:
0x3e8: {  	s14 =	sadd.s32 s9, s7  }
0x3e9: {  	[tilespmem:s12+$0x0] =	vst v9;
	s4 =	sadd.s32 $0x40, s4;
	s12 =	smov.u32 s13;
	s11 =	sadd.s32 $0x40, s13  }
0x3ea: {  	p0 =	sne.s32 s13, $0x3C0;
	v9 =	vld [tilespmem:s14+$0x0];
	_ =	sdelay $0x3  }
0x3eb: {  	v10 =	vld [tilespmem:s4+$0x0]  }
0x3ec: {  	v9 =	vsub.f32 v9, v7  }
0x3ed: {  	v11 =	vld [tilespmem:s10+$0x0]  }
0x3ee: {  	v9 =	vmul.f32 v9, v8;
	_ =	sdelay $0x1  }
0x3ef: {  	v9 =	vmul.f32 v9, v10;
	_ =	sdelay $0x1  }
0x3f0: {  	v9 =	vadd.f32 v9, v11  }
0x3f1: {  	s13 =	sor.u32 $0x10, s9  }
0x3f2: {  	[tilespmem:s14+$0x0] =	vst v9;
	s14 =	sadd.s32 s13, s7  }
0x3f3: {  	v9 =	vld [tilespmem:s14+$0x0];
	_ =	sdelay $0x1  }
0x3f4: {  	s16 =	sand.u32 $0x380, s2;
	s2 =	smov.u32 s12  }
0x3f5: {  	s12 =	sor.u32 s16, s13  }
0x3f6: {  	v10 =	vld [tilespmem:s12+$0x10080]  }
0x3f7: {  	v9 =	vsub.f32 v9, v7  }
0x3f8: {  	v11 =	vld [tilespmem:s12+$0x10480]  }
0x3f9: {  	v9 =	vmul.f32 v9, v8;
	_ =	sdelay $0x1  }
0x3fa: {  	v9 =	vmul.f32 v9, v10;
	_ =	sdelay $0x1  }
0x3fb: {  	v9 =	vadd.f32 v9, v11  }
0x3fc: {  	s12 =	sor.u32 $0x20, s9  }
0x3fd: {  	s13 =	sadd.s32 s12, s7;
	[tilespmem:s14+$0x0] =	vst v9  }
0x3fe: {  	v9 =	vld [tilespmem:s13+$0x0];
	_ =	sdelay $0x2  }
0x3ff: {  	s12 =	sor.u32 s16, s12  }
0x400: {  	v10 =	vld [tilespmem:s12+$0x10080]  }
0x401: {  	v9 =	vsub.f32 v9, v7  }
0x402: {  	v11 =	vld [tilespmem:s12+$0x10480]  }
0x403: {  	v9 =	vmul.f32 v9, v8;
	_ =	sdelay $0x1  }
0x404: {  	v9 =	vmul.f32 v9, v10;
	_ =	sdelay $0x1  }
0x405: {  	v9 =	vadd.f32 v9, v11  }
0x406: {  	s9 =	sor.u32 $0x30, s9  }
0x407: {  	s12 =	sadd.s32 s9, s7;
	[tilespmem:s13+$0x0] =	vst v9  }
0x408: {  	s7 =	sor.u32 s16, s9;
	v9 =	vld [tilespmem:s12+$0x0]  }
0x409: {  	v10 =	vld [tilespmem:s7+$0x10080]  }
0x40a: {  	v11 =	vld [tilespmem:s7+$0x10480];
	_ =	sdelay $0x2  }
0x40b: {  	v9 =	vsub.f32 v9, v7;
	_ =	sdelay $0x1  }
0x40c: {  	v9 =	vmul.f32 v9, v8  }
.Ltmp10:
0x40d: {  	(pc) =	sbr.rel @p0 .LBB2_23-.Ltmp10, $4  }
0x40e: {  	s6 =	sadd.s32 $0x800, s6;
	v9 =	vmul.f32 v9, v10  }
0x40f: {  	s7 =	sand.u32 $0x7000, s6  }
0x410: {  	s10 =	sadd.s32 $0x40, s10;
	s7 =	sshrl.u32 s7, $0x2;
	v9 =	vadd.f32 v9, v11  }
0x411: {  	s9 =	sand.u32 $0x40, s2;
	s13 =	smov.u32 s11;
	s7 =	sadd.s32 s7, s0  }
0x412: {  	s0 =	sadd.s32 s9, s7;
	[tilespmem:s12+$0x0] =	vst v9  }
0x413: {  	v9 =	vld [tilespmem:s0+$0x0];
	_ =	sdelay $0x2  }
0x414: {  	s4 =	sadd.s32 $0x40, s4  }
0x415: {  	v10 =	vld [tilespmem:s4+$0x0]  }
0x416: {  	v9 =	vsub.f32 v9, v7  }
0x417: {  	v11 =	vld [tilespmem:s10+$0x0]  }
0x418: {  	v9 =	vmul.f32 v9, v8;
	_ =	sdelay $0x1  }
0x419: {  	v9 =	vmul.f32 v9, v10;
	_ =	sdelay $0x1  }
0x41a: {  	v9 =	vadd.f32 v9, v11  }
0x41b: {  	s10 =	sor.u32 $0x10, s9  }
0x41c: {  	s11 =	sadd.s32 s10, s7;
	[tilespmem:s0+$0x0] =	vst v9  }
0x41d: {  	v9 =	vld [tilespmem:s11+$0x0];
	_ =	sdelay $0x1  }
0x41e: {  	s2 =	sand.u32 $0x380, s2  }
0x41f: {  	s4 =	sor.u32 s2, s10  }
0x420: {  	v58 =	vld [tilespmem:s4+$0x10080]  }
0x421: {  	v9 =	vsub.f32 v9, v7  }
0x422: {  	v59 =	vld [tilespmem:s4+$0x10480]  }
0x423: {  	v9 =	vmul.f32 v9, v8;
	_ =	sdelay $0x1  }
0x424: {  	v9 =	vmul.f32 v9, v58;
	_ =	sdelay $0x1  }
0x425: {  	v9 =	vadd.f32 v9, v59  }
0x426: {  	s12 =	sor.u32 $0x20, s9  }
0x427: {  	s13 =	sadd.s32 s12, s7;
	[tilespmem:s11+$0x0] =	vst v9  }
0x428: {  	v9 =	vld [tilespmem:s13+$0x0];
	_ =	sdelay $0x2  }
0x429: {  	s4 =	sor.u32 s2, s12  }
0x42a: {  	v60 =	vld [tilespmem:s4+$0x10080]  }
0x42b: {  	v9 =	vsub.f32 v9, v7  }
0x42c: {  	v61 =	vld [tilespmem:s4+$0x10480]  }
0x42d: {  	v9 =	vmul.f32 v9, v8;
	_ =	sdelay $0x1  }
0x42e: {  	v9 =	vmul.f32 v9, v60;
	_ =	sdelay $0x1  }
0x42f: {  	v9 =	vadd.f32 v9, v61  }
0x430: {  	s14 =	sor.u32 $0x30, s9  }
0x431: {  	s16 =	sadd.s32 s14, s7;
	[tilespmem:s13+$0x0] =	vst v9  }
0x432: {  	v9 =	vld [tilespmem:s16+$0x0];
	_ =	sdelay $0x2  }
0x433: {  	s2 =	sor.u32 s2, s14  }
0x434: {  	v62 =	vld [tilespmem:s2+$0x10080]  }
0x435: {  	v7 =	vsub.f32 v9, v7  }
0x436: {  	v63 =	vld [tilespmem:s2+$0x10480]  }
0x437: {  	s31 =	sadd.s32 $0x1, s31;
	v7 =	vmul.f32 v7, v8  }
0x438: {  	p0 =	sne.s32 s31, $0x20  }
.Ltmp11:
0x439: {  	v7 =	vmul.f32 v7, v62;
	(pc) =	sbr.rel @p0 .LBB2_20-.Ltmp11, $3  }
0x43a: {  	_ = 	snop  }
0x43b: {  	v7 =	vadd.f32 v7, v63;
	_ =	sdelay $0x1  }
0x43c: {  	[tilespmem:s16+$0x0] =	vst v7  }
0x43d: {  	s30 =	simm.s32 $0x0;
	s0 =	rddreg [dreg:$0x13]  }
0x43e: {  	[hbm4b:s0+s30] =	stream.linear.scatter [tilespmem:s8], [sflag:$0x2], $0x8000, $0x38;
	[tilespmem:$0x10880] =	vst v63  }
0x43f: {  	_ =	swait.ge [sflag:s3], $0x8000  }
0x440: {  	[sflag:s3] =	ssyncset.done $0x0  }
0x441: {  	s6 =	rddreg [dreg:$0xc];
	[sflag:s3] =	ssyncadd.s32 $0xFFFF8000  }
0x442: {  	[tilespmem:s30], [sflag:$0x2] =	stream.linear.gather [hbm4b:s6+s30], $0x20, $0x38;
	[tilespmem:$0x10880] =	vst v63  }
0x443: {  	_ =	swait.ge [sflag:s3], $0x20  }
0x444: {  	[sflag:s3] =	ssyncset.done $0x0  }
0x445: {  	s2 =	simm.s32 $0x8080;
	s7 =	rddreg [dreg:$0x1c];
	[sflag:s3] =	ssyncadd.s32 $0xFFFFFFE0  }
0x446: {  	[tilespmem:s2], [sflag:$0x2] =	stream.linear.gather [hbm4b:s7+s30], $0x8000, $0x38;
	[tilespmem:$0x10880] =	vst v63  }
0x447: {  	_ =	swait.ge [sflag:s3], $0x8000  }
0x448: {  	[sflag:s3] =	ssyncset.done $0x0  }
0x449: {  	[sflag:s3] =	ssyncadd.s32 $0xFFFF8000  }
0x44a: {  	v7 =	vld [tilespmem:$0x0];
	_ =	sdelay $0x4  }
0x44b: {  	v8 =	vshll.u32 v7, $0x3  }
0x44c: {  	v7 =	vand.u32 $0x7, v7;
	v8 =	vand.u32 $0xFFFFFFC0, v8  }
0x44d: {  	v7 =	vor.u32 v7, v8  }
0x44e: {  	v8 =	vperm.xlane v7, v0;
	_ =	sdelay $0x1  }
0x44f: {  	v8 =	vadd.s32 v1, v8;
	_ =	sdelay $0x4  }
0x450: {  	[tilespmem:s8], [sflag:$0x1] =	stream.indirect_vreg.gather [hbm4b:s1+s30], $0x80, v8, vm0, $0xb8;
	[tilespmem:$0x10880] =	vst v63  }
0x451: {  	s9 =	simm.s32 $0x880;
	v7 =	vperm.xlane v7, v2  }
0x452: {  	[tilespmem:s9], [sflag:$0x1] =	stream.indirect_vreg.gather [hbm4b:s24+s30], $0x80, v8, vm0, $0xb8;
	[tilespmem:$0x10880] =	vst v63  }
0x453: {  	s10 =	simm.s32 $0x1080;
	v7 =	vadd.s32 v1, v7  }
0x454: {  	[tilespmem:s10], [sflag:$0x1] =	stream.indirect_vreg.gather [hbm4b:s15+s30], $0x80, v8, vm0, $0xb8;
	[tilespmem:$0x10880] =	vst v63  }
0x455: {  	s11 =	simm.s32 $0x1880  }
0x456: {  	[tilespmem:s11], [sflag:$0x1] =	stream.indirect_vreg.gather [hbm4b:s26+s30], $0x80, v8, vm0, $0xb8;
	[tilespmem:$0x10880] =	vst v63  }
0x457: {  	s12 =	simm.s32 $0x2080  }
0x458: {  	[tilespmem:s12], [sflag:$0x1] =	stream.indirect_vreg.gather [hbm4b:s1+s30], $0x80, v7, vm0, $0xb8;
	[tilespmem:$0x10880] =	vst v63  }
0x459: {  	s13 =	simm.s32 $0x2880  }
0x45a: {  	[tilespmem:s13], [sflag:$0x1] =	stream.indirect_vreg.gather [hbm4b:s24+s30], $0x80, v7, vm0, $0xb8;
	[tilespmem:$0x10880] =	vst v63  }
0x45b: {  	s14 =	simm.s32 $0x3080  }
0x45c: {  	[tilespmem:s14], [sflag:$0x1] =	stream.indirect_vreg.gather [hbm4b:s15+s30], $0x80, v7, vm0, $0xb8;
	[tilespmem:$0x10880] =	vst v63  }
0x45d: {  	s16 =	simm.s32 $0x3880  }
0x45e: {  	[tilespmem:s16], [sflag:$0x1] =	stream.indirect_vreg.gather [hbm4b:s26+s30], $0x80, v7, vm0, $0xb8;
	[tilespmem:$0x10880] =	vst v63  }
0x45f: {  	v7 =	vld [tilespmem:$0x10];
	_ =	sdelay $0x4  }
0x460: {  	v8 =	vshll.u32 v7, $0x3  }
0x461: {  	v7 =	vand.u32 $0x7, v7;
	v8 =	vand.u32 $0xFFFFFFC0, v8  }
0x462: {  	v7 =	vor.u32 v7, v8  }
0x463: {  	v8 =	vperm.xlane v7, v0;
	_ =	sdelay $0x1  }
0x464: {  	v8 =	vadd.s32 v1, v8;
	_ =	sdelay $0x4  }
0x465: {  	[tilespmem:s17], [sflag:$0x1] =	stream.indirect_vreg.gather [hbm4b:s1+s30], $0x80, v8, vm0, $0xb8;
	[tilespmem:$0x10880] =	vst v63  }
0x466: {  	v7 =	vperm.xlane v7, v2  }
0x467: {  	[tilespmem:s18], [sflag:$0x1] =	stream.indirect_vreg.gather [hbm4b:s24+s30], $0x80, v8, vm0, $0xb8;
	[tilespmem:$0x10880] =	vst v63  }
0x468: {  	v7 =	vadd.s32 v1, v7  }
0x469: {  	[tilespmem:s19], [sflag:$0x1] =	stream.indirect_vreg.gather [hbm4b:s15+s30], $0x80, v8, vm0, $0xb8;
	[tilespmem:$0x10880] =	vst v63  }
0x46a: {  	_ = 	snop  }
0x46b: {  	[tilespmem:s20], [sflag:$0x1] =	stream.indirect_vreg.gather [hbm4b:s26+s30], $0x80, v8, vm0, $0xb8;
	[tilespmem:$0x10880] =	vst v63  }
0x46c: {  	_ = 	snop  }
0x46d: {  	[tilespmem:s21], [sflag:$0x1] =	stream.indirect_vreg.gather [hbm4b:s1+s30], $0x80, v7, vm0, $0xb8;
	[tilespmem:$0x10880] =	vst v63  }
0x46e: {  	_ = 	snop  }
0x46f: {  	[tilespmem:s22], [sflag:$0x1] =	stream.indirect_vreg.gather [hbm4b:s24+s30], $0x80, v7, vm0, $0xb8;
	[tilespmem:$0x10880] =	vst v63  }
0x470: {  	_ = 	snop  }
0x471: {  	[tilespmem:s23], [sflag:$0x1] =	stream.indirect_vreg.gather [hbm4b:s15+s30], $0x80, v7, vm0, $0xb8;
	[tilespmem:$0x10880] =	vst v63  }
0x472: {  	_ = 	snop  }
0x473: {  	[tilespmem:s25], [sflag:$0x1] =	stream.indirect_vreg.gather [hbm4b:s26+s30], $0x80, v7, vm0, $0xb8;
	[tilespmem:$0x10880] =	vst v63  }
0x474: {  	_ =	swait.ge [sflag:s28], $0x8000  }
0x475: {  	[sflag:s28] =	ssyncset.done $0x0  }
0x476: {  	s31 =	simm.s32 $0x0;
	[sflag:s28] =	ssyncadd.s32 $0xFFFF8000  }
.LBB2_26:
0x477: {  	s0 =	sshll.u32 s31, $0xA;
	s2 =	sshll.u32 s31, $0x7;
	s13 =	sand.u32 $0x40, s30  }
0x478: {  	s7 =	sand.u32 $0x1C00, s30;
	s0 =	sand.u32 $0x6000, s0;
	s4 =	sand.u32 $0x380, s2  }
0x479: {  	s2 =	sor.u32 s7, s13;
	s6 =	sor.u32 s4, s0  }
0x47a: {  	s2 =	sor.u32 s6, s2  }
0x47b: {  	v7 =	vld [tilespmem:s2+$0x80B0]  }
0x47c: {  	v9 =	vld [tilespmem:s2+$0x8090]  }
0x47d: {  	v10 =	vld [tilespmem:s2+$0x90]  }
0x47e: {  	v8 =	vld [tilespmem:s2+$0x80A0]  }
0x47f: {  	s14 =	simm.s32 $0x40;
	s9 =	simm.s32 $0x200;
	v11 =	vld [tilespmem:s2+$0xA0]  }
0x480: {  	s7 =	sand.u32 $0x40, s14;
	s9 =	sand.u32 $0x1C00, s9;
	v12 =	vld [tilespmem:s2+$0x8080]  }
0x481: {  	s7 =	sor.u32 s9, s7;
	v13 =	vld [tilespmem:s2+$0xB0]  }
0x482: {  	s7 =	sor.u32 s6, s7;
	v14 =	vadd.f32 v9, v10;
	v9 =	vld [tilespmem:s2+$0x80]  }
0x483: {  	v15 =	vld [tilespmem:s7+$0x80B0]  }
0x484: {  	v16 =	vld [tilespmem:s7+$0x8090]  }
0x485: {  	v10 =	vld [tilespmem:s7+$0x80A0];
	[tilespmem:s2+$0x90] =	vst v14  }
0x486: {  	v17 =	vadd.f32 v8, v11;
	v11 =	vld [tilespmem:s7+$0x90]  }
0x487: {  	v8 =	vadd.f32 v7, v13;
	v7 =	vadd.f32 v12, v9  }
0x488: {  	[tilespmem:s2+$0xA0] =	vst v17  }
0x489: {  	s16 =	simm.s32 $0x80;
	s10 =	simm.s32 $0x400;
	v21 =	vimm.f32 $0.0e+00;
	v13 =	vld [tilespmem:s7+$0xA0];
	v22 =	vmul.f32 v7, v7  }
0x48a: {  	s10 =	sand.u32 $0x1C00, s10;
	s9 =	sand.u32 $0x40, s16;
	v19 =	vld [tilespmem:s7+$0x8080];
	[tilespmem:s2+$0xB0] =	vst v8;
	v23 =	vadd.f32 v7, v21  }
0x48b: {  	s9 =	sor.u32 s10, s9;
	v18 =	vld [tilespmem:s7+$0xB0];
	[tilespmem:s2+$0x80] =	vst v7;
	v12 =	vadd.f32 v16, v11;
	v16 =	vmul.f32 v14, v14;
	v21 =	vadd.f32 v22, v21  }
0x48c: {  	s2 =	sor.u32 s6, s9;
	v20 =	vld [tilespmem:s7+$0x80]  }
0x48d: {  	v9 =	vld [tilespmem:s2+$0x80B0];
	v16 =	vadd.f32 v16, v21  }
0x48e: {  	v7 =	vld [tilespmem:s2+$0x80A0];
	v10 =	vadd.f32 v10, v13;
	v22 =	vadd.f32 v14, v23  }
0x48f: {  	v11 =	vld [tilespmem:s2+$0x8090];
	v23 =	vmul.f32 v17, v17;
	[tilespmem:s7+$0x90] =	vst v12  }
0x490: {  	v13 =	vadd.f32 v15, v18;
	v18 =	vmul.f32 v8, v8;
	v14 =	vld [tilespmem:s2+$0x90];
	[tilespmem:s7+$0xA0] =	vst v10;
	v21 =	vadd.f32 v17, v22  }
0x491: {  	s10 =	simm.s32 $0xC0;
	s9 =	simm.s32 $0x600;
	v17 =	vmovc v12;
	v15 =	vld [tilespmem:s2+$0xA0];
	v19 =	vadd.f32 v19, v20;
	v20 =	vadd.f32 v23, v16;
	v16 =	vmov v10  }
.LBB2_27:
0x492: {  	s13 =	smov.u32 s10  }
0x493: {  	s11 =	sand.u32 $0x40, s10;
	s12 =	sand.u32 $0x1C00, s9;
	v22 =	vld [tilespmem:s2+$0x8080];
	[tilespmem:s7+$0xB0] =	vst v13;
	v21 =	vadd.f32 v8, v21;
	v23 =	vmov v9;
	v8 =	vmov v13;
	s13 =	sadd.s32 $0x40, s10  }
0x494: {  	p0 =	sne.s32 s10, $0x3C0;
	s11 =	sor.u32 s12, s11;
	v25 =	vmul.f32 v19, v19;
	v18 =	vadd.f32 v18, v20;
	v24 =	vld [tilespmem:s2+$0xB0];
	[tilespmem:s7+$0x80] =	vst v19;
	s7 =	smov.u32 s2  }
0x495: {  	s2 =	sor.u32 s6, s11;
	v19 =	vadd.f32 v19, v21;
	v21 =	vmul.f32 v17, v12;
	v20 =	vld [tilespmem:s7+$0x80]  }
.Ltmp12:
0x496: {  	v17 =	vadd.f32 v11, v14;
	v14 =	vadd.f32 v25, v18;
	v9 =	vld [tilespmem:s2+$0x80B0];
	(pc) =	sbr.rel @p0 .LBB2_27-.Ltmp12, $4  }
0x497: {  	v25 =	vmul.f32 v16, v10;
	v19 =	vadd.f32 v12, v19;
	v16 =	vadd.f32 v7, v15;
	v7 =	vld [tilespmem:s2+$0x80A0]  }
0x498: {  	v18 =	vmul.f32 v13, v8;
	v26 =	vadd.f32 v21, v14;
	v12 =	vmov v17;
	v11 =	vld [tilespmem:s2+$0x8090];
	[tilespmem:s7+$0x90] =	vst v17  }
0x499: {  	v21 =	vadd.f32 v10, v19;
	v10 =	vmov v16;
	v14 =	vld [tilespmem:s2+$0x90];
	[tilespmem:s7+$0xA0] =	vst v16;
	v13 =	vadd.f32 v23, v24  }
0x49a: {  	s9 =	sadd.s32 $0x200, s9;
	s10 =	smov.u32 s13;
	v15 =	vld [tilespmem:s2+$0xA0];
	v19 =	vadd.f32 v22, v20;
	v20 =	vadd.f32 v25, v26  }
0x49b: {  	v22 =	vld [tilespmem:s2+$0x8080];
	[tilespmem:s7+$0xB0] =	vst v13;
	v8 =	vadd.f32 v8, v21  }
0x49c: {  	v44 =	vld [tilespmem:s2+$0xB0];
	[tilespmem:s7+$0x80] =	vst v19  }
0x49d: {  	v23 =	vmul.f32 v19, v19;
	v18 =	vadd.f32 v18, v20;
	v45 =	vld [tilespmem:s2+$0x80];
	v8 =	vadd.f32 v19, v8;
	_ =	sdelay $0x1  }
0x49e: {  	v17 =	vmul.f32 v17, v12;
	v18 =	vadd.f32 v23, v18;
	v8 =	vadd.f32 v12, v8;
	_ =	sdelay $0x1  }
0x49f: {  	v46 =	vmul.f32 v16, v10;
	v47 =	vadd.f32 v17, v18;
	v8 =	vadd.f32 v10, v8  }
0x4a0: {  	v10 =	vadd.f32 v22, v45  }
0x4a1: {  	v48 =	vmul.f32 v13, v13;
	v12 =	vadd.f32 v46, v47;
	v8 =	vadd.f32 v13, v8  }
0x4a2: {  	v11 =	vadd.f32 v11, v14  }
0x4a3: {  	v49 =	vmul.f32 v10, v10;
	v12 =	vadd.f32 v48, v12;
	v8 =	vadd.f32 v10, v8  }
0x4a4: {  	v50 =	vadd.f32 v7, v15  }
0x4a5: {  	v7 =	vmul.f32 v11, v11;
	v12 =	vadd.f32 v49, v12;
	v8 =	vadd.f32 v11, v8  }
0x4a6: {  	v9 =	vadd.f32 v9, v44  }
0x4a7: {  	v51 =	vmul.f32 v50, v50;
	v7 =	vadd.f32 v7, v12;
	v8 =	vadd.f32 v50, v8;
	_ =	sdelay $0x1  }
0x4a8: {  	v52 =	vmul.f32 v9, v9;
	v7 =	vadd.f32 v51, v7;
	v8 =	vadd.f32 v9, v8;
	_ =	sdelay $0x1  }
0x4a9: {  	v7 =	vadd.f32 v52, v7;
	v53 =	vperm.xlane v8, v3;
	_ =	sdelay $0x1  }
0x4aa: {  	v54 =	vperm.xlane v7, v3;
	v8 =	vadd.f32 v53, v8;
	_ =	sdelay $0x1  }
0x4ab: {  	v7 =	vadd.f32 v54, v7;
	v55 =	vperm.xlane v8, v4;
	_ =	sdelay $0x1  }
0x4ac: {  	v56 =	vperm.xlane v7, v4;
	v8 =	vadd.f32 v55, v8;
	_ =	sdelay $0x1  }
0x4ad: {  	v7 =	vadd.f32 v56, v7;
	v57 =	vperm.xlane v8, v5;
	_ =	sdelay $0x1  }
0x4ae: {  	v58 =	vperm.xlane v7, v5;
	v8 =	vadd.f32 v57, v8;
	_ =	sdelay $0x1  }
0x4af: {  	v7 =	vadd.f32 v58, v7;
	v59 =	vperm.xlane v8, v6;
	_ =	sdelay $0x1  }
0x4b0: {  	v60 =	vperm.xlane v7, v6;
	v8 =	vadd.f32 v59, v8;
	_ =	sdelay $0x1  }
0x4b1: {  	v12 =	vadd.f32 v60, v7;
	v7 =	vmul.f32 $9.765625000e-04, v8;
	_ =	sdelay $0x1  }
0x4b2: {  	v8 =	vmul.f32 $9.765625000e-04, v12;
	v61 =	vmul.f32 v7, v7;
	_ =	sdelay $0x1  }
0x4b3: {  	v8 =	vsub.f32 v8, v61;
	_ =	sdelay $0x1  }
0x4b4: {  	v8 =	vadd.f32 $9.999999740e-06, v8;
	_ =	sdelay $0x1  }
0x4b5: {  	v62 =	vshra.s32 v8, $0x1;
	v8 =	vmul.f32 $5.000000000e-01, v8  }
0x4b6: {  	v12 =	vsub.s32 $0x5F3759DF, v62  }
0x4b7: {  	v63 =	vmul.f32 v12, v8;
	_ =	sdelay $0x1  }
0x4b8: {  	v13 =	vmul.f32 v12, v63;
	_ =	sdelay $0x1  }
0x4b9: {  	v13 =	vsub.f32 $1.500000000e+00, v13;
	_ =	sdelay $0x1  }
0x4ba: {  	v12 =	vmul.f32 v12, v13;
	_ =	sdelay $0x1  }
0x4bb: {  	v13 =	vmul.f32 v12, v8;
	_ =	sdelay $0x1  }
0x4bc: {  	v13 =	vmul.f32 v13, v12;
	_ =	sdelay $0x1  }
0x4bd: {  	s6 =	simm.s32 $0x0;
	v13 =	vsub.f32 $1.500000000e+00, v13  }
0x4be: {  	s0 =	sadd.s32 s4, s0;
	s13 =	sand.u32 $0x7000, s6;
	[tilespmem:s2+$0x90] =	vst v11  }
0x4bf: {  	s0 =	sadd.s32 $0x80, s0;
	s4 =	sshrl.u32 s13, $0x2;
	[tilespmem:s2+$0xA0] =	vst v50;
	v11 =	vmul.f32 v13, v12  }
0x4c0: {  	s7 =	sand.u32 $0x40, s6;
	s9 =	sadd.s32 s4, s0;
	[tilespmem:s2+$0xB0] =	vst v9  }
0x4c1: {  	s14 =	sadd.s32 s7, s9;
	[tilespmem:s2+$0x80] =	vst v10;
	v8 =	vmul.f32 v11, v8  }
0x4c2: {  	v9 =	vld [tilespmem:s14+$0x0]  }
0x4c3: {  	v8 =	vmul.f32 v8, v11;
	_ =	sdelay $0x1  }
0x4c4: {  	s4 =	simm.s32 $0x10080;
	v8 =	vsub.f32 $1.500000000e+00, v8  }
0x4c5: {  	v10 =	vld [tilespmem:s4+$0x0]  }
0x4c6: {  	s10 =	simm.s32 $0x10480;
	v9 =	vsub.f32 v9, v7;
	v8 =	vmul.f32 v8, v11  }
0x4c7: {  	v11 =	vld [tilespmem:s10+$0x0]  }
0x4c8: {  	v9 =	vmul.f32 v9, v8;
	_ =	sdelay $0x1  }
0x4c9: {  	v9 =	vmul.f32 v9, v10;
	_ =	sdelay $0x1  }
0x4ca: {  	v9 =	vadd.f32 v9, v11  }
0x4cb: {  	s16 =	sor.u32 $0x10, s7  }
0x4cc: {  	s11 =	sadd.s32 s16, s9;
	[tilespmem:s14+$0x0] =	vst v9  }
0x4cd: {  	v9 =	vld [tilespmem:s11+$0x0];
	_ =	sdelay $0x1  }
0x4ce: {  	s6 =	sand.u32 $0x380, s6  }
0x4cf: {  	s10 =	sor.u32 s6, s16  }
0x4d0: {  	v10 =	vld [tilespmem:s10+$0x10080]  }
0x4d1: {  	v9 =	vsub.f32 v9, v7  }
0x4d2: {  	v11 =	vld [tilespmem:s10+$0x10480]  }
0x4d3: {  	v9 =	vmul.f32 v9, v8;
	_ =	sdelay $0x1  }
0x4d4: {  	v9 =	vmul.f32 v9, v10;
	_ =	sdelay $0x1  }
0x4d5: {  	v9 =	vadd.f32 v9, v11  }
0x4d6: {  	s12 =	sor.u32 $0x20, s7  }
0x4d7: {  	s13 =	sadd.s32 s12, s9;
	[tilespmem:s11+$0x0] =	vst v9  }
0x4d8: {  	v9 =	vld [tilespmem:s13+$0x0];
	_ =	sdelay $0x2  }
0x4d9: {  	s10 =	sor.u32 s6, s12  }
0x4da: {  	v10 =	vld [tilespmem:s10+$0x10080]  }
0x4db: {  	v9 =	vsub.f32 v9, v7  }
0x4dc: {  	v11 =	vld [tilespmem:s10+$0x10480]  }
0x4dd: {  	v9 =	vmul.f32 v9, v8;
	_ =	sdelay $0x1  }
0x4de: {  	v9 =	vmul.f32 v9, v10;
	_ =	sdelay $0x1  }
0x4df: {  	v9 =	vadd.f32 v9, v11  }
0x4e0: {  	s7 =	sor.u32 $0x30, s7  }
0x4e1: {  	s12 =	sadd.s32 s7, s9;
	[tilespmem:s13+$0x0] =	vst v9  }
0x4e2: {  	v9 =	vld [tilespmem:s12+$0x0];
	_ =	sdelay $0x2  }
0x4e3: {  	s14 =	sor.u32 s6, s7  }
0x4e4: {  	v10 =	vld [tilespmem:s14+$0x10080]  }
0x4e5: {  	v9 =	vsub.f32 v9, v7  }
0x4e6: {  	v11 =	vld [tilespmem:s14+$0x10480]  }
0x4e7: {  	v9 =	vmul.f32 v9, v8  }
0x4e8: {  	s6 =	simm.s32 $0x800  }
0x4e9: {  	s2 =	simm.s32 $0x40;
	s16 =	sand.u32 $0x7000, s6;
	v9 =	vmul.f32 v9, v10  }
0x4ea: {  	s9 =	sand.u32 $0x40, s2;
	s7 =	sshrl.u32 s16, $0x2  }
0x4eb: {  	s7 =	sadd.s32 s7, s0;
	s10 =	simm.s32 $0x104C0;
	s13 =	simm.s32 $0x80;
	v9 =	vadd.f32 v9, v11  }
.LBB2_29:
0x4ec: {  	s14 =	sadd.s32 s9, s7  }
0x4ed: {  	[tilespmem:s12+$0x0] =	vst v9;
	s4 =	sadd.s32 $0x40, s4;
	s12 =	smov.u32 s13;
	s11 =	sadd.s32 $0x40, s13  }
0x4ee: {  	p0 =	sne.s32 s13, $0x3C0;
	v9 =	vld [tilespmem:s14+$0x0];
	_ =	sdelay $0x3  }
0x4ef: {  	v10 =	vld [tilespmem:s4+$0x0]  }
0x4f0: {  	v9 =	vsub.f32 v9, v7  }
0x4f1: {  	v11 =	vld [tilespmem:s10+$0x0]  }
0x4f2: {  	v9 =	vmul.f32 v9, v8;
	_ =	sdelay $0x1  }
0x4f3: {  	v9 =	vmul.f32 v9, v10;
	_ =	sdelay $0x1  }
0x4f4: {  	v9 =	vadd.f32 v9, v11  }
0x4f5: {  	s13 =	sor.u32 $0x10, s9  }
0x4f6: {  	[tilespmem:s14+$0x0] =	vst v9;
	s14 =	sadd.s32 s13, s7  }
0x4f7: {  	v9 =	vld [tilespmem:s14+$0x0];
	_ =	sdelay $0x1  }
0x4f8: {  	s16 =	sand.u32 $0x380, s2;
	s2 =	smov.u32 s12  }
0x4f9: {  	s12 =	sor.u32 s16, s13  }
0x4fa: {  	v10 =	vld [tilespmem:s12+$0x10080]  }
0x4fb: {  	v9 =	vsub.f32 v9, v7  }
0x4fc: {  	v11 =	vld [tilespmem:s12+$0x10480]  }
0x4fd: {  	v9 =	vmul.f32 v9, v8;
	_ =	sdelay $0x1  }
0x4fe: {  	v9 =	vmul.f32 v9, v10;
	_ =	sdelay $0x1  }
0x4ff: {  	v9 =	vadd.f32 v9, v11  }
0x500: {  	s12 =	sor.u32 $0x20, s9  }
0x501: {  	s13 =	sadd.s32 s12, s7;
	[tilespmem:s14+$0x0] =	vst v9  }
0x502: {  	v9 =	vld [tilespmem:s13+$0x0];
	_ =	sdelay $0x2  }
0x503: {  	s12 =	sor.u32 s16, s12  }
0x504: {  	v10 =	vld [tilespmem:s12+$0x10080]  }
0x505: {  	v9 =	vsub.f32 v9, v7  }
0x506: {  	v11 =	vld [tilespmem:s12+$0x10480]  }
0x507: {  	v9 =	vmul.f32 v9, v8;
	_ =	sdelay $0x1  }
0x508: {  	v9 =	vmul.f32 v9, v10;
	_ =	sdelay $0x1  }
0x509: {  	v9 =	vadd.f32 v9, v11  }
0x50a: {  	s9 =	sor.u32 $0x30, s9  }
0x50b: {  	s12 =	sadd.s32 s9, s7;
	[tilespmem:s13+$0x0] =	vst v9  }
0x50c: {  	s7 =	sor.u32 s16, s9;
	v9 =	vld [tilespmem:s12+$0x0]  }
0x50d: {  	v10 =	vld [tilespmem:s7+$0x10080]  }
0x50e: {  	v11 =	vld [tilespmem:s7+$0x10480];
	_ =	sdelay $0x2  }
0x50f: {  	v9 =	vsub.f32 v9, v7;
	_ =	sdelay $0x1  }
0x510: {  	v9 =	vmul.f32 v9, v8  }
.Ltmp13:
0x511: {  	(pc) =	sbr.rel @p0 .LBB2_29-.Ltmp13, $4  }
0x512: {  	s6 =	sadd.s32 $0x800, s6;
	v9 =	vmul.f32 v9, v10  }
0x513: {  	s7 =	sand.u32 $0x7000, s6  }
0x514: {  	s10 =	sadd.s32 $0x40, s10;
	s7 =	sshrl.u32 s7, $0x2;
	v9 =	vadd.f32 v9, v11  }
0x515: {  	s9 =	sand.u32 $0x40, s2;
	s13 =	smov.u32 s11;
	s7 =	sadd.s32 s7, s0  }
0x516: {  	s0 =	sadd.s32 s9, s7;
	[tilespmem:s12+$0x0] =	vst v9  }
0x517: {  	v9 =	vld [tilespmem:s0+$0x0];
	_ =	sdelay $0x2  }
0x518: {  	s4 =	sadd.s32 $0x40, s4  }
0x519: {  	v10 =	vld [tilespmem:s4+$0x0]  }
0x51a: {  	v9 =	vsub.f32 v9, v7  }
0x51b: {  	v11 =	vld [tilespmem:s10+$0x0]  }
0x51c: {  	v9 =	vmul.f32 v9, v8;
	_ =	sdelay $0x1  }
0x51d: {  	v9 =	vmul.f32 v9, v10;
	_ =	sdelay $0x1  }
0x51e: {  	v9 =	vadd.f32 v9, v11  }
0x51f: {  	s10 =	sor.u32 $0x10, s9  }
0x520: {  	s11 =	sadd.s32 s10, s7;
	[tilespmem:s0+$0x0] =	vst v9  }
0x521: {  	v9 =	vld [tilespmem:s11+$0x0];
	_ =	sdelay $0x1  }
0x522: {  	s2 =	sand.u32 $0x380, s2  }
0x523: {  	s4 =	sor.u32 s2, s10  }
0x524: {  	v58 =	vld [tilespmem:s4+$0x10080]  }
0x525: {  	v9 =	vsub.f32 v9, v7  }
0x526: {  	v59 =	vld [tilespmem:s4+$0x10480]  }
0x527: {  	v9 =	vmul.f32 v9, v8;
	_ =	sdelay $0x1  }
0x528: {  	v9 =	vmul.f32 v9, v58;
	_ =	sdelay $0x1  }
0x529: {  	v9 =	vadd.f32 v9, v59  }
0x52a: {  	s12 =	sor.u32 $0x20, s9  }
0x52b: {  	s13 =	sadd.s32 s12, s7;
	[tilespmem:s11+$0x0] =	vst v9  }
0x52c: {  	v9 =	vld [tilespmem:s13+$0x0];
	_ =	sdelay $0x2  }
0x52d: {  	s4 =	sor.u32 s2, s12  }
0x52e: {  	v60 =	vld [tilespmem:s4+$0x10080]  }
0x52f: {  	v9 =	vsub.f32 v9, v7  }
0x530: {  	v61 =	vld [tilespmem:s4+$0x10480]  }
0x531: {  	v9 =	vmul.f32 v9, v8;
	_ =	sdelay $0x1  }
0x532: {  	v9 =	vmul.f32 v9, v60;
	_ =	sdelay $0x1  }
0x533: {  	v9 =	vadd.f32 v9, v61  }
0x534: {  	s14 =	sor.u32 $0x30, s9  }
0x535: {  	s16 =	sadd.s32 s14, s7;
	[tilespmem:s13+$0x0] =	vst v9  }
0x536: {  	v9 =	vld [tilespmem:s16+$0x0];
	_ =	sdelay $0x2  }
0x537: {  	s2 =	sor.u32 s2, s14  }
0x538: {  	v62 =	vld [tilespmem:s2+$0x10080]  }
0x539: {  	v7 =	vsub.f32 v9, v7  }
0x53a: {  	v63 =	vld [tilespmem:s2+$0x10480]  }
0x53b: {  	s31 =	sadd.s32 $0x1, s31;
	v7 =	vmul.f32 v7, v8  }
0x53c: {  	p0 =	sne.s32 s31, $0x20  }
.Ltmp14:
0x53d: {  	v7 =	vmul.f32 v7, v62;
	(pc) =	sbr.rel @p0 .LBB2_26-.Ltmp14, $3  }
0x53e: {  	_ = 	snop  }
0x53f: {  	v7 =	vadd.f32 v7, v63;
	_ =	sdelay $0x1  }
0x540: {  	[tilespmem:s16+$0x0] =	vst v7  }
0x541: {  	s30 =	simm.s32 $0x0;
	s0 =	rddreg [dreg:$0x14]  }
0x542: {  	[hbm4b:s0+s30] =	stream.linear.scatter [tilespmem:s8], [sflag:$0x2], $0x8000, $0x38;
	[tilespmem:$0x10880] =	vst v63  }
0x543: {  	_ =	swait.ge [sflag:s3], $0x8000  }
0x544: {  	[sflag:s3] =	ssyncset.done $0x0  }
0x545: {  	s6 =	rddreg [dreg:$0xd];
	[sflag:s3] =	ssyncadd.s32 $0xFFFF8000  }
0x546: {  	[tilespmem:s30], [sflag:$0x2] =	stream.linear.gather [hbm4b:s6+s30], $0x20, $0x38;
	[tilespmem:$0x10880] =	vst v63  }
0x547: {  	_ =	swait.ge [sflag:s3], $0x20  }
0x548: {  	[sflag:s3] =	ssyncset.done $0x0  }
0x549: {  	s2 =	simm.s32 $0x8080;
	s7 =	rddreg [dreg:$0x1d];
	[sflag:s3] =	ssyncadd.s32 $0xFFFFFFE0  }
0x54a: {  	[tilespmem:s2], [sflag:$0x2] =	stream.linear.gather [hbm4b:s7+s30], $0x8000, $0x38;
	[tilespmem:$0x10880] =	vst v63  }
0x54b: {  	_ =	swait.ge [sflag:s3], $0x8000  }
0x54c: {  	[sflag:s3] =	ssyncset.done $0x0  }
0x54d: {  	[sflag:s3] =	ssyncadd.s32 $0xFFFF8000  }
0x54e: {  	v7 =	vld [tilespmem:$0x0];
	_ =	sdelay $0x4  }
0x54f: {  	v8 =	vshll.u32 v7, $0x3  }
0x550: {  	v7 =	vand.u32 $0x7, v7;
	v8 =	vand.u32 $0xFFFFFFC0, v8  }
0x551: {  	v7 =	vor.u32 v7, v8  }
0x552: {  	v8 =	vperm.xlane v7, v0;
	_ =	sdelay $0x1  }
0x553: {  	v8 =	vadd.s32 v1, v8;
	_ =	sdelay $0x4  }
0x554: {  	[tilespmem:s8], [sflag:$0x1] =	stream.indirect_vreg.gather [hbm4b:s1+s30], $0x80, v8, vm0, $0xb8;
	[tilespmem:$0x10880] =	vst v63  }
0x555: {  	s9 =	simm.s32 $0x880;
	v7 =	vperm.xlane v7, v2  }
0x556: {  	[tilespmem:s9], [sflag:$0x1] =	stream.indirect_vreg.gather [hbm4b:s24+s30], $0x80, v8, vm0, $0xb8;
	[tilespmem:$0x10880] =	vst v63  }
0x557: {  	s10 =	simm.s32 $0x1080;
	v7 =	vadd.s32 v1, v7  }
0x558: {  	[tilespmem:s10], [sflag:$0x1] =	stream.indirect_vreg.gather [hbm4b:s15+s30], $0x80, v8, vm0, $0xb8;
	[tilespmem:$0x10880] =	vst v63  }
0x559: {  	s11 =	simm.s32 $0x1880  }
0x55a: {  	[tilespmem:s11], [sflag:$0x1] =	stream.indirect_vreg.gather [hbm4b:s26+s30], $0x80, v8, vm0, $0xb8;
	[tilespmem:$0x10880] =	vst v63  }
0x55b: {  	s12 =	simm.s32 $0x2080  }
0x55c: {  	[tilespmem:s12], [sflag:$0x1] =	stream.indirect_vreg.gather [hbm4b:s1+s30], $0x80, v7, vm0, $0xb8;
	[tilespmem:$0x10880] =	vst v63  }
0x55d: {  	s13 =	simm.s32 $0x2880  }
0x55e: {  	[tilespmem:s13], [sflag:$0x1] =	stream.indirect_vreg.gather [hbm4b:s24+s30], $0x80, v7, vm0, $0xb8;
	[tilespmem:$0x10880] =	vst v63  }
0x55f: {  	s14 =	simm.s32 $0x3080  }
0x560: {  	[tilespmem:s14], [sflag:$0x1] =	stream.indirect_vreg.gather [hbm4b:s15+s30], $0x80, v7, vm0, $0xb8;
	[tilespmem:$0x10880] =	vst v63  }
0x561: {  	s16 =	simm.s32 $0x3880  }
0x562: {  	[tilespmem:s16], [sflag:$0x1] =	stream.indirect_vreg.gather [hbm4b:s26+s30], $0x80, v7, vm0, $0xb8;
	[tilespmem:$0x10880] =	vst v63  }
0x563: {  	v7 =	vld [tilespmem:$0x10];
	_ =	sdelay $0x4  }
0x564: {  	v8 =	vshll.u32 v7, $0x3  }
0x565: {  	v7 =	vand.u32 $0x7, v7;
	v8 =	vand.u32 $0xFFFFFFC0, v8  }
0x566: {  	v7 =	vor.u32 v7, v8  }
0x567: {  	v8 =	vperm.xlane v7, v0;
	_ =	sdelay $0x1  }
0x568: {  	v8 =	vadd.s32 v1, v8;
	_ =	sdelay $0x4  }
0x569: {  	[tilespmem:s17], [sflag:$0x1] =	stream.indirect_vreg.gather [hbm4b:s1+s30], $0x80, v8, vm0, $0xb8;
	[tilespmem:$0x10880] =	vst v63  }
0x56a: {  	v7 =	vperm.xlane v7, v2  }
0x56b: {  	[tilespmem:s18], [sflag:$0x1] =	stream.indirect_vreg.gather [hbm4b:s24+s30], $0x80, v8, vm0, $0xb8;
	[tilespmem:$0x10880] =	vst v63  }
0x56c: {  	v7 =	vadd.s32 v1, v7  }
0x56d: {  	[tilespmem:s19], [sflag:$0x1] =	stream.indirect_vreg.gather [hbm4b:s15+s30], $0x80, v8, vm0, $0xb8;
	[tilespmem:$0x10880] =	vst v63  }
0x56e: {  	_ = 	snop  }
0x56f: {  	[tilespmem:s20], [sflag:$0x1] =	stream.indirect_vreg.gather [hbm4b:s26+s30], $0x80, v8, vm0, $0xb8;
	[tilespmem:$0x10880] =	vst v63  }
0x570: {  	_ = 	snop  }
0x571: {  	[tilespmem:s21], [sflag:$0x1] =	stream.indirect_vreg.gather [hbm4b:s1+s30], $0x80, v7, vm0, $0xb8;
	[tilespmem:$0x10880] =	vst v63  }
0x572: {  	_ = 	snop  }
0x573: {  	[tilespmem:s22], [sflag:$0x1] =	stream.indirect_vreg.gather [hbm4b:s24+s30], $0x80, v7, vm0, $0xb8;
	[tilespmem:$0x10880] =	vst v63  }
0x574: {  	_ = 	snop  }
0x575: {  	[tilespmem:s23], [sflag:$0x1] =	stream.indirect_vreg.gather [hbm4b:s15+s30], $0x80, v7, vm0, $0xb8;
	[tilespmem:$0x10880] =	vst v63  }
0x576: {  	_ = 	snop  }
0x577: {  	[tilespmem:s25], [sflag:$0x1] =	stream.indirect_vreg.gather [hbm4b:s26+s30], $0x80, v7, vm0, $0xb8;
	[tilespmem:$0x10880] =	vst v63  }
0x578: {  	_ =	swait.ge [sflag:s28], $0x8000  }
0x579: {  	[sflag:s28] =	ssyncset.done $0x0  }
0x57a: {  	s31 =	simm.s32 $0x0;
	[sflag:s28] =	ssyncadd.s32 $0xFFFF8000  }
.LBB2_32:
0x57b: {  	s0 =	sshll.u32 s31, $0xA;
	s2 =	sshll.u32 s31, $0x7;
	s13 =	sand.u32 $0x40, s30  }
0x57c: {  	s7 =	sand.u32 $0x1C00, s30;
	s0 =	sand.u32 $0x6000, s0;
	s4 =	sand.u32 $0x380, s2  }
0x57d: {  	s2 =	sor.u32 s7, s13;
	s6 =	sor.u32 s4, s0  }
0x57e: {  	s2 =	sor.u32 s6, s2  }
0x57f: {  	v7 =	vld [tilespmem:s2+$0x80B0]  }
0x580: {  	v9 =	vld [tilespmem:s2+$0x8090]  }
0x581: {  	v10 =	vld [tilespmem:s2+$0x90]  }
0x582: {  	v8 =	vld [tilespmem:s2+$0x80A0]  }
0x583: {  	s14 =	simm.s32 $0x40;
	s9 =	simm.s32 $0x200;
	v11 =	vld [tilespmem:s2+$0xA0]  }
0x584: {  	s7 =	sand.u32 $0x40, s14;
	s9 =	sand.u32 $0x1C00, s9;
	v12 =	vld [tilespmem:s2+$0x8080]  }
0x585: {  	s7 =	sor.u32 s9, s7;
	v13 =	vld [tilespmem:s2+$0xB0]  }
0x586: {  	s7 =	sor.u32 s6, s7;
	v14 =	vadd.f32 v9, v10;
	v9 =	vld [tilespmem:s2+$0x80]  }
0x587: {  	v15 =	vld [tilespmem:s7+$0x80B0]  }
0x588: {  	v16 =	vld [tilespmem:s7+$0x8090]  }
0x589: {  	v10 =	vld [tilespmem:s7+$0x80A0];
	[tilespmem:s2+$0x90] =	vst v14  }
0x58a: {  	v17 =	vadd.f32 v8, v11;
	v11 =	vld [tilespmem:s7+$0x90]  }
0x58b: {  	v8 =	vadd.f32 v7, v13;
	v7 =	vadd.f32 v12, v9  }
0x58c: {  	[tilespmem:s2+$0xA0] =	vst v17  }
0x58d: {  	s16 =	simm.s32 $0x80;
	s10 =	simm.s32 $0x400;
	v21 =	vimm.f32 $0.0e+00;
	v13 =	vld [tilespmem:s7+$0xA0];
	v22 =	vmul.f32 v7, v7  }
0x58e: {  	s10 =	sand.u32 $0x1C00, s10;
	s9 =	sand.u32 $0x40, s16;
	v19 =	vld [tilespmem:s7+$0x8080];
	[tilespmem:s2+$0xB0] =	vst v8;
	v23 =	vadd.f32 v7, v21  }
0x58f: {  	s9 =	sor.u32 s10, s9;
	v18 =	vld [tilespmem:s7+$0xB0];
	[tilespmem:s2+$0x80] =	vst v7;
	v12 =	vadd.f32 v16, v11;
	v16 =	vmul.f32 v14, v14;
	v21 =	vadd.f32 v22, v21  }
0x590: {  	s2 =	sor.u32 s6, s9;
	v20 =	vld [tilespmem:s7+$0x80]  }
0x591: {  	v9 =	vld [tilespmem:s2+$0x80B0];
	v16 =	vadd.f32 v16, v21  }
0x592: {  	v7 =	vld [tilespmem:s2+$0x80A0];
	v10 =	vadd.f32 v10, v13;
	v22 =	vadd.f32 v14, v23  }
0x593: {  	v11 =	vld [tilespmem:s2+$0x8090];
	v23 =	vmul.f32 v17, v17;
	[tilespmem:s7+$0x90] =	vst v12  }
0x594: {  	v13 =	vadd.f32 v15, v18;
	v18 =	vmul.f32 v8, v8;
	v14 =	vld [tilespmem:s2+$0x90];
	[tilespmem:s7+$0xA0] =	vst v10;
	v21 =	vadd.f32 v17, v22  }
0x595: {  	s10 =	simm.s32 $0xC0;
	s9 =	simm.s32 $0x600;
	v17 =	vmovc v12;
	v15 =	vld [tilespmem:s2+$0xA0];
	v19 =	vadd.f32 v19, v20;
	v20 =	vadd.f32 v23, v16;
	v16 =	vmov v10  }
.LBB2_33:
0x596: {  	s13 =	smov.u32 s10  }
0x597: {  	s11 =	sand.u32 $0x40, s10;
	s12 =	sand.u32 $0x1C00, s9;
	v22 =	vld [tilespmem:s2+$0x8080];
	[tilespmem:s7+$0xB0] =	vst v13;
	v21 =	vadd.f32 v8, v21;
	v23 =	vmov v9;
	v8 =	vmov v13;
	s13 =	sadd.s32 $0x40, s10  }
0x598: {  	p0 =	sne.s32 s10, $0x3C0;
	s11 =	sor.u32 s12, s11;
	v25 =	vmul.f32 v19, v19;
	v18 =	vadd.f32 v18, v20;
	v24 =	vld [tilespmem:s2+$0xB0];
	[tilespmem:s7+$0x80] =	vst v19;
	s7 =	smov.u32 s2  }
0x599: {  	s2 =	sor.u32 s6, s11;
	v19 =	vadd.f32 v19, v21;
	v21 =	vmul.f32 v17, v12;
	v20 =	vld [tilespmem:s7+$0x80]  }
.Ltmp15:
0x59a: {  	v17 =	vadd.f32 v11, v14;
	v14 =	vadd.f32 v25, v18;
	v9 =	vld [tilespmem:s2+$0x80B0];
	(pc) =	sbr.rel @p0 .LBB2_33-.Ltmp15, $4  }
0x59b: {  	v25 =	vmul.f32 v16, v10;
	v19 =	vadd.f32 v12, v19;
	v16 =	vadd.f32 v7, v15;
	v7 =	vld [tilespmem:s2+$0x80A0]  }
0x59c: {  	v18 =	vmul.f32 v13, v8;
	v26 =	vadd.f32 v21, v14;
	v12 =	vmov v17;
	v11 =	vld [tilespmem:s2+$0x8090];
	[tilespmem:s7+$0x90] =	vst v17  }
0x59d: {  	v21 =	vadd.f32 v10, v19;
	v10 =	vmov v16;
	v14 =	vld [tilespmem:s2+$0x90];
	[tilespmem:s7+$0xA0] =	vst v16;
	v13 =	vadd.f32 v23, v24  }
0x59e: {  	s9 =	sadd.s32 $0x200, s9;
	s10 =	smov.u32 s13;
	v15 =	vld [tilespmem:s2+$0xA0];
	v19 =	vadd.f32 v22, v20;
	v20 =	vadd.f32 v25, v26  }
0x59f: {  	v22 =	vld [tilespmem:s2+$0x8080];
	[tilespmem:s7+$0xB0] =	vst v13;
	v8 =	vadd.f32 v8, v21  }
0x5a0: {  	v44 =	vld [tilespmem:s2+$0xB0];
	[tilespmem:s7+$0x80] =	vst v19  }
0x5a1: {  	v23 =	vmul.f32 v19, v19;
	v18 =	vadd.f32 v18, v20;
	v45 =	vld [tilespmem:s2+$0x80];
	v8 =	vadd.f32 v19, v8;
	_ =	sdelay $0x1  }
0x5a2: {  	v17 =	vmul.f32 v17, v12;
	v18 =	vadd.f32 v23, v18;
	v8 =	vadd.f32 v12, v8;
	_ =	sdelay $0x1  }
0x5a3: {  	v46 =	vmul.f32 v16, v10;
	v47 =	vadd.f32 v17, v18;
	v8 =	vadd.f32 v10, v8  }
0x5a4: {  	v10 =	vadd.f32 v22, v45  }
0x5a5: {  	v48 =	vmul.f32 v13, v13;
	v12 =	vadd.f32 v46, v47;
	v8 =	vadd.f32 v13, v8  }
0x5a6: {  	v11 =	vadd.f32 v11, v14  }
0x5a7: {  	v49 =	vmul.f32 v10, v10;
	v12 =	vadd.f32 v48, v12;
	v8 =	vadd.f32 v10, v8  }
0x5a8: {  	v50 =	vadd.f32 v7, v15  }
0x5a9: {  	v7 =	vmul.f32 v11, v11;
	v12 =	vadd.f32 v49, v12;
	v8 =	vadd.f32 v11, v8  }
0x5aa: {  	v9 =	vadd.f32 v9, v44  }
0x5ab: {  	v51 =	vmul.f32 v50, v50;
	v7 =	vadd.f32 v7, v12;
	v8 =	vadd.f32 v50, v8;
	_ =	sdelay $0x1  }
0x5ac: {  	v52 =	vmul.f32 v9, v9;
	v7 =	vadd.f32 v51, v7;
	v8 =	vadd.f32 v9, v8;
	_ =	sdelay $0x1  }
0x5ad: {  	v7 =	vadd.f32 v52, v7;
	v53 =	vperm.xlane v8, v3;
	_ =	sdelay $0x1  }
0x5ae: {  	v54 =	vperm.xlane v7, v3;
	v8 =	vadd.f32 v53, v8;
	_ =	sdelay $0x1  }
0x5af: {  	v7 =	vadd.f32 v54, v7;
	v55 =	vperm.xlane v8, v4;
	_ =	sdelay $0x1  }
0x5b0: {  	v56 =	vperm.xlane v7, v4;
	v8 =	vadd.f32 v55, v8;
	_ =	sdelay $0x1  }
0x5b1: {  	v7 =	vadd.f32 v56, v7;
	v57 =	vperm.xlane v8, v5;
	_ =	sdelay $0x1  }
0x5b2: {  	v58 =	vperm.xlane v7, v5;
	v8 =	vadd.f32 v57, v8;
	_ =	sdelay $0x1  }
0x5b3: {  	v7 =	vadd.f32 v58, v7;
	v59 =	vperm.xlane v8, v6;
	_ =	sdelay $0x1  }
0x5b4: {  	v60 =	vperm.xlane v7, v6;
	v8 =	vadd.f32 v59, v8;
	_ =	sdelay $0x1  }
0x5b5: {  	v12 =	vadd.f32 v60, v7;
	v7 =	vmul.f32 $9.765625000e-04, v8;
	_ =	sdelay $0x1  }
0x5b6: {  	v8 =	vmul.f32 $9.765625000e-04, v12;
	v61 =	vmul.f32 v7, v7;
	_ =	sdelay $0x1  }
0x5b7: {  	v8 =	vsub.f32 v8, v61;
	_ =	sdelay $0x1  }
0x5b8: {  	v8 =	vadd.f32 $9.999999740e-06, v8;
	_ =	sdelay $0x1  }
0x5b9: {  	v62 =	vshra.s32 v8, $0x1;
	v8 =	vmul.f32 $5.000000000e-01, v8  }
0x5ba: {  	v12 =	vsub.s32 $0x5F3759DF, v62  }
0x5bb: {  	v63 =	vmul.f32 v12, v8;
	_ =	sdelay $0x1  }
0x5bc: {  	v13 =	vmul.f32 v12, v63;
	_ =	sdelay $0x1  }
0x5bd: {  	v13 =	vsub.f32 $1.500000000e+00, v13;
	_ =	sdelay $0x1  }
0x5be: {  	v12 =	vmul.f32 v12, v13;
	_ =	sdelay $0x1  }
0x5bf: {  	v13 =	vmul.f32 v12, v8;
	_ =	sdelay $0x1  }
0x5c0: {  	v13 =	vmul.f32 v13, v12;
	_ =	sdelay $0x1  }
0x5c1: {  	s6 =	simm.s32 $0x0;
	v13 =	vsub.f32 $1.500000000e+00, v13  }
0x5c2: {  	s0 =	sadd.s32 s4, s0;
	s13 =	sand.u32 $0x7000, s6;
	[tilespmem:s2+$0x90] =	vst v11  }
0x5c3: {  	s0 =	sadd.s32 $0x80, s0;
	s4 =	sshrl.u32 s13, $0x2;
	[tilespmem:s2+$0xA0] =	vst v50;
	v11 =	vmul.f32 v13, v12  }
0x5c4: {  	s7 =	sand.u32 $0x40, s6;
	s9 =	sadd.s32 s4, s0;
	[tilespmem:s2+$0xB0] =	vst v9  }
0x5c5: {  	s14 =	sadd.s32 s7, s9;
	[tilespmem:s2+$0x80] =	vst v10;
	v8 =	vmul.f32 v11, v8  }
0x5c6: {  	v9 =	vld [tilespmem:s14+$0x0]  }
0x5c7: {  	v8 =	vmul.f32 v8, v11;
	_ =	sdelay $0x1  }
0x5c8: {  	s4 =	simm.s32 $0x10080;
	v8 =	vsub.f32 $1.500000000e+00, v8  }
0x5c9: {  	v10 =	vld [tilespmem:s4+$0x0]  }
0x5ca: {  	s10 =	simm.s32 $0x10480;
	v9 =	vsub.f32 v9, v7;
	v8 =	vmul.f32 v8, v11  }
0x5cb: {  	v11 =	vld [tilespmem:s10+$0x0]  }
0x5cc: {  	v9 =	vmul.f32 v9, v8;
	_ =	sdelay $0x1  }
0x5cd: {  	v9 =	vmul.f32 v9, v10;
	_ =	sdelay $0x1  }
0x5ce: {  	v9 =	vadd.f32 v9, v11  }
0x5cf: {  	s16 =	sor.u32 $0x10, s7  }
0x5d0: {  	s11 =	sadd.s32 s16, s9;
	[tilespmem:s14+$0x0] =	vst v9  }
0x5d1: {  	v9 =	vld [tilespmem:s11+$0x0];
	_ =	sdelay $0x1  }
0x5d2: {  	s6 =	sand.u32 $0x380, s6  }
0x5d3: {  	s10 =	sor.u32 s6, s16  }
0x5d4: {  	v10 =	vld [tilespmem:s10+$0x10080]  }
0x5d5: {  	v9 =	vsub.f32 v9, v7  }
0x5d6: {  	v11 =	vld [tilespmem:s10+$0x10480]  }
0x5d7: {  	v9 =	vmul.f32 v9, v8;
	_ =	sdelay $0x1  }
0x5d8: {  	v9 =	vmul.f32 v9, v10;
	_ =	sdelay $0x1  }
0x5d9: {  	v9 =	vadd.f32 v9, v11  }
0x5da: {  	s12 =	sor.u32 $0x20, s7  }
0x5db: {  	s13 =	sadd.s32 s12, s9;
	[tilespmem:s11+$0x0] =	vst v9  }
0x5dc: {  	v9 =	vld [tilespmem:s13+$0x0];
	_ =	sdelay $0x2  }
0x5dd: {  	s10 =	sor.u32 s6, s12  }
0x5de: {  	v10 =	vld [tilespmem:s10+$0x10080]  }
0x5df: {  	v9 =	vsub.f32 v9, v7  }
0x5e0: {  	v11 =	vld [tilespmem:s10+$0x10480]  }
0x5e1: {  	v9 =	vmul.f32 v9, v8;
	_ =	sdelay $0x1  }
0x5e2: {  	v9 =	vmul.f32 v9, v10;
	_ =	sdelay $0x1  }
0x5e3: {  	v9 =	vadd.f32 v9, v11  }
0x5e4: {  	s7 =	sor.u32 $0x30, s7  }
0x5e5: {  	s12 =	sadd.s32 s7, s9;
	[tilespmem:s13+$0x0] =	vst v9  }
0x5e6: {  	v9 =	vld [tilespmem:s12+$0x0];
	_ =	sdelay $0x2  }
0x5e7: {  	s14 =	sor.u32 s6, s7  }
0x5e8: {  	v10 =	vld [tilespmem:s14+$0x10080]  }
0x5e9: {  	v9 =	vsub.f32 v9, v7  }
0x5ea: {  	v11 =	vld [tilespmem:s14+$0x10480]  }
0x5eb: {  	v9 =	vmul.f32 v9, v8  }
0x5ec: {  	s6 =	simm.s32 $0x800  }
0x5ed: {  	s2 =	simm.s32 $0x40;
	s16 =	sand.u32 $0x7000, s6;
	v9 =	vmul.f32 v9, v10  }
0x5ee: {  	s9 =	sand.u32 $0x40, s2;
	s7 =	sshrl.u32 s16, $0x2  }
0x5ef: {  	s7 =	sadd.s32 s7, s0;
	s10 =	simm.s32 $0x104C0;
	s13 =	simm.s32 $0x80;
	v9 =	vadd.f32 v9, v11  }
.LBB2_35:
0x5f0: {  	s14 =	sadd.s32 s9, s7  }
0x5f1: {  	[tilespmem:s12+$0x0] =	vst v9;
	s4 =	sadd.s32 $0x40, s4;
	s12 =	smov.u32 s13;
	s11 =	sadd.s32 $0x40, s13  }
0x5f2: {  	p0 =	sne.s32 s13, $0x3C0;
	v9 =	vld [tilespmem:s14+$0x0];
	_ =	sdelay $0x3  }
0x5f3: {  	v10 =	vld [tilespmem:s4+$0x0]  }
0x5f4: {  	v9 =	vsub.f32 v9, v7  }
0x5f5: {  	v11 =	vld [tilespmem:s10+$0x0]  }
0x5f6: {  	v9 =	vmul.f32 v9, v8;
	_ =	sdelay $0x1  }
0x5f7: {  	v9 =	vmul.f32 v9, v10;
	_ =	sdelay $0x1  }
0x5f8: {  	v9 =	vadd.f32 v9, v11  }
0x5f9: {  	s13 =	sor.u32 $0x10, s9  }
0x5fa: {  	[tilespmem:s14+$0x0] =	vst v9;
	s14 =	sadd.s32 s13, s7  }
0x5fb: {  	v9 =	vld [tilespmem:s14+$0x0];
	_ =	sdelay $0x1  }
0x5fc: {  	s16 =	sand.u32 $0x380, s2;
	s2 =	smov.u32 s12  }
0x5fd: {  	s12 =	sor.u32 s16, s13  }
0x5fe: {  	v10 =	vld [tilespmem:s12+$0x10080]  }
0x5ff: {  	v9 =	vsub.f32 v9, v7  }
0x600: {  	v11 =	vld [tilespmem:s12+$0x10480]  }
0x601: {  	v9 =	vmul.f32 v9, v8;
	_ =	sdelay $0x1  }
0x602: {  	v9 =	vmul.f32 v9, v10;
	_ =	sdelay $0x1  }
0x603: {  	v9 =	vadd.f32 v9, v11  }
0x604: {  	s12 =	sor.u32 $0x20, s9  }
0x605: {  	s13 =	sadd.s32 s12, s7;
	[tilespmem:s14+$0x0] =	vst v9  }
0x606: {  	v9 =	vld [tilespmem:s13+$0x0];
	_ =	sdelay $0x2  }
0x607: {  	s12 =	sor.u32 s16, s12  }
0x608: {  	v10 =	vld [tilespmem:s12+$0x10080]  }
0x609: {  	v9 =	vsub.f32 v9, v7  }
0x60a: {  	v11 =	vld [tilespmem:s12+$0x10480]  }
0x60b: {  	v9 =	vmul.f32 v9, v8;
	_ =	sdelay $0x1  }
0x60c: {  	v9 =	vmul.f32 v9, v10;
	_ =	sdelay $0x1  }
0x60d: {  	v9 =	vadd.f32 v9, v11  }
0x60e: {  	s9 =	sor.u32 $0x30, s9  }
0x60f: {  	s12 =	sadd.s32 s9, s7;
	[tilespmem:s13+$0x0] =	vst v9  }
0x610: {  	s7 =	sor.u32 s16, s9;
	v9 =	vld [tilespmem:s12+$0x0]  }
0x611: {  	v10 =	vld [tilespmem:s7+$0x10080]  }
0x612: {  	v11 =	vld [tilespmem:s7+$0x10480];
	_ =	sdelay $0x2  }
0x613: {  	v9 =	vsub.f32 v9, v7;
	_ =	sdelay $0x1  }
0x614: {  	v9 =	vmul.f32 v9, v8  }
.Ltmp16:
0x615: {  	(pc) =	sbr.rel @p0 .LBB2_35-.Ltmp16, $4  }
0x616: {  	s6 =	sadd.s32 $0x800, s6;
	v9 =	vmul.f32 v9, v10  }
0x617: {  	s7 =	sand.u32 $0x7000, s6  }
0x618: {  	s10 =	sadd.s32 $0x40, s10;
	s7 =	sshrl.u32 s7, $0x2;
	v9 =	vadd.f32 v9, v11  }
0x619: {  	s9 =	sand.u32 $0x40, s2;
	s13 =	smov.u32 s11;
	s7 =	sadd.s32 s7, s0  }
0x61a: {  	s0 =	sadd.s32 s9, s7;
	[tilespmem:s12+$0x0] =	vst v9  }
0x61b: {  	v9 =	vld [tilespmem:s0+$0x0];
	_ =	sdelay $0x2  }
0x61c: {  	s4 =	sadd.s32 $0x40, s4  }
0x61d: {  	v10 =	vld [tilespmem:s4+$0x0]  }
0x61e: {  	v9 =	vsub.f32 v9, v7  }
0x61f: {  	v11 =	vld [tilespmem:s10+$0x0]  }
0x620: {  	v9 =	vmul.f32 v9, v8;
	_ =	sdelay $0x1  }
0x621: {  	v9 =	vmul.f32 v9, v10;
	_ =	sdelay $0x1  }
0x622: {  	v9 =	vadd.f32 v9, v11  }
0x623: {  	s10 =	sor.u32 $0x10, s9  }
0x624: {  	s11 =	sadd.s32 s10, s7;
	[tilespmem:s0+$0x0] =	vst v9  }
0x625: {  	v9 =	vld [tilespmem:s11+$0x0];
	_ =	sdelay $0x1  }
0x626: {  	s2 =	sand.u32 $0x380, s2  }
0x627: {  	s4 =	sor.u32 s2, s10  }
0x628: {  	v58 =	vld [tilespmem:s4+$0x10080]  }
0x629: {  	v9 =	vsub.f32 v9, v7  }
0x62a: {  	v59 =	vld [tilespmem:s4+$0x10480]  }
0x62b: {  	v9 =	vmul.f32 v9, v8;
	_ =	sdelay $0x1  }
0x62c: {  	v9 =	vmul.f32 v9, v58;
	_ =	sdelay $0x1  }
0x62d: {  	v9 =	vadd.f32 v9, v59  }
0x62e: {  	s12 =	sor.u32 $0x20, s9  }
0x62f: {  	s13 =	sadd.s32 s12, s7;
	[tilespmem:s11+$0x0] =	vst v9  }
0x630: {  	v9 =	vld [tilespmem:s13+$0x0];
	_ =	sdelay $0x2  }
0x631: {  	s4 =	sor.u32 s2, s12  }
0x632: {  	v60 =	vld [tilespmem:s4+$0x10080]  }
0x633: {  	v9 =	vsub.f32 v9, v7  }
0x634: {  	v61 =	vld [tilespmem:s4+$0x10480]  }
0x635: {  	v9 =	vmul.f32 v9, v8;
	_ =	sdelay $0x1  }
0x636: {  	v9 =	vmul.f32 v9, v60;
	_ =	sdelay $0x1  }
0x637: {  	v9 =	vadd.f32 v9, v61  }
0x638: {  	s14 =	sor.u32 $0x30, s9  }
0x639: {  	s16 =	sadd.s32 s14, s7;
	[tilespmem:s13+$0x0] =	vst v9  }
0x63a: {  	v9 =	vld [tilespmem:s16+$0x0];
	_ =	sdelay $0x2  }
0x63b: {  	s2 =	sor.u32 s2, s14  }
0x63c: {  	v62 =	vld [tilespmem:s2+$0x10080]  }
0x63d: {  	v7 =	vsub.f32 v9, v7  }
0x63e: {  	v63 =	vld [tilespmem:s2+$0x10480]  }
0x63f: {  	s31 =	sadd.s32 $0x1, s31;
	v7 =	vmul.f32 v7, v8  }
0x640: {  	p0 =	sne.s32 s31, $0x20  }
.Ltmp17:
0x641: {  	v7 =	vmul.f32 v7, v62;
	(pc) =	sbr.rel @p0 .LBB2_32-.Ltmp17, $3  }
0x642: {  	_ = 	snop  }
0x643: {  	v7 =	vadd.f32 v7, v63;
	_ =	sdelay $0x1  }
0x644: {  	[tilespmem:s16+$0x0] =	vst v7  }
0x645: {  	s30 =	simm.s32 $0x0;
	s0 =	rddreg [dreg:$0x15]  }
0x646: {  	[hbm4b:s0+s30] =	stream.linear.scatter [tilespmem:s8], [sflag:$0x2], $0x8000, $0x38;
	[tilespmem:$0x10880] =	vst v63  }
0x647: {  	_ =	swait.ge [sflag:s3], $0x8000  }
0x648: {  	[sflag:s3] =	ssyncset.done $0x0  }
0x649: {  	s6 =	rddreg [dreg:$0xe];
	[sflag:s3] =	ssyncadd.s32 $0xFFFF8000  }
0x64a: {  	[tilespmem:s30], [sflag:$0x2] =	stream.linear.gather [hbm4b:s6+s30], $0x20, $0x38;
	[tilespmem:$0x10880] =	vst v63  }
0x64b: {  	_ =	swait.ge [sflag:s3], $0x20  }
0x64c: {  	[sflag:s3] =	ssyncset.done $0x0  }
0x64d: {  	s2 =	simm.s32 $0x8080;
	s7 =	rddreg [dreg:$0x1e];
	[sflag:s3] =	ssyncadd.s32 $0xFFFFFFE0  }
0x64e: {  	[tilespmem:s2], [sflag:$0x2] =	stream.linear.gather [hbm4b:s7+s30], $0x8000, $0x38;
	[tilespmem:$0x10880] =	vst v63  }
0x64f: {  	_ =	swait.ge [sflag:s3], $0x8000  }
0x650: {  	[sflag:s3] =	ssyncset.done $0x0  }
0x651: {  	[sflag:s3] =	ssyncadd.s32 $0xFFFF8000  }
0x652: {  	v7 =	vld [tilespmem:$0x0];
	_ =	sdelay $0x4  }
0x653: {  	v8 =	vshll.u32 v7, $0x3  }
0x654: {  	v7 =	vand.u32 $0x7, v7;
	v8 =	vand.u32 $0xFFFFFFC0, v8  }
0x655: {  	v7 =	vor.u32 v7, v8  }
0x656: {  	v8 =	vperm.xlane v7, v0;
	_ =	sdelay $0x1  }
0x657: {  	v8 =	vadd.s32 v1, v8;
	_ =	sdelay $0x4  }
0x658: {  	[tilespmem:s8], [sflag:$0x1] =	stream.indirect_vreg.gather [hbm4b:s1+s30], $0x80, v8, vm0, $0xb8;
	[tilespmem:$0x10880] =	vst v63  }
0x659: {  	s9 =	simm.s32 $0x880;
	v7 =	vperm.xlane v7, v2  }
0x65a: {  	[tilespmem:s9], [sflag:$0x1] =	stream.indirect_vreg.gather [hbm4b:s24+s30], $0x80, v8, vm0, $0xb8;
	[tilespmem:$0x10880] =	vst v63  }
0x65b: {  	s10 =	simm.s32 $0x1080;
	v7 =	vadd.s32 v1, v7  }
0x65c: {  	[tilespmem:s10], [sflag:$0x1] =	stream.indirect_vreg.gather [hbm4b:s15+s30], $0x80, v8, vm0, $0xb8;
	[tilespmem:$0x10880] =	vst v63  }
0x65d: {  	s11 =	simm.s32 $0x1880  }
0x65e: {  	[tilespmem:s11], [sflag:$0x1] =	stream.indirect_vreg.gather [hbm4b:s26+s30], $0x80, v8, vm0, $0xb8;
	[tilespmem:$0x10880] =	vst v63  }
0x65f: {  	s12 =	simm.s32 $0x2080  }
0x660: {  	[tilespmem:s12], [sflag:$0x1] =	stream.indirect_vreg.gather [hbm4b:s1+s30], $0x80, v7, vm0, $0xb8;
	[tilespmem:$0x10880] =	vst v63  }
0x661: {  	s13 =	simm.s32 $0x2880  }
0x662: {  	[tilespmem:s13], [sflag:$0x1] =	stream.indirect_vreg.gather [hbm4b:s24+s30], $0x80, v7, vm0, $0xb8;
	[tilespmem:$0x10880] =	vst v63  }
0x663: {  	s14 =	simm.s32 $0x3080  }
0x664: {  	[tilespmem:s14], [sflag:$0x1] =	stream.indirect_vreg.gather [hbm4b:s15+s30], $0x80, v7, vm0, $0xb8;
	[tilespmem:$0x10880] =	vst v63  }
0x665: {  	s16 =	simm.s32 $0x3880  }
0x666: {  	[tilespmem:s16], [sflag:$0x1] =	stream.indirect_vreg.gather [hbm4b:s26+s30], $0x80, v7, vm0, $0xb8;
	[tilespmem:$0x10880] =	vst v63  }
0x667: {  	v7 =	vld [tilespmem:$0x10];
	_ =	sdelay $0x4  }
0x668: {  	v8 =	vshll.u32 v7, $0x3  }
0x669: {  	v7 =	vand.u32 $0x7, v7;
	v8 =	vand.u32 $0xFFFFFFC0, v8  }
0x66a: {  	v7 =	vor.u32 v7, v8  }
0x66b: {  	v8 =	vperm.xlane v7, v0;
	_ =	sdelay $0x1  }
0x66c: {  	v8 =	vadd.s32 v1, v8;
	_ =	sdelay $0x4  }
0x66d: {  	[tilespmem:s17], [sflag:$0x1] =	stream.indirect_vreg.gather [hbm4b:s1+s30], $0x80, v8, vm0, $0xb8;
	[tilespmem:$0x10880] =	vst v63  }
0x66e: {  	v7 =	vperm.xlane v7, v2  }
0x66f: {  	[tilespmem:s18], [sflag:$0x1] =	stream.indirect_vreg.gather [hbm4b:s24+s30], $0x80, v8, vm0, $0xb8;
	[tilespmem:$0x10880] =	vst v63  }
0x670: {  	v7 =	vadd.s32 v1, v7  }
0x671: {  	[tilespmem:s19], [sflag:$0x1] =	stream.indirect_vreg.gather [hbm4b:s15+s30], $0x80, v8, vm0, $0xb8;
	[tilespmem:$0x10880] =	vst v63  }
0x672: {  	_ = 	snop  }
0x673: {  	[tilespmem:s20], [sflag:$0x1] =	stream.indirect_vreg.gather [hbm4b:s26+s30], $0x80, v8, vm0, $0xb8;
	[tilespmem:$0x10880] =	vst v63  }
0x674: {  	_ = 	snop  }
0x675: {  	[tilespmem:s21], [sflag:$0x1] =	stream.indirect_vreg.gather [hbm4b:s1+s30], $0x80, v7, vm0, $0xb8;
	[tilespmem:$0x10880] =	vst v63  }
0x676: {  	_ = 	snop  }
0x677: {  	[tilespmem:s22], [sflag:$0x1] =	stream.indirect_vreg.gather [hbm4b:s24+s30], $0x80, v7, vm0, $0xb8;
	[tilespmem:$0x10880] =	vst v63  }
0x678: {  	_ = 	snop  }
0x679: {  	[tilespmem:s23], [sflag:$0x1] =	stream.indirect_vreg.gather [hbm4b:s15+s30], $0x80, v7, vm0, $0xb8;
	[tilespmem:$0x10880] =	vst v63  }
0x67a: {  	_ = 	snop  }
0x67b: {  	[tilespmem:s25], [sflag:$0x1] =	stream.indirect_vreg.gather [hbm4b:s26+s30], $0x80, v7, vm0, $0xb8;
	[tilespmem:$0x10880] =	vst v63  }
0x67c: {  	_ =	swait.ge [sflag:s28], $0x8000  }
0x67d: {  	[sflag:s28] =	ssyncset.done $0x0  }
0x67e: {  	s31 =	simm.s32 $0x0;
	[sflag:s28] =	ssyncadd.s32 $0xFFFF8000  }
.LBB2_38:
0x67f: {  	s0 =	sshll.u32 s31, $0xA;
	s2 =	sshll.u32 s31, $0x7;
	s13 =	sand.u32 $0x40, s30  }
0x680: {  	s7 =	sand.u32 $0x1C00, s30;
	s0 =	sand.u32 $0x6000, s0;
	s4 =	sand.u32 $0x380, s2  }
0x681: {  	s2 =	sor.u32 s7, s13;
	s6 =	sor.u32 s4, s0  }
0x682: {  	s2 =	sor.u32 s6, s2  }
0x683: {  	v7 =	vld [tilespmem:s2+$0x80B0]  }
0x684: {  	v9 =	vld [tilespmem:s2+$0x8090]  }
0x685: {  	v10 =	vld [tilespmem:s2+$0x90]  }
0x686: {  	v8 =	vld [tilespmem:s2+$0x80A0]  }
0x687: {  	s14 =	simm.s32 $0x40;
	s9 =	simm.s32 $0x200;
	v11 =	vld [tilespmem:s2+$0xA0]  }
0x688: {  	s7 =	sand.u32 $0x40, s14;
	s9 =	sand.u32 $0x1C00, s9;
	v12 =	vld [tilespmem:s2+$0x8080]  }
0x689: {  	s7 =	sor.u32 s9, s7;
	v13 =	vld [tilespmem:s2+$0xB0]  }
0x68a: {  	s7 =	sor.u32 s6, s7;
	v14 =	vadd.f32 v9, v10;
	v9 =	vld [tilespmem:s2+$0x80]  }
0x68b: {  	v15 =	vld [tilespmem:s7+$0x80B0]  }
0x68c: {  	v16 =	vld [tilespmem:s7+$0x8090]  }
0x68d: {  	v10 =	vld [tilespmem:s7+$0x80A0];
	[tilespmem:s2+$0x90] =	vst v14  }
0x68e: {  	v17 =	vadd.f32 v8, v11;
	v11 =	vld [tilespmem:s7+$0x90]  }
0x68f: {  	v8 =	vadd.f32 v7, v13;
	v7 =	vadd.f32 v12, v9  }
0x690: {  	[tilespmem:s2+$0xA0] =	vst v17  }
0x691: {  	s16 =	simm.s32 $0x80;
	s10 =	simm.s32 $0x400;
	v21 =	vimm.f32 $0.0e+00;
	v13 =	vld [tilespmem:s7+$0xA0];
	v22 =	vmul.f32 v7, v7  }
0x692: {  	s10 =	sand.u32 $0x1C00, s10;
	s9 =	sand.u32 $0x40, s16;
	v19 =	vld [tilespmem:s7+$0x8080];
	[tilespmem:s2+$0xB0] =	vst v8;
	v23 =	vadd.f32 v7, v21  }
0x693: {  	s9 =	sor.u32 s10, s9;
	v18 =	vld [tilespmem:s7+$0xB0];
	[tilespmem:s2+$0x80] =	vst v7;
	v12 =	vadd.f32 v16, v11;
	v16 =	vmul.f32 v14, v14;
	v21 =	vadd.f32 v22, v21  }
0x694: {  	s2 =	sor.u32 s6, s9;
	v20 =	vld [tilespmem:s7+$0x80]  }
0x695: {  	v9 =	vld [tilespmem:s2+$0x80B0];
	v16 =	vadd.f32 v16, v21  }
0x696: {  	v7 =	vld [tilespmem:s2+$0x80A0];
	v10 =	vadd.f32 v10, v13;
	v22 =	vadd.f32 v14, v23  }
0x697: {  	v11 =	vld [tilespmem:s2+$0x8090];
	v23 =	vmul.f32 v17, v17;
	[tilespmem:s7+$0x90] =	vst v12  }
0x698: {  	v13 =	vadd.f32 v15, v18;
	v18 =	vmul.f32 v8, v8;
	v14 =	vld [tilespmem:s2+$0x90];
	[tilespmem:s7+$0xA0] =	vst v10;
	v21 =	vadd.f32 v17, v22  }
0x699: {  	s10 =	simm.s32 $0xC0;
	s9 =	simm.s32 $0x600;
	v17 =	vmovc v12;
	v15 =	vld [tilespmem:s2+$0xA0];
	v19 =	vadd.f32 v19, v20;
	v20 =	vadd.f32 v23, v16;
	v16 =	vmov v10  }
.LBB2_39:
0x69a: {  	s13 =	smov.u32 s10  }
0x69b: {  	s11 =	sand.u32 $0x40, s10;
	s12 =	sand.u32 $0x1C00, s9;
	v22 =	vld [tilespmem:s2+$0x8080];
	[tilespmem:s7+$0xB0] =	vst v13;
	v21 =	vadd.f32 v8, v21;
	v23 =	vmov v9;
	v8 =	vmov v13;
	s13 =	sadd.s32 $0x40, s10  }
0x69c: {  	p0 =	sne.s32 s10, $0x3C0;
	s11 =	sor.u32 s12, s11;
	v25 =	vmul.f32 v19, v19;
	v18 =	vadd.f32 v18, v20;
	v24 =	vld [tilespmem:s2+$0xB0];
	[tilespmem:s7+$0x80] =	vst v19;
	s7 =	smov.u32 s2  }
0x69d: {  	s2 =	sor.u32 s6, s11;
	v19 =	vadd.f32 v19, v21;
	v21 =	vmul.f32 v17, v12;
	v20 =	vld [tilespmem:s7+$0x80]  }
.Ltmp18:
0x69e: {  	v17 =	vadd.f32 v11, v14;
	v14 =	vadd.f32 v25, v18;
	v9 =	vld [tilespmem:s2+$0x80B0];
	(pc) =	sbr.rel @p0 .LBB2_39-.Ltmp18, $4  }
0x69f: {  	v25 =	vmul.f32 v16, v10;
	v19 =	vadd.f32 v12, v19;
	v16 =	vadd.f32 v7, v15;
	v7 =	vld [tilespmem:s2+$0x80A0]  }
0x6a0: {  	v18 =	vmul.f32 v13, v8;
	v26 =	vadd.f32 v21, v14;
	v12 =	vmov v17;
	v11 =	vld [tilespmem:s2+$0x8090];
	[tilespmem:s7+$0x90] =	vst v17  }
0x6a1: {  	v21 =	vadd.f32 v10, v19;
	v10 =	vmov v16;
	v14 =	vld [tilespmem:s2+$0x90];
	[tilespmem:s7+$0xA0] =	vst v16;
	v13 =	vadd.f32 v23, v24  }
0x6a2: {  	s9 =	sadd.s32 $0x200, s9;
	s10 =	smov.u32 s13;
	v15 =	vld [tilespmem:s2+$0xA0];
	v19 =	vadd.f32 v22, v20;
	v20 =	vadd.f32 v25, v26  }
0x6a3: {  	v22 =	vld [tilespmem:s2+$0x8080];
	[tilespmem:s7+$0xB0] =	vst v13;
	v8 =	vadd.f32 v8, v21  }
0x6a4: {  	v44 =	vld [tilespmem:s2+$0xB0];
	[tilespmem:s7+$0x80] =	vst v19  }
0x6a5: {  	v23 =	vmul.f32 v19, v19;
	v18 =	vadd.f32 v18, v20;
	v45 =	vld [tilespmem:s2+$0x80];
	v8 =	vadd.f32 v19, v8;
	_ =	sdelay $0x1  }
0x6a6: {  	v17 =	vmul.f32 v17, v12;
	v18 =	vadd.f32 v23, v18;
	v8 =	vadd.f32 v12, v8;
	_ =	sdelay $0x1  }
0x6a7: {  	v46 =	vmul.f32 v16, v10;
	v47 =	vadd.f32 v17, v18;
	v8 =	vadd.f32 v10, v8  }
0x6a8: {  	v10 =	vadd.f32 v22, v45  }
0x6a9: {  	v48 =	vmul.f32 v13, v13;
	v12 =	vadd.f32 v46, v47;
	v8 =	vadd.f32 v13, v8  }
0x6aa: {  	v11 =	vadd.f32 v11, v14  }
0x6ab: {  	v49 =	vmul.f32 v10, v10;
	v12 =	vadd.f32 v48, v12;
	v8 =	vadd.f32 v10, v8  }
0x6ac: {  	v50 =	vadd.f32 v7, v15  }
0x6ad: {  	v7 =	vmul.f32 v11, v11;
	v12 =	vadd.f32 v49, v12;
	v8 =	vadd.f32 v11, v8  }
0x6ae: {  	v9 =	vadd.f32 v9, v44  }
0x6af: {  	v51 =	vmul.f32 v50, v50;
	v7 =	vadd.f32 v7, v12;
	v8 =	vadd.f32 v50, v8;
	_ =	sdelay $0x1  }
0x6b0: {  	v52 =	vmul.f32 v9, v9;
	v7 =	vadd.f32 v51, v7;
	v8 =	vadd.f32 v9, v8;
	_ =	sdelay $0x1  }
0x6b1: {  	v7 =	vadd.f32 v52, v7;
	v53 =	vperm.xlane v8, v3;
	_ =	sdelay $0x1  }
0x6b2: {  	v54 =	vperm.xlane v7, v3;
	v8 =	vadd.f32 v53, v8;
	_ =	sdelay $0x1  }
0x6b3: {  	v7 =	vadd.f32 v54, v7;
	v55 =	vperm.xlane v8, v4;
	_ =	sdelay $0x1  }
0x6b4: {  	v56 =	vperm.xlane v7, v4;
	v8 =	vadd.f32 v55, v8;
	_ =	sdelay $0x1  }
0x6b5: {  	v7 =	vadd.f32 v56, v7;
	v57 =	vperm.xlane v8, v5;
	_ =	sdelay $0x1  }
0x6b6: {  	v58 =	vperm.xlane v7, v5;
	v8 =	vadd.f32 v57, v8;
	_ =	sdelay $0x1  }
0x6b7: {  	v7 =	vadd.f32 v58, v7;
	v59 =	vperm.xlane v8, v6;
	_ =	sdelay $0x1  }
0x6b8: {  	v60 =	vperm.xlane v7, v6;
	v8 =	vadd.f32 v59, v8;
	_ =	sdelay $0x1  }
0x6b9: {  	v12 =	vadd.f32 v60, v7;
	v7 =	vmul.f32 $9.765625000e-04, v8;
	_ =	sdelay $0x1  }
0x6ba: {  	v8 =	vmul.f32 $9.765625000e-04, v12;
	v61 =	vmul.f32 v7, v7;
	_ =	sdelay $0x1  }
0x6bb: {  	v8 =	vsub.f32 v8, v61;
	_ =	sdelay $0x1  }
0x6bc: {  	v8 =	vadd.f32 $9.999999740e-06, v8;
	_ =	sdelay $0x1  }
0x6bd: {  	v62 =	vshra.s32 v8, $0x1;
	v8 =	vmul.f32 $5.000000000e-01, v8  }
0x6be: {  	v12 =	vsub.s32 $0x5F3759DF, v62  }
0x6bf: {  	v63 =	vmul.f32 v12, v8;
	_ =	sdelay $0x1  }
0x6c0: {  	v13 =	vmul.f32 v12, v63;
	_ =	sdelay $0x1  }
0x6c1: {  	v13 =	vsub.f32 $1.500000000e+00, v13;
	_ =	sdelay $0x1  }
0x6c2: {  	v12 =	vmul.f32 v12, v13;
	_ =	sdelay $0x1  }
0x6c3: {  	v13 =	vmul.f32 v12, v8;
	_ =	sdelay $0x1  }
0x6c4: {  	v13 =	vmul.f32 v13, v12;
	_ =	sdelay $0x1  }
0x6c5: {  	s6 =	simm.s32 $0x0;
	v13 =	vsub.f32 $1.500000000e+00, v13  }
0x6c6: {  	s0 =	sadd.s32 s4, s0;
	s13 =	sand.u32 $0x7000, s6;
	[tilespmem:s2+$0x90] =	vst v11  }
0x6c7: {  	s0 =	sadd.s32 $0x80, s0;
	s4 =	sshrl.u32 s13, $0x2;
	[tilespmem:s2+$0xA0] =	vst v50;
	v11 =	vmul.f32 v13, v12  }
0x6c8: {  	s7 =	sand.u32 $0x40, s6;
	s9 =	sadd.s32 s4, s0;
	[tilespmem:s2+$0xB0] =	vst v9  }
0x6c9: {  	s14 =	sadd.s32 s7, s9;
	[tilespmem:s2+$0x80] =	vst v10;
	v8 =	vmul.f32 v11, v8  }
0x6ca: {  	v9 =	vld [tilespmem:s14+$0x0]  }
0x6cb: {  	v8 =	vmul.f32 v8, v11;
	_ =	sdelay $0x1  }
0x6cc: {  	s4 =	simm.s32 $0x10080;
	v8 =	vsub.f32 $1.500000000e+00, v8  }
0x6cd: {  	v10 =	vld [tilespmem:s4+$0x0]  }
0x6ce: {  	s10 =	simm.s32 $0x10480;
	v9 =	vsub.f32 v9, v7;
	v8 =	vmul.f32 v8, v11  }
0x6cf: {  	v11 =	vld [tilespmem:s10+$0x0]  }
0x6d0: {  	v9 =	vmul.f32 v9, v8;
	_ =	sdelay $0x1  }
0x6d1: {  	v9 =	vmul.f32 v9, v10;
	_ =	sdelay $0x1  }
0x6d2: {  	v9 =	vadd.f32 v9, v11  }
0x6d3: {  	s16 =	sor.u32 $0x10, s7  }
0x6d4: {  	s11 =	sadd.s32 s16, s9;
	[tilespmem:s14+$0x0] =	vst v9  }
0x6d5: {  	v9 =	vld [tilespmem:s11+$0x0];
	_ =	sdelay $0x1  }
0x6d6: {  	s6 =	sand.u32 $0x380, s6  }
0x6d7: {  	s10 =	sor.u32 s6, s16  }
0x6d8: {  	v10 =	vld [tilespmem:s10+$0x10080]  }
0x6d9: {  	v9 =	vsub.f32 v9, v7  }
0x6da: {  	v11 =	vld [tilespmem:s10+$0x10480]  }
0x6db: {  	v9 =	vmul.f32 v9, v8;
	_ =	sdelay $0x1  }
0x6dc: {  	v9 =	vmul.f32 v9, v10;
	_ =	sdelay $0x1  }
0x6dd: {  	v9 =	vadd.f32 v9, v11  }
0x6de: {  	s12 =	sor.u32 $0x20, s7  }
0x6df: {  	s13 =	sadd.s32 s12, s9;
	[tilespmem:s11+$0x0] =	vst v9  }
0x6e0: {  	v9 =	vld [tilespmem:s13+$0x0];
	_ =	sdelay $0x2  }
0x6e1: {  	s10 =	sor.u32 s6, s12  }
0x6e2: {  	v10 =	vld [tilespmem:s10+$0x10080]  }
0x6e3: {  	v9 =	vsub.f32 v9, v7  }
0x6e4: {  	v11 =	vld [tilespmem:s10+$0x10480]  }
0x6e5: {  	v9 =	vmul.f32 v9, v8;
	_ =	sdelay $0x1  }
0x6e6: {  	v9 =	vmul.f32 v9, v10;
	_ =	sdelay $0x1  }
0x6e7: {  	v9 =	vadd.f32 v9, v11  }
0x6e8: {  	s7 =	sor.u32 $0x30, s7  }
0x6e9: {  	s12 =	sadd.s32 s7, s9;
	[tilespmem:s13+$0x0] =	vst v9  }
0x6ea: {  	v9 =	vld [tilespmem:s12+$0x0];
	_ =	sdelay $0x2  }
0x6eb: {  	s14 =	sor.u32 s6, s7  }
0x6ec: {  	v10 =	vld [tilespmem:s14+$0x10080]  }
0x6ed: {  	v9 =	vsub.f32 v9, v7  }
0x6ee: {  	v11 =	vld [tilespmem:s14+$0x10480]  }
0x6ef: {  	v9 =	vmul.f32 v9, v8  }
0x6f0: {  	s6 =	simm.s32 $0x800  }
0x6f1: {  	s2 =	simm.s32 $0x40;
	s16 =	sand.u32 $0x7000, s6;
	v9 =	vmul.f32 v9, v10  }
0x6f2: {  	s9 =	sand.u32 $0x40, s2;
	s7 =	sshrl.u32 s16, $0x2  }
0x6f3: {  	s7 =	sadd.s32 s7, s0;
	s10 =	simm.s32 $0x104C0;
	s13 =	simm.s32 $0x80;
	v9 =	vadd.f32 v9, v11  }
.LBB2_41:
0x6f4: {  	s14 =	sadd.s32 s9, s7  }
0x6f5: {  	[tilespmem:s12+$0x0] =	vst v9;
	s4 =	sadd.s32 $0x40, s4;
	s12 =	smov.u32 s13;
	s11 =	sadd.s32 $0x40, s13  }
0x6f6: {  	p0 =	sne.s32 s13, $0x3C0;
	v9 =	vld [tilespmem:s14+$0x0];
	_ =	sdelay $0x3  }
0x6f7: {  	v10 =	vld [tilespmem:s4+$0x0]  }
0x6f8: {  	v9 =	vsub.f32 v9, v7  }
0x6f9: {  	v11 =	vld [tilespmem:s10+$0x0]  }
0x6fa: {  	v9 =	vmul.f32 v9, v8;
	_ =	sdelay $0x1  }
0x6fb: {  	v9 =	vmul.f32 v9, v10;
	_ =	sdelay $0x1  }
0x6fc: {  	v9 =	vadd.f32 v9, v11  }
0x6fd: {  	s13 =	sor.u32 $0x10, s9  }
0x6fe: {  	[tilespmem:s14+$0x0] =	vst v9;
	s14 =	sadd.s32 s13, s7  }
0x6ff: {  	v9 =	vld [tilespmem:s14+$0x0];
	_ =	sdelay $0x1  }
0x700: {  	s16 =	sand.u32 $0x380, s2;
	s2 =	smov.u32 s12  }
0x701: {  	s12 =	sor.u32 s16, s13  }
0x702: {  	v10 =	vld [tilespmem:s12+$0x10080]  }
0x703: {  	v9 =	vsub.f32 v9, v7  }
0x704: {  	v11 =	vld [tilespmem:s12+$0x10480]  }
0x705: {  	v9 =	vmul.f32 v9, v8;
	_ =	sdelay $0x1  }
0x706: {  	v9 =	vmul.f32 v9, v10;
	_ =	sdelay $0x1  }
0x707: {  	v9 =	vadd.f32 v9, v11  }
0x708: {  	s12 =	sor.u32 $0x20, s9  }
0x709: {  	s13 =	sadd.s32 s12, s7;
	[tilespmem:s14+$0x0] =	vst v9  }
0x70a: {  	v9 =	vld [tilespmem:s13+$0x0];
	_ =	sdelay $0x2  }
0x70b: {  	s12 =	sor.u32 s16, s12  }
0x70c: {  	v10 =	vld [tilespmem:s12+$0x10080]  }
0x70d: {  	v9 =	vsub.f32 v9, v7  }
0x70e: {  	v11 =	vld [tilespmem:s12+$0x10480]  }
0x70f: {  	v9 =	vmul.f32 v9, v8;
	_ =	sdelay $0x1  }
0x710: {  	v9 =	vmul.f32 v9, v10;
	_ =	sdelay $0x1  }
0x711: {  	v9 =	vadd.f32 v9, v11  }
0x712: {  	s9 =	sor.u32 $0x30, s9  }
0x713: {  	s12 =	sadd.s32 s9, s7;
	[tilespmem:s13+$0x0] =	vst v9  }
0x714: {  	s7 =	sor.u32 s16, s9;
	v9 =	vld [tilespmem:s12+$0x0]  }
0x715: {  	v10 =	vld [tilespmem:s7+$0x10080]  }
0x716: {  	v11 =	vld [tilespmem:s7+$0x10480];
	_ =	sdelay $0x2  }
0x717: {  	v9 =	vsub.f32 v9, v7;
	_ =	sdelay $0x1  }
0x718: {  	v9 =	vmul.f32 v9, v8  }
.Ltmp19:
0x719: {  	(pc) =	sbr.rel @p0 .LBB2_41-.Ltmp19, $4  }
0x71a: {  	s6 =	sadd.s32 $0x800, s6;
	v9 =	vmul.f32 v9, v10  }
0x71b: {  	s7 =	sand.u32 $0x7000, s6  }
0x71c: {  	s10 =	sadd.s32 $0x40, s10;
	s7 =	sshrl.u32 s7, $0x2;
	v9 =	vadd.f32 v9, v11  }
0x71d: {  	s9 =	sand.u32 $0x40, s2;
	s13 =	smov.u32 s11;
	s7 =	sadd.s32 s7, s0  }
0x71e: {  	s0 =	sadd.s32 s9, s7;
	[tilespmem:s12+$0x0] =	vst v9  }
0x71f: {  	v9 =	vld [tilespmem:s0+$0x0];
	_ =	sdelay $0x2  }
0x720: {  	s4 =	sadd.s32 $0x40, s4  }
0x721: {  	v10 =	vld [tilespmem:s4+$0x0]  }
0x722: {  	v9 =	vsub.f32 v9, v7  }
0x723: {  	v11 =	vld [tilespmem:s10+$0x0]  }
0x724: {  	v9 =	vmul.f32 v9, v8;
	_ =	sdelay $0x1  }
0x725: {  	v9 =	vmul.f32 v9, v10;
	_ =	sdelay $0x1  }
0x726: {  	v9 =	vadd.f32 v9, v11  }
0x727: {  	s10 =	sor.u32 $0x10, s9  }
0x728: {  	s11 =	sadd.s32 s10, s7;
	[tilespmem:s0+$0x0] =	vst v9  }
0x729: {  	v9 =	vld [tilespmem:s11+$0x0];
	_ =	sdelay $0x1  }
0x72a: {  	s2 =	sand.u32 $0x380, s2  }
0x72b: {  	s4 =	sor.u32 s2, s10  }
0x72c: {  	v58 =	vld [tilespmem:s4+$0x10080]  }
0x72d: {  	v9 =	vsub.f32 v9, v7  }
0x72e: {  	v59 =	vld [tilespmem:s4+$0x10480]  }
0x72f: {  	v9 =	vmul.f32 v9, v8;
	_ =	sdelay $0x1  }
0x730: {  	v9 =	vmul.f32 v9, v58;
	_ =	sdelay $0x1  }
0x731: {  	v9 =	vadd.f32 v9, v59  }
0x732: {  	s12 =	sor.u32 $0x20, s9  }
0x733: {  	s13 =	sadd.s32 s12, s7;
	[tilespmem:s11+$0x0] =	vst v9  }
0x734: {  	v9 =	vld [tilespmem:s13+$0x0];
	_ =	sdelay $0x2  }
0x735: {  	s4 =	sor.u32 s2, s12  }
0x736: {  	v60 =	vld [tilespmem:s4+$0x10080]  }
0x737: {  	v9 =	vsub.f32 v9, v7  }
0x738: {  	v61 =	vld [tilespmem:s4+$0x10480]  }
0x739: {  	v9 =	vmul.f32 v9, v8;
	_ =	sdelay $0x1  }
0x73a: {  	v9 =	vmul.f32 v9, v60;
	_ =	sdelay $0x1  }
0x73b: {  	v9 =	vadd.f32 v9, v61  }
0x73c: {  	s14 =	sor.u32 $0x30, s9  }
0x73d: {  	s16 =	sadd.s32 s14, s7;
	[tilespmem:s13+$0x0] =	vst v9  }
0x73e: {  	v9 =	vld [tilespmem:s16+$0x0];
	_ =	sdelay $0x2  }
0x73f: {  	s2 =	sor.u32 s2, s14  }
0x740: {  	v62 =	vld [tilespmem:s2+$0x10080]  }
0x741: {  	v7 =	vsub.f32 v9, v7  }
0x742: {  	v63 =	vld [tilespmem:s2+$0x10480]  }
0x743: {  	s31 =	sadd.s32 $0x1, s31;
	v7 =	vmul.f32 v7, v8  }
0x744: {  	p0 =	sne.s32 s31, $0x20  }
.Ltmp20:
0x745: {  	v7 =	vmul.f32 v7, v62;
	(pc) =	sbr.rel @p0 .LBB2_38-.Ltmp20, $3  }
0x746: {  	_ = 	snop  }
0x747: {  	v7 =	vadd.f32 v7, v63;
	_ =	sdelay $0x1  }
0x748: {  	[tilespmem:s16+$0x0] =	vst v7  }
0x749: {  	s30 =	simm.s32 $0x0;
	s0 =	rddreg [dreg:$0x16]  }
0x74a: {  	[hbm4b:s0+s30] =	stream.linear.scatter [tilespmem:s8], [sflag:$0x2], $0x8000, $0x38;
	[tilespmem:$0x10880] =	vst v63  }
0x74b: {  	_ =	swait.ge [sflag:s3], $0x8000  }
0x74c: {  	[sflag:s3] =	ssyncset.done $0x0  }
0x74d: {  	s6 =	rddreg [dreg:$0xf];
	[sflag:s3] =	ssyncadd.s32 $0xFFFF8000  }
0x74e: {  	[tilespmem:s30], [sflag:$0x2] =	stream.linear.gather [hbm4b:s6+s30], $0x20, $0x38;
	[tilespmem:$0x10880] =	vst v63  }
0x74f: {  	_ =	swait.ge [sflag:s3], $0x20  }
0x750: {  	[sflag:s3] =	ssyncset.done $0x0  }
0x751: {  	s2 =	simm.s32 $0x8080;
	s7 =	rddreg [dreg:$0x1f];
	[sflag:s3] =	ssyncadd.s32 $0xFFFFFFE0  }
0x752: {  	[tilespmem:s2], [sflag:$0x2] =	stream.linear.gather [hbm4b:s7+s30], $0x8000, $0x38;
	[tilespmem:$0x10880] =	vst v63  }
0x753: {  	_ =	swait.ge [sflag:s3], $0x8000  }
0x754: {  	[sflag:s3] =	ssyncset.done $0x0  }
0x755: {  	[sflag:s3] =	ssyncadd.s32 $0xFFFF8000  }
0x756: {  	v7 =	vld [tilespmem:$0x0];
	_ =	sdelay $0x4  }
0x757: {  	v8 =	vshll.u32 v7, $0x3  }
0x758: {  	v7 =	vand.u32 $0x7, v7;
	v8 =	vand.u32 $0xFFFFFFC0, v8  }
0x759: {  	v7 =	vor.u32 v7, v8  }
0x75a: {  	v8 =	vperm.xlane v7, v0;
	_ =	sdelay $0x1  }
0x75b: {  	v8 =	vadd.s32 v1, v8;
	_ =	sdelay $0x4  }
0x75c: {  	[tilespmem:s8], [sflag:$0x1] =	stream.indirect_vreg.gather [hbm4b:s1+s30], $0x80, v8, vm0, $0xb8;
	[tilespmem:$0x10880] =	vst v63  }
0x75d: {  	s9 =	simm.s32 $0x880;
	v7 =	vperm.xlane v7, v2  }
0x75e: {  	[tilespmem:s9], [sflag:$0x1] =	stream.indirect_vreg.gather [hbm4b:s24+s30], $0x80, v8, vm0, $0xb8;
	[tilespmem:$0x10880] =	vst v63  }
0x75f: {  	s10 =	simm.s32 $0x1080;
	v7 =	vadd.s32 v1, v7  }
0x760: {  	[tilespmem:s10], [sflag:$0x1] =	stream.indirect_vreg.gather [hbm4b:s15+s30], $0x80, v8, vm0, $0xb8;
	[tilespmem:$0x10880] =	vst v63  }
0x761: {  	s11 =	simm.s32 $0x1880  }
0x762: {  	[tilespmem:s11], [sflag:$0x1] =	stream.indirect_vreg.gather [hbm4b:s26+s30], $0x80, v8, vm0, $0xb8;
	[tilespmem:$0x10880] =	vst v63  }
0x763: {  	s12 =	simm.s32 $0x2080  }
0x764: {  	[tilespmem:s12], [sflag:$0x1] =	stream.indirect_vreg.gather [hbm4b:s1+s30], $0x80, v7, vm0, $0xb8;
	[tilespmem:$0x10880] =	vst v63  }
0x765: {  	s13 =	simm.s32 $0x2880  }
0x766: {  	[tilespmem:s13], [sflag:$0x1] =	stream.indirect_vreg.gather [hbm4b:s24+s30], $0x80, v7, vm0, $0xb8;
	[tilespmem:$0x10880] =	vst v63  }
0x767: {  	s14 =	simm.s32 $0x3080  }
0x768: {  	[tilespmem:s14], [sflag:$0x1] =	stream.indirect_vreg.gather [hbm4b:s15+s30], $0x80, v7, vm0, $0xb8;
	[tilespmem:$0x10880] =	vst v63  }
0x769: {  	s16 =	simm.s32 $0x3880  }
0x76a: {  	[tilespmem:s16], [sflag:$0x1] =	stream.indirect_vreg.gather [hbm4b:s26+s30], $0x80, v7, vm0, $0xb8;
	[tilespmem:$0x10880] =	vst v63  }
0x76b: {  	v7 =	vld [tilespmem:$0x10];
	_ =	sdelay $0x4  }
0x76c: {  	v8 =	vshll.u32 v7, $0x3  }
0x76d: {  	v7 =	vand.u32 $0x7, v7;
	v8 =	vand.u32 $0xFFFFFFC0, v8  }
0x76e: {  	v7 =	vor.u32 v7, v8  }
0x76f: {  	v8 =	vperm.xlane v7, v0;
	_ =	sdelay $0x1  }
0x770: {  	v8 =	vadd.s32 v1, v8;
	_ =	sdelay $0x4  }
0x771: {  	[tilespmem:s17], [sflag:$0x1] =	stream.indirect_vreg.gather [hbm4b:s1+s30], $0x80, v8, vm0, $0xb8;
	[tilespmem:$0x10880] =	vst v63  }
0x772: {  	v7 =	vperm.xlane v7, v2  }
0x773: {  	[tilespmem:s18], [sflag:$0x1] =	stream.indirect_vreg.gather [hbm4b:s24+s30], $0x80, v8, vm0, $0xb8;
	[tilespmem:$0x10880] =	vst v63  }
0x774: {  	v7 =	vadd.s32 v1, v7  }
0x775: {  	[tilespmem:s19], [sflag:$0x1] =	stream.indirect_vreg.gather [hbm4b:s15+s30], $0x80, v8, vm0, $0xb8;
	[tilespmem:$0x10880] =	vst v63  }
0x776: {  	_ = 	snop  }
0x777: {  	[tilespmem:s20], [sflag:$0x1] =	stream.indirect_vreg.gather [hbm4b:s26+s30], $0x80, v8, vm0, $0xb8;
	[tilespmem:$0x10880] =	vst v63  }
0x778: {  	_ = 	snop  }
0x779: {  	[tilespmem:s21], [sflag:$0x1] =	stream.indirect_vreg.gather [hbm4b:s1+s30], $0x80, v7, vm0, $0xb8;
	[tilespmem:$0x10880] =	vst v63  }
0x77a: {  	_ = 	snop  }
0x77b: {  	[tilespmem:s22], [sflag:$0x1] =	stream.indirect_vreg.gather [hbm4b:s24+s30], $0x80, v7, vm0, $0xb8;
	[tilespmem:$0x10880] =	vst v63  }
0x77c: {  	_ = 	snop  }
0x77d: {  	[tilespmem:s23], [sflag:$0x1] =	stream.indirect_vreg.gather [hbm4b:s15+s30], $0x80, v7, vm0, $0xb8;
	[tilespmem:$0x10880] =	vst v63  }
0x77e: {  	_ = 	snop  }
0x77f: {  	[tilespmem:s25], [sflag:$0x1] =	stream.indirect_vreg.gather [hbm4b:s26+s30], $0x80, v7, vm0, $0xb8;
	[tilespmem:$0x10880] =	vst v63  }
0x780: {  	_ =	swait.ge [sflag:s28], $0x8000  }
0x781: {  	[sflag:s28] =	ssyncset.done $0x0  }
0x782: {  	s31 =	simm.s32 $0x0;
	[sflag:s28] =	ssyncadd.s32 $0xFFFF8000  }
.LBB2_44:
0x783: {  	s0 =	sshll.u32 s31, $0xA;
	s2 =	sshll.u32 s31, $0x7;
	s13 =	sand.u32 $0x40, s30  }
0x784: {  	s7 =	sand.u32 $0x1C00, s30;
	s0 =	sand.u32 $0x6000, s0;
	s4 =	sand.u32 $0x380, s2  }
0x785: {  	s2 =	sor.u32 s7, s13;
	s6 =	sor.u32 s4, s0  }
0x786: {  	s2 =	sor.u32 s6, s2  }
0x787: {  	v7 =	vld [tilespmem:s2+$0x80B0]  }
0x788: {  	v9 =	vld [tilespmem:s2+$0x8090]  }
0x789: {  	v10 =	vld [tilespmem:s2+$0x90]  }
0x78a: {  	v8 =	vld [tilespmem:s2+$0x80A0]  }
0x78b: {  	s14 =	simm.s32 $0x40;
	s9 =	simm.s32 $0x200;
	v11 =	vld [tilespmem:s2+$0xA0]  }
0x78c: {  	s7 =	sand.u32 $0x40, s14;
	s9 =	sand.u32 $0x1C00, s9;
	v12 =	vld [tilespmem:s2+$0x8080]  }
0x78d: {  	s7 =	sor.u32 s9, s7;
	v13 =	vld [tilespmem:s2+$0xB0]  }
0x78e: {  	s7 =	sor.u32 s6, s7;
	v14 =	vadd.f32 v9, v10;
	v9 =	vld [tilespmem:s2+$0x80]  }
0x78f: {  	v15 =	vld [tilespmem:s7+$0x80B0]  }
0x790: {  	v16 =	vld [tilespmem:s7+$0x8090]  }
0x791: {  	v10 =	vld [tilespmem:s7+$0x80A0];
	[tilespmem:s2+$0x90] =	vst v14  }
0x792: {  	v17 =	vadd.f32 v8, v11;
	v11 =	vld [tilespmem:s7+$0x90]  }
0x793: {  	v8 =	vadd.f32 v7, v13;
	v7 =	vadd.f32 v12, v9  }
0x794: {  	[tilespmem:s2+$0xA0] =	vst v17  }
0x795: {  	s16 =	simm.s32 $0x80;
	s10 =	simm.s32 $0x400;
	v21 =	vimm.f32 $0.0e+00;
	v13 =	vld [tilespmem:s7+$0xA0];
	v22 =	vmul.f32 v7, v7  }
0x796: {  	s10 =	sand.u32 $0x1C00, s10;
	s9 =	sand.u32 $0x40, s16;
	v19 =	vld [tilespmem:s7+$0x8080];
	[tilespmem:s2+$0xB0] =	vst v8;
	v23 =	vadd.f32 v7, v21  }
0x797: {  	s9 =	sor.u32 s10, s9;
	v18 =	vld [tilespmem:s7+$0xB0];
	[tilespmem:s2+$0x80] =	vst v7;
	v12 =	vadd.f32 v16, v11;
	v16 =	vmul.f32 v14, v14;
	v21 =	vadd.f32 v22, v21  }
0x798: {  	s2 =	sor.u32 s6, s9;
	v20 =	vld [tilespmem:s7+$0x80]  }
0x799: {  	v9 =	vld [tilespmem:s2+$0x80B0];
	v16 =	vadd.f32 v16, v21  }
0x79a: {  	v7 =	vld [tilespmem:s2+$0x80A0];
	v10 =	vadd.f32 v10, v13;
	v22 =	vadd.f32 v14, v23  }
0x79b: {  	v11 =	vld [tilespmem:s2+$0x8090];
	v23 =	vmul.f32 v17, v17;
	[tilespmem:s7+$0x90] =	vst v12  }
0x79c: {  	v13 =	vadd.f32 v15, v18;
	v18 =	vmul.f32 v8, v8;
	v14 =	vld [tilespmem:s2+$0x90];
	[tilespmem:s7+$0xA0] =	vst v10;
	v21 =	vadd.f32 v17, v22  }
0x79d: {  	s10 =	simm.s32 $0xC0;
	s9 =	simm.s32 $0x600;
	v17 =	vmovc v12;
	v15 =	vld [tilespmem:s2+$0xA0];
	v19 =	vadd.f32 v19, v20;
	v20 =	vadd.f32 v23, v16;
	v16 =	vmov v10  }
.LBB2_45:
0x79e: {  	s13 =	smov.u32 s10  }
0x79f: {  	s11 =	sand.u32 $0x40, s10;
	s12 =	sand.u32 $0x1C00, s9;
	v22 =	vld [tilespmem:s2+$0x8080];
	[tilespmem:s7+$0xB0] =	vst v13;
	v21 =	vadd.f32 v8, v21;
	v23 =	vmov v9;
	v8 =	vmov v13;
	s13 =	sadd.s32 $0x40, s10  }
0x7a0: {  	p0 =	sne.s32 s10, $0x3C0;
	s11 =	sor.u32 s12, s11;
	v25 =	vmul.f32 v19, v19;
	v18 =	vadd.f32 v18, v20;
	v24 =	vld [tilespmem:s2+$0xB0];
	[tilespmem:s7+$0x80] =	vst v19;
	s7 =	smov.u32 s2  }
0x7a1: {  	s2 =	sor.u32 s6, s11;
	v19 =	vadd.f32 v19, v21;
	v21 =	vmul.f32 v17, v12;
	v20 =	vld [tilespmem:s7+$0x80]  }
.Ltmp21:
0x7a2: {  	v17 =	vadd.f32 v11, v14;
	v14 =	vadd.f32 v25, v18;
	v9 =	vld [tilespmem:s2+$0x80B0];
	(pc) =	sbr.rel @p0 .LBB2_45-.Ltmp21, $4  }
0x7a3: {  	v25 =	vmul.f32 v16, v10;
	v19 =	vadd.f32 v12, v19;
	v16 =	vadd.f32 v7, v15;
	v7 =	vld [tilespmem:s2+$0x80A0]  }
0x7a4: {  	v18 =	vmul.f32 v13, v8;
	v26 =	vadd.f32 v21, v14;
	v12 =	vmov v17;
	v11 =	vld [tilespmem:s2+$0x8090];
	[tilespmem:s7+$0x90] =	vst v17  }
0x7a5: {  	v21 =	vadd.f32 v10, v19;
	v10 =	vmov v16;
	v14 =	vld [tilespmem:s2+$0x90];
	[tilespmem:s7+$0xA0] =	vst v16;
	v13 =	vadd.f32 v23, v24  }
0x7a6: {  	s9 =	sadd.s32 $0x200, s9;
	s10 =	smov.u32 s13;
	v15 =	vld [tilespmem:s2+$0xA0];
	v19 =	vadd.f32 v22, v20;
	v20 =	vadd.f32 v25, v26  }
0x7a7: {  	v22 =	vld [tilespmem:s2+$0x8080];
	[tilespmem:s7+$0xB0] =	vst v13;
	v8 =	vadd.f32 v8, v21  }
0x7a8: {  	v44 =	vld [tilespmem:s2+$0xB0];
	[tilespmem:s7+$0x80] =	vst v19  }
0x7a9: {  	v23 =	vmul.f32 v19, v19;
	v18 =	vadd.f32 v18, v20;
	v45 =	vld [tilespmem:s2+$0x80];
	v8 =	vadd.f32 v19, v8;
	_ =	sdelay $0x1  }
0x7aa: {  	v17 =	vmul.f32 v17, v12;
	v18 =	vadd.f32 v23, v18;
	v8 =	vadd.f32 v12, v8;
	_ =	sdelay $0x1  }
0x7ab: {  	v46 =	vmul.f32 v16, v10;
	v47 =	vadd.f32 v17, v18;
	v8 =	vadd.f32 v10, v8  }
0x7ac: {  	v10 =	vadd.f32 v22, v45  }
0x7ad: {  	v48 =	vmul.f32 v13, v13;
	v12 =	vadd.f32 v46, v47;
	v8 =	vadd.f32 v13, v8  }
0x7ae: {  	v11 =	vadd.f32 v11, v14  }
0x7af: {  	v49 =	vmul.f32 v10, v10;
	v12 =	vadd.f32 v48, v12;
	v8 =	vadd.f32 v10, v8  }
0x7b0: {  	v50 =	vadd.f32 v7, v15  }
0x7b1: {  	v7 =	vmul.f32 v11, v11;
	v12 =	vadd.f32 v49, v12;
	v8 =	vadd.f32 v11, v8  }
0x7b2: {  	v9 =	vadd.f32 v9, v44  }
0x7b3: {  	v51 =	vmul.f32 v50, v50;
	v7 =	vadd.f32 v7, v12;
	v8 =	vadd.f32 v50, v8;
	_ =	sdelay $0x1  }
0x7b4: {  	v52 =	vmul.f32 v9, v9;
	v7 =	vadd.f32 v51, v7;
	v8 =	vadd.f32 v9, v8;
	_ =	sdelay $0x1  }
0x7b5: {  	v7 =	vadd.f32 v52, v7;
	v53 =	vperm.xlane v8, v3;
	_ =	sdelay $0x1  }
0x7b6: {  	v54 =	vperm.xlane v7, v3;
	v8 =	vadd.f32 v53, v8;
	_ =	sdelay $0x1  }
0x7b7: {  	v7 =	vadd.f32 v54, v7;
	v55 =	vperm.xlane v8, v4;
	_ =	sdelay $0x1  }
0x7b8: {  	v56 =	vperm.xlane v7, v4;
	v8 =	vadd.f32 v55, v8;
	_ =	sdelay $0x1  }
0x7b9: {  	v7 =	vadd.f32 v56, v7;
	v57 =	vperm.xlane v8, v5;
	_ =	sdelay $0x1  }
0x7ba: {  	v58 =	vperm.xlane v7, v5;
	v8 =	vadd.f32 v57, v8;
	_ =	sdelay $0x1  }
0x7bb: {  	v7 =	vadd.f32 v58, v7;
	v59 =	vperm.xlane v8, v6;
	_ =	sdelay $0x1  }
0x7bc: {  	v60 =	vperm.xlane v7, v6;
	v8 =	vadd.f32 v59, v8;
	_ =	sdelay $0x1  }
0x7bd: {  	v12 =	vadd.f32 v60, v7;
	v7 =	vmul.f32 $9.765625000e-04, v8;
	_ =	sdelay $0x1  }
0x7be: {  	v8 =	vmul.f32 $9.765625000e-04, v12;
	v61 =	vmul.f32 v7, v7;
	_ =	sdelay $0x1  }
0x7bf: {  	v8 =	vsub.f32 v8, v61;
	_ =	sdelay $0x1  }
0x7c0: {  	v8 =	vadd.f32 $9.999999740e-06, v8;
	_ =	sdelay $0x1  }
0x7c1: {  	v62 =	vshra.s32 v8, $0x1;
	v8 =	vmul.f32 $5.000000000e-01, v8  }
0x7c2: {  	v12 =	vsub.s32 $0x5F3759DF, v62  }
0x7c3: {  	v63 =	vmul.f32 v12, v8;
	_ =	sdelay $0x1  }
0x7c4: {  	v13 =	vmul.f32 v12, v63;
	_ =	sdelay $0x1  }
0x7c5: {  	v13 =	vsub.f32 $1.500000000e+00, v13;
	_ =	sdelay $0x1  }
0x7c6: {  	v12 =	vmul.f32 v12, v13;
	_ =	sdelay $0x1  }
0x7c7: {  	v13 =	vmul.f32 v12, v8;
	_ =	sdelay $0x1  }
0x7c8: {  	v13 =	vmul.f32 v13, v12;
	_ =	sdelay $0x1  }
0x7c9: {  	s6 =	simm.s32 $0x0;
	v13 =	vsub.f32 $1.500000000e+00, v13  }
0x7ca: {  	s0 =	sadd.s32 s4, s0;
	s13 =	sand.u32 $0x7000, s6;
	[tilespmem:s2+$0x90] =	vst v11  }
0x7cb: {  	s0 =	sadd.s32 $0x80, s0;
	s4 =	sshrl.u32 s13, $0x2;
	[tilespmem:s2+$0xA0] =	vst v50;
	v11 =	vmul.f32 v13, v12  }
0x7cc: {  	s7 =	sand.u32 $0x40, s6;
	s9 =	sadd.s32 s4, s0;
	[tilespmem:s2+$0xB0] =	vst v9  }
0x7cd: {  	s14 =	sadd.s32 s7, s9;
	[tilespmem:s2+$0x80] =	vst v10;
	v8 =	vmul.f32 v11, v8  }
0x7ce: {  	v9 =	vld [tilespmem:s14+$0x0]  }
0x7cf: {  	v8 =	vmul.f32 v8, v11;
	_ =	sdelay $0x1  }
0x7d0: {  	s4 =	simm.s32 $0x10080;
	v8 =	vsub.f32 $1.500000000e+00, v8  }
0x7d1: {  	v10 =	vld [tilespmem:s4+$0x0]  }
0x7d2: {  	s10 =	simm.s32 $0x10480;
	v9 =	vsub.f32 v9, v7;
	v8 =	vmul.f32 v8, v11  }
0x7d3: {  	v11 =	vld [tilespmem:s10+$0x0]  }
0x7d4: {  	v9 =	vmul.f32 v9, v8;
	_ =	sdelay $0x1  }
0x7d5: {  	v9 =	vmul.f32 v9, v10;
	_ =	sdelay $0x1  }
0x7d6: {  	v9 =	vadd.f32 v9, v11  }
0x7d7: {  	s16 =	sor.u32 $0x10, s7  }
0x7d8: {  	s11 =	sadd.s32 s16, s9;
	[tilespmem:s14+$0x0] =	vst v9  }
0x7d9: {  	v9 =	vld [tilespmem:s11+$0x0];
	_ =	sdelay $0x1  }
0x7da: {  	s6 =	sand.u32 $0x380, s6  }
0x7db: {  	s10 =	sor.u32 s6, s16  }
0x7dc: {  	v10 =	vld [tilespmem:s10+$0x10080]  }
0x7dd: {  	v9 =	vsub.f32 v9, v7  }
0x7de: {  	v11 =	vld [tilespmem:s10+$0x10480]  }
0x7df: {  	v9 =	vmul.f32 v9, v8;
	_ =	sdelay $0x1  }
0x7e0: {  	v9 =	vmul.f32 v9, v10;
	_ =	sdelay $0x1  }
0x7e1: {  	v9 =	vadd.f32 v9, v11  }
0x7e2: {  	s12 =	sor.u32 $0x20, s7  }
0x7e3: {  	s13 =	sadd.s32 s12, s9;
	[tilespmem:s11+$0x0] =	vst v9  }
0x7e4: {  	v9 =	vld [tilespmem:s13+$0x0];
	_ =	sdelay $0x2  }
0x7e5: {  	s10 =	sor.u32 s6, s12  }
0x7e6: {  	v10 =	vld [tilespmem:s10+$0x10080]  }
0x7e7: {  	v9 =	vsub.f32 v9, v7  }
0x7e8: {  	v11 =	vld [tilespmem:s10+$0x10480]  }
0x7e9: {  	v9 =	vmul.f32 v9, v8;
	_ =	sdelay $0x1  }
0x7ea: {  	v9 =	vmul.f32 v9, v10;
	_ =	sdelay $0x1  }
0x7eb: {  	v9 =	vadd.f32 v9, v11  }
0x7ec: {  	s7 =	sor.u32 $0x30, s7  }
0x7ed: {  	s12 =	sadd.s32 s7, s9;
	[tilespmem:s13+$0x0] =	vst v9  }
0x7ee: {  	v9 =	vld [tilespmem:s12+$0x0];
	_ =	sdelay $0x2  }
0x7ef: {  	s14 =	sor.u32 s6, s7  }
0x7f0: {  	v10 =	vld [tilespmem:s14+$0x10080]  }
0x7f1: {  	v9 =	vsub.f32 v9, v7  }
0x7f2: {  	v11 =	vld [tilespmem:s14+$0x10480]  }
0x7f3: {  	v9 =	vmul.f32 v9, v8  }
0x7f4: {  	s6 =	simm.s32 $0x800  }
0x7f5: {  	s2 =	simm.s32 $0x40;
	s16 =	sand.u32 $0x7000, s6;
	v9 =	vmul.f32 v9, v10  }
0x7f6: {  	s9 =	sand.u32 $0x40, s2;
	s7 =	sshrl.u32 s16, $0x2  }
0x7f7: {  	s7 =	sadd.s32 s7, s0;
	s10 =	simm.s32 $0x104C0;
	s13 =	simm.s32 $0x80;
	v9 =	vadd.f32 v9, v11  }
.LBB2_47:
0x7f8: {  	s14 =	sadd.s32 s9, s7  }
0x7f9: {  	[tilespmem:s12+$0x0] =	vst v9;
	s4 =	sadd.s32 $0x40, s4;
	s12 =	smov.u32 s13;
	s11 =	sadd.s32 $0x40, s13  }
0x7fa: {  	p0 =	sne.s32 s13, $0x3C0;
	v9 =	vld [tilespmem:s14+$0x0];
	_ =	sdelay $0x3  }
0x7fb: {  	v10 =	vld [tilespmem:s4+$0x0]  }
0x7fc: {  	v9 =	vsub.f32 v9, v7  }
0x7fd: {  	v11 =	vld [tilespmem:s10+$0x0]  }
0x7fe: {  	v9 =	vmul.f32 v9, v8;
	_ =	sdelay $0x1  }
0x7ff: {  	v9 =	vmul.f32 v9, v10;
	_ =	sdelay $0x1  }
0x800: {  	v9 =	vadd.f32 v9, v11  }
0x801: {  	s13 =	sor.u32 $0x10, s9  }
0x802: {  	[tilespmem:s14+$0x0] =	vst v9;
	s14 =	sadd.s32 s13, s7  }
0x803: {  	v9 =	vld [tilespmem:s14+$0x0];
	_ =	sdelay $0x1  }
0x804: {  	s16 =	sand.u32 $0x380, s2;
	s2 =	smov.u32 s12  }
0x805: {  	s12 =	sor.u32 s16, s13  }
0x806: {  	v10 =	vld [tilespmem:s12+$0x10080]  }
0x807: {  	v9 =	vsub.f32 v9, v7  }
0x808: {  	v11 =	vld [tilespmem:s12+$0x10480]  }
0x809: {  	v9 =	vmul.f32 v9, v8;
	_ =	sdelay $0x1  }
0x80a: {  	v9 =	vmul.f32 v9, v10;
	_ =	sdelay $0x1  }
0x80b: {  	v9 =	vadd.f32 v9, v11  }
0x80c: {  	s12 =	sor.u32 $0x20, s9  }
0x80d: {  	s13 =	sadd.s32 s12, s7;
	[tilespmem:s14+$0x0] =	vst v9  }
0x80e: {  	v9 =	vld [tilespmem:s13+$0x0];
	_ =	sdelay $0x2  }
0x80f: {  	s12 =	sor.u32 s16, s12  }
0x810: {  	v10 =	vld [tilespmem:s12+$0x10080]  }
0x811: {  	v9 =	vsub.f32 v9, v7  }
0x812: {  	v11 =	vld [tilespmem:s12+$0x10480]  }
0x813: {  	v9 =	vmul.f32 v9, v8;
	_ =	sdelay $0x1  }
0x814: {  	v9 =	vmul.f32 v9, v10;
	_ =	sdelay $0x1  }
0x815: {  	v9 =	vadd.f32 v9, v11  }
0x816: {  	s9 =	sor.u32 $0x30, s9  }
0x817: {  	s12 =	sadd.s32 s9, s7;
	[tilespmem:s13+$0x0] =	vst v9  }
0x818: {  	s7 =	sor.u32 s16, s9;
	v9 =	vld [tilespmem:s12+$0x0]  }
0x819: {  	v10 =	vld [tilespmem:s7+$0x10080]  }
0x81a: {  	v11 =	vld [tilespmem:s7+$0x10480];
	_ =	sdelay $0x2  }
0x81b: {  	v9 =	vsub.f32 v9, v7;
	_ =	sdelay $0x1  }
0x81c: {  	v9 =	vmul.f32 v9, v8  }
.Ltmp22:
0x81d: {  	(pc) =	sbr.rel @p0 .LBB2_47-.Ltmp22, $4  }
0x81e: {  	s6 =	sadd.s32 $0x800, s6;
	v9 =	vmul.f32 v9, v10  }
0x81f: {  	s7 =	sand.u32 $0x7000, s6  }
0x820: {  	s10 =	sadd.s32 $0x40, s10;
	s7 =	sshrl.u32 s7, $0x2;
	v9 =	vadd.f32 v9, v11  }
0x821: {  	s9 =	sand.u32 $0x40, s2;
	s13 =	smov.u32 s11;
	s7 =	sadd.s32 s7, s0  }
0x822: {  	s0 =	sadd.s32 s9, s7;
	[tilespmem:s12+$0x0] =	vst v9  }
0x823: {  	v9 =	vld [tilespmem:s0+$0x0];
	_ =	sdelay $0x2  }
0x824: {  	s4 =	sadd.s32 $0x40, s4  }
0x825: {  	v10 =	vld [tilespmem:s4+$0x0]  }
0x826: {  	v9 =	vsub.f32 v9, v7  }
0x827: {  	v11 =	vld [tilespmem:s10+$0x0]  }
0x828: {  	v9 =	vmul.f32 v9, v8;
	_ =	sdelay $0x1  }
0x829: {  	v9 =	vmul.f32 v9, v10;
	_ =	sdelay $0x1  }
0x82a: {  	v9 =	vadd.f32 v9, v11  }
0x82b: {  	s10 =	sor.u32 $0x10, s9  }
0x82c: {  	s11 =	sadd.s32 s10, s7;
	[tilespmem:s0+$0x0] =	vst v9  }
0x82d: {  	v9 =	vld [tilespmem:s11+$0x0];
	_ =	sdelay $0x1  }
0x82e: {  	s2 =	sand.u32 $0x380, s2  }
0x82f: {  	s4 =	sor.u32 s2, s10  }
0x830: {  	v58 =	vld [tilespmem:s4+$0x10080]  }
0x831: {  	v9 =	vsub.f32 v9, v7  }
0x832: {  	v59 =	vld [tilespmem:s4+$0x10480]  }
0x833: {  	v9 =	vmul.f32 v9, v8;
	_ =	sdelay $0x1  }
0x834: {  	v9 =	vmul.f32 v9, v58;
	_ =	sdelay $0x1  }
0x835: {  	v9 =	vadd.f32 v9, v59  }
0x836: {  	s12 =	sor.u32 $0x20, s9  }
0x837: {  	s13 =	sadd.s32 s12, s7;
	[tilespmem:s11+$0x0] =	vst v9  }
0x838: {  	v9 =	vld [tilespmem:s13+$0x0];
	_ =	sdelay $0x2  }
0x839: {  	s4 =	sor.u32 s2, s12  }
0x83a: {  	v60 =	vld [tilespmem:s4+$0x10080]  }
0x83b: {  	v9 =	vsub.f32 v9, v7  }
0x83c: {  	v61 =	vld [tilespmem:s4+$0x10480]  }
0x83d: {  	v9 =	vmul.f32 v9, v8;
	_ =	sdelay $0x1  }
0x83e: {  	v9 =	vmul.f32 v9, v60;
	_ =	sdelay $0x1  }
0x83f: {  	v9 =	vadd.f32 v9, v61  }
0x840: {  	s14 =	sor.u32 $0x30, s9  }
0x841: {  	s16 =	sadd.s32 s14, s7;
	[tilespmem:s13+$0x0] =	vst v9  }
0x842: {  	v9 =	vld [tilespmem:s16+$0x0];
	_ =	sdelay $0x2  }
0x843: {  	s2 =	sor.u32 s2, s14  }
0x844: {  	v62 =	vld [tilespmem:s2+$0x10080]  }
0x845: {  	v7 =	vsub.f32 v9, v7  }
0x846: {  	v63 =	vld [tilespmem:s2+$0x10480]  }
0x847: {  	s31 =	sadd.s32 $0x1, s31;
	v7 =	vmul.f32 v7, v8  }
0x848: {  	p0 =	sne.s32 s31, $0x20  }
.Ltmp23:
0x849: {  	v7 =	vmul.f32 v7, v62;
	(pc) =	sbr.rel @p0 .LBB2_44-.Ltmp23, $3  }
0x84a: {  	_ = 	snop  }
0x84b: {  	v7 =	vadd.f32 v7, v63;
	_ =	sdelay $0x1  }
0x84c: {  	[tilespmem:s16+$0x0] =	vst v7  }
0x84d: {  	s0 =	rddreg [dreg:$0x17]  }
0x84e: {  	[hbm4b:s0+s5] =	stream.linear.scatter [tilespmem:s8], [sflag:$0x2], $0x8000, $0x38;
	[tilespmem:$0x10880] =	vst v63  }
0x84f: {  	_ =	swait.ge [sflag:s3], $0x8000  }
0x850: {  	s29 =	sadd.s32 $0x1, s29;
	s31 =	rddreg [dreg:$0x18]  }
0x851: {  	p0 =	sne.s32 s29, s31  }
.Ltmp24:
0x852: {  	_ = 	snop;
	(pc) =	sbr.rel @p0 .LBB2_1-.Ltmp24, $3  }
0x853: {  	_ =	sdelay $0x1  }
0x854: {  	[sflag:s3] =	ssyncset.done $0x0  }
0x855: {  	[sflag:s3] =	ssyncadd.s32 $0xFFFF8000  }
0x856: {  	_ =	sfence.sel $0x180000  }
0x857: {  	[bflag:$0x0] =	sbarrier.arrive $0xFFFF  }
0x858: {  	_ =	strace $0x90000047  }
0x859: {  	s0 =	stileid.u32;
	[bflag:$0x2] =	sbarrier.arrive $0xFFFF  }
0x85a: {  	p0 =	sne.s32 s0, $0x0;
	s0 =	rddreg [dreg:$0x6]  }
0x85b: {  	s0 =	sadd.s32 @!p0 $0x100000, s0  }
0x85c: {  	[sflag:s0] =	ssyncadd.tile.s32 @!p0 $0x1;
	_ =	shalt  }
.Lfunc_end2:
_tile_overlayer_lowered:
.L_overlay_start_2:
0x85d: {  	(tag) =	ssettag $0x2  }
0x85e: {  	s0 =	rddreg [dreg:$0x0];
	s2 =	stileid.u32  }
0x85f: {  	s1 =	rddreg [dreg:$0x1];
	p0 =	sne.s32 s2, $0x0  }
0x860: {  	s3 =	rddreg [dreg:$0x2];
	[bflag:$0x3] =	sbarrier.arrive $0xFFFF;
	s2 =	simm.s32 @!p0 $0x1C02  }
0x861: {  	[timem:s3], [sflag:s2] =	dma.local @!p0 [hbm:s0], s1  }
0x862: {  	s0 =	simm.s32 @!p0 $0x2  }
0x863: {  	_ =	swait.ge @!p0 [sflag:s0], s1  }
0x864: {  	s1 =	ssub.s32 @!p0 $0x0, s1;
	[sflag:s0] =	ssyncset.done @!p0 $0x0  }
0x865: {  	[sflag:s0] =	ssyncadd.s32 @!p0 s1  }
0x866: {  	[bflag:$0x3] =	sbarrier.arrive $0xFFFF  }
0x867: {  	_ =	shalt  }

</sc_bundles>
